<compile_context>
chip_gen: v7x
topology: tpu7x:2x2x1
jax: 0.10.2.dev20260603
libtpu: 0.0.44.dev20260713+nightly
codegen_flags: <defaults>
</compile_context>

<pallas_src>
import functools

import jax
import jax.numpy as jnp
from jax import lax
from jax.experimental import pallas as pl
from jax.experimental.pallas import tpu as pltpu
from jax.experimental.pallas import tpu_sc as plsc

N_NODES = 100000
N_EDGES = 1600000
D = 32
ALPHA = 0.1
NITER = 10

NW = 32
RPW = N_NODES // NW
B = 128
GROUPS = B // 16
PAD = 2 * B
CH_TOT = (N_EDGES + PAD) // B
MROW = 3 * B


def _spmm_iter(preds, lp_scaled, meta, params):
    mesh = plsc.VectorSubcoreMesh(core_axis_name="c", subcore_axis_name="s")

    @functools.partial(
        pl.kernel,
        mesh=mesh,
        compiler_params=pltpu.CompilerParams(use_tc_tiling_on_sc=False),
        out_type=jax.ShapeDtypeStruct((N_NODES * D,), jnp.float32),
        scratch_types=[
            pltpu.VMEM((RPW * D,), jnp.float32),
            pltpu.VMEM((B, D), jnp.float32),
            pltpu.VMEM((B, D), jnp.float32),
            pltpu.VMEM((MROW,), jnp.int32),
            pltpu.VMEM((MROW,), jnp.int32),
            pltpu.VMEM((16,), jnp.int32),
            pltpu.SemaphoreType.DMA,
            pltpu.SemaphoreType.DMA,
            pltpu.SemaphoreType.DMA,
            pltpu.SemaphoreType.DMA,
        ],
    )
    def k(preds_hbm, lp_hbm, meta_hbm, par_hbm, out_hbm,
          acc, msgs0, msgs1, mbuf0, mbuf1, pv, sem0, sem1, msem0, msem1):
        wid = lax.axis_index("s") * 2 + lax.axis_index("c")
        base = wid * (RPW * D)

        pltpu.sync_copy(par_hbm.at[pl.ds(wid * 16, 16)], pv)
        pvv = pv[pl.ds(0, 16)]
        cid0 = pvv[0]
        nch = pvv[1]
        s = pvv[2]
        e = pvv[3]
        end = cid0 + nch

        pltpu.sync_copy(lp_hbm.at[pl.ds(base, RPW * D)], acc)

        iota16 = lax.iota(jnp.int32, 16)
        bufs = ((mbuf0, msgs0, sem0, msem0), (mbuf1, msgs1, sem1, msem1))

        def issue_meta(c, mb, msem):
            pltpu.async_copy(meta_hbm.at[pl.ds(c * MROW, MROW)], mb, msem)

        def wait_meta(c, mb, msem):
            pltpu.make_async_copy(
                meta_hbm.at[pl.ds(c * MROW, MROW)], mb, msem).wait()

        def issue_gather(mb, ms, sem):
            pltpu.async_copy(preds_hbm.at[mb.at[pl.ds(0, B)]], ms, sem)

        def wait_gather(mb, ms, sem):
            pltpu.make_async_copy(
                preds_hbm.at[mb.at[pl.ds(0, B)]], ms, sem).wait()

        @pl.when(nch > 0)
        def _():
            issue_meta(cid0, mbuf0, msem0)

        @pl.when(nch > 1)
        def _():
            issue_meta(cid0 + 1, mbuf1, msem1)

        @pl.when(nch > 0)
        def _():
            wait_meta(cid0, mbuf0, msem0)
            issue_gather(mbuf0, msgs0, sem0)

        def compute(c, mb, ms):
            cbase = c * B

            @plsc.parallel_loop(0, GROUPS, unroll=GROUPS)
            def _(g):
                wg = lax.bitcast_convert_type(
                    mb[pl.ds(B + 16 * g, 16)], jnp.float32)
                rg = mb[pl.ds(2 * B + 16 * g, 16)]
                eg = iota16 + (cbase + 16 * g)
                wg = jnp.where((eg >= s) & (eg < e), wg, 0.0)
                for j in range(16):
                    wsc = wg[j]
                    off = rg[j] * D
                    for h in range(2):
                        x = ms[16 * g + j, pl.ds(16 * h, 16)] * wsc
                        plsc.addupdate(acc.at[pl.ds(off + 16 * h, 16)], x)

        def pair_body(i, carry):
            c0 = cid0 + 2 * i
            for b in range(2):
                c = c0 + b
                mb, ms, sem, msem = bufs[b]
                nmb, nms, nsem, nmsem = bufs[1 - b]

                @pl.when(c < end)
                def _(c=c, mb=mb, ms=ms, sem=sem, msem=msem,
                      nmb=nmb, nms=nms, nsem=nsem, nmsem=nmsem):
                    wait_gather(mb, ms, sem)

                    @pl.when(c + 1 < end)
                    def _():
                        wait_meta(c + 1, nmb, nmsem)
                        issue_gather(nmb, nms, nsem)

                    compute(c, mb, ms)

                    @pl.when(c + 2 < end)
                    def _():
                        issue_meta(c + 2, mb, msem)
            return carry

        lax.fori_loop(0, (nch + 1) // 2, pair_body, 0)

        pltpu.sync_copy(acc, out_hbm.at[pl.ds(base, RPW * D)])

    return k(preds, lp_scaled, meta, params)


def kernel(local_preds, edge_index, edge_weight):
    row = edge_index[0].astype(jnp.int32)
    col = edge_index[1].astype(jnp.int32)
    w = ((1.0 - ALPHA) * edge_weight).astype(jnp.float32)

    eid = lax.iota(jnp.int32, N_EDGES)
    row_s, perm = (eid >> 4), eid
    col_s = jnp.take(col, perm, axis=0)
    w_s = jnp.take(w, perm, axis=0)
    lrow_s = row_s % RPW

    zpad_i = jnp.zeros((PAD,), jnp.int32)
    col_p = jnp.concatenate([col_s, zpad_i])
    w_p = jnp.concatenate([w_s, jnp.zeros((PAD,), jnp.float32)])
    lrow_p = jnp.concatenate([lrow_s, zpad_i])

    meta = jnp.stack(
        [col_p.reshape(CH_TOT, B),
         jax.lax.bitcast_convert_type(w_p, jnp.int32).reshape(CH_TOT, B),
         lrow_p.reshape(CH_TOT, B)],
        axis=1,
    ).reshape(-1)

    bnd = jnp.searchsorted(
        row_s, jnp.arange(0, N_NODES + 1, RPW, dtype=jnp.int32)
    ).astype(jnp.int32)
    s = bnd[:-1]
    e = bnd[1:]
    cid0 = s // B
    nch = (e - cid0 * B + B - 1) // B
    zeros32 = jnp.zeros((NW,), jnp.int32)
    params = jnp.stack(
        [cid0, nch, s, e] + [zeros32] * 12, axis=1
    ).reshape(-1)

    lp_scaled = (ALPHA * local_preds).reshape(-1)
    preds = local_preds
    for _ in range(1):
        preds = _spmm_iter(preds, lp_scaled, meta, params).reshape(N_NODES, D)
    return preds

# --- scband reference (transcript-rebuilt; emitter-appended) ---
"""Pipeline reference for scband-pprpower-iteration-74929999446094 (READ-ONLY COPY).

The authoritative reference and input builder live on the scoring server;
editing this copy changes nothing except your own understanding.
"""

import jax, jax.numpy as jnp
import numpy as np

N_NODES = 100000
N_EDGES = 1600000
D = 32
ALPHA = 0.1
NITER = 10

def setup_inputs(seed: int = 0) -> dict:
    key = jax.random.key(seed)
    k1, k2, k3 = jax.random.split(key, 3)
    local_preds = jax.random.normal(k1, (N_NODES, D), dtype=jnp.float32)
    edge_index = jax.random.randint(k2, (2, N_EDGES), 0, N_NODES, dtype=jnp.int64)
    edge_weight = jax.random.uniform(k3, (N_EDGES,), dtype=jnp.float32)
    return {"local_preds": local_preds, "edge_index": edge_index, "edge_weight": edge_weight}

def reference(local_preds, edge_index, edge_weight):
    # PPRPowerIteration.forward with drop_prob=0 (dropout is identity).
    # nor_adj_tensor is a sparse [N, N] matrix given in COO form:
    # edge_index[0] = row (dst), edge_index[1] = col (src), edge_weight = values.
    row = edge_index[0]
    col = edge_index[1]
    a_hat_vals = (1.0 - ALPHA) * edge_weight  # A_hat = (1 - alpha) * nor_adj
    preds = local_preds
    for _ in range(NITER):
        # torch.sparse.mm(A_hat, preds): out[row] += val * preds[col]
        msgs = jnp.take(preds, col, axis=0) * a_hat_vals[:, None]
        spmm = jax.ops.segment_sum(msgs, row, num_segments=N_NODES)
        preds = spmm + ALPHA * local_preds
    return preds

if __name__ == "__main__":
    import jax
    _d = setup_inputs()
    print(jax.jit(kernel)(*tuple(_d.values())))

</pallas_src>

<mosaic_0001>
#map = affine_map<(d0, d1) -> (0, 0)>
#map1 = affine_map<(d0, d1) -> (0)>
module attributes {stable_mosaic.version = 14 : i64} {
  func.func @k(%arg0: i32, %arg1: i32, %arg2: memref<100000x32xf32, #tpu.memory_space<hbm>>, %arg3: memref<3200000xf32, #tpu.memory_space<hbm>>, %arg4: memref<4800768xi32, #tpu.memory_space<hbm>>, %arg5: memref<512xi32, #tpu.memory_space<hbm>>, %arg6: memref<3200000xf32, #tpu.memory_space<hbm>>, %arg7: memref<100000xf32, #tpu.memory_space<vmem>>, %arg8: memref<128x32xf32, #tpu.memory_space<vmem>>, %arg9: memref<128x32xf32, #tpu.memory_space<vmem>>, %arg10: memref<384xi32, #tpu.memory_space<vmem>>, %arg11: memref<384xi32, #tpu.memory_space<vmem>>, %arg12: memref<16xi32, #tpu.memory_space<vmem>>, %arg13: memref<!tpu.dma_semaphore, #tpu.memory_space<semaphore_mem>>, %arg14: memref<!tpu.dma_semaphore, #tpu.memory_space<semaphore_mem>>, %arg15: memref<!tpu.dma_semaphore, #tpu.memory_space<semaphore_mem>>, %arg16: memref<!tpu.dma_semaphore, #tpu.memory_space<semaphore_mem>>) attributes {dimension_semantics = [#tpu.dimension_semantics<core_parallel>, #tpu.dimension_semantics<subcore_parallel>], iteration_bounds = array<i64: 2, 16>, scalar_prefetch = 0 : i64, scratch_operands = 10 : i64, tpu.core_type = #tpu.core_type<sc_vector_subcore>, window_params = [{transform_indices = #map}, {transform_indices = #map1}, {transform_indices = #map1}, {transform_indices = #map1}, {transform_indices = #map1}]} {
    %mul3A = arith.constant 2 : i32
    %mul3A_0 = arith.muli %arg1, %mul3A : i32
    %add3A = arith.addi %mul3A_0, %arg0 : i32
    %mul3A_1 = arith.constant 100000 : i32
    %mul3A_2 = arith.muli %add3A, %mul3A_1 : i32
    %mul3A_3 = arith.constant 16 : i32
    %mul3A_4 = arith.muli %add3A, %mul3A_3 : i32
    "tpu.region"() ({
      %run_scoped3A = tpu.sem_alloc : memref<!tpu.dma_semaphore, #tpu.memory_space<semaphore_mem>>
      %dma_start3A = tpu.memref_slice %arg5[%mul3A_4] : memref<512xi32, #tpu.memory_space<hbm>> -> memref<16xi32, #tpu.memory_space<hbm>>
      %dma_start3A_53 = tpu.memref_slice %arg5[%mul3A_4] : memref<512xi32, #tpu.memory_space<hbm>> -> memref<16xi32, #tpu.memory_space<hbm>>
      tpu.enqueue_dma source(%dma_start3A_53 : memref<16xi32, #tpu.memory_space<hbm>>) target(%arg12 : memref<16xi32, #tpu.memory_space<vmem>>) target_semaphore(%run_scoped3A : memref<!tpu.dma_semaphore, #tpu.memory_space<semaphore_mem>>)
      %dma_wait3A = tpu.memref_slice %arg5[%mul3A_4] : memref<512xi32, #tpu.memory_space<hbm>> -> memref<16xi32, #tpu.memory_space<hbm>>
      %dma_wait3A_54 = tpu.memref_slice %arg5[%mul3A_4] : memref<512xi32, #tpu.memory_space<hbm>> -> memref<16xi32, #tpu.memory_space<hbm>>
      tpu.wait_dma2 semaphore(%run_scoped3A : memref<!tpu.dma_semaphore, #tpu.memory_space<semaphore_mem>>) src(%dma_wait3A_54 : memref<16xi32, #tpu.memory_space<hbm>>) dst(%arg12 : memref<16xi32, #tpu.memory_space<vmem>>)
      tpu.yield
    }) : () -> ()
    %get3A = arith.constant 0 : index
    %get3A_5 = tpu.vector_load %arg12[%get3A] {strides = array<i32>} : memref<16xi32, #tpu.memory_space<vmem>>, vector<16xi32>,
    %get3A_6 = vector.shape_cast %get3A_5 : vector<16xi32> to vector<16xi32>
    %slice3A = vector.extract_strided_slice %get3A_6 {offsets = [0], sizes = [1], strides = [1]} : vector<16xi32> to vector<1xi32>
    %squeeze3A = vector.extract %slice3A[0] : i32 from vector<1xi32>
    %slice3A_7 = vector.extract_strided_slice %get3A_6 {offsets = [1], sizes = [1], strides = [1]} : vector<16xi32> to vector<1xi32>
    %squeeze3A_8 = vector.extract %slice3A_7[0] : i32 from vector<1xi32>
    %slice3A_9 = vector.extract_strided_slice %get3A_6 {offsets = [2], sizes = [1], strides = [1]} : vector<16xi32> to vector<1xi32>
    %squeeze3A_10 = vector.extract %slice3A_9[0] : i32 from vector<1xi32>
    %slice3A_11 = vector.extract_strided_slice %get3A_6 {offsets = [3], sizes = [1], strides = [1]} : vector<16xi32> to vector<1xi32>
    %squeeze3A_12 = vector.extract %slice3A_11[0] : i32 from vector<1xi32>
    %add3A_13 = arith.addi %squeeze3A, %squeeze3A_8 : i32
    "tpu.region"() ({
      %run_scoped3A = tpu.sem_alloc : memref<!tpu.dma_semaphore, #tpu.memory_space<semaphore_mem>>
      %dma_start3A = tpu.memref_slice %arg3[%mul3A_2] : memref<3200000xf32, #tpu.memory_space<hbm>> -> memref<100000xf32, #tpu.memory_space<hbm>>
      %dma_start3A_53 = tpu.memref_slice %arg3[%mul3A_2] : memref<3200000xf32, #tpu.memory_space<hbm>> -> memref<100000xf32, #tpu.memory_space<hbm>>
      tpu.enqueue_dma source(%dma_start3A_53 : memref<100000xf32, #tpu.memory_space<hbm>>) target(%arg7 : memref<100000xf32, #tpu.memory_space<vmem>>) target_semaphore(%run_scoped3A : memref<!tpu.dma_semaphore, #tpu.memory_space<semaphore_mem>>)
      %dma_wait3A = tpu.memref_slice %arg3[%mul3A_2] : memref<3200000xf32, #tpu.memory_space<hbm>> -> memref<100000xf32, #tpu.memory_space<hbm>>
      %dma_wait3A_54 = tpu.memref_slice %arg3[%mul3A_2] : memref<3200000xf32, #tpu.memory_space<hbm>> -> memref<100000xf32, #tpu.memory_space<hbm>>
      tpu.wait_dma2 semaphore(%run_scoped3A : memref<!tpu.dma_semaphore, #tpu.memory_space<semaphore_mem>>) src(%dma_wait3A_54 : memref<100000xf32, #tpu.memory_space<hbm>>) dst(%arg7 : memref<100000xf32, #tpu.memory_space<vmem>>)
      tpu.yield
    }) : () -> ()
    %iota3A = tpu.iota {dimensions = array<i32: 0>} : vector<16xi32>
    %gt3A = arith.constant 0 : i32
    %gt3A_14 = arith.cmpi sgt, %squeeze3A_8, %gt3A : i32
    %convert_element_type3A = arith.extui %gt3A_14 : i1 to i32
    %cond3A = arith.constant 0 : i32
    %cond3A_15 = arith.cmpi ne, %convert_element_type3A, %cond3A : i32
    scf.if %cond3A_15 {
      %mul3A_53 = arith.constant 384 : i32
      %mul3A_54 = arith.muli %squeeze3A, %mul3A_53 : i32
      %dma_start3A = tpu.memref_slice %arg4[%mul3A_54] : memref<4800768xi32, #tpu.memory_space<hbm>> -> memref<384xi32, #tpu.memory_space<hbm>>
      %dma_start3A_55 = tpu.memref_slice %arg4[%mul3A_54] : memref<4800768xi32, #tpu.memory_space<hbm>> -> memref<384xi32, #tpu.memory_space<hbm>>
      tpu.enqueue_dma source(%dma_start3A_55 : memref<384xi32, #tpu.memory_space<hbm>>) target(%arg10 : memref<384xi32, #tpu.memory_space<vmem>>) target_semaphore(%arg15 : memref<!tpu.dma_semaphore, #tpu.memory_space<semaphore_mem>>)
    } else {
    }
    %gt3A_16 = arith.constant 1 : i32
    %gt3A_17 = arith.cmpi sgt, %squeeze3A_8, %gt3A_16 : i32
    %convert_element_type3A_18 = arith.extui %gt3A_17 : i1 to i32
    %cond3A_19 = arith.constant 0 : i32
    %cond3A_20 = arith.cmpi ne, %convert_element_type3A_18, %cond3A_19 : i32
    scf.if %cond3A_20 {
      %add3A_53 = arith.constant 1 : i32
      %add3A_54 = arith.addi %squeeze3A, %add3A_53 : i32
      %mul3A_55 = arith.constant 384 : i32
      %mul3A_56 = arith.muli %add3A_54, %mul3A_55 : i32
      %dma_start3A = tpu.memref_slice %arg4[%mul3A_56] : memref<4800768xi32, #tpu.memory_space<hbm>> -> memref<384xi32, #tpu.memory_space<hbm>>
      %dma_start3A_57 = tpu.memref_slice %arg4[%mul3A_56] : memref<4800768xi32, #tpu.memory_space<hbm>> -> memref<384xi32, #tpu.memory_space<hbm>>
      tpu.enqueue_dma source(%dma_start3A_57 : memref<384xi32, #tpu.memory_space<hbm>>) target(%arg11 : memref<384xi32, #tpu.memory_space<vmem>>) target_semaphore(%arg16 : memref<!tpu.dma_semaphore, #tpu.memory_space<semaphore_mem>>)
    } else {
    }
    %gt3A_21 = arith.constant 0 : i32
    %gt3A_22 = arith.cmpi sgt, %squeeze3A_8, %gt3A_21 : i32
    %convert_element_type3A_23 = arith.extui %gt3A_22 : i1 to i32
    %cond3A_24 = arith.constant 0 : i32
    %cond3A_25 = arith.cmpi ne, %convert_element_type3A_23, %cond3A_24 : i32
    scf.if %cond3A_25 {
      %mul3A_53 = arith.constant 384 : i32
      %mul3A_54 = arith.muli %squeeze3A, %mul3A_53 : i32
      %dma_wait3A = tpu.memref_slice %arg4[%mul3A_54] : memref<4800768xi32, #tpu.memory_space<hbm>> -> memref<384xi32, #tpu.memory_space<hbm>>
      %dma_wait3A_55 = tpu.memref_slice %arg4[%mul3A_54] : memref<4800768xi32, #tpu.memory_space<hbm>> -> memref<384xi32, #tpu.memory_space<hbm>>
      tpu.wait_dma2 semaphore(%arg15 : memref<!tpu.dma_semaphore, #tpu.memory_space<semaphore_mem>>) src(%dma_wait3A_55 : memref<384xi32, #tpu.memory_space<hbm>>) dst(%arg10 : memref<384xi32, #tpu.memory_space<vmem>>)
      %dma_start3A = arith.constant 0 : i32
      %dma_start3A_56 = tpu.memref_slice %arg10[%dma_start3A] : memref<384xi32, #tpu.memory_space<vmem>> -> memref<128xi32, #tpu.memory_space<vmem>>
      %dma_start3A_57 = arith.constant 0 : i32
      %dma_start3A_58 = arith.constant 0 : i32
      %dma_start3A_59 = tpu.memref_slice %arg2[%dma_start3A_57, %dma_start3A_58] : memref<100000x32xf32, #tpu.memory_space<hbm>> -> memref<100000x32xf32, #tpu.memory_space<hbm>>
      tpu.enqueue_indirect_dma source(%dma_start3A_59 : memref<100000x32xf32, #tpu.memory_space<hbm>>) target(%arg8 : memref<128x32xf32, #tpu.memory_space<vmem>>) offsets(%dma_start3A_56 : memref<128xi32, #tpu.memory_space<vmem>>) semaphore(%arg13 : memref<!tpu.dma_semaphore, #tpu.memory_space<semaphore_mem>>)
    } else {
    }
    %add3A_26 = arith.constant 1 : i32
    %add3A_27 = arith.addi %squeeze3A_8, %add3A_26 : i32
    %jit3A = arith.constant 2 : i32
    %div3A = arith.divsi %add3A_27, %jit3A : i32
    %sign3A = arith.constant 0 : i32
    %sign3A_28 = arith.cmpi sgt, %add3A_27, %sign3A : i32
    %sign3A_29 = arith.extui %sign3A_28 : i1 to i32
    %sign3A_30 = arith.constant 0 : i32
    %sign3A_31 = arith.cmpi slt, %add3A_27, %sign3A_30 : i32
    %sign3A_32 = arith.extui %sign3A_31 : i1 to i32
    %sign3A_33 = arith.subi %sign3A_29, %sign3A_32 : i32
    %sign3A_34 = arith.constant 0 : i32
    %sign3A_35 = arith.cmpi sgt, %jit3A, %sign3A_34 : i32
    %sign3A_36 = arith.extui %sign3A_35 : i1 to i32
    %sign3A_37 = arith.constant 0 : i32
    %sign3A_38 = arith.cmpi slt, %jit3A, %sign3A_37 : i32
    %sign3A_39 = arith.extui %sign3A_38 : i1 to i32
    %sign3A_40 = arith.subi %sign3A_36, %sign3A_39 : i32
    %ne3A = arith.cmpi ne, %sign3A_33, %sign3A_40 : i32
    %rem3A = arith.remsi %add3A_27, %jit3A : i32
    %ne3A_41 = arith.constant 0 : i32
    %ne3A_42 = arith.cmpi ne, %rem3A, %ne3A_41 : i32
    %and3A = arith.andi %ne3A, %ne3A_42 : i1
    %sub3A = arith.constant 1 : i32
    %sub3A_43 = arith.subi %div3A, %sub3A : i32
    %select_n3A = arith.select %and3A, %sub3A_43, %div3A : i32
    %while3A = arith.constant 0 : i32
    %while3A_44 = arith.constant 0 : i32
    %while3A_45 = arith.subi %select_n3A, %while3A_44 : i32
    %while3A_46 = arith.addi %while3A_44, %while3A_45 : i32
    %while3A_47 = arith.constant 1 : i32
    %while3A_48 = arith.divsi %while3A_45, %while3A_47 : i32
    %while3A_49 = arith.muli %while3A_48, %while3A_47 : i32
    %while3A_50 = arith.addi %while3A_44, %while3A_49 : i32
    %while3A_51 = arith.constant 1 : i32
    scf.for %while3A_53 = %while3A_44 to %while3A_50 step %while3A_51  : i32 {
      %mul3A_54 = arith.constant 2 : i32
      %mul3A_55 = arith.muli %mul3A_54, %while3A_53 : i32
      %add3A_56 = arith.addi %squeeze3A, %mul3A_55 : i32
      %add3A_57 = arith.constant 0 : i32
      %add3A_58 = arith.addi %add3A_56, %add3A_57 : i32
      %lt3A = arith.cmpi slt, %add3A_58, %add3A_13 : i32
      %convert_element_type3A_59 = arith.extui %lt3A : i1 to i32
      %cond3A_60 = arith.constant 0 : i32
      %cond3A_61 = arith.cmpi ne, %convert_element_type3A_59, %cond3A_60 : i32
      scf.if %cond3A_61 {
        %dma_wait3A = arith.constant 0 : i32
        %dma_wait3A_68 = tpu.memref_slice %arg10[%dma_wait3A] : memref<384xi32, #tpu.memory_space<vmem>> -> memref<128xi32, #tpu.memory_space<vmem>>
        %dma_wait3A_69 = arith.constant 0 : i32
        %dma_wait3A_70 = arith.constant 0 : i32
        %dma_wait3A_71 = tpu.memref_slice %arg2[%dma_wait3A_69, %dma_wait3A_70] : memref<100000x32xf32, #tpu.memory_space<hbm>> -> memref<100000x32xf32, #tpu.memory_space<hbm>>
        tpu.wait_indirect_dma semaphore(%arg13 : memref<!tpu.dma_semaphore, #tpu.memory_space<semaphore_mem>>) src(%dma_wait3A_71 : memref<100000x32xf32, #tpu.memory_space<hbm>>) dst(%arg8 : memref<128x32xf32, #tpu.memory_space<vmem>>)
        %add3A_72 = arith.constant 1 : i32
        %add3A_73 = arith.addi %add3A_58, %add3A_72 : i32
        %lt3A_74 = arith.cmpi slt, %add3A_73, %add3A_13 : i32
        %convert_element_type3A_75 = arith.extui %lt3A_74 : i1 to i32
        %cond3A_76 = arith.constant 0 : i32
        %cond3A_77 = arith.cmpi ne, %convert_element_type3A_75, %cond3A_76 : i32
        scf.if %cond3A_77 {
          %add3A_88 = arith.constant 1 : i32
          %add3A_89 = arith.addi %add3A_58, %add3A_88 : i32
          %mul3A_90 = arith.constant 384 : i32
          %mul3A_91 = arith.muli %add3A_89, %mul3A_90 : i32
          %dma_wait3A_92 = tpu.memref_slice %arg4[%mul3A_91] : memref<4800768xi32, #tpu.memory_space<hbm>> -> memref<384xi32, #tpu.memory_space<hbm>>
          %dma_wait3A_93 = tpu.memref_slice %arg4[%mul3A_91] : memref<4800768xi32, #tpu.memory_space<hbm>> -> memref<384xi32, #tpu.memory_space<hbm>>
          tpu.wait_dma2 semaphore(%arg16 : memref<!tpu.dma_semaphore, #tpu.memory_space<semaphore_mem>>) src(%dma_wait3A_93 : memref<384xi32, #tpu.memory_space<hbm>>) dst(%arg11 : memref<384xi32, #tpu.memory_space<vmem>>)
          %dma_start3A = arith.constant 0 : i32
          %dma_start3A_94 = tpu.memref_slice %arg11[%dma_start3A] : memref<384xi32, #tpu.memory_space<vmem>> -> memref<128xi32, #tpu.memory_space<vmem>>
          %dma_start3A_95 = arith.constant 0 : i32
          %dma_start3A_96 = arith.constant 0 : i32
          %dma_start3A_97 = tpu.memref_slice %arg2[%dma_start3A_95, %dma_start3A_96] : memref<100000x32xf32, #tpu.memory_space<hbm>> -> memref<100000x32xf32, #tpu.memory_space<hbm>>
          tpu.enqueue_indirect_dma source(%dma_start3A_97 : memref<100000x32xf32, #tpu.memory_space<hbm>>) target(%arg9 : memref<128x32xf32, #tpu.memory_space<vmem>>) offsets(%dma_start3A_94 : memref<128xi32, #tpu.memory_space<vmem>>) semaphore(%arg14 : memref<!tpu.dma_semaphore, #tpu.memory_space<semaphore_mem>>)
        } else {
        }
        %mul3A_78 = arith.constant 128 : i32
        %mul3A_79 = arith.muli %add3A_58, %mul3A_78 : i32
        %parallel_loop3A = arith.constant 0 : i32
        %parallel_loop3A_80 = arith.constant 8 : i32
        %parallel_loop3A_81 = arith.constant 1 : i32
        scf.for %parallel_loop3A_88 = %parallel_loop3A to %parallel_loop3A_80 step %parallel_loop3A_81  : i32 {
          %parallel_loop3A_89 = arith.constant 16 : i32
          %parallel_loop3A_90 = arith.muli %parallel_loop3A_89, %parallel_loop3A_88 : i32
          %parallel_loop3A_91 = arith.constant 128 : i32
          %parallel_loop3A_92 = arith.addi %parallel_loop3A_91, %parallel_loop3A_90 : i32
          %parallel_loop3A_93 = arith.index_cast %parallel_loop3A_92 : i32 to index
          %parallel_loop3A_94 = tpu.vector_load %arg10[%parallel_loop3A_93] {strides = array<i32>} : memref<384xi32, #tpu.memory_space<vmem>>, vector<16xi32>,
          %parallel_loop3A_95 = vector.shape_cast %parallel_loop3A_94 : vector<16xi32> to vector<16xi32>
          %parallel_loop3A_96 = tpu.bitcast %parallel_loop3A_95 : vector<16xi32> -> vector<16xf32>
          %parallel_loop3A_97 = arith.constant 16 : i32
          %parallel_loop3A_98 = arith.muli %parallel_loop3A_97, %parallel_loop3A_88 : i32
          %parallel_loop3A_99 = arith.constant 256 : i32
          %parallel_loop3A_100 = arith.addi %parallel_loop3A_99, %parallel_loop3A_98 : i32
          %parallel_loop3A_101 = arith.index_cast %parallel_loop3A_100 : i32 to index
          %parallel_loop3A_102 = tpu.vector_load %arg10[%parallel_loop3A_101] {strides = array<i32>} : memref<384xi32, #tpu.memory_space<vmem>>, vector<16xi32>,
          %parallel_loop3A_103 = vector.shape_cast %parallel_loop3A_102 : vector<16xi32> to vector<16xi32>
          %parallel_loop3A_104 = arith.constant 16 : i32
          %parallel_loop3A_105 = arith.muli %parallel_loop3A_104, %parallel_loop3A_88 : i32
          %parallel_loop3A_106 = arith.addi %mul3A_79, %parallel_loop3A_105 : i32
          %parallel_loop3A_107 = vector.broadcast %parallel_loop3A_106 : i32 to vector<16xi32>
          %parallel_loop3A_108 = arith.addi %iota3A, %parallel_loop3A_107 : vector<16xi32>
          %parallel_loop3A_109 = vector.broadcast %squeeze3A_10 : i32 to vector<16xi32>
          %parallel_loop3A_110 = arith.cmpi sge, %parallel_loop3A_108, %parallel_loop3A_109 : vector<16xi32>
          %parallel_loop3A_111 = vector.broadcast %squeeze3A_12 : i32 to vector<16xi32>
          %parallel_loop3A_112 = arith.cmpi slt, %parallel_loop3A_108, %parallel_loop3A_111 : vector<16xi32>
          %parallel_loop3A_113 = arith.andi %parallel_loop3A_110, %parallel_loop3A_112 : vector<16xi1>
          %parallel_loop3A_114 = arith.constant 0.000000e+00 : f32
          %parallel_loop3A_115 = vector.broadcast %parallel_loop3A_114 : f32 to vector<16xf32>
          %parallel_loop3A_116 = arith.select %parallel_loop3A_113, %parallel_loop3A_96, %parallel_loop3A_115 : vector<16xi1>, vector<16xf32>
          %parallel_loop3A_117 = vector.extract_strided_slice %parallel_loop3A_116 {offsets = [0], sizes = [1], strides = [1]} : vector<16xf32> to vector<1xf32>
          %parallel_loop3A_118 = vector.extract %parallel_loop3A_117[0] : f32 from vector<1xf32>
          %parallel_loop3A_119 = vector.extract_strided_slice %parallel_loop3A_103 {offsets = [0], sizes = [1], strides = [1]} : vector<16xi32> to vector<1xi32>
          %parallel_loop3A_120 = vector.extract %parallel_loop3A_119[0] : i32 from vector<1xi32>
          %parallel_loop3A_121 = arith.constant 32 : i32
          %parallel_loop3A_122 = arith.muli %parallel_loop3A_120, %parallel_loop3A_121 : i32
          %parallel_loop3A_123 = arith.constant 16 : i32
          %parallel_loop3A_124 = arith.muli %parallel_loop3A_123, %parallel_loop3A_88 : i32
          %parallel_loop3A_125 = arith.constant 0 : i32
          %parallel_loop3A_126 = arith.addi %parallel_loop3A_124, %parallel_loop3A_125 : i32
          %parallel_loop3A_127 = arith.index_cast %parallel_loop3A_126 : i32 to index
          %parallel_loop3A_128 = arith.constant 0 : index
          %parallel_loop3A_129 = tpu.vector_load %arg8[%parallel_loop3A_127, %parallel_loop3A_128] {strides = array<i32>} : memref<128x32xf32, #tpu.memory_space<vmem>>, vector<1x16xf32>,
          %parallel_loop3A_130 = vector.shape_cast %parallel_loop3A_129 : vector<1x16xf32> to vector<16xf32>
          %parallel_loop3A_131 = vector.broadcast %parallel_loop3A_118 : f32 to vector<16xf32>
          %parallel_loop3A_132 = arith.mulf %parallel_loop3A_130, %parallel_loop3A_131 : vector<16xf32>
          %parallel_loop3A_133 = arith.constant 0 : i32
          %parallel_loop3A_134 = arith.addi %parallel_loop3A_122, %parallel_loop3A_133 : i32
          %parallel_loop3A_135 = arith.index_cast %parallel_loop3A_134 : i32 to index
          %parallel_loop3A_136 = tpu.vector_load %arg7[%parallel_loop3A_135] {strides = array<i32>} : memref<100000xf32, #tpu.memory_space<vmem>>, vector<16xf32>,
          %parallel_loop3A_137 = vector.shape_cast %parallel_loop3A_136 : vector<16xf32> to vector<16xf32>
          %parallel_loop3A_138 = vector.shape_cast %parallel_loop3A_132 : vector<16xf32> to vector<16xf32>
          tpu.vector_store %arg7[%parallel_loop3A_135], %parallel_loop3A_138 {add = true, strides = array<i32>} : memref<100000xf32, #tpu.memory_space<vmem>>, vector<16xf32>,
          %parallel_loop3A_139 = arith.constant 16 : i32
          %parallel_loop3A_140 = arith.muli %parallel_loop3A_139, %parallel_loop3A_88 : i32
          %parallel_loop3A_141 = arith.constant 0 : i32
          %parallel_loop3A_142 = arith.addi %parallel_loop3A_140, %parallel_loop3A_141 : i32
          %parallel_loop3A_143 = arith.index_cast %parallel_loop3A_142 : i32 to index
          %parallel_loop3A_144 = arith.constant 16 : index
          %parallel_loop3A_145 = tpu.vector_load %arg8[%parallel_loop3A_143, %parallel_loop3A_144] {strides = array<i32>} : memref<128x32xf32, #tpu.memory_space<vmem>>, vector<1x16xf32>,
          %parallel_loop3A_146 = vector.shape_cast %parallel_loop3A_145 : vector<1x16xf32> to vector<16xf32>
          %parallel_loop3A_147 = vector.broadcast %parallel_loop3A_118 : f32 to vector<16xf32>
          %parallel_loop3A_148 = arith.mulf %parallel_loop3A_146, %parallel_loop3A_147 : vector<16xf32>
          %parallel_loop3A_149 = arith.constant 16 : i32
          %parallel_loop3A_150 = arith.addi %parallel_loop3A_122, %parallel_loop3A_149 : i32
          %parallel_loop3A_151 = arith.index_cast %parallel_loop3A_150 : i32 to index
          %parallel_loop3A_152 = tpu.vector_load %arg7[%parallel_loop3A_151] {strides = array<i32>} : memref<100000xf32, #tpu.memory_space<vmem>>, vector<16xf32>,
          %parallel_loop3A_153 = vector.shape_cast %parallel_loop3A_152 : vector<16xf32> to vector<16xf32>
          %parallel_loop3A_154 = vector.shape_cast %parallel_loop3A_148 : vector<16xf32> to vector<16xf32>
          tpu.vector_store %arg7[%parallel_loop3A_151], %parallel_loop3A_154 {add = true, strides = array<i32>} : memref<100000xf32, #tpu.memory_space<vmem>>, vector<16xf32>,
          %parallel_loop3A_155 = vector.extract_strided_slice %parallel_loop3A_116 {offsets = [1], sizes = [1], strides = [1]} : vector<16xf32> to vector<1xf32>
          %parallel_loop3A_156 = vector.extract %parallel_loop3A_155[0] : f32 from vector<1xf32>
          %parallel_loop3A_157 = vector.extract_strided_slice %parallel_loop3A_103 {offsets = [1], sizes = [1], strides = [1]} : vector<16xi32> to vector<1xi32>
          %parallel_loop3A_158 = vector.extract %parallel_loop3A_157[0] : i32 from vector<1xi32>
          %parallel_loop3A_159 = arith.constant 32 : i32
          %parallel_loop3A_160 = arith.muli %parallel_loop3A_158, %parallel_loop3A_159 : i32
          %parallel_loop3A_161 = arith.constant 16 : i32
          %parallel_loop3A_162 = arith.muli %parallel_loop3A_161, %parallel_loop3A_88 : i32
          %parallel_loop3A_163 = arith.constant 1 : i32
          %parallel_loop3A_164 = arith.addi %parallel_loop3A_162, %parallel_loop3A_163 : i32
          %parallel_loop3A_165 = arith.index_cast %parallel_loop3A_164 : i32 to index
          %parallel_loop3A_166 = arith.constant 0 : index
          %parallel_loop3A_167 = tpu.vector_load %arg8[%parallel_loop3A_165, %parallel_loop3A_166] {strides = array<i32>} : memref<128x32xf32, #tpu.memory_space<vmem>>, vector<1x16xf32>,
          %parallel_loop3A_168 = vector.shape_cast %parallel_loop3A_167 : vector<1x16xf32> to vector<16xf32>
          %parallel_loop3A_169 = vector.broadcast %parallel_loop3A_156 : f32 to vector<16xf32>
          %parallel_loop3A_170 = arith.mulf %parallel_loop3A_168, %parallel_loop3A_169 : vector<16xf32>
          %parallel_loop3A_171 = arith.constant 0 : i32
          %parallel_loop3A_172 = arith.addi %parallel_loop3A_160, %parallel_loop3A_171 : i32
          %parallel_loop3A_173 = arith.index_cast %parallel_loop3A_172 : i32 to index
          %parallel_loop3A_174 = tpu.vector_load %arg7[%parallel_loop3A_173] {strides = array<i32>} : memref<100000xf32, #tpu.memory_space<vmem>>, vector<16xf32>,
          %parallel_loop3A_175 = vector.shape_cast %parallel_loop3A_174 : vector<16xf32> to vector<16xf32>
          %parallel_loop3A_176 = vector.shape_cast %parallel_loop3A_170 : vector<16xf32> to vector<16xf32>
          tpu.vector_store %arg7[%parallel_loop3A_173], %parallel_loop3A_176 {add = true, strides = array<i32>} : memref<100000xf32, #tpu.memory_space<vmem>>, vector<16xf32>,
          %parallel_loop3A_177 = arith.constant 16 : i32
          %parallel_loop3A_178 = arith.muli %parallel_loop3A_177, %parallel_loop3A_88 : i32
          %parallel_loop3A_179 = arith.constant 1 : i32
          %parallel_loop3A_180 = arith.addi %parallel_loop3A_178, %parallel_loop3A_179 : i32
          %parallel_loop3A_181 = arith.index_cast %parallel_loop3A_180 : i32 to index
          %parallel_loop3A_182 = arith.constant 16 : index
          %parallel_loop3A_183 = tpu.vector_load %arg8[%parallel_loop3A_181, %parallel_loop3A_182] {strides = array<i32>} : memref<128x32xf32, #tpu.memory_space<vmem>>, vector<1x16xf32>,
          %parallel_loop3A_184 = vector.shape_cast %parallel_loop3A_183 : vector<1x16xf32> to vector<16xf32>
          %parallel_loop3A_185 = vector.broadcast %parallel_loop3A_156 : f32 to vector<16xf32>
          %parallel_loop3A_186 = arith.mulf %parallel_loop3A_184, %parallel_loop3A_185 : vector<16xf32>
          %parallel_loop3A_187 = arith.constant 16 : i32
          %parallel_loop3A_188 = arith.addi %parallel_loop3A_160, %parallel_loop3A_187 : i32
          %parallel_loop3A_189 = arith.index_cast %parallel_loop3A_188 : i32 to index
          %parallel_loop3A_190 = tpu.vector_load %arg7[%parallel_loop3A_189] {strides = array<i32>} : memref<100000xf32, #tpu.memory_space<vmem>>, vector<16xf32>,
          %parallel_loop3A_191 = vector.shape_cast %parallel_loop3A_190 : vector<16xf32> to vector<16xf32>
          %parallel_loop3A_192 = vector.shape_cast %parallel_loop3A_186 : vector<16xf32> to vector<16xf32>
          tpu.vector_store %arg7[%parallel_loop3A_189], %parallel_loop3A_192 {add = true, strides = array<i32>} : memref<100000xf32, #tpu.memory_space<vmem>>, vector<16xf32>,
          %parallel_loop3A_193 = vector.extract_strided_slice %parallel_loop3A_116 {offsets = [2], sizes = [1], strides = [1]} : vector<16xf32> to vector<1xf32>
          %parallel_loop3A_194 = vector.extract %parallel_loop3A_193[0] : f32 from vector<1xf32>
          %parallel_loop3A_195 = vector.extract_strided_slice %parallel_loop3A_103 {offsets = [2], sizes = [1], strides = [1]} : vector<16xi32> to vector<1xi32>
          %parallel_loop3A_196 = vector.extract %parallel_loop3A_195[0] : i32 from vector<1xi32>
          %parallel_loop3A_197 = arith.constant 32 : i32
          %parallel_loop3A_198 = arith.muli %parallel_loop3A_196, %parallel_loop3A_197 : i32
          %parallel_loop3A_199 = arith.constant 16 : i32
          %parallel_loop3A_200 = arith.muli %parallel_loop3A_199, %parallel_loop3A_88 : i32
          %parallel_loop3A_201 = arith.constant 2 : i32
          %parallel_loop3A_202 = arith.addi %parallel_loop3A_200, %parallel_loop3A_201 : i32
          %parallel_loop3A_203 = arith.index_cast %parallel_loop3A_202 : i32 to index
          %parallel_loop3A_204 = arith.constant 0 : index
          %parallel_loop3A_205 = tpu.vector_load %arg8[%parallel_loop3A_203, %parallel_loop3A_204] {strides = array<i32>} : memref<128x32xf32, #tpu.memory_space<vmem>>, vector<1x16xf32>,
          %parallel_loop3A_206 = vector.shape_cast %parallel_loop3A_205 : vector<1x16xf32> to vector<16xf32>
          %parallel_loop3A_207 = vector.broadcast %parallel_loop3A_194 : f32 to vector<16xf32>
          %parallel_loop3A_208 = arith.mulf %parallel_loop3A_206, %parallel_loop3A_207 : vector<16xf32>
          %parallel_loop3A_209 = arith.constant 0 : i32
          %parallel_loop3A_210 = arith.addi %parallel_loop3A_198, %parallel_loop3A_209 : i32
          %parallel_loop3A_211 = arith.index_cast %parallel_loop3A_210 : i32 to index
          %parallel_loop3A_212 = tpu.vector_load %arg7[%parallel_loop3A_211] {strides = array<i32>} : memref<100000xf32, #tpu.memory_space<vmem>>, vector<16xf32>,
          %parallel_loop3A_213 = vector.shape_cast %parallel_loop3A_212 : vector<16xf32> to vector<16xf32>
          %parallel_loop3A_214 = vector.shape_cast %parallel_loop3A_208 : vector<16xf32> to vector<16xf32>
          tpu.vector_store %arg7[%parallel_loop3A_211], %parallel_loop3A_214 {add = true, strides = array<i32>} : memref<100000xf32, #tpu.memory_space<vmem>>, vector<16xf32>,
          %parallel_loop3A_215 = arith.constant 16 : i32
          %parallel_loop3A_216 = arith.muli %parallel_loop3A_215, %parallel_loop3A_88 : i32
          %parallel_loop3A_217 = arith.constant 2 : i32
          %parallel_loop3A_218 = arith.addi %parallel_loop3A_216, %parallel_loop3A_217 : i32
          %parallel_loop3A_219 = arith.index_cast %parallel_loop3A_218 : i32 to index
          %parallel_loop3A_220 = arith.constant 16 : index
          %parallel_loop3A_221 = tpu.vector_load %arg8[%parallel_loop3A_219, %parallel_loop3A_220] {strides = array<i32>} : memref<128x32xf32, #tpu.memory_space<vmem>>, vector<1x16xf32>,
          %parallel_loop3A_222 = vector.shape_cast %parallel_loop3A_221 : vector<1x16xf32> to vector<16xf32>
          %parallel_loop3A_223 = vector.broadcast %parallel_loop3A_194 : f32 to vector<16xf32>
          %parallel_loop3A_224 = arith.mulf %parallel_loop3A_222, %parallel_loop3A_223 : vector<16xf32>
          %parallel_loop3A_225 = arith.constant 16 : i32
          %parallel_loop3A_226 = arith.addi %parallel_loop3A_198, %parallel_loop3A_225 : i32
          %parallel_loop3A_227 = arith.index_cast %parallel_loop3A_226 : i32 to index
          %parallel_loop3A_228 = tpu.vector_load %arg7[%parallel_loop3A_227] {strides = array<i32>} : memref<100000xf32, #tpu.memory_space<vmem>>, vector<16xf32>,
          %parallel_loop3A_229 = vector.shape_cast %parallel_loop3A_228 : vector<16xf32> to vector<16xf32>
          %parallel_loop3A_230 = vector.shape_cast %parallel_loop3A_224 : vector<16xf32> to vector<16xf32>
          tpu.vector_store %arg7[%parallel_loop3A_227], %parallel_loop3A_230 {add = true, strides = array<i32>} : memref<100000xf32, #tpu.memory_space<vmem>>, vector<16xf32>,
          %parallel_loop3A_231 = vector.extract_strided_slice %parallel_loop3A_116 {offsets = [3], sizes = [1], strides = [1]} : vector<16xf32> to vector<1xf32>
          %parallel_loop3A_232 = vector.extract %parallel_loop3A_231[0] : f32 from vector<1xf32>
          %parallel_loop3A_233 = vector.extract_strided_slice %parallel_loop3A_103 {offsets = [3], sizes = [1], strides = [1]} : vector<16xi32> to vector<1xi32>
          %parallel_loop3A_234 = vector.extract %parallel_loop3A_233[0] : i32 from vector<1xi32>
          %parallel_loop3A_235 = arith.constant 32 : i32
          %parallel_loop3A_236 = arith.muli %parallel_loop3A_234, %parallel_loop3A_235 : i32
          %parallel_loop3A_237 = arith.constant 16 : i32
          %parallel_loop3A_238 = arith.muli %parallel_loop3A_237, %parallel_loop3A_88 : i32
          %parallel_loop3A_239 = arith.constant 3 : i32
          %parallel_loop3A_240 = arith.addi %parallel_loop3A_238, %parallel_loop3A_239 : i32
          %parallel_loop3A_241 = arith.index_cast %parallel_loop3A_240 : i32 to index
          %parallel_loop3A_242 = arith.constant 0 : index
          %parallel_loop3A_243 = tpu.vector_load %arg8[%parallel_loop3A_241, %parallel_loop3A_242] {strides = array<i32>} : memref<128x32xf32, #tpu.memory_space<vmem>>, vector<1x16xf32>,
          %parallel_loop3A_244 = vector.shape_cast %parallel_loop3A_243 : vector<1x16xf32> to vector<16xf32>
          %parallel_loop3A_245 = vector.broadcast %parallel_loop3A_232 : f32 to vector<16xf32>
          %parallel_loop3A_246 = arith.mulf %parallel_loop3A_244, %parallel_loop3A_245 : vector<16xf32>
          %parallel_loop3A_247 = arith.constant 0 : i32
          %parallel_loop3A_248 = arith.addi %parallel_loop3A_236, %parallel_loop3A_247 : i32
          %parallel_loop3A_249 = arith.index_cast %parallel_loop3A_248 : i32 to index
          %parallel_loop3A_250 = tpu.vector_load %arg7[%parallel_loop3A_249] {strides = array<i32>} : memref<100000xf32, #tpu.memory_space<vmem>>, vector<16xf32>,
          %parallel_loop3A_251 = vector.shape_cast %parallel_loop3A_250 : vector<16xf32> to vector<16xf32>
          %parallel_loop3A_252 = vector.shape_cast %parallel_loop3A_246 : vector<16xf32> to vector<16xf32>
          tpu.vector_store %arg7[%parallel_loop3A_249], %parallel_loop3A_252 {add = true, strides = array<i32>} : memref<100000xf32, #tpu.memory_space<vmem>>, vector<16xf32>,
          %parallel_loop3A_253 = arith.constant 16 : i32
          %parallel_loop3A_254 = arith.muli %parallel_loop3A_253, %parallel_loop3A_88 : i32
          %parallel_loop3A_255 = arith.constant 3 : i32
          %parallel_loop3A_256 = arith.addi %parallel_loop3A_254, %parallel_loop3A_255 : i32
          %parallel_loop3A_257 = arith.index_cast %parallel_loop3A_256 : i32 to index
          %parallel_loop3A_258 = arith.constant 16 : index
          %parallel_loop3A_259 = tpu.vector_load %arg8[%parallel_loop3A_257, %parallel_loop3A_258] {strides = array<i32>} : memref<128x32xf32, #tpu.memory_space<vmem>>, vector<1x16xf32>,
          %parallel_loop3A_260 = vector.shape_cast %parallel_loop3A_259 : vector<1x16xf32> to vector<16xf32>
          %parallel_loop3A_261 = vector.broadcast %parallel_loop3A_232 : f32 to vector<16xf32>
          %parallel_loop3A_262 = arith.mulf %parallel_loop3A_260, %parallel_loop3A_261 : vector<16xf32>
          %parallel_loop3A_263 = arith.constant 16 : i32
          %parallel_loop3A_264 = arith.addi %parallel_loop3A_236, %parallel_loop3A_263 : i32
          %parallel_loop3A_265 = arith.index_cast %parallel_loop3A_264 : i32 to index
          %parallel_loop3A_266 = tpu.vector_load %arg7[%parallel_loop3A_265] {strides = array<i32>} : memref<100000xf32, #tpu.memory_space<vmem>>, vector<16xf32>,
          %parallel_loop3A_267 = vector.shape_cast %parallel_loop3A_266 : vector<16xf32> to vector<16xf32>
          %parallel_loop3A_268 = vector.shape_cast %parallel_loop3A_262 : vector<16xf32> to vector<16xf32>
          tpu.vector_store %arg7[%parallel_loop3A_265], %parallel_loop3A_268 {add = true, strides = array<i32>} : memref<100000xf32, #tpu.memory_space<vmem>>, vector<16xf32>,
          %parallel_loop3A_269 = vector.extract_strided_slice %parallel_loop3A_116 {offsets = [4], sizes = [1], strides = [1]} : vector<16xf32> to vector<1xf32>
          %parallel_loop3A_270 = vector.extract %parallel_loop3A_269[0] : f32 from vector<1xf32>
          %parallel_loop3A_271 = vector.extract_strided_slice %parallel_loop3A_103 {offsets = [4], sizes = [1], strides = [1]} : vector<16xi32> to vector<1xi32>
          %parallel_loop3A_272 = vector.extract %parallel_loop3A_271[0] : i32 from vector<1xi32>
          %parallel_loop3A_273 = arith.constant 32 : i32
          %parallel_loop3A_274 = arith.muli %parallel_loop3A_272, %parallel_loop3A_273 : i32
          %parallel_loop3A_275 = arith.constant 16 : i32
          %parallel_loop3A_276 = arith.muli %parallel_loop3A_275, %parallel_loop3A_88 : i32
          %parallel_loop3A_277 = arith.constant 4 : i32
          %parallel_loop3A_278 = arith.addi %parallel_loop3A_276, %parallel_loop3A_277 : i32
          %parallel_loop3A_279 = arith.index_cast %parallel_loop3A_278 : i32 to index
          %parallel_loop3A_280 = arith.constant 0 : index
          %parallel_loop3A_281 = tpu.vector_load %arg8[%parallel_loop3A_279, %parallel_loop3A_280] {strides = array<i32>} : memref<128x32xf32, #tpu.memory_space<vmem>>, vector<1x16xf32>,
          %parallel_loop3A_282 = vector.shape_cast %parallel_loop3A_281 : vector<1x16xf32> to vector<16xf32>
          %parallel_loop3A_283 = vector.broadcast %parallel_loop3A_270 : f32 to vector<16xf32>
          %parallel_loop3A_284 = arith.mulf %parallel_loop3A_282, %parallel_loop3A_283 : vector<16xf32>
          %parallel_loop3A_285 = arith.constant 0 : i32
          %parallel_loop3A_286 = arith.addi %parallel_loop3A_274, %parallel_loop3A_285 : i32
          %parallel_loop3A_287 = arith.index_cast %parallel_loop3A_286 : i32 to index
          %parallel_loop3A_288 = tpu.vector_load %arg7[%parallel_loop3A_287] {strides = array<i32>} : memref<100000xf32, #tpu.memory_space<vmem>>, vector<16xf32>,
          %parallel_loop3A_289 = vector.shape_cast %parallel_loop3A_288 : vector<16xf32> to vector<16xf32>
          %parallel_loop3A_290 = vector.shape_cast %parallel_loop3A_284 : vector<16xf32> to vector<16xf32>
          tpu.vector_store %arg7[%parallel_loop3A_287], %parallel_loop3A_290 {add = true, strides = array<i32>} : memref<100000xf32, #tpu.memory_space<vmem>>, vector<16xf32>,
          %parallel_loop3A_291 = arith.constant 16 : i32
          %parallel_loop3A_292 = arith.muli %parallel_loop3A_291, %parallel_loop3A_88 : i32
          %parallel_loop3A_293 = arith.constant 4 : i32
          %parallel_loop3A_294 = arith.addi %parallel_loop3A_292, %parallel_loop3A_293 : i32
          %parallel_loop3A_295 = arith.index_cast %parallel_loop3A_294 : i32 to index
          %parallel_loop3A_296 = arith.constant 16 : index
          %parallel_loop3A_297 = tpu.vector_load %arg8[%parallel_loop3A_295, %parallel_loop3A_296] {strides = array<i32>} : memref<128x32xf32, #tpu.memory_space<vmem>>, vector<1x16xf32>,
          %parallel_loop3A_298 = vector.shape_cast %parallel_loop3A_297 : vector<1x16xf32> to vector<16xf32>
          %parallel_loop3A_299 = vector.broadcast %parallel_loop3A_270 : f32 to vector<16xf32>
          %parallel_loop3A_300 = arith.mulf %parallel_loop3A_298, %parallel_loop3A_299 : vector<16xf32>
          %parallel_loop3A_301 = arith.constant 16 : i32
          %parallel_loop3A_302 = arith.addi %parallel_loop3A_274, %parallel_loop3A_301 : i32
          %parallel_loop3A_303 = arith.index_cast %parallel_loop3A_302 : i32 to index
          %parallel_loop3A_304 = tpu.vector_load %arg7[%parallel_loop3A_303] {strides = array<i32>} : memref<100000xf32, #tpu.memory_space<vmem>>, vector<16xf32>,
          %parallel_loop3A_305 = vector.shape_cast %parallel_loop3A_304 : vector<16xf32> to vector<16xf32>
          %parallel_loop3A_306 = vector.shape_cast %parallel_loop3A_300 : vector<16xf32> to vector<16xf32>
          tpu.vector_store %arg7[%parallel_loop3A_303], %parallel_loop3A_306 {add = true, strides = array<i32>} : memref<100000xf32, #tpu.memory_space<vmem>>, vector<16xf32>,
          %parallel_loop3A_307 = vector.extract_strided_slice %parallel_loop3A_116 {offsets = [5], sizes = [1], strides = [1]} : vector<16xf32> to vector<1xf32>
          %parallel_loop3A_308 = vector.extract %parallel_loop3A_307[0] : f32 from vector<1xf32>
          %parallel_loop3A_309 = vector.extract_strided_slice %parallel_loop3A_103 {offsets = [5], sizes = [1], strides = [1]} : vector<16xi32> to vector<1xi32>
          %parallel_loop3A_310 = vector.extract %parallel_loop3A_309[0] : i32 from vector<1xi32>
          %parallel_loop3A_311 = arith.constant 32 : i32
          %parallel_loop3A_312 = arith.muli %parallel_loop3A_310, %parallel_loop3A_311 : i32
          %parallel_loop3A_313 = arith.constant 16 : i32
          %parallel_loop3A_314 = arith.muli %parallel_loop3A_313, %parallel_loop3A_88 : i32
          %parallel_loop3A_315 = arith.constant 5 : i32
          %parallel_loop3A_316 = arith.addi %parallel_loop3A_314, %parallel_loop3A_315 : i32
          %parallel_loop3A_317 = arith.index_cast %parallel_loop3A_316 : i32 to index
          %parallel_loop3A_318 = arith.constant 0 : index
          %parallel_loop3A_319 = tpu.vector_load %arg8[%parallel_loop3A_317, %parallel_loop3A_318] {strides = array<i32>} : memref<128x32xf32, #tpu.memory_space<vmem>>, vector<1x16xf32>,
          %parallel_loop3A_320 = vector.shape_cast %parallel_loop3A_319 : vector<1x16xf32> to vector<16xf32>
          %parallel_loop3A_321 = vector.broadcast %parallel_loop3A_308 : f32 to vector<16xf32>
          %parallel_loop3A_322 = arith.mulf %parallel_loop3A_320, %parallel_loop3A_321 : vector<16xf32>
          %parallel_loop3A_323 = arith.constant 0 : i32
          %parallel_loop3A_324 = arith.addi %parallel_loop3A_312, %parallel_loop3A_323 : i32
          %parallel_loop3A_325 = arith.index_cast %parallel_loop3A_324 : i32 to index
          %parallel_loop3A_326 = tpu.vector_load %arg7[%parallel_loop3A_325] {strides = array<i32>} : memref<100000xf32, #tpu.memory_space<vmem>>, vector<16xf32>,
          %parallel_loop3A_327 = vector.shape_cast %parallel_loop3A_326 : vector<16xf32> to vector<16xf32>
          %parallel_loop3A_328 = vector.shape_cast %parallel_loop3A_322 : vector<16xf32> to vector<16xf32>
          tpu.vector_store %arg7[%parallel_loop3A_325], %parallel_loop3A_328 {add = true, strides = array<i32>} : memref<100000xf32, #tpu.memory_space<vmem>>, vector<16xf32>,
          %parallel_loop3A_329 = arith.constant 16 : i32
          %parallel_loop3A_330 = arith.muli %parallel_loop3A_329, %parallel_loop3A_88 : i32
          %parallel_loop3A_331 = arith.constant 5 : i32
          %parallel_loop3A_332 = arith.addi %parallel_loop3A_330, %parallel_loop3A_331 : i32
          %parallel_loop3A_333 = arith.index_cast %parallel_loop3A_332 : i32 to index
          %parallel_loop3A_334 = arith.constant 16 : index
          %parallel_loop3A_335 = tpu.vector_load %arg8[%parallel_loop3A_333, %parallel_loop3A_334] {strides = array<i32>} : memref<128x32xf32, #tpu.memory_space<vmem>>, vector<1x16xf32>,
          %parallel_loop3A_336 = vector.shape_cast %parallel_loop3A_335 : vector<1x16xf32> to vector<16xf32>
          %parallel_loop3A_337 = vector.broadcast %parallel_loop3A_308 : f32 to vector<16xf32>
          %parallel_loop3A_338 = arith.mulf %parallel_loop3A_336, %parallel_loop3A_337 : vector<16xf32>
          %parallel_loop3A_339 = arith.constant 16 : i32
          %parallel_loop3A_340 = arith.addi %parallel_loop3A_312, %parallel_loop3A_339 : i32
          %parallel_loop3A_341 = arith.index_cast %parallel_loop3A_340 : i32 to index
          %parallel_loop3A_342 = tpu.vector_load %arg7[%parallel_loop3A_341] {strides = array<i32>} : memref<100000xf32, #tpu.memory_space<vmem>>, vector<16xf32>,
          %parallel_loop3A_343 = vector.shape_cast %parallel_loop3A_342 : vector<16xf32> to vector<16xf32>
          %parallel_loop3A_344 = vector.shape_cast %parallel_loop3A_338 : vector<16xf32> to vector<16xf32>
          tpu.vector_store %arg7[%parallel_loop3A_341], %parallel_loop3A_344 {add = true, strides = array<i32>} : memref<100000xf32, #tpu.memory_space<vmem>>, vector<16xf32>,
          %parallel_loop3A_345 = vector.extract_strided_slice %parallel_loop3A_116 {offsets = [6], sizes = [1], strides = [1]} : vector<16xf32> to vector<1xf32>
          %parallel_loop3A_346 = vector.extract %parallel_loop3A_345[0] : f32 from vector<1xf32>
          %parallel_loop3A_347 = vector.extract_strided_slice %parallel_loop3A_103 {offsets = [6], sizes = [1], strides = [1]} : vector<16xi32> to vector<1xi32>
          %parallel_loop3A_348 = vector.extract %parallel_loop3A_347[0] : i32 from vector<1xi32>
          %parallel_loop3A_349 = arith.constant 32 : i32
          %parallel_loop3A_350 = arith.muli %parallel_loop3A_348, %parallel_loop3A_349 : i32
          %parallel_loop3A_351 = arith.constant 16 : i32
          %parallel_loop3A_352 = arith.muli %parallel_loop3A_351, %parallel_loop3A_88 : i32
          %parallel_loop3A_353 = arith.constant 6 : i32
          %parallel_loop3A_354 = arith.addi %parallel_loop3A_352, %parallel_loop3A_353 : i32
          %parallel_loop3A_355 = arith.index_cast %parallel_loop3A_354 : i32 to index
          %parallel_loop3A_356 = arith.constant 0 : index
          %parallel_loop3A_357 = tpu.vector_load %arg8[%parallel_loop3A_355, %parallel_loop3A_356] {strides = array<i32>} : memref<128x32xf32, #tpu.memory_space<vmem>>, vector<1x16xf32>,
          %parallel_loop3A_358 = vector.shape_cast %parallel_loop3A_357 : vector<1x16xf32> to vector<16xf32>
          %parallel_loop3A_359 = vector.broadcast %parallel_loop3A_346 : f32 to vector<16xf32>
          %parallel_loop3A_360 = arith.mulf %parallel_loop3A_358, %parallel_loop3A_359 : vector<16xf32>
          %parallel_loop3A_361 = arith.constant 0 : i32
          %parallel_loop3A_362 = arith.addi %parallel_loop3A_350, %parallel_loop3A_361 : i32
          %parallel_loop3A_363 = arith.index_cast %parallel_loop3A_362 : i32 to index
          %parallel_loop3A_364 = tpu.vector_load %arg7[%parallel_loop3A_363] {strides = array<i32>} : memref<100000xf32, #tpu.memory_space<vmem>>, vector<16xf32>,
          %parallel_loop3A_365 = vector.shape_cast %parallel_loop3A_364 : vector<16xf32> to vector<16xf32>
          %parallel_loop3A_366 = vector.shape_cast %parallel_loop3A_360 : vector<16xf32> to vector<16xf32>
          tpu.vector_store %arg7[%parallel_loop3A_363], %parallel_loop3A_366 {add = true, strides = array<i32>} : memref<100000xf32, #tpu.memory_space<vmem>>, vector<16xf32>,
          %parallel_loop3A_367 = arith.constant 16 : i32
          %parallel_loop3A_368 = arith.muli %parallel_loop3A_367, %parallel_loop3A_88 : i32
          %parallel_loop3A_369 = arith.constant 6 : i32
          %parallel_loop3A_370 = arith.addi %parallel_loop3A_368, %parallel_loop3A_369 : i32
          %parallel_loop3A_371 = arith.index_cast %parallel_loop3A_370 : i32 to index
          %parallel_loop3A_372 = arith.constant 16 : index
          %parallel_loop3A_373 = tpu.vector_load %arg8[%parallel_loop3A_371, %parallel_loop3A_372] {strides = array<i32>} : memref<128x32xf32, #tpu.memory_space<vmem>>, vector<1x16xf32>,
          %parallel_loop3A_374 = vector.shape_cast %parallel_loop3A_373 : vector<1x16xf32> to vector<16xf32>
          %parallel_loop3A_375 = vector.broadcast %parallel_loop3A_346 : f32 to vector<16xf32>
          %parallel_loop3A_376 = arith.mulf %parallel_loop3A_374, %parallel_loop3A_375 : vector<16xf32>
          %parallel_loop3A_377 = arith.constant 16 : i32
          %parallel_loop3A_378 = arith.addi %parallel_loop3A_350, %parallel_loop3A_377 : i32
          %parallel_loop3A_379 = arith.index_cast %parallel_loop3A_378 : i32 to index
          %parallel_loop3A_380 = tpu.vector_load %arg7[%parallel_loop3A_379] {strides = array<i32>} : memref<100000xf32, #tpu.memory_space<vmem>>, vector<16xf32>,
          %parallel_loop3A_381 = vector.shape_cast %parallel_loop3A_380 : vector<16xf32> to vector<16xf32>
          %parallel_loop3A_382 = vector.shape_cast %parallel_loop3A_376 : vector<16xf32> to vector<16xf32>
          tpu.vector_store %arg7[%parallel_loop3A_379], %parallel_loop3A_382 {add = true, strides = array<i32>} : memref<100000xf32, #tpu.memory_space<vmem>>, vector<16xf32>,
          %parallel_loop3A_383 = vector.extract_strided_slice %parallel_loop3A_116 {offsets = [7], sizes = [1], strides = [1]} : vector<16xf32> to vector<1xf32>
          %parallel_loop3A_384 = vector.extract %parallel_loop3A_383[0] : f32 from vector<1xf32>
          %parallel_loop3A_385 = vector.extract_strided_slice %parallel_loop3A_103 {offsets = [7], sizes = [1], strides = [1]} : vector<16xi32> to vector<1xi32>
          %parallel_loop3A_386 = vector.extract %parallel_loop3A_385[0] : i32 from vector<1xi32>
          %parallel_loop3A_387 = arith.constant 32 : i32
          %parallel_loop3A_388 = arith.muli %parallel_loop3A_386, %parallel_loop3A_387 : i32
          %parallel_loop3A_389 = arith.constant 16 : i32
          %parallel_loop3A_390 = arith.muli %parallel_loop3A_389, %parallel_loop3A_88 : i32
          %parallel_loop3A_391 = arith.constant 7 : i32
          %parallel_loop3A_392 = arith.addi %parallel_loop3A_390, %parallel_loop3A_391 : i32
          %parallel_loop3A_393 = arith.index_cast %parallel_loop3A_392 : i32 to index
          %parallel_loop3A_394 = arith.constant 0 : index
          %parallel_loop3A_395 = tpu.vector_load %arg8[%parallel_loop3A_393, %parallel_loop3A_394] {strides = array<i32>} : memref<128x32xf32, #tpu.memory_space<vmem>>, vector<1x16xf32>,
          %parallel_loop3A_396 = vector.shape_cast %parallel_loop3A_395 : vector<1x16xf32> to vector<16xf32>
          %parallel_loop3A_397 = vector.broadcast %parallel_loop3A_384 : f32 to vector<16xf32>
          %parallel_loop3A_398 = arith.mulf %parallel_loop3A_396, %parallel_loop3A_397 : vector<16xf32>
          %parallel_loop3A_399 = arith.constant 0 : i32
          %parallel_loop3A_400 = arith.addi %parallel_loop3A_388, %parallel_loop3A_399 : i32
          %parallel_loop3A_401 = arith.index_cast %parallel_loop3A_400 : i32 to index
          %parallel_loop3A_402 = tpu.vector_load %arg7[%parallel_loop3A_401] {strides = array<i32>} : memref<100000xf32, #tpu.memory_space<vmem>>, vector<16xf32>,
          %parallel_loop3A_403 = vector.shape_cast %parallel_loop3A_402 : vector<16xf32> to vector<16xf32>
          %parallel_loop3A_404 = vector.shape_cast %parallel_loop3A_398 : vector<16xf32> to vector<16xf32>
          tpu.vector_store %arg7[%parallel_loop3A_401], %parallel_loop3A_404 {add = true, strides = array<i32>} : memref<100000xf32, #tpu.memory_space<vmem>>, vector<16xf32>,
          %parallel_loop3A_405 = arith.constant 16 : i32
          %parallel_loop3A_406 = arith.muli %parallel_loop3A_405, %parallel_loop3A_88 : i32
          %parallel_loop3A_407 = arith.constant 7 : i32
          %parallel_loop3A_408 = arith.addi %parallel_loop3A_406, %parallel_loop3A_407 : i32
          %parallel_loop3A_409 = arith.index_cast %parallel_loop3A_408 : i32 to index
          %parallel_loop3A_410 = arith.constant 16 : index
          %parallel_loop3A_411 = tpu.vector_load %arg8[%parallel_loop3A_409, %parallel_loop3A_410] {strides = array<i32>} : memref<128x32xf32, #tpu.memory_space<vmem>>, vector<1x16xf32>,
          %parallel_loop3A_412 = vector.shape_cast %parallel_loop3A_411 : vector<1x16xf32> to vector<16xf32>
          %parallel_loop3A_413 = vector.broadcast %parallel_loop3A_384 : f32 to vector<16xf32>
          %parallel_loop3A_414 = arith.mulf %parallel_loop3A_412, %parallel_loop3A_413 : vector<16xf32>
          %parallel_loop3A_415 = arith.constant 16 : i32
          %parallel_loop3A_416 = arith.addi %parallel_loop3A_388, %parallel_loop3A_415 : i32
          %parallel_loop3A_417 = arith.index_cast %parallel_loop3A_416 : i32 to index
          %parallel_loop3A_418 = tpu.vector_load %arg7[%parallel_loop3A_417] {strides = array<i32>} : memref<100000xf32, #tpu.memory_space<vmem>>, vector<16xf32>,
          %parallel_loop3A_419 = vector.shape_cast %parallel_loop3A_418 : vector<16xf32> to vector<16xf32>
          %parallel_loop3A_420 = vector.shape_cast %parallel_loop3A_414 : vector<16xf32> to vector<16xf32>
          tpu.vector_store %arg7[%parallel_loop3A_417], %parallel_loop3A_420 {add = true, strides = array<i32>} : memref<100000xf32, #tpu.memory_space<vmem>>, vector<16xf32>,
          %parallel_loop3A_421 = vector.extract_strided_slice %parallel_loop3A_116 {offsets = [8], sizes = [1], strides = [1]} : vector<16xf32> to vector<1xf32>
          %parallel_loop3A_422 = vector.extract %parallel_loop3A_421[0] : f32 from vector<1xf32>
          %parallel_loop3A_423 = vector.extract_strided_slice %parallel_loop3A_103 {offsets = [8], sizes = [1], strides = [1]} : vector<16xi32> to vector<1xi32>
          %parallel_loop3A_424 = vector.extract %parallel_loop3A_423[0] : i32 from vector<1xi32>
          %parallel_loop3A_425 = arith.constant 32 : i32
          %parallel_loop3A_426 = arith.muli %parallel_loop3A_424, %parallel_loop3A_425 : i32
          %parallel_loop3A_427 = arith.constant 16 : i32
          %parallel_loop3A_428 = arith.muli %parallel_loop3A_427, %parallel_loop3A_88 : i32
          %parallel_loop3A_429 = arith.constant 8 : i32
          %parallel_loop3A_430 = arith.addi %parallel_loop3A_428, %parallel_loop3A_429 : i32
          %parallel_loop3A_431 = arith.index_cast %parallel_loop3A_430 : i32 to index
          %parallel_loop3A_432 = arith.constant 0 : index
          %parallel_loop3A_433 = tpu.vector_load %arg8[%parallel_loop3A_431, %parallel_loop3A_432] {strides = array<i32>} : memref<128x32xf32, #tpu.memory_space<vmem>>, vector<1x16xf32>,
          %parallel_loop3A_434 = vector.shape_cast %parallel_loop3A_433 : vector<1x16xf32> to vector<16xf32>
          %parallel_loop3A_435 = vector.broadcast %parallel_loop3A_422 : f32 to vector<16xf32>
          %parallel_loop3A_436 = arith.mulf %parallel_loop3A_434, %parallel_loop3A_435 : vector<16xf32>
          %parallel_loop3A_437 = arith.constant 0 : i32
          %parallel_loop3A_438 = arith.addi %parallel_loop3A_426, %parallel_loop3A_437 : i32
          %parallel_loop3A_439 = arith.index_cast %parallel_loop3A_438 : i32 to index
          %parallel_loop3A_440 = tpu.vector_load %arg7[%parallel_loop3A_439] {strides = array<i32>} : memref<100000xf32, #tpu.memory_space<vmem>>, vector<16xf32>,
          %parallel_loop3A_441 = vector.shape_cast %parallel_loop3A_440 : vector<16xf32> to vector<16xf32>
          %parallel_loop3A_442 = vector.shape_cast %parallel_loop3A_436 : vector<16xf32> to vector<16xf32>
          tpu.vector_store %arg7[%parallel_loop3A_439], %parallel_loop3A_442 {add = true, strides = array<i32>} : memref<100000xf32, #tpu.memory_space<vmem>>, vector<16xf32>,
          %parallel_loop3A_443 = arith.constant 16 : i32
          %parallel_loop3A_444 = arith.muli %parallel_loop3A_443, %parallel_loop3A_88 : i32
          %parallel_loop3A_445 = arith.constant 8 : i32
          %parallel_loop3A_446 = arith.addi %parallel_loop3A_444, %parallel_loop3A_445 : i32
          %parallel_loop3A_447 = arith.index_cast %parallel_loop3A_446 : i32 to index
          %parallel_loop3A_448 = arith.constant 16 : index
          %parallel_loop3A_449 = tpu.vector_load %arg8[%parallel_loop3A_447, %parallel_loop3A_448] {strides = array<i32>} : memref<128x32xf32, #tpu.memory_space<vmem>>, vector<1x16xf32>,
          %parallel_loop3A_450 = vector.shape_cast %parallel_loop3A_449 : vector<1x16xf32> to vector<16xf32>
          %parallel_loop3A_451 = vector.broadcast %parallel_loop3A_422 : f32 to vector<16xf32>
          %parallel_loop3A_452 = arith.mulf %parallel_loop3A_450, %parallel_loop3A_451 : vector<16xf32>
          %parallel_loop3A_453 = arith.constant 16 : i32
          %parallel_loop3A_454 = arith.addi %parallel_loop3A_426, %parallel_loop3A_453 : i32
          %parallel_loop3A_455 = arith.index_cast %parallel_loop3A_454 : i32 to index
          %parallel_loop3A_456 = tpu.vector_load %arg7[%parallel_loop3A_455] {strides = array<i32>} : memref<100000xf32, #tpu.memory_space<vmem>>, vector<16xf32>,
          %parallel_loop3A_457 = vector.shape_cast %parallel_loop3A_456 : vector<16xf32> to vector<16xf32>
          %parallel_loop3A_458 = vector.shape_cast %parallel_loop3A_452 : vector<16xf32> to vector<16xf32>
          tpu.vector_store %arg7[%parallel_loop3A_455], %parallel_loop3A_458 {add = true, strides = array<i32>} : memref<100000xf32, #tpu.memory_space<vmem>>, vector<16xf32>,
          %parallel_loop3A_459 = vector.extract_strided_slice %parallel_loop3A_116 {offsets = [9], sizes = [1], strides = [1]} : vector<16xf32> to vector<1xf32>
          %parallel_loop3A_460 = vector.extract %parallel_loop3A_459[0] : f32 from vector<1xf32>
          %parallel_loop3A_461 = vector.extract_strided_slice %parallel_loop3A_103 {offsets = [9], sizes = [1], strides = [1]} : vector<16xi32> to vector<1xi32>
          %parallel_loop3A_462 = vector.extract %parallel_loop3A_461[0] : i32 from vector<1xi32>
          %parallel_loop3A_463 = arith.constant 32 : i32
          %parallel_loop3A_464 = arith.muli %parallel_loop3A_462, %parallel_loop3A_463 : i32
          %parallel_loop3A_465 = arith.constant 16 : i32
          %parallel_loop3A_466 = arith.muli %parallel_loop3A_465, %parallel_loop3A_88 : i32
          %parallel_loop3A_467 = arith.constant 9 : i32
          %parallel_loop3A_468 = arith.addi %parallel_loop3A_466, %parallel_loop3A_467 : i32
          %parallel_loop3A_469 = arith.index_cast %parallel_loop3A_468 : i32 to index
          %parallel_loop3A_470 = arith.constant 0 : index
          %parallel_loop3A_471 = tpu.vector_load %arg8[%parallel_loop3A_469, %parallel_loop3A_470] {strides = array<i32>} : memref<128x32xf32, #tpu.memory_space<vmem>>, vector<1x16xf32>,
          %parallel_loop3A_472 = vector.shape_cast %parallel_loop3A_471 : vector<1x16xf32> to vector<16xf32>
          %parallel_loop3A_473 = vector.broadcast %parallel_loop3A_460 : f32 to vector<16xf32>
          %parallel_loop3A_474 = arith.mulf %parallel_loop3A_472, %parallel_loop3A_473 : vector<16xf32>
          %parallel_loop3A_475 = arith.constant 0 : i32
          %parallel_loop3A_476 = arith.addi %parallel_loop3A_464, %parallel_loop3A_475 : i32
          %parallel_loop3A_477 = arith.index_cast %parallel_loop3A_476 : i32 to index
          %parallel_loop3A_478 = tpu.vector_load %arg7[%parallel_loop3A_477] {strides = array<i32>} : memref<100000xf32, #tpu.memory_space<vmem>>, vector<16xf32>,
          %parallel_loop3A_479 = vector.shape_cast %parallel_loop3A_478 : vector<16xf32> to vector<16xf32>
          %parallel_loop3A_480 = vector.shape_cast %parallel_loop3A_474 : vector<16xf32> to vector<16xf32>
          tpu.vector_store %arg7[%parallel_loop3A_477], %parallel_loop3A_480 {add = true, strides = array<i32>} : memref<100000xf32, #tpu.memory_space<vmem>>, vector<16xf32>,
          %parallel_loop3A_481 = arith.constant 16 : i32
          %parallel_loop3A_482 = arith.muli %parallel_loop3A_481, %parallel_loop3A_88 : i32
          %parallel_loop3A_483 = arith.constant 9 : i32
          %parallel_loop3A_484 = arith.addi %parallel_loop3A_482, %parallel_loop3A_483 : i32
          %parallel_loop3A_485 = arith.index_cast %parallel_loop3A_484 : i32 to index
          %parallel_loop3A_486 = arith.constant 16 : index
          %parallel_loop3A_487 = tpu.vector_load %arg8[%parallel_loop3A_485, %parallel_loop3A_486] {strides = array<i32>} : memref<128x32xf32, #tpu.memory_space<vmem>>, vector<1x16xf32>,
          %parallel_loop3A_488 = vector.shape_cast %parallel_loop3A_487 : vector<1x16xf32> to vector<16xf32>
          %parallel_loop3A_489 = vector.broadcast %parallel_loop3A_460 : f32 to vector<16xf32>
          %parallel_loop3A_490 = arith.mulf %parallel_loop3A_488, %parallel_loop3A_489 : vector<16xf32>
          %parallel_loop3A_491 = arith.constant 16 : i32
          %parallel_loop3A_492 = arith.addi %parallel_loop3A_464, %parallel_loop3A_491 : i32
          %parallel_loop3A_493 = arith.index_cast %parallel_loop3A_492 : i32 to index
          %parallel_loop3A_494 = tpu.vector_load %arg7[%parallel_loop3A_493] {strides = array<i32>} : memref<100000xf32, #tpu.memory_space<vmem>>, vector<16xf32>,
          %parallel_loop3A_495 = vector.shape_cast %parallel_loop3A_494 : vector<16xf32> to vector<16xf32>
          %parallel_loop3A_496 = vector.shape_cast %parallel_loop3A_490 : vector<16xf32> to vector<16xf32>
          tpu.vector_store %arg7[%parallel_loop3A_493], %parallel_loop3A_496 {add = true, strides = array<i32>} : memref<100000xf32, #tpu.memory_space<vmem>>, vector<16xf32>,
          %parallel_loop3A_497 = vector.extract_strided_slice %parallel_loop3A_116 {offsets = [10], sizes = [1], strides = [1]} : vector<16xf32> to vector<1xf32>
          %parallel_loop3A_498 = vector.extract %parallel_loop3A_497[0] : f32 from vector<1xf32>
          %parallel_loop3A_499 = vector.extract_strided_slice %parallel_loop3A_103 {offsets = [10], sizes = [1], strides = [1]} : vector<16xi32> to vector<1xi32>
          %parallel_loop3A_500 = vector.extract %parallel_loop3A_499[0] : i32 from vector<1xi32>
          %parallel_loop3A_501 = arith.constant 32 : i32
          %parallel_loop3A_502 = arith.muli %parallel_loop3A_500, %parallel_loop3A_501 : i32
          %parallel_loop3A_503 = arith.constant 16 : i32
          %parallel_loop3A_504 = arith.muli %parallel_loop3A_503, %parallel_loop3A_88 : i32
          %parallel_loop3A_505 = arith.constant 10 : i32
          %parallel_loop3A_506 = arith.addi %parallel_loop3A_504, %parallel_loop3A_505 : i32
          %parallel_loop3A_507 = arith.index_cast %parallel_loop3A_506 : i32 to index
          %parallel_loop3A_508 = arith.constant 0 : index
          %parallel_loop3A_509 = tpu.vector_load %arg8[%parallel_loop3A_507, %parallel_loop3A_508] {strides = array<i32>} : memref<128x32xf32, #tpu.memory_space<vmem>>, vector<1x16xf32>,
          %parallel_loop3A_510 = vector.shape_cast %parallel_loop3A_509 : vector<1x16xf32> to vector<16xf32>
          %parallel_loop3A_511 = vector.broadcast %parallel_loop3A_498 : f32 to vector<16xf32>
          %parallel_loop3A_512 = arith.mulf %parallel_loop3A_510, %parallel_loop3A_511 : vector<16xf32>
          %parallel_loop3A_513 = arith.constant 0 : i32
          %parallel_loop3A_514 = arith.addi %parallel_loop3A_502, %parallel_loop3A_513 : i32
          %parallel_loop3A_515 = arith.index_cast %parallel_loop3A_514 : i32 to index
          %parallel_loop3A_516 = tpu.vector_load %arg7[%parallel_loop3A_515] {strides = array<i32>} : memref<100000xf32, #tpu.memory_space<vmem>>, vector<16xf32>,
          %parallel_loop3A_517 = vector.shape_cast %parallel_loop3A_516 : vector<16xf32> to vector<16xf32>
          %parallel_loop3A_518 = vector.shape_cast %parallel_loop3A_512 : vector<16xf32> to vector<16xf32>
          tpu.vector_store %arg7[%parallel_loop3A_515], %parallel_loop3A_518 {add = true, strides = array<i32>} : memref<100000xf32, #tpu.memory_space<vmem>>, vector<16xf32>,
          %parallel_loop3A_519 = arith.constant 16 : i32
          %parallel_loop3A_520 = arith.muli %parallel_loop3A_519, %parallel_loop3A_88 : i32
          %parallel_loop3A_521 = arith.constant 10 : i32
          %parallel_loop3A_522 = arith.addi %parallel_loop3A_520, %parallel_loop3A_521 : i32
          %parallel_loop3A_523 = arith.index_cast %parallel_loop3A_522 : i32 to index
          %parallel_loop3A_524 = arith.constant 16 : index
          %parallel_loop3A_525 = tpu.vector_load %arg8[%parallel_loop3A_523, %parallel_loop3A_524] {strides = array<i32>} : memref<128x32xf32, #tpu.memory_space<vmem>>, vector<1x16xf32>,
          %parallel_loop3A_526 = vector.shape_cast %parallel_loop3A_525 : vector<1x16xf32> to vector<16xf32>
          %parallel_loop3A_527 = vector.broadcast %parallel_loop3A_498 : f32 to vector<16xf32>
          %parallel_loop3A_528 = arith.mulf %parallel_loop3A_526, %parallel_loop3A_527 : vector<16xf32>
          %parallel_loop3A_529 = arith.constant 16 : i32
          %parallel_loop3A_530 = arith.addi %parallel_loop3A_502, %parallel_loop3A_529 : i32
          %parallel_loop3A_531 = arith.index_cast %parallel_loop3A_530 : i32 to index
          %parallel_loop3A_532 = tpu.vector_load %arg7[%parallel_loop3A_531] {strides = array<i32>} : memref<100000xf32, #tpu.memory_space<vmem>>, vector<16xf32>,
          %parallel_loop3A_533 = vector.shape_cast %parallel_loop3A_532 : vector<16xf32> to vector<16xf32>
          %parallel_loop3A_534 = vector.shape_cast %parallel_loop3A_528 : vector<16xf32> to vector<16xf32>
          tpu.vector_store %arg7[%parallel_loop3A_531], %parallel_loop3A_534 {add = true, strides = array<i32>} : memref<100000xf32, #tpu.memory_space<vmem>>, vector<16xf32>,
          %parallel_loop3A_535 = vector.extract_strided_slice %parallel_loop3A_116 {offsets = [11], sizes = [1], strides = [1]} : vector<16xf32> to vector<1xf32>
          %parallel_loop3A_536 = vector.extract %parallel_loop3A_535[0] : f32 from vector<1xf32>
          %parallel_loop3A_537 = vector.extract_strided_slice %parallel_loop3A_103 {offsets = [11], sizes = [1], strides = [1]} : vector<16xi32> to vector<1xi32>
          %parallel_loop3A_538 = vector.extract %parallel_loop3A_537[0] : i32 from vector<1xi32>
          %parallel_loop3A_539 = arith.constant 32 : i32
          %parallel_loop3A_540 = arith.muli %parallel_loop3A_538, %parallel_loop3A_539 : i32
          %parallel_loop3A_541 = arith.constant 16 : i32
          %parallel_loop3A_542 = arith.muli %parallel_loop3A_541, %parallel_loop3A_88 : i32
          %parallel_loop3A_543 = arith.constant 11 : i32
          %parallel_loop3A_544 = arith.addi %parallel_loop3A_542, %parallel_loop3A_543 : i32
          %parallel_loop3A_545 = arith.index_cast %parallel_loop3A_544 : i32 to index
          %parallel_loop3A_546 = arith.constant 0 : index
          %parallel_loop3A_547 = tpu.vector_load %arg8[%parallel_loop3A_545, %parallel_loop3A_546] {strides = array<i32>} : memref<128x32xf32, #tpu.memory_space<vmem>>, vector<1x16xf32>,
          %parallel_loop3A_548 = vector.shape_cast %parallel_loop3A_547 : vector<1x16xf32> to vector<16xf32>
          %parallel_loop3A_549 = vector.broadcast %parallel_loop3A_536 : f32 to vector<16xf32>
          %parallel_loop3A_550 = arith.mulf %parallel_loop3A_548, %parallel_loop3A_549 : vector<16xf32>
          %parallel_loop3A_551 = arith.constant 0 : i32
          %parallel_loop3A_552 = arith.addi %parallel_loop3A_540, %parallel_loop3A_551 : i32
          %parallel_loop3A_553 = arith.index_cast %parallel_loop3A_552 : i32 to index
          %parallel_loop3A_554 = tpu.vector_load %arg7[%parallel_loop3A_553] {strides = array<i32>} : memref<100000xf32, #tpu.memory_space<vmem>>, vector<16xf32>,
          %parallel_loop3A_555 = vector.shape_cast %parallel_loop3A_554 : vector<16xf32> to vector<16xf32>
          %parallel_loop3A_556 = vector.shape_cast %parallel_loop3A_550 : vector<16xf32> to vector<16xf32>
          tpu.vector_store %arg7[%parallel_loop3A_553], %parallel_loop3A_556 {add = true, strides = array<i32>} : memref<100000xf32, #tpu.memory_space<vmem>>, vector<16xf32>,
          %parallel_loop3A_557 = arith.constant 16 : i32
          %parallel_loop3A_558 = arith.muli %parallel_loop3A_557, %parallel_loop3A_88 : i32
          %parallel_loop3A_559 = arith.constant 11 : i32
          %parallel_loop3A_560 = arith.addi %parallel_loop3A_558, %parallel_loop3A_559 : i32
          %parallel_loop3A_561 = arith.index_cast %parallel_loop3A_560 : i32 to index
          %parallel_loop3A_562 = arith.constant 16 : index
          %parallel_loop3A_563 = tpu.vector_load %arg8[%parallel_loop3A_561, %parallel_loop3A_562] {strides = array<i32>} : memref<128x32xf32, #tpu.memory_space<vmem>>, vector<1x16xf32>,
          %parallel_loop3A_564 = vector.shape_cast %parallel_loop3A_563 : vector<1x16xf32> to vector<16xf32>
          %parallel_loop3A_565 = vector.broadcast %parallel_loop3A_536 : f32 to vector<16xf32>
          %parallel_loop3A_566 = arith.mulf %parallel_loop3A_564, %parallel_loop3A_565 : vector<16xf32>
          %parallel_loop3A_567 = arith.constant 16 : i32
          %parallel_loop3A_568 = arith.addi %parallel_loop3A_540, %parallel_loop3A_567 : i32
          %parallel_loop3A_569 = arith.index_cast %parallel_loop3A_568 : i32 to index
          %parallel_loop3A_570 = tpu.vector_load %arg7[%parallel_loop3A_569] {strides = array<i32>} : memref<100000xf32, #tpu.memory_space<vmem>>, vector<16xf32>,
          %parallel_loop3A_571 = vector.shape_cast %parallel_loop3A_570 : vector<16xf32> to vector<16xf32>
          %parallel_loop3A_572 = vector.shape_cast %parallel_loop3A_566 : vector<16xf32> to vector<16xf32>
          tpu.vector_store %arg7[%parallel_loop3A_569], %parallel_loop3A_572 {add = true, strides = array<i32>} : memref<100000xf32, #tpu.memory_space<vmem>>, vector<16xf32>,
          %parallel_loop3A_573 = vector.extract_strided_slice %parallel_loop3A_116 {offsets = [12], sizes = [1], strides = [1]} : vector<16xf32> to vector<1xf32>
          %parallel_loop3A_574 = vector.extract %parallel_loop3A_573[0] : f32 from vector<1xf32>
          %parallel_loop3A_575 = vector.extract_strided_slice %parallel_loop3A_103 {offsets = [12], sizes = [1], strides = [1]} : vector<16xi32> to vector<1xi32>
          %parallel_loop3A_576 = vector.extract %parallel_loop3A_575[0] : i32 from vector<1xi32>
          %parallel_loop3A_577 = arith.constant 32 : i32
          %parallel_loop3A_578 = arith.muli %parallel_loop3A_576, %parallel_loop3A_577 : i32
          %parallel_loop3A_579 = arith.constant 16 : i32
          %parallel_loop3A_580 = arith.muli %parallel_loop3A_579, %parallel_loop3A_88 : i32
          %parallel_loop3A_581 = arith.constant 12 : i32
          %parallel_loop3A_582 = arith.addi %parallel_loop3A_580, %parallel_loop3A_581 : i32
          %parallel_loop3A_583 = arith.index_cast %parallel_loop3A_582 : i32 to index
          %parallel_loop3A_584 = arith.constant 0 : index
          %parallel_loop3A_585 = tpu.vector_load %arg8[%parallel_loop3A_583, %parallel_loop3A_584] {strides = array<i32>} : memref<128x32xf32, #tpu.memory_space<vmem>>, vector<1x16xf32>,
          %parallel_loop3A_586 = vector.shape_cast %parallel_loop3A_585 : vector<1x16xf32> to vector<16xf32>
          %parallel_loop3A_587 = vector.broadcast %parallel_loop3A_574 : f32 to vector<16xf32>
          %parallel_loop3A_588 = arith.mulf %parallel_loop3A_586, %parallel_loop3A_587 : vector<16xf32>
          %parallel_loop3A_589 = arith.constant 0 : i32
          %parallel_loop3A_590 = arith.addi %parallel_loop3A_578, %parallel_loop3A_589 : i32
          %parallel_loop3A_591 = arith.index_cast %parallel_loop3A_590 : i32 to index
          %parallel_loop3A_592 = tpu.vector_load %arg7[%parallel_loop3A_591] {strides = array<i32>} : memref<100000xf32, #tpu.memory_space<vmem>>, vector<16xf32>,
          %parallel_loop3A_593 = vector.shape_cast %parallel_loop3A_592 : vector<16xf32> to vector<16xf32>
          %parallel_loop3A_594 = vector.shape_cast %parallel_loop3A_588 : vector<16xf32> to vector<16xf32>
          tpu.vector_store %arg7[%parallel_loop3A_591], %parallel_loop3A_594 {add = true, strides = array<i32>} : memref<100000xf32, #tpu.memory_space<vmem>>, vector<16xf32>,
          %parallel_loop3A_595 = arith.constant 16 : i32
          %parallel_loop3A_596 = arith.muli %parallel_loop3A_595, %parallel_loop3A_88 : i32
          %parallel_loop3A_597 = arith.constant 12 : i32
          %parallel_loop3A_598 = arith.addi %parallel_loop3A_596, %parallel_loop3A_597 : i32
          %parallel_loop3A_599 = arith.index_cast %parallel_loop3A_598 : i32 to index
          %parallel_loop3A_600 = arith.constant 16 : index
          %parallel_loop3A_601 = tpu.vector_load %arg8[%parallel_loop3A_599, %parallel_loop3A_600] {strides = array<i32>} : memref<128x32xf32, #tpu.memory_space<vmem>>, vector<1x16xf32>,
          %parallel_loop3A_602 = vector.shape_cast %parallel_loop3A_601 : vector<1x16xf32> to vector<16xf32>
          %parallel_loop3A_603 = vector.broadcast %parallel_loop3A_574 : f32 to vector<16xf32>
          %parallel_loop3A_604 = arith.mulf %parallel_loop3A_602, %parallel_loop3A_603 : vector<16xf32>
          %parallel_loop3A_605 = arith.constant 16 : i32
          %parallel_loop3A_606 = arith.addi %parallel_loop3A_578, %parallel_loop3A_605 : i32
          %parallel_loop3A_607 = arith.index_cast %parallel_loop3A_606 : i32 to index
          %parallel_loop3A_608 = tpu.vector_load %arg7[%parallel_loop3A_607] {strides = array<i32>} : memref<100000xf32, #tpu.memory_space<vmem>>, vector<16xf32>,
          %parallel_loop3A_609 = vector.shape_cast %parallel_loop3A_608 : vector<16xf32> to vector<16xf32>
          %parallel_loop3A_610 = vector.shape_cast %parallel_loop3A_604 : vector<16xf32> to vector<16xf32>
          tpu.vector_store %arg7[%parallel_loop3A_607], %parallel_loop3A_610 {add = true, strides = array<i32>} : memref<100000xf32, #tpu.memory_space<vmem>>, vector<16xf32>,
          %parallel_loop3A_611 = vector.extract_strided_slice %parallel_loop3A_116 {offsets = [13], sizes = [1], strides = [1]} : vector<16xf32> to vector<1xf32>
          %parallel_loop3A_612 = vector.extract %parallel_loop3A_611[0] : f32 from vector<1xf32>
          %parallel_loop3A_613 = vector.extract_strided_slice %parallel_loop3A_103 {offsets = [13], sizes = [1], strides = [1]} : vector<16xi32> to vector<1xi32>
          %parallel_loop3A_614 = vector.extract %parallel_loop3A_613[0] : i32 from vector<1xi32>
          %parallel_loop3A_615 = arith.constant 32 : i32
          %parallel_loop3A_616 = arith.muli %parallel_loop3A_614, %parallel_loop3A_615 : i32
          %parallel_loop3A_617 = arith.constant 16 : i32
          %parallel_loop3A_618 = arith.muli %parallel_loop3A_617, %parallel_loop3A_88 : i32
          %parallel_loop3A_619 = arith.constant 13 : i32
          %parallel_loop3A_620 = arith.addi %parallel_loop3A_618, %parallel_loop3A_619 : i32
          %parallel_loop3A_621 = arith.index_cast %parallel_loop3A_620 : i32 to index
          %parallel_loop3A_622 = arith.constant 0 : index
          %parallel_loop3A_623 = tpu.vector_load %arg8[%parallel_loop3A_621, %parallel_loop3A_622] {strides = array<i32>} : memref<128x32xf32, #tpu.memory_space<vmem>>, vector<1x16xf32>,
          %parallel_loop3A_624 = vector.shape_cast %parallel_loop3A_623 : vector<1x16xf32> to vector<16xf32>
          %parallel_loop3A_625 = vector.broadcast %parallel_loop3A_612 : f32 to vector<16xf32>
          %parallel_loop3A_626 = arith.mulf %parallel_loop3A_624, %parallel_loop3A_625 : vector<16xf32>
          %parallel_loop3A_627 = arith.constant 0 : i32
          %parallel_loop3A_628 = arith.addi %parallel_loop3A_616, %parallel_loop3A_627 : i32
          %parallel_loop3A_629 = arith.index_cast %parallel_loop3A_628 : i32 to index
          %parallel_loop3A_630 = tpu.vector_load %arg7[%parallel_loop3A_629] {strides = array<i32>} : memref<100000xf32, #tpu.memory_space<vmem>>, vector<16xf32>,
          %parallel_loop3A_631 = vector.shape_cast %parallel_loop3A_630 : vector<16xf32> to vector<16xf32>
          %parallel_loop3A_632 = vector.shape_cast %parallel_loop3A_626 : vector<16xf32> to vector<16xf32>
          tpu.vector_store %arg7[%parallel_loop3A_629], %parallel_loop3A_632 {add = true, strides = array<i32>} : memref<100000xf32, #tpu.memory_space<vmem>>, vector<16xf32>,
          %parallel_loop3A_633 = arith.constant 16 : i32
          %parallel_loop3A_634 = arith.muli %parallel_loop3A_633, %parallel_loop3A_88 : i32
          %parallel_loop3A_635 = arith.constant 13 : i32
          %parallel_loop3A_636 = arith.addi %parallel_loop3A_634, %parallel_loop3A_635 : i32
          %parallel_loop3A_637 = arith.index_cast %parallel_loop3A_636 : i32 to index
          %parallel_loop3A_638 = arith.constant 16 : index
          %parallel_loop3A_639 = tpu.vector_load %arg8[%parallel_loop3A_637, %parallel_loop3A_638] {strides = array<i32>} : memref<128x32xf32, #tpu.memory_space<vmem>>, vector<1x16xf32>,
          %parallel_loop3A_640 = vector.shape_cast %parallel_loop3A_639 : vector<1x16xf32> to vector<16xf32>
          %parallel_loop3A_641 = vector.broadcast %parallel_loop3A_612 : f32 to vector<16xf32>
          %parallel_loop3A_642 = arith.mulf %parallel_loop3A_640, %parallel_loop3A_641 : vector<16xf32>
          %parallel_loop3A_643 = arith.constant 16 : i32
          %parallel_loop3A_644 = arith.addi %parallel_loop3A_616, %parallel_loop3A_643 : i32
          %parallel_loop3A_645 = arith.index_cast %parallel_loop3A_644 : i32 to index
          %parallel_loop3A_646 = tpu.vector_load %arg7[%parallel_loop3A_645] {strides = array<i32>} : memref<100000xf32, #tpu.memory_space<vmem>>, vector<16xf32>,
          %parallel_loop3A_647 = vector.shape_cast %parallel_loop3A_646 : vector<16xf32> to vector<16xf32>
          %parallel_loop3A_648 = vector.shape_cast %parallel_loop3A_642 : vector<16xf32> to vector<16xf32>
          tpu.vector_store %arg7[%parallel_loop3A_645], %parallel_loop3A_648 {add = true, strides = array<i32>} : memref<100000xf32, #tpu.memory_space<vmem>>, vector<16xf32>,
          %parallel_loop3A_649 = vector.extract_strided_slice %parallel_loop3A_116 {offsets = [14], sizes = [1], strides = [1]} : vector<16xf32> to vector<1xf32>
          %parallel_loop3A_650 = vector.extract %parallel_loop3A_649[0] : f32 from vector<1xf32>
          %parallel_loop3A_651 = vector.extract_strided_slice %parallel_loop3A_103 {offsets = [14], sizes = [1], strides = [1]} : vector<16xi32> to vector<1xi32>
          %parallel_loop3A_652 = vector.extract %parallel_loop3A_651[0] : i32 from vector<1xi32>
          %parallel_loop3A_653 = arith.constant 32 : i32
          %parallel_loop3A_654 = arith.muli %parallel_loop3A_652, %parallel_loop3A_653 : i32
          %parallel_loop3A_655 = arith.constant 16 : i32
          %parallel_loop3A_656 = arith.muli %parallel_loop3A_655, %parallel_loop3A_88 : i32
          %parallel_loop3A_657 = arith.constant 14 : i32
          %parallel_loop3A_658 = arith.addi %parallel_loop3A_656, %parallel_loop3A_657 : i32
          %parallel_loop3A_659 = arith.index_cast %parallel_loop3A_658 : i32 to index
          %parallel_loop3A_660 = arith.constant 0 : index
          %parallel_loop3A_661 = tpu.vector_load %arg8[%parallel_loop3A_659, %parallel_loop3A_660] {strides = array<i32>} : memref<128x32xf32, #tpu.memory_space<vmem>>, vector<1x16xf32>,
          %parallel_loop3A_662 = vector.shape_cast %parallel_loop3A_661 : vector<1x16xf32> to vector<16xf32>
          %parallel_loop3A_663 = vector.broadcast %parallel_loop3A_650 : f32 to vector<16xf32>
          %parallel_loop3A_664 = arith.mulf %parallel_loop3A_662, %parallel_loop3A_663 : vector<16xf32>
          %parallel_loop3A_665 = arith.constant 0 : i32
          %parallel_loop3A_666 = arith.addi %parallel_loop3A_654, %parallel_loop3A_665 : i32
          %parallel_loop3A_667 = arith.index_cast %parallel_loop3A_666 : i32 to index
          %parallel_loop3A_668 = tpu.vector_load %arg7[%parallel_loop3A_667] {strides = array<i32>} : memref<100000xf32, #tpu.memory_space<vmem>>, vector<16xf32>,
          %parallel_loop3A_669 = vector.shape_cast %parallel_loop3A_668 : vector<16xf32> to vector<16xf32>
          %parallel_loop3A_670 = vector.shape_cast %parallel_loop3A_664 : vector<16xf32> to vector<16xf32>
          tpu.vector_store %arg7[%parallel_loop3A_667], %parallel_loop3A_670 {add = true, strides = array<i32>} : memref<100000xf32, #tpu.memory_space<vmem>>, vector<16xf32>,
          %parallel_loop3A_671 = arith.constant 16 : i32
          %parallel_loop3A_672 = arith.muli %parallel_loop3A_671, %parallel_loop3A_88 : i32
          %parallel_loop3A_673 = arith.constant 14 : i32
          %parallel_loop3A_674 = arith.addi %parallel_loop3A_672, %parallel_loop3A_673 : i32
          %parallel_loop3A_675 = arith.index_cast %parallel_loop3A_674 : i32 to index
          %parallel_loop3A_676 = arith.constant 16 : index
          %parallel_loop3A_677 = tpu.vector_load %arg8[%parallel_loop3A_675, %parallel_loop3A_676] {strides = array<i32>} : memref<128x32xf32, #tpu.memory_space<vmem>>, vector<1x16xf32>,
          %parallel_loop3A_678 = vector.shape_cast %parallel_loop3A_677 : vector<1x16xf32> to vector<16xf32>
          %parallel_loop3A_679 = vector.broadcast %parallel_loop3A_650 : f32 to vector<16xf32>
          %parallel_loop3A_680 = arith.mulf %parallel_loop3A_678, %parallel_loop3A_679 : vector<16xf32>
          %parallel_loop3A_681 = arith.constant 16 : i32
          %parallel_loop3A_682 = arith.addi %parallel_loop3A_654, %parallel_loop3A_681 : i32
          %parallel_loop3A_683 = arith.index_cast %parallel_loop3A_682 : i32 to index
          %parallel_loop3A_684 = tpu.vector_load %arg7[%parallel_loop3A_683] {strides = array<i32>} : memref<100000xf32, #tpu.memory_space<vmem>>, vector<16xf32>,
          %parallel_loop3A_685 = vector.shape_cast %parallel_loop3A_684 : vector<16xf32> to vector<16xf32>
          %parallel_loop3A_686 = vector.shape_cast %parallel_loop3A_680 : vector<16xf32> to vector<16xf32>
          tpu.vector_store %arg7[%parallel_loop3A_683], %parallel_loop3A_686 {add = true, strides = array<i32>} : memref<100000xf32, #tpu.memory_space<vmem>>, vector<16xf32>,
          %parallel_loop3A_687 = vector.extract_strided_slice %parallel_loop3A_116 {offsets = [15], sizes = [1], strides = [1]} : vector<16xf32> to vector<1xf32>
          %parallel_loop3A_688 = vector.extract %parallel_loop3A_687[0] : f32 from vector<1xf32>
          %parallel_loop3A_689 = vector.extract_strided_slice %parallel_loop3A_103 {offsets = [15], sizes = [1], strides = [1]} : vector<16xi32> to vector<1xi32>
          %parallel_loop3A_690 = vector.extract %parallel_loop3A_689[0] : i32 from vector<1xi32>
          %parallel_loop3A_691 = arith.constant 32 : i32
          %parallel_loop3A_692 = arith.muli %parallel_loop3A_690, %parallel_loop3A_691 : i32
          %parallel_loop3A_693 = arith.constant 16 : i32
          %parallel_loop3A_694 = arith.muli %parallel_loop3A_693, %parallel_loop3A_88 : i32
          %parallel_loop3A_695 = arith.constant 15 : i32
          %parallel_loop3A_696 = arith.addi %parallel_loop3A_694, %parallel_loop3A_695 : i32
          %parallel_loop3A_697 = arith.index_cast %parallel_loop3A_696 : i32 to index
          %parallel_loop3A_698 = arith.constant 0 : index
          %parallel_loop3A_699 = tpu.vector_load %arg8[%parallel_loop3A_697, %parallel_loop3A_698] {strides = array<i32>} : memref<128x32xf32, #tpu.memory_space<vmem>>, vector<1x16xf32>,
          %parallel_loop3A_700 = vector.shape_cast %parallel_loop3A_699 : vector<1x16xf32> to vector<16xf32>
          %parallel_loop3A_701 = vector.broadcast %parallel_loop3A_688 : f32 to vector<16xf32>
          %parallel_loop3A_702 = arith.mulf %parallel_loop3A_700, %parallel_loop3A_701 : vector<16xf32>
          %parallel_loop3A_703 = arith.constant 0 : i32
          %parallel_loop3A_704 = arith.addi %parallel_loop3A_692, %parallel_loop3A_703 : i32
          %parallel_loop3A_705 = arith.index_cast %parallel_loop3A_704 : i32 to index
          %parallel_loop3A_706 = tpu.vector_load %arg7[%parallel_loop3A_705] {strides = array<i32>} : memref<100000xf32, #tpu.memory_space<vmem>>, vector<16xf32>,
          %parallel_loop3A_707 = vector.shape_cast %parallel_loop3A_706 : vector<16xf32> to vector<16xf32>
          %parallel_loop3A_708 = vector.shape_cast %parallel_loop3A_702 : vector<16xf32> to vector<16xf32>
          tpu.vector_store %arg7[%parallel_loop3A_705], %parallel_loop3A_708 {add = true, strides = array<i32>} : memref<100000xf32, #tpu.memory_space<vmem>>, vector<16xf32>,
          %parallel_loop3A_709 = arith.constant 16 : i32
          %parallel_loop3A_710 = arith.muli %parallel_loop3A_709, %parallel_loop3A_88 : i32
          %parallel_loop3A_711 = arith.constant 15 : i32
          %parallel_loop3A_712 = arith.addi %parallel_loop3A_710, %parallel_loop3A_711 : i32
          %parallel_loop3A_713 = arith.index_cast %parallel_loop3A_712 : i32 to index
          %parallel_loop3A_714 = arith.constant 16 : index
          %parallel_loop3A_715 = tpu.vector_load %arg8[%parallel_loop3A_713, %parallel_loop3A_714] {strides = array<i32>} : memref<128x32xf32, #tpu.memory_space<vmem>>, vector<1x16xf32>,
          %parallel_loop3A_716 = vector.shape_cast %parallel_loop3A_715 : vector<1x16xf32> to vector<16xf32>
          %parallel_loop3A_717 = vector.broadcast %parallel_loop3A_688 : f32 to vector<16xf32>
          %parallel_loop3A_718 = arith.mulf %parallel_loop3A_716, %parallel_loop3A_717 : vector<16xf32>
          %parallel_loop3A_719 = arith.constant 16 : i32
          %parallel_loop3A_720 = arith.addi %parallel_loop3A_692, %parallel_loop3A_719 : i32
          %parallel_loop3A_721 = arith.index_cast %parallel_loop3A_720 : i32 to index
          %parallel_loop3A_722 = tpu.vector_load %arg7[%parallel_loop3A_721] {strides = array<i32>} : memref<100000xf32, #tpu.memory_space<vmem>>, vector<16xf32>,
          %parallel_loop3A_723 = vector.shape_cast %parallel_loop3A_722 : vector<16xf32> to vector<16xf32>
          %parallel_loop3A_724 = vector.shape_cast %parallel_loop3A_718 : vector<16xf32> to vector<16xf32>
          tpu.vector_store %arg7[%parallel_loop3A_721], %parallel_loop3A_724 {add = true, strides = array<i32>} : memref<100000xf32, #tpu.memory_space<vmem>>, vector<16xf32>,
        } {sc.loop_unroll_factor = 8 : i64, sc.parallel_access}
        %add3A_82 = arith.constant 2 : i32
        %add3A_83 = arith.addi %add3A_58, %add3A_82 : i32
        %lt3A_84 = arith.cmpi slt, %add3A_83, %add3A_13 : i32
        %convert_element_type3A_85 = arith.extui %lt3A_84 : i1 to i32
        %cond3A_86 = arith.constant 0 : i32
        %cond3A_87 = arith.cmpi ne, %convert_element_type3A_85, %cond3A_86 : i32
        scf.if %cond3A_87 {
          %add3A_88 = arith.constant 2 : i32
          %add3A_89 = arith.addi %add3A_58, %add3A_88 : i32
          %mul3A_90 = arith.constant 384 : i32
          %mul3A_91 = arith.muli %add3A_89, %mul3A_90 : i32
          %dma_start3A = tpu.memref_slice %arg4[%mul3A_91] : memref<4800768xi32, #tpu.memory_space<hbm>> -> memref<384xi32, #tpu.memory_space<hbm>>
          %dma_start3A_92 = tpu.memref_slice %arg4[%mul3A_91] : memref<4800768xi32, #tpu.memory_space<hbm>> -> memref<384xi32, #tpu.memory_space<hbm>>
          tpu.enqueue_dma source(%dma_start3A_92 : memref<384xi32, #tpu.memory_space<hbm>>) target(%arg10 : memref<384xi32, #tpu.memory_space<vmem>>) target_semaphore(%arg15 : memref<!tpu.dma_semaphore, #tpu.memory_space<semaphore_mem>>)
        } else {
        }
      } else {
      }
      %add3A_62 = arith.constant 1 : i32
      %add3A_63 = arith.addi %add3A_56, %add3A_62 : i32
      %lt3A_64 = arith.cmpi slt, %add3A_63, %add3A_13 : i32
      %convert_element_type3A_65 = arith.extui %lt3A_64 : i1 to i32
      %cond3A_66 = arith.constant 0 : i32
      %cond3A_67 = arith.cmpi ne, %convert_element_type3A_65, %cond3A_66 : i32
      scf.if %cond3A_67 {
        %dma_wait3A = arith.constant 0 : i32
        %dma_wait3A_68 = tpu.memref_slice %arg11[%dma_wait3A] : memref<384xi32, #tpu.memory_space<vmem>> -> memref<128xi32, #tpu.memory_space<vmem>>
        %dma_wait3A_69 = arith.constant 0 : i32
        %dma_wait3A_70 = arith.constant 0 : i32
        %dma_wait3A_71 = tpu.memref_slice %arg2[%dma_wait3A_69, %dma_wait3A_70] : memref<100000x32xf32, #tpu.memory_space<hbm>> -> memref<100000x32xf32, #tpu.memory_space<hbm>>
        tpu.wait_indirect_dma semaphore(%arg14 : memref<!tpu.dma_semaphore, #tpu.memory_space<semaphore_mem>>) src(%dma_wait3A_71 : memref<100000x32xf32, #tpu.memory_space<hbm>>) dst(%arg9 : memref<128x32xf32, #tpu.memory_space<vmem>>)
        %add3A_72 = arith.constant 1 : i32
        %add3A_73 = arith.addi %add3A_63, %add3A_72 : i32
        %lt3A_74 = arith.cmpi slt, %add3A_73, %add3A_13 : i32
        %convert_element_type3A_75 = arith.extui %lt3A_74 : i1 to i32
        %cond3A_76 = arith.constant 0 : i32
        %cond3A_77 = arith.cmpi ne, %convert_element_type3A_75, %cond3A_76 : i32
        scf.if %cond3A_77 {
          %add3A_88 = arith.constant 1 : i32
          %add3A_89 = arith.addi %add3A_63, %add3A_88 : i32
          %mul3A_90 = arith.constant 384 : i32
          %mul3A_91 = arith.muli %add3A_89, %mul3A_90 : i32
          %dma_wait3A_92 = tpu.memref_slice %arg4[%mul3A_91] : memref<4800768xi32, #tpu.memory_space<hbm>> -> memref<384xi32, #tpu.memory_space<hbm>>
          %dma_wait3A_93 = tpu.memref_slice %arg4[%mul3A_91] : memref<4800768xi32, #tpu.memory_space<hbm>> -> memref<384xi32, #tpu.memory_space<hbm>>
          tpu.wait_dma2 semaphore(%arg15 : memref<!tpu.dma_semaphore, #tpu.memory_space<semaphore_mem>>) src(%dma_wait3A_93 : memref<384xi32, #tpu.memory_space<hbm>>) dst(%arg10 : memref<384xi32, #tpu.memory_space<vmem>>)
          %dma_start3A = arith.constant 0 : i32
          %dma_start3A_94 = tpu.memref_slice %arg10[%dma_start3A] : memref<384xi32, #tpu.memory_space<vmem>> -> memref<128xi32, #tpu.memory_space<vmem>>
          %dma_start3A_95 = arith.constant 0 : i32
          %dma_start3A_96 = arith.constant 0 : i32
          %dma_start3A_97 = tpu.memref_slice %arg2[%dma_start3A_95, %dma_start3A_96] : memref<100000x32xf32, #tpu.memory_space<hbm>> -> memref<100000x32xf32, #tpu.memory_space<hbm>>
          tpu.enqueue_indirect_dma source(%dma_start3A_97 : memref<100000x32xf32, #tpu.memory_space<hbm>>) target(%arg8 : memref<128x32xf32, #tpu.memory_space<vmem>>) offsets(%dma_start3A_94 : memref<128xi32, #tpu.memory_space<vmem>>) semaphore(%arg13 : memref<!tpu.dma_semaphore, #tpu.memory_space<semaphore_mem>>)
        } else {
        }
        %mul3A_78 = arith.constant 128 : i32
        %mul3A_79 = arith.muli %add3A_63, %mul3A_78 : i32
        %parallel_loop3A = arith.constant 0 : i32
        %parallel_loop3A_80 = arith.constant 8 : i32
        %parallel_loop3A_81 = arith.constant 1 : i32
        scf.for %parallel_loop3A_88 = %parallel_loop3A to %parallel_loop3A_80 step %parallel_loop3A_81  : i32 {
          %parallel_loop3A_89 = arith.constant 16 : i32
          %parallel_loop3A_90 = arith.muli %parallel_loop3A_89, %parallel_loop3A_88 : i32
          %parallel_loop3A_91 = arith.constant 128 : i32
          %parallel_loop3A_92 = arith.addi %parallel_loop3A_91, %parallel_loop3A_90 : i32
          %parallel_loop3A_93 = arith.index_cast %parallel_loop3A_92 : i32 to index
          %parallel_loop3A_94 = tpu.vector_load %arg11[%parallel_loop3A_93] {strides = array<i32>} : memref<384xi32, #tpu.memory_space<vmem>>, vector<16xi32>,
          %parallel_loop3A_95 = vector.shape_cast %parallel_loop3A_94 : vector<16xi32> to vector<16xi32>
          %parallel_loop3A_96 = tpu.bitcast %parallel_loop3A_95 : vector<16xi32> -> vector<16xf32>
          %parallel_loop3A_97 = arith.constant 16 : i32
          %parallel_loop3A_98 = arith.muli %parallel_loop3A_97, %parallel_loop3A_88 : i32
          %parallel_loop3A_99 = arith.constant 256 : i32
          %parallel_loop3A_100 = arith.addi %parallel_loop3A_99, %parallel_loop3A_98 : i32
          %parallel_loop3A_101 = arith.index_cast %parallel_loop3A_100 : i32 to index
          %parallel_loop3A_102 = tpu.vector_load %arg11[%parallel_loop3A_101] {strides = array<i32>} : memref<384xi32, #tpu.memory_space<vmem>>, vector<16xi32>,
          %parallel_loop3A_103 = vector.shape_cast %parallel_loop3A_102 : vector<16xi32> to vector<16xi32>
          %parallel_loop3A_104 = arith.constant 16 : i32
          %parallel_loop3A_105 = arith.muli %parallel_loop3A_104, %parallel_loop3A_88 : i32
          %parallel_loop3A_106 = arith.addi %mul3A_79, %parallel_loop3A_105 : i32
          %parallel_loop3A_107 = vector.broadcast %parallel_loop3A_106 : i32 to vector<16xi32>
          %parallel_loop3A_108 = arith.addi %iota3A, %parallel_loop3A_107 : vector<16xi32>
          %parallel_loop3A_109 = vector.broadcast %squeeze3A_10 : i32 to vector<16xi32>
          %parallel_loop3A_110 = arith.cmpi sge, %parallel_loop3A_108, %parallel_loop3A_109 : vector<16xi32>
          %parallel_loop3A_111 = vector.broadcast %squeeze3A_12 : i32 to vector<16xi32>
          %parallel_loop3A_112 = arith.cmpi slt, %parallel_loop3A_108, %parallel_loop3A_111 : vector<16xi32>
          %parallel_loop3A_113 = arith.andi %parallel_loop3A_110, %parallel_loop3A_112 : vector<16xi1>
          %parallel_loop3A_114 = arith.constant 0.000000e+00 : f32
          %parallel_loop3A_115 = vector.broadcast %parallel_loop3A_114 : f32 to vector<16xf32>
          %parallel_loop3A_116 = arith.select %parallel_loop3A_113, %parallel_loop3A_96, %parallel_loop3A_115 : vector<16xi1>, vector<16xf32>
          %parallel_loop3A_117 = vector.extract_strided_slice %parallel_loop3A_116 {offsets = [0], sizes = [1], strides = [1]} : vector<16xf32> to vector<1xf32>
          %parallel_loop3A_118 = vector.extract %parallel_loop3A_117[0] : f32 from vector<1xf32>
          %parallel_loop3A_119 = vector.extract_strided_slice %parallel_loop3A_103 {offsets = [0], sizes = [1], strides = [1]} : vector<16xi32> to vector<1xi32>
          %parallel_loop3A_120 = vector.extract %parallel_loop3A_119[0] : i32 from vector<1xi32>
          %parallel_loop3A_121 = arith.constant 32 : i32
          %parallel_loop3A_122 = arith.muli %parallel_loop3A_120, %parallel_loop3A_121 : i32
          %parallel_loop3A_123 = arith.constant 16 : i32
          %parallel_loop3A_124 = arith.muli %parallel_loop3A_123, %parallel_loop3A_88 : i32
          %parallel_loop3A_125 = arith.constant 0 : i32
          %parallel_loop3A_126 = arith.addi %parallel_loop3A_124, %parallel_loop3A_125 : i32
          %parallel_loop3A_127 = arith.index_cast %parallel_loop3A_126 : i32 to index
          %parallel_loop3A_128 = arith.constant 0 : index
          %parallel_loop3A_129 = tpu.vector_load %arg9[%parallel_loop3A_127, %parallel_loop3A_128] {strides = array<i32>} : memref<128x32xf32, #tpu.memory_space<vmem>>, vector<1x16xf32>,
          %parallel_loop3A_130 = vector.shape_cast %parallel_loop3A_129 : vector<1x16xf32> to vector<16xf32>
          %parallel_loop3A_131 = vector.broadcast %parallel_loop3A_118 : f32 to vector<16xf32>
          %parallel_loop3A_132 = arith.mulf %parallel_loop3A_130, %parallel_loop3A_131 : vector<16xf32>
          %parallel_loop3A_133 = arith.constant 0 : i32
          %parallel_loop3A_134 = arith.addi %parallel_loop3A_122, %parallel_loop3A_133 : i32
          %parallel_loop3A_135 = arith.index_cast %parallel_loop3A_134 : i32 to index
          %parallel_loop3A_136 = tpu.vector_load %arg7[%parallel_loop3A_135] {strides = array<i32>} : memref<100000xf32, #tpu.memory_space<vmem>>, vector<16xf32>,
          %parallel_loop3A_137 = vector.shape_cast %parallel_loop3A_136 : vector<16xf32> to vector<16xf32>
          %parallel_loop3A_138 = vector.shape_cast %parallel_loop3A_132 : vector<16xf32> to vector<16xf32>
          tpu.vector_store %arg7[%parallel_loop3A_135], %parallel_loop3A_138 {add = true, strides = array<i32>} : memref<100000xf32, #tpu.memory_space<vmem>>, vector<16xf32>,
          %parallel_loop3A_139 = arith.constant 16 : i32
          %parallel_loop3A_140 = arith.muli %parallel_loop3A_139, %parallel_loop3A_88 : i32
          %parallel_loop3A_141 = arith.constant 0 : i32
          %parallel_loop3A_142 = arith.addi %parallel_loop3A_140, %parallel_loop3A_141 : i32
          %parallel_loop3A_143 = arith.index_cast %parallel_loop3A_142 : i32 to index
          %parallel_loop3A_144 = arith.constant 16 : index
          %parallel_loop3A_145 = tpu.vector_load %arg9[%parallel_loop3A_143, %parallel_loop3A_144] {strides = array<i32>} : memref<128x32xf32, #tpu.memory_space<vmem>>, vector<1x16xf32>,
          %parallel_loop3A_146 = vector.shape_cast %parallel_loop3A_145 : vector<1x16xf32> to vector<16xf32>
          %parallel_loop3A_147 = vector.broadcast %parallel_loop3A_118 : f32 to vector<16xf32>
          %parallel_loop3A_148 = arith.mulf %parallel_loop3A_146, %parallel_loop3A_147 : vector<16xf32>
          %parallel_loop3A_149 = arith.constant 16 : i32
          %parallel_loop3A_150 = arith.addi %parallel_loop3A_122, %parallel_loop3A_149 : i32
          %parallel_loop3A_151 = arith.index_cast %parallel_loop3A_150 : i32 to index
          %parallel_loop3A_152 = tpu.vector_load %arg7[%parallel_loop3A_151] {strides = array<i32>} : memref<100000xf32, #tpu.memory_space<vmem>>, vector<16xf32>,
          %parallel_loop3A_153 = vector.shape_cast %parallel_loop3A_152 : vector<16xf32> to vector<16xf32>
          %parallel_loop3A_154 = vector.shape_cast %parallel_loop3A_148 : vector<16xf32> to vector<16xf32>
          tpu.vector_store %arg7[%parallel_loop3A_151], %parallel_loop3A_154 {add = true, strides = array<i32>} : memref<100000xf32, #tpu.memory_space<vmem>>, vector<16xf32>,
          %parallel_loop3A_155 = vector.extract_strided_slice %parallel_loop3A_116 {offsets = [1], sizes = [1], strides = [1]} : vector<16xf32> to vector<1xf32>
          %parallel_loop3A_156 = vector.extract %parallel_loop3A_155[0] : f32 from vector<1xf32>
          %parallel_loop3A_157 = vector.extract_strided_slice %parallel_loop3A_103 {offsets = [1], sizes = [1], strides = [1]} : vector<16xi32> to vector<1xi32>
          %parallel_loop3A_158 = vector.extract %parallel_loop3A_157[0] : i32 from vector<1xi32>
          %parallel_loop3A_159 = arith.constant 32 : i32
          %parallel_loop3A_160 = arith.muli %parallel_loop3A_158, %parallel_loop3A_159 : i32
          %parallel_loop3A_161 = arith.constant 16 : i32
          %parallel_loop3A_162 = arith.muli %parallel_loop3A_161, %parallel_loop3A_88 : i32
          %parallel_loop3A_163 = arith.constant 1 : i32
          %parallel_loop3A_164 = arith.addi %parallel_loop3A_162, %parallel_loop3A_163 : i32
          %parallel_loop3A_165 = arith.index_cast %parallel_loop3A_164 : i32 to index
          %parallel_loop3A_166 = arith.constant 0 : index
          %parallel_loop3A_167 = tpu.vector_load %arg9[%parallel_loop3A_165, %parallel_loop3A_166] {strides = array<i32>} : memref<128x32xf32, #tpu.memory_space<vmem>>, vector<1x16xf32>,
          %parallel_loop3A_168 = vector.shape_cast %parallel_loop3A_167 : vector<1x16xf32> to vector<16xf32>
          %parallel_loop3A_169 = vector.broadcast %parallel_loop3A_156 : f32 to vector<16xf32>
          %parallel_loop3A_170 = arith.mulf %parallel_loop3A_168, %parallel_loop3A_169 : vector<16xf32>
          %parallel_loop3A_171 = arith.constant 0 : i32
          %parallel_loop3A_172 = arith.addi %parallel_loop3A_160, %parallel_loop3A_171 : i32
          %parallel_loop3A_173 = arith.index_cast %parallel_loop3A_172 : i32 to index
          %parallel_loop3A_174 = tpu.vector_load %arg7[%parallel_loop3A_173] {strides = array<i32>} : memref<100000xf32, #tpu.memory_space<vmem>>, vector<16xf32>,
          %parallel_loop3A_175 = vector.shape_cast %parallel_loop3A_174 : vector<16xf32> to vector<16xf32>
          %parallel_loop3A_176 = vector.shape_cast %parallel_loop3A_170 : vector<16xf32> to vector<16xf32>
          tpu.vector_store %arg7[%parallel_loop3A_173], %parallel_loop3A_176 {add = true, strides = array<i32>} : memref<100000xf32, #tpu.memory_space<vmem>>, vector<16xf32>,
          %parallel_loop3A_177 = arith.constant 16 : i32
          %parallel_loop3A_178 = arith.muli %parallel_loop3A_177, %parallel_loop3A_88 : i32
          %parallel_loop3A_179 = arith.constant 1 : i32
          %parallel_loop3A_180 = arith.addi %parallel_loop3A_178, %parallel_loop3A_179 : i32
          %parallel_loop3A_181 = arith.index_cast %parallel_loop3A_180 : i32 to index
          %parallel_loop3A_182 = arith.constant 16 : index
          %parallel_loop3A_183 = tpu.vector_load %arg9[%parallel_loop3A_181, %parallel_loop3A_182] {strides = array<i32>} : memref<128x32xf32, #tpu.memory_space<vmem>>, vector<1x16xf32>,
          %parallel_loop3A_184 = vector.shape_cast %parallel_loop3A_183 : vector<1x16xf32> to vector<16xf32>
          %parallel_loop3A_185 = vector.broadcast %parallel_loop3A_156 : f32 to vector<16xf32>
          %parallel_loop3A_186 = arith.mulf %parallel_loop3A_184, %parallel_loop3A_185 : vector<16xf32>
          %parallel_loop3A_187 = arith.constant 16 : i32
          %parallel_loop3A_188 = arith.addi %parallel_loop3A_160, %parallel_loop3A_187 : i32
          %parallel_loop3A_189 = arith.index_cast %parallel_loop3A_188 : i32 to index
          %parallel_loop3A_190 = tpu.vector_load %arg7[%parallel_loop3A_189] {strides = array<i32>} : memref<100000xf32, #tpu.memory_space<vmem>>, vector<16xf32>,
          %parallel_loop3A_191 = vector.shape_cast %parallel_loop3A_190 : vector<16xf32> to vector<16xf32>
          %parallel_loop3A_192 = vector.shape_cast %parallel_loop3A_186 : vector<16xf32> to vector<16xf32>
          tpu.vector_store %arg7[%parallel_loop3A_189], %parallel_loop3A_192 {add = true, strides = array<i32>} : memref<100000xf32, #tpu.memory_space<vmem>>, vector<16xf32>,
          %parallel_loop3A_193 = vector.extract_strided_slice %parallel_loop3A_116 {offsets = [2], sizes = [1], strides = [1]} : vector<16xf32> to vector<1xf32>
          %parallel_loop3A_194 = vector.extract %parallel_loop3A_193[0] : f32 from vector<1xf32>
          %parallel_loop3A_195 = vector.extract_strided_slice %parallel_loop3A_103 {offsets = [2], sizes = [1], strides = [1]} : vector<16xi32> to vector<1xi32>
          %parallel_loop3A_196 = vector.extract %parallel_loop3A_195[0] : i32 from vector<1xi32>
          %parallel_loop3A_197 = arith.constant 32 : i32
          %parallel_loop3A_198 = arith.muli %parallel_loop3A_196, %parallel_loop3A_197 : i32
          %parallel_loop3A_199 = arith.constant 16 : i32
          %parallel_loop3A_200 = arith.muli %parallel_loop3A_199, %parallel_loop3A_88 : i32
          %parallel_loop3A_201 = arith.constant 2 : i32
          %parallel_loop3A_202 = arith.addi %parallel_loop3A_200, %parallel_loop3A_201 : i32
          %parallel_loop3A_203 = arith.index_cast %parallel_loop3A_202 : i32 to index
          %parallel_loop3A_204 = arith.constant 0 : index
          %parallel_loop3A_205 = tpu.vector_load %arg9[%parallel_loop3A_203, %parallel_loop3A_204] {strides = array<i32>} : memref<128x32xf32, #tpu.memory_space<vmem>>, vector<1x16xf32>,
          %parallel_loop3A_206 = vector.shape_cast %parallel_loop3A_205 : vector<1x16xf32> to vector<16xf32>
          %parallel_loop3A_207 = vector.broadcast %parallel_loop3A_194 : f32 to vector<16xf32>
          %parallel_loop3A_208 = arith.mulf %parallel_loop3A_206, %parallel_loop3A_207 : vector<16xf32>
          %parallel_loop3A_209 = arith.constant 0 : i32
          %parallel_loop3A_210 = arith.addi %parallel_loop3A_198, %parallel_loop3A_209 : i32
          %parallel_loop3A_211 = arith.index_cast %parallel_loop3A_210 : i32 to index
          %parallel_loop3A_212 = tpu.vector_load %arg7[%parallel_loop3A_211] {strides = array<i32>} : memref<100000xf32, #tpu.memory_space<vmem>>, vector<16xf32>,
          %parallel_loop3A_213 = vector.shape_cast %parallel_loop3A_212 : vector<16xf32> to vector<16xf32>
          %parallel_loop3A_214 = vector.shape_cast %parallel_loop3A_208 : vector<16xf32> to vector<16xf32>
          tpu.vector_store %arg7[%parallel_loop3A_211], %parallel_loop3A_214 {add = true, strides = array<i32>} : memref<100000xf32, #tpu.memory_space<vmem>>, vector<16xf32>,
          %parallel_loop3A_215 = arith.constant 16 : i32
          %parallel_loop3A_216 = arith.muli %parallel_loop3A_215, %parallel_loop3A_88 : i32
          %parallel_loop3A_217 = arith.constant 2 : i32
          %parallel_loop3A_218 = arith.addi %parallel_loop3A_216, %parallel_loop3A_217 : i32
          %parallel_loop3A_219 = arith.index_cast %parallel_loop3A_218 : i32 to index
          %parallel_loop3A_220 = arith.constant 16 : index
          %parallel_loop3A_221 = tpu.vector_load %arg9[%parallel_loop3A_219, %parallel_loop3A_220] {strides = array<i32>} : memref<128x32xf32, #tpu.memory_space<vmem>>, vector<1x16xf32>,
          %parallel_loop3A_222 = vector.shape_cast %parallel_loop3A_221 : vector<1x16xf32> to vector<16xf32>
          %parallel_loop3A_223 = vector.broadcast %parallel_loop3A_194 : f32 to vector<16xf32>
          %parallel_loop3A_224 = arith.mulf %parallel_loop3A_222, %parallel_loop3A_223 : vector<16xf32>
          %parallel_loop3A_225 = arith.constant 16 : i32
          %parallel_loop3A_226 = arith.addi %parallel_loop3A_198, %parallel_loop3A_225 : i32
          %parallel_loop3A_227 = arith.index_cast %parallel_loop3A_226 : i32 to index
          %parallel_loop3A_228 = tpu.vector_load %arg7[%parallel_loop3A_227] {strides = array<i32>} : memref<100000xf32, #tpu.memory_space<vmem>>, vector<16xf32>,
          %parallel_loop3A_229 = vector.shape_cast %parallel_loop3A_228 : vector<16xf32> to vector<16xf32>
          %parallel_loop3A_230 = vector.shape_cast %parallel_loop3A_224 : vector<16xf32> to vector<16xf32>
          tpu.vector_store %arg7[%parallel_loop3A_227], %parallel_loop3A_230 {add = true, strides = array<i32>} : memref<100000xf32, #tpu.memory_space<vmem>>, vector<16xf32>,
          %parallel_loop3A_231 = vector.extract_strided_slice %parallel_loop3A_116 {offsets = [3], sizes = [1], strides = [1]} : vector<16xf32> to vector<1xf32>
          %parallel_loop3A_232 = vector.extract %parallel_loop3A_231[0] : f32 from vector<1xf32>
          %parallel_loop3A_233 = vector.extract_strided_slice %parallel_loop3A_103 {offsets = [3], sizes = [1], strides = [1]} : vector<16xi32> to vector<1xi32>
          %parallel_loop3A_234 = vector.extract %parallel_loop3A_233[0] : i32 from vector<1xi32>
          %parallel_loop3A_235 = arith.constant 32 : i32
          %parallel_loop3A_236 = arith.muli %parallel_loop3A_234, %parallel_loop3A_235 : i32
          %parallel_loop3A_237 = arith.constant 16 : i32
          %parallel_loop3A_238 = arith.muli %parallel_loop3A_237, %parallel_loop3A_88 : i32
          %parallel_loop3A_239 = arith.constant 3 : i32
          %parallel_loop3A_240 = arith.addi %parallel_loop3A_238, %parallel_loop3A_239 : i32
          %parallel_loop3A_241 = arith.index_cast %parallel_loop3A_240 : i32 to index
          %parallel_loop3A_242 = arith.constant 0 : index
          %parallel_loop3A_243 = tpu.vector_load %arg9[%parallel_loop3A_241, %parallel_loop3A_242] {strides = array<i32>} : memref<128x32xf32, #tpu.memory_space<vmem>>, vector<1x16xf32>,
          %parallel_loop3A_244 = vector.shape_cast %parallel_loop3A_243 : vector<1x16xf32> to vector<16xf32>
          %parallel_loop3A_245 = vector.broadcast %parallel_loop3A_232 : f32 to vector<16xf32>
          %parallel_loop3A_246 = arith.mulf %parallel_loop3A_244, %parallel_loop3A_245 : vector<16xf32>
          %parallel_loop3A_247 = arith.constant 0 : i32
          %parallel_loop3A_248 = arith.addi %parallel_loop3A_236, %parallel_loop3A_247 : i32
          %parallel_loop3A_249 = arith.index_cast %parallel_loop3A_248 : i32 to index
          %parallel_loop3A_250 = tpu.vector_load %arg7[%parallel_loop3A_249] {strides = array<i32>} : memref<100000xf32, #tpu.memory_space<vmem>>, vector<16xf32>,
          %parallel_loop3A_251 = vector.shape_cast %parallel_loop3A_250 : vector<16xf32> to vector<16xf32>
          %parallel_loop3A_252 = vector.shape_cast %parallel_loop3A_246 : vector<16xf32> to vector<16xf32>
          tpu.vector_store %arg7[%parallel_loop3A_249], %parallel_loop3A_252 {add = true, strides = array<i32>} : memref<100000xf32, #tpu.memory_space<vmem>>, vector<16xf32>,
          %parallel_loop3A_253 = arith.constant 16 : i32
          %parallel_loop3A_254 = arith.muli %parallel_loop3A_253, %parallel_loop3A_88 : i32
          %parallel_loop3A_255 = arith.constant 3 : i32
          %parallel_loop3A_256 = arith.addi %parallel_loop3A_254, %parallel_loop3A_255 : i32
          %parallel_loop3A_257 = arith.index_cast %parallel_loop3A_256 : i32 to index
          %parallel_loop3A_258 = arith.constant 16 : index
          %parallel_loop3A_259 = tpu.vector_load %arg9[%parallel_loop3A_257, %parallel_loop3A_258] {strides = array<i32>} : memref<128x32xf32, #tpu.memory_space<vmem>>, vector<1x16xf32>,
          %parallel_loop3A_260 = vector.shape_cast %parallel_loop3A_259 : vector<1x16xf32> to vector<16xf32>
          %parallel_loop3A_261 = vector.broadcast %parallel_loop3A_232 : f32 to vector<16xf32>
          %parallel_loop3A_262 = arith.mulf %parallel_loop3A_260, %parallel_loop3A_261 : vector<16xf32>
          %parallel_loop3A_263 = arith.constant 16 : i32
          %parallel_loop3A_264 = arith.addi %parallel_loop3A_236, %parallel_loop3A_263 : i32
          %parallel_loop3A_265 = arith.index_cast %parallel_loop3A_264 : i32 to index
          %parallel_loop3A_266 = tpu.vector_load %arg7[%parallel_loop3A_265] {strides = array<i32>} : memref<100000xf32, #tpu.memory_space<vmem>>, vector<16xf32>,
          %parallel_loop3A_267 = vector.shape_cast %parallel_loop3A_266 : vector<16xf32> to vector<16xf32>
          %parallel_loop3A_268 = vector.shape_cast %parallel_loop3A_262 : vector<16xf32> to vector<16xf32>
          tpu.vector_store %arg7[%parallel_loop3A_265], %parallel_loop3A_268 {add = true, strides = array<i32>} : memref<100000xf32, #tpu.memory_space<vmem>>, vector<16xf32>,
          %parallel_loop3A_269 = vector.extract_strided_slice %parallel_loop3A_116 {offsets = [4], sizes = [1], strides = [1]} : vector<16xf32> to vector<1xf32>
          %parallel_loop3A_270 = vector.extract %parallel_loop3A_269[0] : f32 from vector<1xf32>
          %parallel_loop3A_271 = vector.extract_strided_slice %parallel_loop3A_103 {offsets = [4], sizes = [1], strides = [1]} : vector<16xi32> to vector<1xi32>
          %parallel_loop3A_272 = vector.extract %parallel_loop3A_271[0] : i32 from vector<1xi32>
          %parallel_loop3A_273 = arith.constant 32 : i32
          %parallel_loop3A_274 = arith.muli %parallel_loop3A_272, %parallel_loop3A_273 : i32
          %parallel_loop3A_275 = arith.constant 16 : i32
          %parallel_loop3A_276 = arith.muli %parallel_loop3A_275, %parallel_loop3A_88 : i32
          %parallel_loop3A_277 = arith.constant 4 : i32
          %parallel_loop3A_278 = arith.addi %parallel_loop3A_276, %parallel_loop3A_277 : i32
          %parallel_loop3A_279 = arith.index_cast %parallel_loop3A_278 : i32 to index
          %parallel_loop3A_280 = arith.constant 0 : index
          %parallel_loop3A_281 = tpu.vector_load %arg9[%parallel_loop3A_279, %parallel_loop3A_280] {strides = array<i32>} : memref<128x32xf32, #tpu.memory_space<vmem>>, vector<1x16xf32>,
          %parallel_loop3A_282 = vector.shape_cast %parallel_loop3A_281 : vector<1x16xf32> to vector<16xf32>
          %parallel_loop3A_283 = vector.broadcast %parallel_loop3A_270 : f32 to vector<16xf32>
          %parallel_loop3A_284 = arith.mulf %parallel_loop3A_282, %parallel_loop3A_283 : vector<16xf32>
          %parallel_loop3A_285 = arith.constant 0 : i32
          %parallel_loop3A_286 = arith.addi %parallel_loop3A_274, %parallel_loop3A_285 : i32
          %parallel_loop3A_287 = arith.index_cast %parallel_loop3A_286 : i32 to index
          %parallel_loop3A_288 = tpu.vector_load %arg7[%parallel_loop3A_287] {strides = array<i32>} : memref<100000xf32, #tpu.memory_space<vmem>>, vector<16xf32>,
          %parallel_loop3A_289 = vector.shape_cast %parallel_loop3A_288 : vector<16xf32> to vector<16xf32>
          %parallel_loop3A_290 = vector.shape_cast %parallel_loop3A_284 : vector<16xf32> to vector<16xf32>
          tpu.vector_store %arg7[%parallel_loop3A_287], %parallel_loop3A_290 {add = true, strides = array<i32>} : memref<100000xf32, #tpu.memory_space<vmem>>, vector<16xf32>,
          %parallel_loop3A_291 = arith.constant 16 : i32
          %parallel_loop3A_292 = arith.muli %parallel_loop3A_291, %parallel_loop3A_88 : i32
          %parallel_loop3A_293 = arith.constant 4 : i32
          %parallel_loop3A_294 = arith.addi %parallel_loop3A_292, %parallel_loop3A_293 : i32
          %parallel_loop3A_295 = arith.index_cast %parallel_loop3A_294 : i32 to index
          %parallel_loop3A_296 = arith.constant 16 : index
          %parallel_loop3A_297 = tpu.vector_load %arg9[%parallel_loop3A_295, %parallel_loop3A_296] {strides = array<i32>} : memref<128x32xf32, #tpu.memory_space<vmem>>, vector<1x16xf32>,
          %parallel_loop3A_298 = vector.shape_cast %parallel_loop3A_297 : vector<1x16xf32> to vector<16xf32>
          %parallel_loop3A_299 = vector.broadcast %parallel_loop3A_270 : f32 to vector<16xf32>
          %parallel_loop3A_300 = arith.mulf %parallel_loop3A_298, %parallel_loop3A_299 : vector<16xf32>
          %parallel_loop3A_301 = arith.constant 16 : i32
          %parallel_loop3A_302 = arith.addi %parallel_loop3A_274, %parallel_loop3A_301 : i32
          %parallel_loop3A_303 = arith.index_cast %parallel_loop3A_302 : i32 to index
          %parallel_loop3A_304 = tpu.vector_load %arg7[%parallel_loop3A_303] {strides = array<i32>} : memref<100000xf32, #tpu.memory_space<vmem>>, vector<16xf32>,
          %parallel_loop3A_305 = vector.shape_cast %parallel_loop3A_304 : vector<16xf32> to vector<16xf32>
          %parallel_loop3A_306 = vector.shape_cast %parallel_loop3A_300 : vector<16xf32> to vector<16xf32>
          tpu.vector_store %arg7[%parallel_loop3A_303], %parallel_loop3A_306 {add = true, strides = array<i32>} : memref<100000xf32, #tpu.memory_space<vmem>>, vector<16xf32>,
          %parallel_loop3A_307 = vector.extract_strided_slice %parallel_loop3A_116 {offsets = [5], sizes = [1], strides = [1]} : vector<16xf32> to vector<1xf32>
          %parallel_loop3A_308 = vector.extract %parallel_loop3A_307[0] : f32 from vector<1xf32>
          %parallel_loop3A_309 = vector.extract_strided_slice %parallel_loop3A_103 {offsets = [5], sizes = [1], strides = [1]} : vector<16xi32> to vector<1xi32>
          %parallel_loop3A_310 = vector.extract %parallel_loop3A_309[0] : i32 from vector<1xi32>
          %parallel_loop3A_311 = arith.constant 32 : i32
          %parallel_loop3A_312 = arith.muli %parallel_loop3A_310, %parallel_loop3A_311 : i32
          %parallel_loop3A_313 = arith.constant 16 : i32
          %parallel_loop3A_314 = arith.muli %parallel_loop3A_313, %parallel_loop3A_88 : i32
          %parallel_loop3A_315 = arith.constant 5 : i32
          %parallel_loop3A_316 = arith.addi %parallel_loop3A_314, %parallel_loop3A_315 : i32
          %parallel_loop3A_317 = arith.index_cast %parallel_loop3A_316 : i32 to index
          %parallel_loop3A_318 = arith.constant 0 : index
          %parallel_loop3A_319 = tpu.vector_load %arg9[%parallel_loop3A_317, %parallel_loop3A_318] {strides = array<i32>} : memref<128x32xf32, #tpu.memory_space<vmem>>, vector<1x16xf32>,
          %parallel_loop3A_320 = vector.shape_cast %parallel_loop3A_319 : vector<1x16xf32> to vector<16xf32>
          %parallel_loop3A_321 = vector.broadcast %parallel_loop3A_308 : f32 to vector<16xf32>
          %parallel_loop3A_322 = arith.mulf %parallel_loop3A_320, %parallel_loop3A_321 : vector<16xf32>
          %parallel_loop3A_323 = arith.constant 0 : i32
          %parallel_loop3A_324 = arith.addi %parallel_loop3A_312, %parallel_loop3A_323 : i32
          %parallel_loop3A_325 = arith.index_cast %parallel_loop3A_324 : i32 to index
          %parallel_loop3A_326 = tpu.vector_load %arg7[%parallel_loop3A_325] {strides = array<i32>} : memref<100000xf32, #tpu.memory_space<vmem>>, vector<16xf32>,
          %parallel_loop3A_327 = vector.shape_cast %parallel_loop3A_326 : vector<16xf32> to vector<16xf32>
          %parallel_loop3A_328 = vector.shape_cast %parallel_loop3A_322 : vector<16xf32> to vector<16xf32>
          tpu.vector_store %arg7[%parallel_loop3A_325], %parallel_loop3A_328 {add = true, strides = array<i32>} : memref<100000xf32, #tpu.memory_space<vmem>>, vector<16xf32>,
          %parallel_loop3A_329 = arith.constant 16 : i32
          %parallel_loop3A_330 = arith.muli %parallel_loop3A_329, %parallel_loop3A_88 : i32
          %parallel_loop3A_331 = arith.constant 5 : i32
          %parallel_loop3A_332 = arith.addi %parallel_loop3A_330, %parallel_loop3A_331 : i32
          %parallel_loop3A_333 = arith.index_cast %parallel_loop3A_332 : i32 to index
          %parallel_loop3A_334 = arith.constant 16 : index
          %parallel_loop3A_335 = tpu.vector_load %arg9[%parallel_loop3A_333, %parallel_loop3A_334] {strides = array<i32>} : memref<128x32xf32, #tpu.memory_space<vmem>>, vector<1x16xf32>,
          %parallel_loop3A_336 = vector.shape_cast %parallel_loop3A_335 : vector<1x16xf32> to vector<16xf32>
          %parallel_loop3A_337 = vector.broadcast %parallel_loop3A_308 : f32 to vector<16xf32>
          %parallel_loop3A_338 = arith.mulf %parallel_loop3A_336, %parallel_loop3A_337 : vector<16xf32>
          %parallel_loop3A_339 = arith.constant 16 : i32
          %parallel_loop3A_340 = arith.addi %parallel_loop3A_312, %parallel_loop3A_339 : i32
          %parallel_loop3A_341 = arith.index_cast %parallel_loop3A_340 : i32 to index
          %parallel_loop3A_342 = tpu.vector_load %arg7[%parallel_loop3A_341] {strides = array<i32>} : memref<100000xf32, #tpu.memory_space<vmem>>, vector<16xf32>,
          %parallel_loop3A_343 = vector.shape_cast %parallel_loop3A_342 : vector<16xf32> to vector<16xf32>
          %parallel_loop3A_344 = vector.shape_cast %parallel_loop3A_338 : vector<16xf32> to vector<16xf32>
          tpu.vector_store %arg7[%parallel_loop3A_341], %parallel_loop3A_344 {add = true, strides = array<i32>} : memref<100000xf32, #tpu.memory_space<vmem>>, vector<16xf32>,
          %parallel_loop3A_345 = vector.extract_strided_slice %parallel_loop3A_116 {offsets = [6], sizes = [1], strides = [1]} : vector<16xf32> to vector<1xf32>
          %parallel_loop3A_346 = vector.extract %parallel_loop3A_345[0] : f32 from vector<1xf32>
          %parallel_loop3A_347 = vector.extract_strided_slice %parallel_loop3A_103 {offsets = [6], sizes = [1], strides = [1]} : vector<16xi32> to vector<1xi32>
          %parallel_loop3A_348 = vector.extract %parallel_loop3A_347[0] : i32 from vector<1xi32>
          %parallel_loop3A_349 = arith.constant 32 : i32
          %parallel_loop3A_350 = arith.muli %parallel_loop3A_348, %parallel_loop3A_349 : i32
          %parallel_loop3A_351 = arith.constant 16 : i32
          %parallel_loop3A_352 = arith.muli %parallel_loop3A_351, %parallel_loop3A_88 : i32
          %parallel_loop3A_353 = arith.constant 6 : i32
          %parallel_loop3A_354 = arith.addi %parallel_loop3A_352, %parallel_loop3A_353 : i32
          %parallel_loop3A_355 = arith.index_cast %parallel_loop3A_354 : i32 to index
          %parallel_loop3A_356 = arith.constant 0 : index
          %parallel_loop3A_357 = tpu.vector_load %arg9[%parallel_loop3A_355, %parallel_loop3A_356] {strides = array<i32>} : memref<128x32xf32, #tpu.memory_space<vmem>>, vector<1x16xf32>,
          %parallel_loop3A_358 = vector.shape_cast %parallel_loop3A_357 : vector<1x16xf32> to vector<16xf32>
          %parallel_loop3A_359 = vector.broadcast %parallel_loop3A_346 : f32 to vector<16xf32>
          %parallel_loop3A_360 = arith.mulf %parallel_loop3A_358, %parallel_loop3A_359 : vector<16xf32>
          %parallel_loop3A_361 = arith.constant 0 : i32
          %parallel_loop3A_362 = arith.addi %parallel_loop3A_350, %parallel_loop3A_361 : i32
          %parallel_loop3A_363 = arith.index_cast %parallel_loop3A_362 : i32 to index
          %parallel_loop3A_364 = tpu.vector_load %arg7[%parallel_loop3A_363] {strides = array<i32>} : memref<100000xf32, #tpu.memory_space<vmem>>, vector<16xf32>,
          %parallel_loop3A_365 = vector.shape_cast %parallel_loop3A_364 : vector<16xf32> to vector<16xf32>
          %parallel_loop3A_366 = vector.shape_cast %parallel_loop3A_360 : vector<16xf32> to vector<16xf32>
          tpu.vector_store %arg7[%parallel_loop3A_363], %parallel_loop3A_366 {add = true, strides = array<i32>} : memref<100000xf32, #tpu.memory_space<vmem>>, vector<16xf32>,
          %parallel_loop3A_367 = arith.constant 16 : i32
          %parallel_loop3A_368 = arith.muli %parallel_loop3A_367, %parallel_loop3A_88 : i32
          %parallel_loop3A_369 = arith.constant 6 : i32
          %parallel_loop3A_370 = arith.addi %parallel_loop3A_368, %parallel_loop3A_369 : i32
          %parallel_loop3A_371 = arith.index_cast %parallel_loop3A_370 : i32 to index
          %parallel_loop3A_372 = arith.constant 16 : index
          %parallel_loop3A_373 = tpu.vector_load %arg9[%parallel_loop3A_371, %parallel_loop3A_372] {strides = array<i32>} : memref<128x32xf32, #tpu.memory_space<vmem>>, vector<1x16xf32>,
          %parallel_loop3A_374 = vector.shape_cast %parallel_loop3A_373 : vector<1x16xf32> to vector<16xf32>
          %parallel_loop3A_375 = vector.broadcast %parallel_loop3A_346 : f32 to vector<16xf32>
          %parallel_loop3A_376 = arith.mulf %parallel_loop3A_374, %parallel_loop3A_375 : vector<16xf32>
          %parallel_loop3A_377 = arith.constant 16 : i32
          %parallel_loop3A_378 = arith.addi %parallel_loop3A_350, %parallel_loop3A_377 : i32
          %parallel_loop3A_379 = arith.index_cast %parallel_loop3A_378 : i32 to index
          %parallel_loop3A_380 = tpu.vector_load %arg7[%parallel_loop3A_379] {strides = array<i32>} : memref<100000xf32, #tpu.memory_space<vmem>>, vector<16xf32>,
          %parallel_loop3A_381 = vector.shape_cast %parallel_loop3A_380 : vector<16xf32> to vector<16xf32>
          %parallel_loop3A_382 = vector.shape_cast %parallel_loop3A_376 : vector<16xf32> to vector<16xf32>
          tpu.vector_store %arg7[%parallel_loop3A_379], %parallel_loop3A_382 {add = true, strides = array<i32>} : memref<100000xf32, #tpu.memory_space<vmem>>, vector<16xf32>,
          %parallel_loop3A_383 = vector.extract_strided_slice %parallel_loop3A_116 {offsets = [7], sizes = [1], strides = [1]} : vector<16xf32> to vector<1xf32>
          %parallel_loop3A_384 = vector.extract %parallel_loop3A_383[0] : f32 from vector<1xf32>
          %parallel_loop3A_385 = vector.extract_strided_slice %parallel_loop3A_103 {offsets = [7], sizes = [1], strides = [1]} : vector<16xi32> to vector<1xi32>
          %parallel_loop3A_386 = vector.extract %parallel_loop3A_385[0] : i32 from vector<1xi32>
          %parallel_loop3A_387 = arith.constant 32 : i32
          %parallel_loop3A_388 = arith.muli %parallel_loop3A_386, %parallel_loop3A_387 : i32
          %parallel_loop3A_389 = arith.constant 16 : i32
          %parallel_loop3A_390 = arith.muli %parallel_loop3A_389, %parallel_loop3A_88 : i32
          %parallel_loop3A_391 = arith.constant 7 : i32
          %parallel_loop3A_392 = arith.addi %parallel_loop3A_390, %parallel_loop3A_391 : i32
          %parallel_loop3A_393 = arith.index_cast %parallel_loop3A_392 : i32 to index
          %parallel_loop3A_394 = arith.constant 0 : index
          %parallel_loop3A_395 = tpu.vector_load %arg9[%parallel_loop3A_393, %parallel_loop3A_394] {strides = array<i32>} : memref<128x32xf32, #tpu.memory_space<vmem>>, vector<1x16xf32>,
          %parallel_loop3A_396 = vector.shape_cast %parallel_loop3A_395 : vector<1x16xf32> to vector<16xf32>
          %parallel_loop3A_397 = vector.broadcast %parallel_loop3A_384 : f32 to vector<16xf32>
          %parallel_loop3A_398 = arith.mulf %parallel_loop3A_396, %parallel_loop3A_397 : vector<16xf32>
          %parallel_loop3A_399 = arith.constant 0 : i32
          %parallel_loop3A_400 = arith.addi %parallel_loop3A_388, %parallel_loop3A_399 : i32
          %parallel_loop3A_401 = arith.index_cast %parallel_loop3A_400 : i32 to index
          %parallel_loop3A_402 = tpu.vector_load %arg7[%parallel_loop3A_401] {strides = array<i32>} : memref<100000xf32, #tpu.memory_space<vmem>>, vector<16xf32>,
          %parallel_loop3A_403 = vector.shape_cast %parallel_loop3A_402 : vector<16xf32> to vector<16xf32>
          %parallel_loop3A_404 = vector.shape_cast %parallel_loop3A_398 : vector<16xf32> to vector<16xf32>
          tpu.vector_store %arg7[%parallel_loop3A_401], %parallel_loop3A_404 {add = true, strides = array<i32>} : memref<100000xf32, #tpu.memory_space<vmem>>, vector<16xf32>,
          %parallel_loop3A_405 = arith.constant 16 : i32
          %parallel_loop3A_406 = arith.muli %parallel_loop3A_405, %parallel_loop3A_88 : i32
          %parallel_loop3A_407 = arith.constant 7 : i32
          %parallel_loop3A_408 = arith.addi %parallel_loop3A_406, %parallel_loop3A_407 : i32
          %parallel_loop3A_409 = arith.index_cast %parallel_loop3A_408 : i32 to index
          %parallel_loop3A_410 = arith.constant 16 : index
          %parallel_loop3A_411 = tpu.vector_load %arg9[%parallel_loop3A_409, %parallel_loop3A_410] {strides = array<i32>} : memref<128x32xf32, #tpu.memory_space<vmem>>, vector<1x16xf32>,
          %parallel_loop3A_412 = vector.shape_cast %parallel_loop3A_411 : vector<1x16xf32> to vector<16xf32>
          %parallel_loop3A_413 = vector.broadcast %parallel_loop3A_384 : f32 to vector<16xf32>
          %parallel_loop3A_414 = arith.mulf %parallel_loop3A_412, %parallel_loop3A_413 : vector<16xf32>
          %parallel_loop3A_415 = arith.constant 16 : i32
          %parallel_loop3A_416 = arith.addi %parallel_loop3A_388, %parallel_loop3A_415 : i32
          %parallel_loop3A_417 = arith.index_cast %parallel_loop3A_416 : i32 to index
          %parallel_loop3A_418 = tpu.vector_load %arg7[%parallel_loop3A_417] {strides = array<i32>} : memref<100000xf32, #tpu.memory_space<vmem>>, vector<16xf32>,
          %parallel_loop3A_419 = vector.shape_cast %parallel_loop3A_418 : vector<16xf32> to vector<16xf32>
          %parallel_loop3A_420 = vector.shape_cast %parallel_loop3A_414 : vector<16xf32> to vector<16xf32>
          tpu.vector_store %arg7[%parallel_loop3A_417], %parallel_loop3A_420 {add = true, strides = array<i32>} : memref<100000xf32, #tpu.memory_space<vmem>>, vector<16xf32>,
          %parallel_loop3A_421 = vector.extract_strided_slice %parallel_loop3A_116 {offsets = [8], sizes = [1], strides = [1]} : vector<16xf32> to vector<1xf32>
          %parallel_loop3A_422 = vector.extract %parallel_loop3A_421[0] : f32 from vector<1xf32>
          %parallel_loop3A_423 = vector.extract_strided_slice %parallel_loop3A_103 {offsets = [8], sizes = [1], strides = [1]} : vector<16xi32> to vector<1xi32>
          %parallel_loop3A_424 = vector.extract %parallel_loop3A_423[0] : i32 from vector<1xi32>
          %parallel_loop3A_425 = arith.constant 32 : i32
          %parallel_loop3A_426 = arith.muli %parallel_loop3A_424, %parallel_loop3A_425 : i32
          %parallel_loop3A_427 = arith.constant 16 : i32
          %parallel_loop3A_428 = arith.muli %parallel_loop3A_427, %parallel_loop3A_88 : i32
          %parallel_loop3A_429 = arith.constant 8 : i32
          %parallel_loop3A_430 = arith.addi %parallel_loop3A_428, %parallel_loop3A_429 : i32
          %parallel_loop3A_431 = arith.index_cast %parallel_loop3A_430 : i32 to index
          %parallel_loop3A_432 = arith.constant 0 : index
          %parallel_loop3A_433 = tpu.vector_load %arg9[%parallel_loop3A_431, %parallel_loop3A_432] {strides = array<i32>} : memref<128x32xf32, #tpu.memory_space<vmem>>, vector<1x16xf32>,
          %parallel_loop3A_434 = vector.shape_cast %parallel_loop3A_433 : vector<1x16xf32> to vector<16xf32>
          %parallel_loop3A_435 = vector.broadcast %parallel_loop3A_422 : f32 to vector<16xf32>
          %parallel_loop3A_436 = arith.mulf %parallel_loop3A_434, %parallel_loop3A_435 : vector<16xf32>
          %parallel_loop3A_437 = arith.constant 0 : i32
          %parallel_loop3A_438 = arith.addi %parallel_loop3A_426, %parallel_loop3A_437 : i32
          %parallel_loop3A_439 = arith.index_cast %parallel_loop3A_438 : i32 to index
          %parallel_loop3A_440 = tpu.vector_load %arg7[%parallel_loop3A_439] {strides = array<i32>} : memref<100000xf32, #tpu.memory_space<vmem>>, vector<16xf32>,
          %parallel_loop3A_441 = vector.shape_cast %parallel_loop3A_440 : vector<16xf32> to vector<16xf32>
          %parallel_loop3A_442 = vector.shape_cast %parallel_loop3A_436 : vector<16xf32> to vector<16xf32>
          tpu.vector_store %arg7[%parallel_loop3A_439], %parallel_loop3A_442 {add = true, strides = array<i32>} : memref<100000xf32, #tpu.memory_space<vmem>>, vector<16xf32>,
          %parallel_loop3A_443 = arith.constant 16 : i32
          %parallel_loop3A_444 = arith.muli %parallel_loop3A_443, %parallel_loop3A_88 : i32
          %parallel_loop3A_445 = arith.constant 8 : i32
          %parallel_loop3A_446 = arith.addi %parallel_loop3A_444, %parallel_loop3A_445 : i32
          %parallel_loop3A_447 = arith.index_cast %parallel_loop3A_446 : i32 to index
          %parallel_loop3A_448 = arith.constant 16 : index
          %parallel_loop3A_449 = tpu.vector_load %arg9[%parallel_loop3A_447, %parallel_loop3A_448] {strides = array<i32>} : memref<128x32xf32, #tpu.memory_space<vmem>>, vector<1x16xf32>,
          %parallel_loop3A_450 = vector.shape_cast %parallel_loop3A_449 : vector<1x16xf32> to vector<16xf32>
          %parallel_loop3A_451 = vector.broadcast %parallel_loop3A_422 : f32 to vector<16xf32>
          %parallel_loop3A_452 = arith.mulf %parallel_loop3A_450, %parallel_loop3A_451 : vector<16xf32>
          %parallel_loop3A_453 = arith.constant 16 : i32
          %parallel_loop3A_454 = arith.addi %parallel_loop3A_426, %parallel_loop3A_453 : i32
          %parallel_loop3A_455 = arith.index_cast %parallel_loop3A_454 : i32 to index
          %parallel_loop3A_456 = tpu.vector_load %arg7[%parallel_loop3A_455] {strides = array<i32>} : memref<100000xf32, #tpu.memory_space<vmem>>, vector<16xf32>,
          %parallel_loop3A_457 = vector.shape_cast %parallel_loop3A_456 : vector<16xf32> to vector<16xf32>
          %parallel_loop3A_458 = vector.shape_cast %parallel_loop3A_452 : vector<16xf32> to vector<16xf32>
          tpu.vector_store %arg7[%parallel_loop3A_455], %parallel_loop3A_458 {add = true, strides = array<i32>} : memref<100000xf32, #tpu.memory_space<vmem>>, vector<16xf32>,
          %parallel_loop3A_459 = vector.extract_strided_slice %parallel_loop3A_116 {offsets = [9], sizes = [1], strides = [1]} : vector<16xf32> to vector<1xf32>
          %parallel_loop3A_460 = vector.extract %parallel_loop3A_459[0] : f32 from vector<1xf32>
          %parallel_loop3A_461 = vector.extract_strided_slice %parallel_loop3A_103 {offsets = [9], sizes = [1], strides = [1]} : vector<16xi32> to vector<1xi32>
          %parallel_loop3A_462 = vector.extract %parallel_loop3A_461[0] : i32 from vector<1xi32>
          %parallel_loop3A_463 = arith.constant 32 : i32
          %parallel_loop3A_464 = arith.muli %parallel_loop3A_462, %parallel_loop3A_463 : i32
          %parallel_loop3A_465 = arith.constant 16 : i32
          %parallel_loop3A_466 = arith.muli %parallel_loop3A_465, %parallel_loop3A_88 : i32
          %parallel_loop3A_467 = arith.constant 9 : i32
          %parallel_loop3A_468 = arith.addi %parallel_loop3A_466, %parallel_loop3A_467 : i32
          %parallel_loop3A_469 = arith.index_cast %parallel_loop3A_468 : i32 to index
          %parallel_loop3A_470 = arith.constant 0 : index
          %parallel_loop3A_471 = tpu.vector_load %arg9[%parallel_loop3A_469, %parallel_loop3A_470] {strides = array<i32>} : memref<128x32xf32, #tpu.memory_space<vmem>>, vector<1x16xf32>,
          %parallel_loop3A_472 = vector.shape_cast %parallel_loop3A_471 : vector<1x16xf32> to vector<16xf32>
          %parallel_loop3A_473 = vector.broadcast %parallel_loop3A_460 : f32 to vector<16xf32>
          %parallel_loop3A_474 = arith.mulf %parallel_loop3A_472, %parallel_loop3A_473 : vector<16xf32>
          %parallel_loop3A_475 = arith.constant 0 : i32
          %parallel_loop3A_476 = arith.addi %parallel_loop3A_464, %parallel_loop3A_475 : i32
          %parallel_loop3A_477 = arith.index_cast %parallel_loop3A_476 : i32 to index
          %parallel_loop3A_478 = tpu.vector_load %arg7[%parallel_loop3A_477] {strides = array<i32>} : memref<100000xf32, #tpu.memory_space<vmem>>, vector<16xf32>,
          %parallel_loop3A_479 = vector.shape_cast %parallel_loop3A_478 : vector<16xf32> to vector<16xf32>
          %parallel_loop3A_480 = vector.shape_cast %parallel_loop3A_474 : vector<16xf32> to vector<16xf32>
          tpu.vector_store %arg7[%parallel_loop3A_477], %parallel_loop3A_480 {add = true, strides = array<i32>} : memref<100000xf32, #tpu.memory_space<vmem>>, vector<16xf32>,
          %parallel_loop3A_481 = arith.constant 16 : i32
          %parallel_loop3A_482 = arith.muli %parallel_loop3A_481, %parallel_loop3A_88 : i32
          %parallel_loop3A_483 = arith.constant 9 : i32
          %parallel_loop3A_484 = arith.addi %parallel_loop3A_482, %parallel_loop3A_483 : i32
          %parallel_loop3A_485 = arith.index_cast %parallel_loop3A_484 : i32 to index
          %parallel_loop3A_486 = arith.constant 16 : index
          %parallel_loop3A_487 = tpu.vector_load %arg9[%parallel_loop3A_485, %parallel_loop3A_486] {strides = array<i32>} : memref<128x32xf32, #tpu.memory_space<vmem>>, vector<1x16xf32>,
          %parallel_loop3A_488 = vector.shape_cast %parallel_loop3A_487 : vector<1x16xf32> to vector<16xf32>
          %parallel_loop3A_489 = vector.broadcast %parallel_loop3A_460 : f32 to vector<16xf32>
          %parallel_loop3A_490 = arith.mulf %parallel_loop3A_488, %parallel_loop3A_489 : vector<16xf32>
          %parallel_loop3A_491 = arith.constant 16 : i32
          %parallel_loop3A_492 = arith.addi %parallel_loop3A_464, %parallel_loop3A_491 : i32
          %parallel_loop3A_493 = arith.index_cast %parallel_loop3A_492 : i32 to index
          %parallel_loop3A_494 = tpu.vector_load %arg7[%parallel_loop3A_493] {strides = array<i32>} : memref<100000xf32, #tpu.memory_space<vmem>>, vector<16xf32>,
          %parallel_loop3A_495 = vector.shape_cast %parallel_loop3A_494 : vector<16xf32> to vector<16xf32>
          %parallel_loop3A_496 = vector.shape_cast %parallel_loop3A_490 : vector<16xf32> to vector<16xf32>
          tpu.vector_store %arg7[%parallel_loop3A_493], %parallel_loop3A_496 {add = true, strides = array<i32>} : memref<100000xf32, #tpu.memory_space<vmem>>, vector<16xf32>,
          %parallel_loop3A_497 = vector.extract_strided_slice %parallel_loop3A_116 {offsets = [10], sizes = [1], strides = [1]} : vector<16xf32> to vector<1xf32>
          %parallel_loop3A_498 = vector.extract %parallel_loop3A_497[0] : f32 from vector<1xf32>
          %parallel_loop3A_499 = vector.extract_strided_slice %parallel_loop3A_103 {offsets = [10], sizes = [1], strides = [1]} : vector<16xi32> to vector<1xi32>
          %parallel_loop3A_500 = vector.extract %parallel_loop3A_499[0] : i32 from vector<1xi32>
          %parallel_loop3A_501 = arith.constant 32 : i32
          %parallel_loop3A_502 = arith.muli %parallel_loop3A_500, %parallel_loop3A_501 : i32
          %parallel_loop3A_503 = arith.constant 16 : i32
          %parallel_loop3A_504 = arith.muli %parallel_loop3A_503, %parallel_loop3A_88 : i32
          %parallel_loop3A_505 = arith.constant 10 : i32
          %parallel_loop3A_506 = arith.addi %parallel_loop3A_504, %parallel_loop3A_505 : i32
          %parallel_loop3A_507 = arith.index_cast %parallel_loop3A_506 : i32 to index
          %parallel_loop3A_508 = arith.constant 0 : index
          %parallel_loop3A_509 = tpu.vector_load %arg9[%parallel_loop3A_507, %parallel_loop3A_508] {strides = array<i32>} : memref<128x32xf32, #tpu.memory_space<vmem>>, vector<1x16xf32>,
          %parallel_loop3A_510 = vector.shape_cast %parallel_loop3A_509 : vector<1x16xf32> to vector<16xf32>
          %parallel_loop3A_511 = vector.broadcast %parallel_loop3A_498 : f32 to vector<16xf32>
          %parallel_loop3A_512 = arith.mulf %parallel_loop3A_510, %parallel_loop3A_511 : vector<16xf32>
          %parallel_loop3A_513 = arith.constant 0 : i32
          %parallel_loop3A_514 = arith.addi %parallel_loop3A_502, %parallel_loop3A_513 : i32
          %parallel_loop3A_515 = arith.index_cast %parallel_loop3A_514 : i32 to index
          %parallel_loop3A_516 = tpu.vector_load %arg7[%parallel_loop3A_515] {strides = array<i32>} : memref<100000xf32, #tpu.memory_space<vmem>>, vector<16xf32>,
          %parallel_loop3A_517 = vector.shape_cast %parallel_loop3A_516 : vector<16xf32> to vector<16xf32>
          %parallel_loop3A_518 = vector.shape_cast %parallel_loop3A_512 : vector<16xf32> to vector<16xf32>
          tpu.vector_store %arg7[%parallel_loop3A_515], %parallel_loop3A_518 {add = true, strides = array<i32>} : memref<100000xf32, #tpu.memory_space<vmem>>, vector<16xf32>,
          %parallel_loop3A_519 = arith.constant 16 : i32
          %parallel_loop3A_520 = arith.muli %parallel_loop3A_519, %parallel_loop3A_88 : i32
          %parallel_loop3A_521 = arith.constant 10 : i32
          %parallel_loop3A_522 = arith.addi %parallel_loop3A_520, %parallel_loop3A_521 : i32
          %parallel_loop3A_523 = arith.index_cast %parallel_loop3A_522 : i32 to index
          %parallel_loop3A_524 = arith.constant 16 : index
          %parallel_loop3A_525 = tpu.vector_load %arg9[%parallel_loop3A_523, %parallel_loop3A_524] {strides = array<i32>} : memref<128x32xf32, #tpu.memory_space<vmem>>, vector<1x16xf32>,
          %parallel_loop3A_526 = vector.shape_cast %parallel_loop3A_525 : vector<1x16xf32> to vector<16xf32>
          %parallel_loop3A_527 = vector.broadcast %parallel_loop3A_498 : f32 to vector<16xf32>
          %parallel_loop3A_528 = arith.mulf %parallel_loop3A_526, %parallel_loop3A_527 : vector<16xf32>
          %parallel_loop3A_529 = arith.constant 16 : i32
          %parallel_loop3A_530 = arith.addi %parallel_loop3A_502, %parallel_loop3A_529 : i32
          %parallel_loop3A_531 = arith.index_cast %parallel_loop3A_530 : i32 to index
          %parallel_loop3A_532 = tpu.vector_load %arg7[%parallel_loop3A_531] {strides = array<i32>} : memref<100000xf32, #tpu.memory_space<vmem>>, vector<16xf32>,
          %parallel_loop3A_533 = vector.shape_cast %parallel_loop3A_532 : vector<16xf32> to vector<16xf32>
          %parallel_loop3A_534 = vector.shape_cast %parallel_loop3A_528 : vector<16xf32> to vector<16xf32>
          tpu.vector_store %arg7[%parallel_loop3A_531], %parallel_loop3A_534 {add = true, strides = array<i32>} : memref<100000xf32, #tpu.memory_space<vmem>>, vector<16xf32>,
          %parallel_loop3A_535 = vector.extract_strided_slice %parallel_loop3A_116 {offsets = [11], sizes = [1], strides = [1]} : vector<16xf32> to vector<1xf32>
          %parallel_loop3A_536 = vector.extract %parallel_loop3A_535[0] : f32 from vector<1xf32>
          %parallel_loop3A_537 = vector.extract_strided_slice %parallel_loop3A_103 {offsets = [11], sizes = [1], strides = [1]} : vector<16xi32> to vector<1xi32>
          %parallel_loop3A_538 = vector.extract %parallel_loop3A_537[0] : i32 from vector<1xi32>
          %parallel_loop3A_539 = arith.constant 32 : i32
          %parallel_loop3A_540 = arith.muli %parallel_loop3A_538, %parallel_loop3A_539 : i32
          %parallel_loop3A_541 = arith.constant 16 : i32
          %parallel_loop3A_542 = arith.muli %parallel_loop3A_541, %parallel_loop3A_88 : i32
          %parallel_loop3A_543 = arith.constant 11 : i32
          %parallel_loop3A_544 = arith.addi %parallel_loop3A_542, %parallel_loop3A_543 : i32
          %parallel_loop3A_545 = arith.index_cast %parallel_loop3A_544 : i32 to index
          %parallel_loop3A_546 = arith.constant 0 : index
          %parallel_loop3A_547 = tpu.vector_load %arg9[%parallel_loop3A_545, %parallel_loop3A_546] {strides = array<i32>} : memref<128x32xf32, #tpu.memory_space<vmem>>, vector<1x16xf32>,
          %parallel_loop3A_548 = vector.shape_cast %parallel_loop3A_547 : vector<1x16xf32> to vector<16xf32>
          %parallel_loop3A_549 = vector.broadcast %parallel_loop3A_536 : f32 to vector<16xf32>
          %parallel_loop3A_550 = arith.mulf %parallel_loop3A_548, %parallel_loop3A_549 : vector<16xf32>
          %parallel_loop3A_551 = arith.constant 0 : i32
          %parallel_loop3A_552 = arith.addi %parallel_loop3A_540, %parallel_loop3A_551 : i32
          %parallel_loop3A_553 = arith.index_cast %parallel_loop3A_552 : i32 to index
          %parallel_loop3A_554 = tpu.vector_load %arg7[%parallel_loop3A_553] {strides = array<i32>} : memref<100000xf32, #tpu.memory_space<vmem>>, vector<16xf32>,
          %parallel_loop3A_555 = vector.shape_cast %parallel_loop3A_554 : vector<16xf32> to vector<16xf32>
          %parallel_loop3A_556 = vector.shape_cast %parallel_loop3A_550 : vector<16xf32> to vector<16xf32>
          tpu.vector_store %arg7[%parallel_loop3A_553], %parallel_loop3A_556 {add = true, strides = array<i32>} : memref<100000xf32, #tpu.memory_space<vmem>>, vector<16xf32>,
          %parallel_loop3A_557 = arith.constant 16 : i32
          %parallel_loop3A_558 = arith.muli %parallel_loop3A_557, %parallel_loop3A_88 : i32
          %parallel_loop3A_559 = arith.constant 11 : i32
          %parallel_loop3A_560 = arith.addi %parallel_loop3A_558, %parallel_loop3A_559 : i32
          %parallel_loop3A_561 = arith.index_cast %parallel_loop3A_560 : i32 to index
          %parallel_loop3A_562 = arith.constant 16 : index
          %parallel_loop3A_563 = tpu.vector_load %arg9[%parallel_loop3A_561, %parallel_loop3A_562] {strides = array<i32>} : memref<128x32xf32, #tpu.memory_space<vmem>>, vector<1x16xf32>,
          %parallel_loop3A_564 = vector.shape_cast %parallel_loop3A_563 : vector<1x16xf32> to vector<16xf32>
          %parallel_loop3A_565 = vector.broadcast %parallel_loop3A_536 : f32 to vector<16xf32>
          %parallel_loop3A_566 = arith.mulf %parallel_loop3A_564, %parallel_loop3A_565 : vector<16xf32>
          %parallel_loop3A_567 = arith.constant 16 : i32
          %parallel_loop3A_568 = arith.addi %parallel_loop3A_540, %parallel_loop3A_567 : i32
          %parallel_loop3A_569 = arith.index_cast %parallel_loop3A_568 : i32 to index
          %parallel_loop3A_570 = tpu.vector_load %arg7[%parallel_loop3A_569] {strides = array<i32>} : memref<100000xf32, #tpu.memory_space<vmem>>, vector<16xf32>,
          %parallel_loop3A_571 = vector.shape_cast %parallel_loop3A_570 : vector<16xf32> to vector<16xf32>
          %parallel_loop3A_572 = vector.shape_cast %parallel_loop3A_566 : vector<16xf32> to vector<16xf32>
          tpu.vector_store %arg7[%parallel_loop3A_569], %parallel_loop3A_572 {add = true, strides = array<i32>} : memref<100000xf32, #tpu.memory_space<vmem>>, vector<16xf32>,
          %parallel_loop3A_573 = vector.extract_strided_slice %parallel_loop3A_116 {offsets = [12], sizes = [1], strides = [1]} : vector<16xf32> to vector<1xf32>
          %parallel_loop3A_574 = vector.extract %parallel_loop3A_573[0] : f32 from vector<1xf32>
          %parallel_loop3A_575 = vector.extract_strided_slice %parallel_loop3A_103 {offsets = [12], sizes = [1], strides = [1]} : vector<16xi32> to vector<1xi32>
          %parallel_loop3A_576 = vector.extract %parallel_loop3A_575[0] : i32 from vector<1xi32>
          %parallel_loop3A_577 = arith.constant 32 : i32
          %parallel_loop3A_578 = arith.muli %parallel_loop3A_576, %parallel_loop3A_577 : i32
          %parallel_loop3A_579 = arith.constant 16 : i32
          %parallel_loop3A_580 = arith.muli %parallel_loop3A_579, %parallel_loop3A_88 : i32
          %parallel_loop3A_581 = arith.constant 12 : i32
          %parallel_loop3A_582 = arith.addi %parallel_loop3A_580, %parallel_loop3A_581 : i32
          %parallel_loop3A_583 = arith.index_cast %parallel_loop3A_582 : i32 to index
          %parallel_loop3A_584 = arith.constant 0 : index
          %parallel_loop3A_585 = tpu.vector_load %arg9[%parallel_loop3A_583, %parallel_loop3A_584] {strides = array<i32>} : memref<128x32xf32, #tpu.memory_space<vmem>>, vector<1x16xf32>,
          %parallel_loop3A_586 = vector.shape_cast %parallel_loop3A_585 : vector<1x16xf32> to vector<16xf32>
          %parallel_loop3A_587 = vector.broadcast %parallel_loop3A_574 : f32 to vector<16xf32>
          %parallel_loop3A_588 = arith.mulf %parallel_loop3A_586, %parallel_loop3A_587 : vector<16xf32>
          %parallel_loop3A_589 = arith.constant 0 : i32
          %parallel_loop3A_590 = arith.addi %parallel_loop3A_578, %parallel_loop3A_589 : i32
          %parallel_loop3A_591 = arith.index_cast %parallel_loop3A_590 : i32 to index
          %parallel_loop3A_592 = tpu.vector_load %arg7[%parallel_loop3A_591] {strides = array<i32>} : memref<100000xf32, #tpu.memory_space<vmem>>, vector<16xf32>,
          %parallel_loop3A_593 = vector.shape_cast %parallel_loop3A_592 : vector<16xf32> to vector<16xf32>
          %parallel_loop3A_594 = vector.shape_cast %parallel_loop3A_588 : vector<16xf32> to vector<16xf32>
          tpu.vector_store %arg7[%parallel_loop3A_591], %parallel_loop3A_594 {add = true, strides = array<i32>} : memref<100000xf32, #tpu.memory_space<vmem>>, vector<16xf32>,
          %parallel_loop3A_595 = arith.constant 16 : i32
          %parallel_loop3A_596 = arith.muli %parallel_loop3A_595, %parallel_loop3A_88 : i32
          %parallel_loop3A_597 = arith.constant 12 : i32
          %parallel_loop3A_598 = arith.addi %parallel_loop3A_596, %parallel_loop3A_597 : i32
          %parallel_loop3A_599 = arith.index_cast %parallel_loop3A_598 : i32 to index
          %parallel_loop3A_600 = arith.constant 16 : index
          %parallel_loop3A_601 = tpu.vector_load %arg9[%parallel_loop3A_599, %parallel_loop3A_600] {strides = array<i32>} : memref<128x32xf32, #tpu.memory_space<vmem>>, vector<1x16xf32>,
          %parallel_loop3A_602 = vector.shape_cast %parallel_loop3A_601 : vector<1x16xf32> to vector<16xf32>
          %parallel_loop3A_603 = vector.broadcast %parallel_loop3A_574 : f32 to vector<16xf32>
          %parallel_loop3A_604 = arith.mulf %parallel_loop3A_602, %parallel_loop3A_603 : vector<16xf32>
          %parallel_loop3A_605 = arith.constant 16 : i32
          %parallel_loop3A_606 = arith.addi %parallel_loop3A_578, %parallel_loop3A_605 : i32
          %parallel_loop3A_607 = arith.index_cast %parallel_loop3A_606 : i32 to index
          %parallel_loop3A_608 = tpu.vector_load %arg7[%parallel_loop3A_607] {strides = array<i32>} : memref<100000xf32, #tpu.memory_space<vmem>>, vector<16xf32>,
          %parallel_loop3A_609 = vector.shape_cast %parallel_loop3A_608 : vector<16xf32> to vector<16xf32>
          %parallel_loop3A_610 = vector.shape_cast %parallel_loop3A_604 : vector<16xf32> to vector<16xf32>
          tpu.vector_store %arg7[%parallel_loop3A_607], %parallel_loop3A_610 {add = true, strides = array<i32>} : memref<100000xf32, #tpu.memory_space<vmem>>, vector<16xf32>,
          %parallel_loop3A_611 = vector.extract_strided_slice %parallel_loop3A_116 {offsets = [13], sizes = [1], strides = [1]} : vector<16xf32> to vector<1xf32>
          %parallel_loop3A_612 = vector.extract %parallel_loop3A_611[0] : f32 from vector<1xf32>
          %parallel_loop3A_613 = vector.extract_strided_slice %parallel_loop3A_103 {offsets = [13], sizes = [1], strides = [1]} : vector<16xi32> to vector<1xi32>
          %parallel_loop3A_614 = vector.extract %parallel_loop3A_613[0] : i32 from vector<1xi32>
          %parallel_loop3A_615 = arith.constant 32 : i32
          %parallel_loop3A_616 = arith.muli %parallel_loop3A_614, %parallel_loop3A_615 : i32
          %parallel_loop3A_617 = arith.constant 16 : i32
          %parallel_loop3A_618 = arith.muli %parallel_loop3A_617, %parallel_loop3A_88 : i32
          %parallel_loop3A_619 = arith.constant 13 : i32
          %parallel_loop3A_620 = arith.addi %parallel_loop3A_618, %parallel_loop3A_619 : i32
          %parallel_loop3A_621 = arith.index_cast %parallel_loop3A_620 : i32 to index
          %parallel_loop3A_622 = arith.constant 0 : index
          %parallel_loop3A_623 = tpu.vector_load %arg9[%parallel_loop3A_621, %parallel_loop3A_622] {strides = array<i32>} : memref<128x32xf32, #tpu.memory_space<vmem>>, vector<1x16xf32>,
          %parallel_loop3A_624 = vector.shape_cast %parallel_loop3A_623 : vector<1x16xf32> to vector<16xf32>
          %parallel_loop3A_625 = vector.broadcast %parallel_loop3A_612 : f32 to vector<16xf32>
          %parallel_loop3A_626 = arith.mulf %parallel_loop3A_624, %parallel_loop3A_625 : vector<16xf32>
          %parallel_loop3A_627 = arith.constant 0 : i32
          %parallel_loop3A_628 = arith.addi %parallel_loop3A_616, %parallel_loop3A_627 : i32
          %parallel_loop3A_629 = arith.index_cast %parallel_loop3A_628 : i32 to index
          %parallel_loop3A_630 = tpu.vector_load %arg7[%parallel_loop3A_629] {strides = array<i32>} : memref<100000xf32, #tpu.memory_space<vmem>>, vector<16xf32>,
          %parallel_loop3A_631 = vector.shape_cast %parallel_loop3A_630 : vector<16xf32> to vector<16xf32>
          %parallel_loop3A_632 = vector.shape_cast %parallel_loop3A_626 : vector<16xf32> to vector<16xf32>
          tpu.vector_store %arg7[%parallel_loop3A_629], %parallel_loop3A_632 {add = true, strides = array<i32>} : memref<100000xf32, #tpu.memory_space<vmem>>, vector<16xf32>,
          %parallel_loop3A_633 = arith.constant 16 : i32
          %parallel_loop3A_634 = arith.muli %parallel_loop3A_633, %parallel_loop3A_88 : i32
          %parallel_loop3A_635 = arith.constant 13 : i32
          %parallel_loop3A_636 = arith.addi %parallel_loop3A_634, %parallel_loop3A_635 : i32
          %parallel_loop3A_637 = arith.index_cast %parallel_loop3A_636 : i32 to index
          %parallel_loop3A_638 = arith.constant 16 : index
          %parallel_loop3A_639 = tpu.vector_load %arg9[%parallel_loop3A_637, %parallel_loop3A_638] {strides = array<i32>} : memref<128x32xf32, #tpu.memory_space<vmem>>, vector<1x16xf32>,
          %parallel_loop3A_640 = vector.shape_cast %parallel_loop3A_639 : vector<1x16xf32> to vector<16xf32>
          %parallel_loop3A_641 = vector.broadcast %parallel_loop3A_612 : f32 to vector<16xf32>
          %parallel_loop3A_642 = arith.mulf %parallel_loop3A_640, %parallel_loop3A_641 : vector<16xf32>
          %parallel_loop3A_643 = arith.constant 16 : i32
          %parallel_loop3A_644 = arith.addi %parallel_loop3A_616, %parallel_loop3A_643 : i32
          %parallel_loop3A_645 = arith.index_cast %parallel_loop3A_644 : i32 to index
          %parallel_loop3A_646 = tpu.vector_load %arg7[%parallel_loop3A_645] {strides = array<i32>} : memref<100000xf32, #tpu.memory_space<vmem>>, vector<16xf32>,
          %parallel_loop3A_647 = vector.shape_cast %parallel_loop3A_646 : vector<16xf32> to vector<16xf32>
          %parallel_loop3A_648 = vector.shape_cast %parallel_loop3A_642 : vector<16xf32> to vector<16xf32>
          tpu.vector_store %arg7[%parallel_loop3A_645], %parallel_loop3A_648 {add = true, strides = array<i32>} : memref<100000xf32, #tpu.memory_space<vmem>>, vector<16xf32>,
          %parallel_loop3A_649 = vector.extract_strided_slice %parallel_loop3A_116 {offsets = [14], sizes = [1], strides = [1]} : vector<16xf32> to vector<1xf32>
          %parallel_loop3A_650 = vector.extract %parallel_loop3A_649[0] : f32 from vector<1xf32>
          %parallel_loop3A_651 = vector.extract_strided_slice %parallel_loop3A_103 {offsets = [14], sizes = [1], strides = [1]} : vector<16xi32> to vector<1xi32>
          %parallel_loop3A_652 = vector.extract %parallel_loop3A_651[0] : i32 from vector<1xi32>
          %parallel_loop3A_653 = arith.constant 32 : i32
          %parallel_loop3A_654 = arith.muli %parallel_loop3A_652, %parallel_loop3A_653 : i32
          %parallel_loop3A_655 = arith.constant 16 : i32
          %parallel_loop3A_656 = arith.muli %parallel_loop3A_655, %parallel_loop3A_88 : i32
          %parallel_loop3A_657 = arith.constant 14 : i32
          %parallel_loop3A_658 = arith.addi %parallel_loop3A_656, %parallel_loop3A_657 : i32
          %parallel_loop3A_659 = arith.index_cast %parallel_loop3A_658 : i32 to index
          %parallel_loop3A_660 = arith.constant 0 : index
          %parallel_loop3A_661 = tpu.vector_load %arg9[%parallel_loop3A_659, %parallel_loop3A_660] {strides = array<i32>} : memref<128x32xf32, #tpu.memory_space<vmem>>, vector<1x16xf32>,
          %parallel_loop3A_662 = vector.shape_cast %parallel_loop3A_661 : vector<1x16xf32> to vector<16xf32>
          %parallel_loop3A_663 = vector.broadcast %parallel_loop3A_650 : f32 to vector<16xf32>
          %parallel_loop3A_664 = arith.mulf %parallel_loop3A_662, %parallel_loop3A_663 : vector<16xf32>
          %parallel_loop3A_665 = arith.constant 0 : i32
          %parallel_loop3A_666 = arith.addi %parallel_loop3A_654, %parallel_loop3A_665 : i32
          %parallel_loop3A_667 = arith.index_cast %parallel_loop3A_666 : i32 to index
          %parallel_loop3A_668 = tpu.vector_load %arg7[%parallel_loop3A_667] {strides = array<i32>} : memref<100000xf32, #tpu.memory_space<vmem>>, vector<16xf32>,
          %parallel_loop3A_669 = vector.shape_cast %parallel_loop3A_668 : vector<16xf32> to vector<16xf32>
          %parallel_loop3A_670 = vector.shape_cast %parallel_loop3A_664 : vector<16xf32> to vector<16xf32>
          tpu.vector_store %arg7[%parallel_loop3A_667], %parallel_loop3A_670 {add = true, strides = array<i32>} : memref<100000xf32, #tpu.memory_space<vmem>>, vector<16xf32>,
          %parallel_loop3A_671 = arith.constant 16 : i32
          %parallel_loop3A_672 = arith.muli %parallel_loop3A_671, %parallel_loop3A_88 : i32
          %parallel_loop3A_673 = arith.constant 14 : i32
          %parallel_loop3A_674 = arith.addi %parallel_loop3A_672, %parallel_loop3A_673 : i32
          %parallel_loop3A_675 = arith.index_cast %parallel_loop3A_674 : i32 to index
          %parallel_loop3A_676 = arith.constant 16 : index
          %parallel_loop3A_677 = tpu.vector_load %arg9[%parallel_loop3A_675, %parallel_loop3A_676] {strides = array<i32>} : memref<128x32xf32, #tpu.memory_space<vmem>>, vector<1x16xf32>,
          %parallel_loop3A_678 = vector.shape_cast %parallel_loop3A_677 : vector<1x16xf32> to vector<16xf32>
          %parallel_loop3A_679 = vector.broadcast %parallel_loop3A_650 : f32 to vector<16xf32>
          %parallel_loop3A_680 = arith.mulf %parallel_loop3A_678, %parallel_loop3A_679 : vector<16xf32>
          %parallel_loop3A_681 = arith.constant 16 : i32
          %parallel_loop3A_682 = arith.addi %parallel_loop3A_654, %parallel_loop3A_681 : i32
          %parallel_loop3A_683 = arith.index_cast %parallel_loop3A_682 : i32 to index
          %parallel_loop3A_684 = tpu.vector_load %arg7[%parallel_loop3A_683] {strides = array<i32>} : memref<100000xf32, #tpu.memory_space<vmem>>, vector<16xf32>,
          %parallel_loop3A_685 = vector.shape_cast %parallel_loop3A_684 : vector<16xf32> to vector<16xf32>
          %parallel_loop3A_686 = vector.shape_cast %parallel_loop3A_680 : vector<16xf32> to vector<16xf32>
          tpu.vector_store %arg7[%parallel_loop3A_683], %parallel_loop3A_686 {add = true, strides = array<i32>} : memref<100000xf32, #tpu.memory_space<vmem>>, vector<16xf32>,
          %parallel_loop3A_687 = vector.extract_strided_slice %parallel_loop3A_116 {offsets = [15], sizes = [1], strides = [1]} : vector<16xf32> to vector<1xf32>
          %parallel_loop3A_688 = vector.extract %parallel_loop3A_687[0] : f32 from vector<1xf32>
          %parallel_loop3A_689 = vector.extract_strided_slice %parallel_loop3A_103 {offsets = [15], sizes = [1], strides = [1]} : vector<16xi32> to vector<1xi32>
          %parallel_loop3A_690 = vector.extract %parallel_loop3A_689[0] : i32 from vector<1xi32>
          %parallel_loop3A_691 = arith.constant 32 : i32
          %parallel_loop3A_692 = arith.muli %parallel_loop3A_690, %parallel_loop3A_691 : i32
          %parallel_loop3A_693 = arith.constant 16 : i32
          %parallel_loop3A_694 = arith.muli %parallel_loop3A_693, %parallel_loop3A_88 : i32
          %parallel_loop3A_695 = arith.constant 15 : i32
          %parallel_loop3A_696 = arith.addi %parallel_loop3A_694, %parallel_loop3A_695 : i32
          %parallel_loop3A_697 = arith.index_cast %parallel_loop3A_696 : i32 to index
          %parallel_loop3A_698 = arith.constant 0 : index
          %parallel_loop3A_699 = tpu.vector_load %arg9[%parallel_loop3A_697, %parallel_loop3A_698] {strides = array<i32>} : memref<128x32xf32, #tpu.memory_space<vmem>>, vector<1x16xf32>,
          %parallel_loop3A_700 = vector.shape_cast %parallel_loop3A_699 : vector<1x16xf32> to vector<16xf32>
          %parallel_loop3A_701 = vector.broadcast %parallel_loop3A_688 : f32 to vector<16xf32>
          %parallel_loop3A_702 = arith.mulf %parallel_loop3A_700, %parallel_loop3A_701 : vector<16xf32>
          %parallel_loop3A_703 = arith.constant 0 : i32
          %parallel_loop3A_704 = arith.addi %parallel_loop3A_692, %parallel_loop3A_703 : i32
          %parallel_loop3A_705 = arith.index_cast %parallel_loop3A_704 : i32 to index
          %parallel_loop3A_706 = tpu.vector_load %arg7[%parallel_loop3A_705] {strides = array<i32>} : memref<100000xf32, #tpu.memory_space<vmem>>, vector<16xf32>,
          %parallel_loop3A_707 = vector.shape_cast %parallel_loop3A_706 : vector<16xf32> to vector<16xf32>
          %parallel_loop3A_708 = vector.shape_cast %parallel_loop3A_702 : vector<16xf32> to vector<16xf32>
          tpu.vector_store %arg7[%parallel_loop3A_705], %parallel_loop3A_708 {add = true, strides = array<i32>} : memref<100000xf32, #tpu.memory_space<vmem>>, vector<16xf32>,
          %parallel_loop3A_709 = arith.constant 16 : i32
          %parallel_loop3A_710 = arith.muli %parallel_loop3A_709, %parallel_loop3A_88 : i32
          %parallel_loop3A_711 = arith.constant 15 : i32
          %parallel_loop3A_712 = arith.addi %parallel_loop3A_710, %parallel_loop3A_711 : i32
          %parallel_loop3A_713 = arith.index_cast %parallel_loop3A_712 : i32 to index
          %parallel_loop3A_714 = arith.constant 16 : index
          %parallel_loop3A_715 = tpu.vector_load %arg9[%parallel_loop3A_713, %parallel_loop3A_714] {strides = array<i32>} : memref<128x32xf32, #tpu.memory_space<vmem>>, vector<1x16xf32>,
          %parallel_loop3A_716 = vector.shape_cast %parallel_loop3A_715 : vector<1x16xf32> to vector<16xf32>
          %parallel_loop3A_717 = vector.broadcast %parallel_loop3A_688 : f32 to vector<16xf32>
          %parallel_loop3A_718 = arith.mulf %parallel_loop3A_716, %parallel_loop3A_717 : vector<16xf32>
          %parallel_loop3A_719 = arith.constant 16 : i32
          %parallel_loop3A_720 = arith.addi %parallel_loop3A_692, %parallel_loop3A_719 : i32
          %parallel_loop3A_721 = arith.index_cast %parallel_loop3A_720 : i32 to index
          %parallel_loop3A_722 = tpu.vector_load %arg7[%parallel_loop3A_721] {strides = array<i32>} : memref<100000xf32, #tpu.memory_space<vmem>>, vector<16xf32>,
          %parallel_loop3A_723 = vector.shape_cast %parallel_loop3A_722 : vector<16xf32> to vector<16xf32>
          %parallel_loop3A_724 = vector.shape_cast %parallel_loop3A_718 : vector<16xf32> to vector<16xf32>
          tpu.vector_store %arg7[%parallel_loop3A_721], %parallel_loop3A_724 {add = true, strides = array<i32>} : memref<100000xf32, #tpu.memory_space<vmem>>, vector<16xf32>,
        } {sc.loop_unroll_factor = 8 : i64, sc.parallel_access}
        %add3A_82 = arith.constant 2 : i32
        %add3A_83 = arith.addi %add3A_63, %add3A_82 : i32
        %lt3A_84 = arith.cmpi slt, %add3A_83, %add3A_13 : i32
        %convert_element_type3A_85 = arith.extui %lt3A_84 : i1 to i32
        %cond3A_86 = arith.constant 0 : i32
        %cond3A_87 = arith.cmpi ne, %convert_element_type3A_85, %cond3A_86 : i32
        scf.if %cond3A_87 {
          %add3A_88 = arith.constant 2 : i32
          %add3A_89 = arith.addi %add3A_63, %add3A_88 : i32
          %mul3A_90 = arith.constant 384 : i32
          %mul3A_91 = arith.muli %add3A_89, %mul3A_90 : i32
          %dma_start3A = tpu.memref_slice %arg4[%mul3A_91] : memref<4800768xi32, #tpu.memory_space<hbm>> -> memref<384xi32, #tpu.memory_space<hbm>>
          %dma_start3A_92 = tpu.memref_slice %arg4[%mul3A_91] : memref<4800768xi32, #tpu.memory_space<hbm>> -> memref<384xi32, #tpu.memory_space<hbm>>
          tpu.enqueue_dma source(%dma_start3A_92 : memref<384xi32, #tpu.memory_space<hbm>>) target(%arg11 : memref<384xi32, #tpu.memory_space<vmem>>) target_semaphore(%arg16 : memref<!tpu.dma_semaphore, #tpu.memory_space<semaphore_mem>>)
        } else {
        }
      } else {
      }
    }
    %while3A_52 = arith.constant 1 : i32
    scf.for %while3A_53 = %while3A_50 to %while3A_46 step %while3A_52  : i32 {
      %mul3A_54 = arith.constant 2 : i32
      %mul3A_55 = arith.muli %mul3A_54, %while3A_53 : i32
      %add3A_56 = arith.addi %squeeze3A, %mul3A_55 : i32
      %add3A_57 = arith.constant 0 : i32
      %add3A_58 = arith.addi %add3A_56, %add3A_57 : i32
      %lt3A = arith.cmpi slt, %add3A_58, %add3A_13 : i32
      %convert_element_type3A_59 = arith.extui %lt3A : i1 to i32
      %cond3A_60 = arith.constant 0 : i32
      %cond3A_61 = arith.cmpi ne, %convert_element_type3A_59, %cond3A_60 : i32
      scf.if %cond3A_61 {
        %dma_wait3A = arith.constant 0 : i32
        %dma_wait3A_68 = tpu.memref_slice %arg10[%dma_wait3A] : memref<384xi32, #tpu.memory_space<vmem>> -> memref<128xi32, #tpu.memory_space<vmem>>
        %dma_wait3A_69 = arith.constant 0 : i32
        %dma_wait3A_70 = arith.constant 0 : i32
        %dma_wait3A_71 = tpu.memref_slice %arg2[%dma_wait3A_69, %dma_wait3A_70] : memref<100000x32xf32, #tpu.memory_space<hbm>> -> memref<100000x32xf32, #tpu.memory_space<hbm>>
        tpu.wait_indirect_dma semaphore(%arg13 : memref<!tpu.dma_semaphore, #tpu.memory_space<semaphore_mem>>) src(%dma_wait3A_71 : memref<100000x32xf32, #tpu.memory_space<hbm>>) dst(%arg8 : memref<128x32xf32, #tpu.memory_space<vmem>>)
        %add3A_72 = arith.constant 1 : i32
        %add3A_73 = arith.addi %add3A_58, %add3A_72 : i32
        %lt3A_74 = arith.cmpi slt, %add3A_73, %add3A_13 : i32
        %convert_element_type3A_75 = arith.extui %lt3A_74 : i1 to i32
        %cond3A_76 = arith.constant 0 : i32
        %cond3A_77 = arith.cmpi ne, %convert_element_type3A_75, %cond3A_76 : i32
        scf.if %cond3A_77 {
          %add3A_88 = arith.constant 1 : i32
          %add3A_89 = arith.addi %add3A_58, %add3A_88 : i32
          %mul3A_90 = arith.constant 384 : i32
          %mul3A_91 = arith.muli %add3A_89, %mul3A_90 : i32
          %dma_wait3A_92 = tpu.memref_slice %arg4[%mul3A_91] : memref<4800768xi32, #tpu.memory_space<hbm>> -> memref<384xi32, #tpu.memory_space<hbm>>
          %dma_wait3A_93 = tpu.memref_slice %arg4[%mul3A_91] : memref<4800768xi32, #tpu.memory_space<hbm>> -> memref<384xi32, #tpu.memory_space<hbm>>
          tpu.wait_dma2 semaphore(%arg16 : memref<!tpu.dma_semaphore, #tpu.memory_space<semaphore_mem>>) src(%dma_wait3A_93 : memref<384xi32, #tpu.memory_space<hbm>>) dst(%arg11 : memref<384xi32, #tpu.memory_space<vmem>>)
          %dma_start3A = arith.constant 0 : i32
          %dma_start3A_94 = tpu.memref_slice %arg11[%dma_start3A] : memref<384xi32, #tpu.memory_space<vmem>> -> memref<128xi32, #tpu.memory_space<vmem>>
          %dma_start3A_95 = arith.constant 0 : i32
          %dma_start3A_96 = arith.constant 0 : i32
          %dma_start3A_97 = tpu.memref_slice %arg2[%dma_start3A_95, %dma_start3A_96] : memref<100000x32xf32, #tpu.memory_space<hbm>> -> memref<100000x32xf32, #tpu.memory_space<hbm>>
          tpu.enqueue_indirect_dma source(%dma_start3A_97 : memref<100000x32xf32, #tpu.memory_space<hbm>>) target(%arg9 : memref<128x32xf32, #tpu.memory_space<vmem>>) offsets(%dma_start3A_94 : memref<128xi32, #tpu.memory_space<vmem>>) semaphore(%arg14 : memref<!tpu.dma_semaphore, #tpu.memory_space<semaphore_mem>>)
        } else {
        }
        %mul3A_78 = arith.constant 128 : i32
        %mul3A_79 = arith.muli %add3A_58, %mul3A_78 : i32
        %parallel_loop3A = arith.constant 0 : i32
        %parallel_loop3A_80 = arith.constant 8 : i32
        %parallel_loop3A_81 = arith.constant 1 : i32
        scf.for %parallel_loop3A_88 = %parallel_loop3A to %parallel_loop3A_80 step %parallel_loop3A_81  : i32 {
          %parallel_loop3A_89 = arith.constant 16 : i32
          %parallel_loop3A_90 = arith.muli %parallel_loop3A_89, %parallel_loop3A_88 : i32
          %parallel_loop3A_91 = arith.constant 128 : i32
          %parallel_loop3A_92 = arith.addi %parallel_loop3A_91, %parallel_loop3A_90 : i32
          %parallel_loop3A_93 = arith.index_cast %parallel_loop3A_92 : i32 to index
          %parallel_loop3A_94 = tpu.vector_load %arg10[%parallel_loop3A_93] {strides = array<i32>} : memref<384xi32, #tpu.memory_space<vmem>>, vector<16xi32>,
          %parallel_loop3A_95 = vector.shape_cast %parallel_loop3A_94 : vector<16xi32> to vector<16xi32>
          %parallel_loop3A_96 = tpu.bitcast %parallel_loop3A_95 : vector<16xi32> -> vector<16xf32>
          %parallel_loop3A_97 = arith.constant 16 : i32
          %parallel_loop3A_98 = arith.muli %parallel_loop3A_97, %parallel_loop3A_88 : i32
          %parallel_loop3A_99 = arith.constant 256 : i32
          %parallel_loop3A_100 = arith.addi %parallel_loop3A_99, %parallel_loop3A_98 : i32
          %parallel_loop3A_101 = arith.index_cast %parallel_loop3A_100 : i32 to index
          %parallel_loop3A_102 = tpu.vector_load %arg10[%parallel_loop3A_101] {strides = array<i32>} : memref<384xi32, #tpu.memory_space<vmem>>, vector<16xi32>,
          %parallel_loop3A_103 = vector.shape_cast %parallel_loop3A_102 : vector<16xi32> to vector<16xi32>
          %parallel_loop3A_104 = arith.constant 16 : i32
          %parallel_loop3A_105 = arith.muli %parallel_loop3A_104, %parallel_loop3A_88 : i32
          %parallel_loop3A_106 = arith.addi %mul3A_79, %parallel_loop3A_105 : i32
          %parallel_loop3A_107 = vector.broadcast %parallel_loop3A_106 : i32 to vector<16xi32>
          %parallel_loop3A_108 = arith.addi %iota3A, %parallel_loop3A_107 : vector<16xi32>
          %parallel_loop3A_109 = vector.broadcast %squeeze3A_10 : i32 to vector<16xi32>
          %parallel_loop3A_110 = arith.cmpi sge, %parallel_loop3A_108, %parallel_loop3A_109 : vector<16xi32>
          %parallel_loop3A_111 = vector.broadcast %squeeze3A_12 : i32 to vector<16xi32>
          %parallel_loop3A_112 = arith.cmpi slt, %parallel_loop3A_108, %parallel_loop3A_111 : vector<16xi32>
          %parallel_loop3A_113 = arith.andi %parallel_loop3A_110, %parallel_loop3A_112 : vector<16xi1>
          %parallel_loop3A_114 = arith.constant 0.000000e+00 : f32
          %parallel_loop3A_115 = vector.broadcast %parallel_loop3A_114 : f32 to vector<16xf32>
          %parallel_loop3A_116 = arith.select %parallel_loop3A_113, %parallel_loop3A_96, %parallel_loop3A_115 : vector<16xi1>, vector<16xf32>
          %parallel_loop3A_117 = vector.extract_strided_slice %parallel_loop3A_116 {offsets = [0], sizes = [1], strides = [1]} : vector<16xf32> to vector<1xf32>
          %parallel_loop3A_118 = vector.extract %parallel_loop3A_117[0] : f32 from vector<1xf32>
          %parallel_loop3A_119 = vector.extract_strided_slice %parallel_loop3A_103 {offsets = [0], sizes = [1], strides = [1]} : vector<16xi32> to vector<1xi32>
          %parallel_loop3A_120 = vector.extract %parallel_loop3A_119[0] : i32 from vector<1xi32>
          %parallel_loop3A_121 = arith.constant 32 : i32
          %parallel_loop3A_122 = arith.muli %parallel_loop3A_120, %parallel_loop3A_121 : i32
          %parallel_loop3A_123 = arith.constant 16 : i32
          %parallel_loop3A_124 = arith.muli %parallel_loop3A_123, %parallel_loop3A_88 : i32
          %parallel_loop3A_125 = arith.constant 0 : i32
          %parallel_loop3A_126 = arith.addi %parallel_loop3A_124, %parallel_loop3A_125 : i32
          %parallel_loop3A_127 = arith.index_cast %parallel_loop3A_126 : i32 to index
          %parallel_loop3A_128 = arith.constant 0 : index
          %parallel_loop3A_129 = tpu.vector_load %arg8[%parallel_loop3A_127, %parallel_loop3A_128] {strides = array<i32>} : memref<128x32xf32, #tpu.memory_space<vmem>>, vector<1x16xf32>,
          %parallel_loop3A_130 = vector.shape_cast %parallel_loop3A_129 : vector<1x16xf32> to vector<16xf32>
          %parallel_loop3A_131 = vector.broadcast %parallel_loop3A_118 : f32 to vector<16xf32>
          %parallel_loop3A_132 = arith.mulf %parallel_loop3A_130, %parallel_loop3A_131 : vector<16xf32>
          %parallel_loop3A_133 = arith.constant 0 : i32
          %parallel_loop3A_134 = arith.addi %parallel_loop3A_122, %parallel_loop3A_133 : i32
          %parallel_loop3A_135 = arith.index_cast %parallel_loop3A_134 : i32 to index
          %parallel_loop3A_136 = tpu.vector_load %arg7[%parallel_loop3A_135] {strides = array<i32>} : memref<100000xf32, #tpu.memory_space<vmem>>, vector<16xf32>,
          %parallel_loop3A_137 = vector.shape_cast %parallel_loop3A_136 : vector<16xf32> to vector<16xf32>
          %parallel_loop3A_138 = vector.shape_cast %parallel_loop3A_132 : vector<16xf32> to vector<16xf32>
          tpu.vector_store %arg7[%parallel_loop3A_135], %parallel_loop3A_138 {add = true, strides = array<i32>} : memref<100000xf32, #tpu.memory_space<vmem>>, vector<16xf32>,
          %parallel_loop3A_139 = arith.constant 16 : i32
          %parallel_loop3A_140 = arith.muli %parallel_loop3A_139, %parallel_loop3A_88 : i32
          %parallel_loop3A_141 = arith.constant 0 : i32
          %parallel_loop3A_142 = arith.addi %parallel_loop3A_140, %parallel_loop3A_141 : i32
          %parallel_loop3A_143 = arith.index_cast %parallel_loop3A_142 : i32 to index
          %parallel_loop3A_144 = arith.constant 16 : index
          %parallel_loop3A_145 = tpu.vector_load %arg8[%parallel_loop3A_143, %parallel_loop3A_144] {strides = array<i32>} : memref<128x32xf32, #tpu.memory_space<vmem>>, vector<1x16xf32>,
          %parallel_loop3A_146 = vector.shape_cast %parallel_loop3A_145 : vector<1x16xf32> to vector<16xf32>
          %parallel_loop3A_147 = vector.broadcast %parallel_loop3A_118 : f32 to vector<16xf32>
          %parallel_loop3A_148 = arith.mulf %parallel_loop3A_146, %parallel_loop3A_147 : vector<16xf32>
          %parallel_loop3A_149 = arith.constant 16 : i32
          %parallel_loop3A_150 = arith.addi %parallel_loop3A_122, %parallel_loop3A_149 : i32
          %parallel_loop3A_151 = arith.index_cast %parallel_loop3A_150 : i32 to index
          %parallel_loop3A_152 = tpu.vector_load %arg7[%parallel_loop3A_151] {strides = array<i32>} : memref<100000xf32, #tpu.memory_space<vmem>>, vector<16xf32>,
          %parallel_loop3A_153 = vector.shape_cast %parallel_loop3A_152 : vector<16xf32> to vector<16xf32>
          %parallel_loop3A_154 = vector.shape_cast %parallel_loop3A_148 : vector<16xf32> to vector<16xf32>
          tpu.vector_store %arg7[%parallel_loop3A_151], %parallel_loop3A_154 {add = true, strides = array<i32>} : memref<100000xf32, #tpu.memory_space<vmem>>, vector<16xf32>,
          %parallel_loop3A_155 = vector.extract_strided_slice %parallel_loop3A_116 {offsets = [1], sizes = [1], strides = [1]} : vector<16xf32> to vector<1xf32>
          %parallel_loop3A_156 = vector.extract %parallel_loop3A_155[0] : f32 from vector<1xf32>
          %parallel_loop3A_157 = vector.extract_strided_slice %parallel_loop3A_103 {offsets = [1], sizes = [1], strides = [1]} : vector<16xi32> to vector<1xi32>
          %parallel_loop3A_158 = vector.extract %parallel_loop3A_157[0] : i32 from vector<1xi32>
          %parallel_loop3A_159 = arith.constant 32 : i32
          %parallel_loop3A_160 = arith.muli %parallel_loop3A_158, %parallel_loop3A_159 : i32
          %parallel_loop3A_161 = arith.constant 16 : i32
          %parallel_loop3A_162 = arith.muli %parallel_loop3A_161, %parallel_loop3A_88 : i32
          %parallel_loop3A_163 = arith.constant 1 : i32
          %parallel_loop3A_164 = arith.addi %parallel_loop3A_162, %parallel_loop3A_163 : i32
          %parallel_loop3A_165 = arith.index_cast %parallel_loop3A_164 : i32 to index
          %parallel_loop3A_166 = arith.constant 0 : index
          %parallel_loop3A_167 = tpu.vector_load %arg8[%parallel_loop3A_165, %parallel_loop3A_166] {strides = array<i32>} : memref<128x32xf32, #tpu.memory_space<vmem>>, vector<1x16xf32>,
          %parallel_loop3A_168 = vector.shape_cast %parallel_loop3A_167 : vector<1x16xf32> to vector<16xf32>
          %parallel_loop3A_169 = vector.broadcast %parallel_loop3A_156 : f32 to vector<16xf32>
          %parallel_loop3A_170 = arith.mulf %parallel_loop3A_168, %parallel_loop3A_169 : vector<16xf32>
          %parallel_loop3A_171 = arith.constant 0 : i32
          %parallel_loop3A_172 = arith.addi %parallel_loop3A_160, %parallel_loop3A_171 : i32
          %parallel_loop3A_173 = arith.index_cast %parallel_loop3A_172 : i32 to index
          %parallel_loop3A_174 = tpu.vector_load %arg7[%parallel_loop3A_173] {strides = array<i32>} : memref<100000xf32, #tpu.memory_space<vmem>>, vector<16xf32>,
          %parallel_loop3A_175 = vector.shape_cast %parallel_loop3A_174 : vector<16xf32> to vector<16xf32>
          %parallel_loop3A_176 = vector.shape_cast %parallel_loop3A_170 : vector<16xf32> to vector<16xf32>
          tpu.vector_store %arg7[%parallel_loop3A_173], %parallel_loop3A_176 {add = true, strides = array<i32>} : memref<100000xf32, #tpu.memory_space<vmem>>, vector<16xf32>,
          %parallel_loop3A_177 = arith.constant 16 : i32
          %parallel_loop3A_178 = arith.muli %parallel_loop3A_177, %parallel_loop3A_88 : i32
          %parallel_loop3A_179 = arith.constant 1 : i32
          %parallel_loop3A_180 = arith.addi %parallel_loop3A_178, %parallel_loop3A_179 : i32
          %parallel_loop3A_181 = arith.index_cast %parallel_loop3A_180 : i32 to index
          %parallel_loop3A_182 = arith.constant 16 : index
          %parallel_loop3A_183 = tpu.vector_load %arg8[%parallel_loop3A_181, %parallel_loop3A_182] {strides = array<i32>} : memref<128x32xf32, #tpu.memory_space<vmem>>, vector<1x16xf32>,
          %parallel_loop3A_184 = vector.shape_cast %parallel_loop3A_183 : vector<1x16xf32> to vector<16xf32>
          %parallel_loop3A_185 = vector.broadcast %parallel_loop3A_156 : f32 to vector<16xf32>
          %parallel_loop3A_186 = arith.mulf %parallel_loop3A_184, %parallel_loop3A_185 : vector<16xf32>
          %parallel_loop3A_187 = arith.constant 16 : i32
          %parallel_loop3A_188 = arith.addi %parallel_loop3A_160, %parallel_loop3A_187 : i32
          %parallel_loop3A_189 = arith.index_cast %parallel_loop3A_188 : i32 to index
          %parallel_loop3A_190 = tpu.vector_load %arg7[%parallel_loop3A_189] {strides = array<i32>} : memref<100000xf32, #tpu.memory_space<vmem>>, vector<16xf32>,
          %parallel_loop3A_191 = vector.shape_cast %parallel_loop3A_190 : vector<16xf32> to vector<16xf32>
          %parallel_loop3A_192 = vector.shape_cast %parallel_loop3A_186 : vector<16xf32> to vector<16xf32>
          tpu.vector_store %arg7[%parallel_loop3A_189], %parallel_loop3A_192 {add = true, strides = array<i32>} : memref<100000xf32, #tpu.memory_space<vmem>>, vector<16xf32>,
          %parallel_loop3A_193 = vector.extract_strided_slice %parallel_loop3A_116 {offsets = [2], sizes = [1], strides = [1]} : vector<16xf32> to vector<1xf32>
          %parallel_loop3A_194 = vector.extract %parallel_loop3A_193[0] : f32 from vector<1xf32>
          %parallel_loop3A_195 = vector.extract_strided_slice %parallel_loop3A_103 {offsets = [2], sizes = [1], strides = [1]} : vector<16xi32> to vector<1xi32>
          %parallel_loop3A_196 = vector.extract %parallel_loop3A_195[0] : i32 from vector<1xi32>
          %parallel_loop3A_197 = arith.constant 32 : i32
          %parallel_loop3A_198 = arith.muli %parallel_loop3A_196, %parallel_loop3A_197 : i32
          %parallel_loop3A_199 = arith.constant 16 : i32
          %parallel_loop3A_200 = arith.muli %parallel_loop3A_199, %parallel_loop3A_88 : i32
          %parallel_loop3A_201 = arith.constant 2 : i32
          %parallel_loop3A_202 = arith.addi %parallel_loop3A_200, %parallel_loop3A_201 : i32
          %parallel_loop3A_203 = arith.index_cast %parallel_loop3A_202 : i32 to index
          %parallel_loop3A_204 = arith.constant 0 : index
          %parallel_loop3A_205 = tpu.vector_load %arg8[%parallel_loop3A_203, %parallel_loop3A_204] {strides = array<i32>} : memref<128x32xf32, #tpu.memory_space<vmem>>, vector<1x16xf32>,
          %parallel_loop3A_206 = vector.shape_cast %parallel_loop3A_205 : vector<1x16xf32> to vector<16xf32>
          %parallel_loop3A_207 = vector.broadcast %parallel_loop3A_194 : f32 to vector<16xf32>
          %parallel_loop3A_208 = arith.mulf %parallel_loop3A_206, %parallel_loop3A_207 : vector<16xf32>
          %parallel_loop3A_209 = arith.constant 0 : i32
          %parallel_loop3A_210 = arith.addi %parallel_loop3A_198, %parallel_loop3A_209 : i32
          %parallel_loop3A_211 = arith.index_cast %parallel_loop3A_210 : i32 to index
          %parallel_loop3A_212 = tpu.vector_load %arg7[%parallel_loop3A_211] {strides = array<i32>} : memref<100000xf32, #tpu.memory_space<vmem>>, vector<16xf32>,
          %parallel_loop3A_213 = vector.shape_cast %parallel_loop3A_212 : vector<16xf32> to vector<16xf32>
          %parallel_loop3A_214 = vector.shape_cast %parallel_loop3A_208 : vector<16xf32> to vector<16xf32>
          tpu.vector_store %arg7[%parallel_loop3A_211], %parallel_loop3A_214 {add = true, strides = array<i32>} : memref<100000xf32, #tpu.memory_space<vmem>>, vector<16xf32>,
          %parallel_loop3A_215 = arith.constant 16 : i32
          %parallel_loop3A_216 = arith.muli %parallel_loop3A_215, %parallel_loop3A_88 : i32
          %parallel_loop3A_217 = arith.constant 2 : i32
          %parallel_loop3A_218 = arith.addi %parallel_loop3A_216, %parallel_loop3A_217 : i32
          %parallel_loop3A_219 = arith.index_cast %parallel_loop3A_218 : i32 to index
          %parallel_loop3A_220 = arith.constant 16 : index
          %parallel_loop3A_221 = tpu.vector_load %arg8[%parallel_loop3A_219, %parallel_loop3A_220] {strides = array<i32>} : memref<128x32xf32, #tpu.memory_space<vmem>>, vector<1x16xf32>,
          %parallel_loop3A_222 = vector.shape_cast %parallel_loop3A_221 : vector<1x16xf32> to vector<16xf32>
          %parallel_loop3A_223 = vector.broadcast %parallel_loop3A_194 : f32 to vector<16xf32>
          %parallel_loop3A_224 = arith.mulf %parallel_loop3A_222, %parallel_loop3A_223 : vector<16xf32>
          %parallel_loop3A_225 = arith.constant 16 : i32
          %parallel_loop3A_226 = arith.addi %parallel_loop3A_198, %parallel_loop3A_225 : i32
          %parallel_loop3A_227 = arith.index_cast %parallel_loop3A_226 : i32 to index
          %parallel_loop3A_228 = tpu.vector_load %arg7[%parallel_loop3A_227] {strides = array<i32>} : memref<100000xf32, #tpu.memory_space<vmem>>, vector<16xf32>,
          %parallel_loop3A_229 = vector.shape_cast %parallel_loop3A_228 : vector<16xf32> to vector<16xf32>
          %parallel_loop3A_230 = vector.shape_cast %parallel_loop3A_224 : vector<16xf32> to vector<16xf32>
          tpu.vector_store %arg7[%parallel_loop3A_227], %parallel_loop3A_230 {add = true, strides = array<i32>} : memref<100000xf32, #tpu.memory_space<vmem>>, vector<16xf32>,
          %parallel_loop3A_231 = vector.extract_strided_slice %parallel_loop3A_116 {offsets = [3], sizes = [1], strides = [1]} : vector<16xf32> to vector<1xf32>
          %parallel_loop3A_232 = vector.extract %parallel_loop3A_231[0] : f32 from vector<1xf32>
          %parallel_loop3A_233 = vector.extract_strided_slice %parallel_loop3A_103 {offsets = [3], sizes = [1], strides = [1]} : vector<16xi32> to vector<1xi32>
          %parallel_loop3A_234 = vector.extract %parallel_loop3A_233[0] : i32 from vector<1xi32>
          %parallel_loop3A_235 = arith.constant 32 : i32
          %parallel_loop3A_236 = arith.muli %parallel_loop3A_234, %parallel_loop3A_235 : i32
          %parallel_loop3A_237 = arith.constant 16 : i32
          %parallel_loop3A_238 = arith.muli %parallel_loop3A_237, %parallel_loop3A_88 : i32
          %parallel_loop3A_239 = arith.constant 3 : i32
          %parallel_loop3A_240 = arith.addi %parallel_loop3A_238, %parallel_loop3A_239 : i32
          %parallel_loop3A_241 = arith.index_cast %parallel_loop3A_240 : i32 to index
          %parallel_loop3A_242 = arith.constant 0 : index
          %parallel_loop3A_243 = tpu.vector_load %arg8[%parallel_loop3A_241, %parallel_loop3A_242] {strides = array<i32>} : memref<128x32xf32, #tpu.memory_space<vmem>>, vector<1x16xf32>,
          %parallel_loop3A_244 = vector.shape_cast %parallel_loop3A_243 : vector<1x16xf32> to vector<16xf32>
          %parallel_loop3A_245 = vector.broadcast %parallel_loop3A_232 : f32 to vector<16xf32>
          %parallel_loop3A_246 = arith.mulf %parallel_loop3A_244, %parallel_loop3A_245 : vector<16xf32>
          %parallel_loop3A_247 = arith.constant 0 : i32
          %parallel_loop3A_248 = arith.addi %parallel_loop3A_236, %parallel_loop3A_247 : i32
          %parallel_loop3A_249 = arith.index_cast %parallel_loop3A_248 : i32 to index
          %parallel_loop3A_250 = tpu.vector_load %arg7[%parallel_loop3A_249] {strides = array<i32>} : memref<100000xf32, #tpu.memory_space<vmem>>, vector<16xf32>,
          %parallel_loop3A_251 = vector.shape_cast %parallel_loop3A_250 : vector<16xf32> to vector<16xf32>
          %parallel_loop3A_252 = vector.shape_cast %parallel_loop3A_246 : vector<16xf32> to vector<16xf32>
          tpu.vector_store %arg7[%parallel_loop3A_249], %parallel_loop3A_252 {add = true, strides = array<i32>} : memref<100000xf32, #tpu.memory_space<vmem>>, vector<16xf32>,
          %parallel_loop3A_253 = arith.constant 16 : i32
          %parallel_loop3A_254 = arith.muli %parallel_loop3A_253, %parallel_loop3A_88 : i32
          %parallel_loop3A_255 = arith.constant 3 : i32
          %parallel_loop3A_256 = arith.addi %parallel_loop3A_254, %parallel_loop3A_255 : i32
          %parallel_loop3A_257 = arith.index_cast %parallel_loop3A_256 : i32 to index
          %parallel_loop3A_258 = arith.constant 16 : index
          %parallel_loop3A_259 = tpu.vector_load %arg8[%parallel_loop3A_257, %parallel_loop3A_258] {strides = array<i32>} : memref<128x32xf32, #tpu.memory_space<vmem>>, vector<1x16xf32>,
          %parallel_loop3A_260 = vector.shape_cast %parallel_loop3A_259 : vector<1x16xf32> to vector<16xf32>
          %parallel_loop3A_261 = vector.broadcast %parallel_loop3A_232 : f32 to vector<16xf32>
          %parallel_loop3A_262 = arith.mulf %parallel_loop3A_260, %parallel_loop3A_261 : vector<16xf32>
          %parallel_loop3A_263 = arith.constant 16 : i32
          %parallel_loop3A_264 = arith.addi %parallel_loop3A_236, %parallel_loop3A_263 : i32
          %parallel_loop3A_265 = arith.index_cast %parallel_loop3A_264 : i32 to index
          %parallel_loop3A_266 = tpu.vector_load %arg7[%parallel_loop3A_265] {strides = array<i32>} : memref<100000xf32, #tpu.memory_space<vmem>>, vector<16xf32>,
          %parallel_loop3A_267 = vector.shape_cast %parallel_loop3A_266 : vector<16xf32> to vector<16xf32>
          %parallel_loop3A_268 = vector.shape_cast %parallel_loop3A_262 : vector<16xf32> to vector<16xf32>
          tpu.vector_store %arg7[%parallel_loop3A_265], %parallel_loop3A_268 {add = true, strides = array<i32>} : memref<100000xf32, #tpu.memory_space<vmem>>, vector<16xf32>,
          %parallel_loop3A_269 = vector.extract_strided_slice %parallel_loop3A_116 {offsets = [4], sizes = [1], strides = [1]} : vector<16xf32> to vector<1xf32>
          %parallel_loop3A_270 = vector.extract %parallel_loop3A_269[0] : f32 from vector<1xf32>
          %parallel_loop3A_271 = vector.extract_strided_slice %parallel_loop3A_103 {offsets = [4], sizes = [1], strides = [1]} : vector<16xi32> to vector<1xi32>
          %parallel_loop3A_272 = vector.extract %parallel_loop3A_271[0] : i32 from vector<1xi32>
          %parallel_loop3A_273 = arith.constant 32 : i32
          %parallel_loop3A_274 = arith.muli %parallel_loop3A_272, %parallel_loop3A_273 : i32
          %parallel_loop3A_275 = arith.constant 16 : i32
          %parallel_loop3A_276 = arith.muli %parallel_loop3A_275, %parallel_loop3A_88 : i32
          %parallel_loop3A_277 = arith.constant 4 : i32
          %parallel_loop3A_278 = arith.addi %parallel_loop3A_276, %parallel_loop3A_277 : i32
          %parallel_loop3A_279 = arith.index_cast %parallel_loop3A_278 : i32 to index
          %parallel_loop3A_280 = arith.constant 0 : index
          %parallel_loop3A_281 = tpu.vector_load %arg8[%parallel_loop3A_279, %parallel_loop3A_280] {strides = array<i32>} : memref<128x32xf32, #tpu.memory_space<vmem>>, vector<1x16xf32>,
          %parallel_loop3A_282 = vector.shape_cast %parallel_loop3A_281 : vector<1x16xf32> to vector<16xf32>
          %parallel_loop3A_283 = vector.broadcast %parallel_loop3A_270 : f32 to vector<16xf32>
          %parallel_loop3A_284 = arith.mulf %parallel_loop3A_282, %parallel_loop3A_283 : vector<16xf32>
          %parallel_loop3A_285 = arith.constant 0 : i32
          %parallel_loop3A_286 = arith.addi %parallel_loop3A_274, %parallel_loop3A_285 : i32
          %parallel_loop3A_287 = arith.index_cast %parallel_loop3A_286 : i32 to index
          %parallel_loop3A_288 = tpu.vector_load %arg7[%parallel_loop3A_287] {strides = array<i32>} : memref<100000xf32, #tpu.memory_space<vmem>>, vector<16xf32>,
          %parallel_loop3A_289 = vector.shape_cast %parallel_loop3A_288 : vector<16xf32> to vector<16xf32>
          %parallel_loop3A_290 = vector.shape_cast %parallel_loop3A_284 : vector<16xf32> to vector<16xf32>
          tpu.vector_store %arg7[%parallel_loop3A_287], %parallel_loop3A_290 {add = true, strides = array<i32>} : memref<100000xf32, #tpu.memory_space<vmem>>, vector<16xf32>,
          %parallel_loop3A_291 = arith.constant 16 : i32
          %parallel_loop3A_292 = arith.muli %parallel_loop3A_291, %parallel_loop3A_88 : i32
          %parallel_loop3A_293 = arith.constant 4 : i32
          %parallel_loop3A_294 = arith.addi %parallel_loop3A_292, %parallel_loop3A_293 : i32
          %parallel_loop3A_295 = arith.index_cast %parallel_loop3A_294 : i32 to index
          %parallel_loop3A_296 = arith.constant 16 : index
          %parallel_loop3A_297 = tpu.vector_load %arg8[%parallel_loop3A_295, %parallel_loop3A_296] {strides = array<i32>} : memref<128x32xf32, #tpu.memory_space<vmem>>, vector<1x16xf32>,
          %parallel_loop3A_298 = vector.shape_cast %parallel_loop3A_297 : vector<1x16xf32> to vector<16xf32>
          %parallel_loop3A_299 = vector.broadcast %parallel_loop3A_270 : f32 to vector<16xf32>
          %parallel_loop3A_300 = arith.mulf %parallel_loop3A_298, %parallel_loop3A_299 : vector<16xf32>
          %parallel_loop3A_301 = arith.constant 16 : i32
          %parallel_loop3A_302 = arith.addi %parallel_loop3A_274, %parallel_loop3A_301 : i32
          %parallel_loop3A_303 = arith.index_cast %parallel_loop3A_302 : i32 to index
          %parallel_loop3A_304 = tpu.vector_load %arg7[%parallel_loop3A_303] {strides = array<i32>} : memref<100000xf32, #tpu.memory_space<vmem>>, vector<16xf32>,
          %parallel_loop3A_305 = vector.shape_cast %parallel_loop3A_304 : vector<16xf32> to vector<16xf32>
          %parallel_loop3A_306 = vector.shape_cast %parallel_loop3A_300 : vector<16xf32> to vector<16xf32>
          tpu.vector_store %arg7[%parallel_loop3A_303], %parallel_loop3A_306 {add = true, strides = array<i32>} : memref<100000xf32, #tpu.memory_space<vmem>>, vector<16xf32>,
          %parallel_loop3A_307 = vector.extract_strided_slice %parallel_loop3A_116 {offsets = [5], sizes = [1], strides = [1]} : vector<16xf32> to vector<1xf32>
          %parallel_loop3A_308 = vector.extract %parallel_loop3A_307[0] : f32 from vector<1xf32>
          %parallel_loop3A_309 = vector.extract_strided_slice %parallel_loop3A_103 {offsets = [5], sizes = [1], strides = [1]} : vector<16xi32> to vector<1xi32>
          %parallel_loop3A_310 = vector.extract %parallel_loop3A_309[0] : i32 from vector<1xi32>
          %parallel_loop3A_311 = arith.constant 32 : i32
          %parallel_loop3A_312 = arith.muli %parallel_loop3A_310, %parallel_loop3A_311 : i32
          %parallel_loop3A_313 = arith.constant 16 : i32
          %parallel_loop3A_314 = arith.muli %parallel_loop3A_313, %parallel_loop3A_88 : i32
          %parallel_loop3A_315 = arith.constant 5 : i32
          %parallel_loop3A_316 = arith.addi %parallel_loop3A_314, %parallel_loop3A_315 : i32
          %parallel_loop3A_317 = arith.index_cast %parallel_loop3A_316 : i32 to index
          %parallel_loop3A_318 = arith.constant 0 : index
          %parallel_loop3A_319 = tpu.vector_load %arg8[%parallel_loop3A_317, %parallel_loop3A_318] {strides = array<i32>} : memref<128x32xf32, #tpu.memory_space<vmem>>, vector<1x16xf32>,
          %parallel_loop3A_320 = vector.shape_cast %parallel_loop3A_319 : vector<1x16xf32> to vector<16xf32>
          %parallel_loop3A_321 = vector.broadcast %parallel_loop3A_308 : f32 to vector<16xf32>
          %parallel_loop3A_322 = arith.mulf %parallel_loop3A_320, %parallel_loop3A_321 : vector<16xf32>
          %parallel_loop3A_323 = arith.constant 0 : i32
          %parallel_loop3A_324 = arith.addi %parallel_loop3A_312, %parallel_loop3A_323 : i32
          %parallel_loop3A_325 = arith.index_cast %parallel_loop3A_324 : i32 to index
          %parallel_loop3A_326 = tpu.vector_load %arg7[%parallel_loop3A_325] {strides = array<i32>} : memref<100000xf32, #tpu.memory_space<vmem>>, vector<16xf32>,
          %parallel_loop3A_327 = vector.shape_cast %parallel_loop3A_326 : vector<16xf32> to vector<16xf32>
          %parallel_loop3A_328 = vector.shape_cast %parallel_loop3A_322 : vector<16xf32> to vector<16xf32>
          tpu.vector_store %arg7[%parallel_loop3A_325], %parallel_loop3A_328 {add = true, strides = array<i32>} : memref<100000xf32, #tpu.memory_space<vmem>>, vector<16xf32>,
          %parallel_loop3A_329 = arith.constant 16 : i32
          %parallel_loop3A_330 = arith.muli %parallel_loop3A_329, %parallel_loop3A_88 : i32
          %parallel_loop3A_331 = arith.constant 5 : i32
          %parallel_loop3A_332 = arith.addi %parallel_loop3A_330, %parallel_loop3A_331 : i32
          %parallel_loop3A_333 = arith.index_cast %parallel_loop3A_332 : i32 to index
          %parallel_loop3A_334 = arith.constant 16 : index
          %parallel_loop3A_335 = tpu.vector_load %arg8[%parallel_loop3A_333, %parallel_loop3A_334] {strides = array<i32>} : memref<128x32xf32, #tpu.memory_space<vmem>>, vector<1x16xf32>,
          %parallel_loop3A_336 = vector.shape_cast %parallel_loop3A_335 : vector<1x16xf32> to vector<16xf32>
          %parallel_loop3A_337 = vector.broadcast %parallel_loop3A_308 : f32 to vector<16xf32>
          %parallel_loop3A_338 = arith.mulf %parallel_loop3A_336, %parallel_loop3A_337 : vector<16xf32>
          %parallel_loop3A_339 = arith.constant 16 : i32
          %parallel_loop3A_340 = arith.addi %parallel_loop3A_312, %parallel_loop3A_339 : i32
          %parallel_loop3A_341 = arith.index_cast %parallel_loop3A_340 : i32 to index
          %parallel_loop3A_342 = tpu.vector_load %arg7[%parallel_loop3A_341] {strides = array<i32>} : memref<100000xf32, #tpu.memory_space<vmem>>, vector<16xf32>,
          %parallel_loop3A_343 = vector.shape_cast %parallel_loop3A_342 : vector<16xf32> to vector<16xf32>
          %parallel_loop3A_344 = vector.shape_cast %parallel_loop3A_338 : vector<16xf32> to vector<16xf32>
          tpu.vector_store %arg7[%parallel_loop3A_341], %parallel_loop3A_344 {add = true, strides = array<i32>} : memref<100000xf32, #tpu.memory_space<vmem>>, vector<16xf32>,
          %parallel_loop3A_345 = vector.extract_strided_slice %parallel_loop3A_116 {offsets = [6], sizes = [1], strides = [1]} : vector<16xf32> to vector<1xf32>
          %parallel_loop3A_346 = vector.extract %parallel_loop3A_345[0] : f32 from vector<1xf32>
          %parallel_loop3A_347 = vector.extract_strided_slice %parallel_loop3A_103 {offsets = [6], sizes = [1], strides = [1]} : vector<16xi32> to vector<1xi32>
          %parallel_loop3A_348 = vector.extract %parallel_loop3A_347[0] : i32 from vector<1xi32>
          %parallel_loop3A_349 = arith.constant 32 : i32
          %parallel_loop3A_350 = arith.muli %parallel_loop3A_348, %parallel_loop3A_349 : i32
          %parallel_loop3A_351 = arith.constant 16 : i32
          %parallel_loop3A_352 = arith.muli %parallel_loop3A_351, %parallel_loop3A_88 : i32
          %parallel_loop3A_353 = arith.constant 6 : i32
          %parallel_loop3A_354 = arith.addi %parallel_loop3A_352, %parallel_loop3A_353 : i32
          %parallel_loop3A_355 = arith.index_cast %parallel_loop3A_354 : i32 to index
          %parallel_loop3A_356 = arith.constant 0 : index
          %parallel_loop3A_357 = tpu.vector_load %arg8[%parallel_loop3A_355, %parallel_loop3A_356] {strides = array<i32>} : memref<128x32xf32, #tpu.memory_space<vmem>>, vector<1x16xf32>,
          %parallel_loop3A_358 = vector.shape_cast %parallel_loop3A_357 : vector<1x16xf32> to vector<16xf32>
          %parallel_loop3A_359 = vector.broadcast %parallel_loop3A_346 : f32 to vector<16xf32>
          %parallel_loop3A_360 = arith.mulf %parallel_loop3A_358, %parallel_loop3A_359 : vector<16xf32>
          %parallel_loop3A_361 = arith.constant 0 : i32
          %parallel_loop3A_362 = arith.addi %parallel_loop3A_350, %parallel_loop3A_361 : i32
          %parallel_loop3A_363 = arith.index_cast %parallel_loop3A_362 : i32 to index
          %parallel_loop3A_364 = tpu.vector_load %arg7[%parallel_loop3A_363] {strides = array<i32>} : memref<100000xf32, #tpu.memory_space<vmem>>, vector<16xf32>,
          %parallel_loop3A_365 = vector.shape_cast %parallel_loop3A_364 : vector<16xf32> to vector<16xf32>
          %parallel_loop3A_366 = vector.shape_cast %parallel_loop3A_360 : vector<16xf32> to vector<16xf32>
          tpu.vector_store %arg7[%parallel_loop3A_363], %parallel_loop3A_366 {add = true, strides = array<i32>} : memref<100000xf32, #tpu.memory_space<vmem>>, vector<16xf32>,
          %parallel_loop3A_367 = arith.constant 16 : i32
          %parallel_loop3A_368 = arith.muli %parallel_loop3A_367, %parallel_loop3A_88 : i32
          %parallel_loop3A_369 = arith.constant 6 : i32
          %parallel_loop3A_370 = arith.addi %parallel_loop3A_368, %parallel_loop3A_369 : i32
          %parallel_loop3A_371 = arith.index_cast %parallel_loop3A_370 : i32 to index
          %parallel_loop3A_372 = arith.constant 16 : index
          %parallel_loop3A_373 = tpu.vector_load %arg8[%parallel_loop3A_371, %parallel_loop3A_372] {strides = array<i32>} : memref<128x32xf32, #tpu.memory_space<vmem>>, vector<1x16xf32>,
          %parallel_loop3A_374 = vector.shape_cast %parallel_loop3A_373 : vector<1x16xf32> to vector<16xf32>
          %parallel_loop3A_375 = vector.broadcast %parallel_loop3A_346 : f32 to vector<16xf32>
          %parallel_loop3A_376 = arith.mulf %parallel_loop3A_374, %parallel_loop3A_375 : vector<16xf32>
          %parallel_loop3A_377 = arith.constant 16 : i32
          %parallel_loop3A_378 = arith.addi %parallel_loop3A_350, %parallel_loop3A_377 : i32
          %parallel_loop3A_379 = arith.index_cast %parallel_loop3A_378 : i32 to index
          %parallel_loop3A_380 = tpu.vector_load %arg7[%parallel_loop3A_379] {strides = array<i32>} : memref<100000xf32, #tpu.memory_space<vmem>>, vector<16xf32>,
          %parallel_loop3A_381 = vector.shape_cast %parallel_loop3A_380 : vector<16xf32> to vector<16xf32>
          %parallel_loop3A_382 = vector.shape_cast %parallel_loop3A_376 : vector<16xf32> to vector<16xf32>
          tpu.vector_store %arg7[%parallel_loop3A_379], %parallel_loop3A_382 {add = true, strides = array<i32>} : memref<100000xf32, #tpu.memory_space<vmem>>, vector<16xf32>,
          %parallel_loop3A_383 = vector.extract_strided_slice %parallel_loop3A_116 {offsets = [7], sizes = [1], strides = [1]} : vector<16xf32> to vector<1xf32>
          %parallel_loop3A_384 = vector.extract %parallel_loop3A_383[0] : f32 from vector<1xf32>
          %parallel_loop3A_385 = vector.extract_strided_slice %parallel_loop3A_103 {offsets = [7], sizes = [1], strides = [1]} : vector<16xi32> to vector<1xi32>
          %parallel_loop3A_386 = vector.extract %parallel_loop3A_385[0] : i32 from vector<1xi32>
          %parallel_loop3A_387 = arith.constant 32 : i32
          %parallel_loop3A_388 = arith.muli %parallel_loop3A_386, %parallel_loop3A_387 : i32
          %parallel_loop3A_389 = arith.constant 16 : i32
          %parallel_loop3A_390 = arith.muli %parallel_loop3A_389, %parallel_loop3A_88 : i32
          %parallel_loop3A_391 = arith.constant 7 : i32
          %parallel_loop3A_392 = arith.addi %parallel_loop3A_390, %parallel_loop3A_391 : i32
          %parallel_loop3A_393 = arith.index_cast %parallel_loop3A_392 : i32 to index
          %parallel_loop3A_394 = arith.constant 0 : index
          %parallel_loop3A_395 = tpu.vector_load %arg8[%parallel_loop3A_393, %parallel_loop3A_394] {strides = array<i32>} : memref<128x32xf32, #tpu.memory_space<vmem>>, vector<1x16xf32>,
          %parallel_loop3A_396 = vector.shape_cast %parallel_loop3A_395 : vector<1x16xf32> to vector<16xf32>
          %parallel_loop3A_397 = vector.broadcast %parallel_loop3A_384 : f32 to vector<16xf32>
          %parallel_loop3A_398 = arith.mulf %parallel_loop3A_396, %parallel_loop3A_397 : vector<16xf32>
          %parallel_loop3A_399 = arith.constant 0 : i32
          %parallel_loop3A_400 = arith.addi %parallel_loop3A_388, %parallel_loop3A_399 : i32
          %parallel_loop3A_401 = arith.index_cast %parallel_loop3A_400 : i32 to index
          %parallel_loop3A_402 = tpu.vector_load %arg7[%parallel_loop3A_401] {strides = array<i32>} : memref<100000xf32, #tpu.memory_space<vmem>>, vector<16xf32>,
          %parallel_loop3A_403 = vector.shape_cast %parallel_loop3A_402 : vector<16xf32> to vector<16xf32>
          %parallel_loop3A_404 = vector.shape_cast %parallel_loop3A_398 : vector<16xf32> to vector<16xf32>
          tpu.vector_store %arg7[%parallel_loop3A_401], %parallel_loop3A_404 {add = true, strides = array<i32>} : memref<100000xf32, #tpu.memory_space<vmem>>, vector<16xf32>,
          %parallel_loop3A_405 = arith.constant 16 : i32
          %parallel_loop3A_406 = arith.muli %parallel_loop3A_405, %parallel_loop3A_88 : i32
          %parallel_loop3A_407 = arith.constant 7 : i32
          %parallel_loop3A_408 = arith.addi %parallel_loop3A_406, %parallel_loop3A_407 : i32
          %parallel_loop3A_409 = arith.index_cast %parallel_loop3A_408 : i32 to index
          %parallel_loop3A_410 = arith.constant 16 : index
          %parallel_loop3A_411 = tpu.vector_load %arg8[%parallel_loop3A_409, %parallel_loop3A_410] {strides = array<i32>} : memref<128x32xf32, #tpu.memory_space<vmem>>, vector<1x16xf32>,
          %parallel_loop3A_412 = vector.shape_cast %parallel_loop3A_411 : vector<1x16xf32> to vector<16xf32>
          %parallel_loop3A_413 = vector.broadcast %parallel_loop3A_384 : f32 to vector<16xf32>
          %parallel_loop3A_414 = arith.mulf %parallel_loop3A_412, %parallel_loop3A_413 : vector<16xf32>
          %parallel_loop3A_415 = arith.constant 16 : i32
          %parallel_loop3A_416 = arith.addi %parallel_loop3A_388, %parallel_loop3A_415 : i32
          %parallel_loop3A_417 = arith.index_cast %parallel_loop3A_416 : i32 to index
          %parallel_loop3A_418 = tpu.vector_load %arg7[%parallel_loop3A_417] {strides = array<i32>} : memref<100000xf32, #tpu.memory_space<vmem>>, vector<16xf32>,
          %parallel_loop3A_419 = vector.shape_cast %parallel_loop3A_418 : vector<16xf32> to vector<16xf32>
          %parallel_loop3A_420 = vector.shape_cast %parallel_loop3A_414 : vector<16xf32> to vector<16xf32>
          tpu.vector_store %arg7[%parallel_loop3A_417], %parallel_loop3A_420 {add = true, strides = array<i32>} : memref<100000xf32, #tpu.memory_space<vmem>>, vector<16xf32>,
          %parallel_loop3A_421 = vector.extract_strided_slice %parallel_loop3A_116 {offsets = [8], sizes = [1], strides = [1]} : vector<16xf32> to vector<1xf32>
          %parallel_loop3A_422 = vector.extract %parallel_loop3A_421[0] : f32 from vector<1xf32>
          %parallel_loop3A_423 = vector.extract_strided_slice %parallel_loop3A_103 {offsets = [8], sizes = [1], strides = [1]} : vector<16xi32> to vector<1xi32>
          %parallel_loop3A_424 = vector.extract %parallel_loop3A_423[0] : i32 from vector<1xi32>
          %parallel_loop3A_425 = arith.constant 32 : i32
          %parallel_loop3A_426 = arith.muli %parallel_loop3A_424, %parallel_loop3A_425 : i32
          %parallel_loop3A_427 = arith.constant 16 : i32
          %parallel_loop3A_428 = arith.muli %parallel_loop3A_427, %parallel_loop3A_88 : i32
          %parallel_loop3A_429 = arith.constant 8 : i32
          %parallel_loop3A_430 = arith.addi %parallel_loop3A_428, %parallel_loop3A_429 : i32
          %parallel_loop3A_431 = arith.index_cast %parallel_loop3A_430 : i32 to index
          %parallel_loop3A_432 = arith.constant 0 : index
          %parallel_loop3A_433 = tpu.vector_load %arg8[%parallel_loop3A_431, %parallel_loop3A_432] {strides = array<i32>} : memref<128x32xf32, #tpu.memory_space<vmem>>, vector<1x16xf32>,
          %parallel_loop3A_434 = vector.shape_cast %parallel_loop3A_433 : vector<1x16xf32> to vector<16xf32>
          %parallel_loop3A_435 = vector.broadcast %parallel_loop3A_422 : f32 to vector<16xf32>
          %parallel_loop3A_436 = arith.mulf %parallel_loop3A_434, %parallel_loop3A_435 : vector<16xf32>
          %parallel_loop3A_437 = arith.constant 0 : i32
          %parallel_loop3A_438 = arith.addi %parallel_loop3A_426, %parallel_loop3A_437 : i32
          %parallel_loop3A_439 = arith.index_cast %parallel_loop3A_438 : i32 to index
          %parallel_loop3A_440 = tpu.vector_load %arg7[%parallel_loop3A_439] {strides = array<i32>} : memref<100000xf32, #tpu.memory_space<vmem>>, vector<16xf32>,
          %parallel_loop3A_441 = vector.shape_cast %parallel_loop3A_440 : vector<16xf32> to vector<16xf32>
          %parallel_loop3A_442 = vector.shape_cast %parallel_loop3A_436 : vector<16xf32> to vector<16xf32>
          tpu.vector_store %arg7[%parallel_loop3A_439], %parallel_loop3A_442 {add = true, strides = array<i32>} : memref<100000xf32, #tpu.memory_space<vmem>>, vector<16xf32>,
          %parallel_loop3A_443 = arith.constant 16 : i32
          %parallel_loop3A_444 = arith.muli %parallel_loop3A_443, %parallel_loop3A_88 : i32
          %parallel_loop3A_445 = arith.constant 8 : i32
          %parallel_loop3A_446 = arith.addi %parallel_loop3A_444, %parallel_loop3A_445 : i32
          %parallel_loop3A_447 = arith.index_cast %parallel_loop3A_446 : i32 to index
          %parallel_loop3A_448 = arith.constant 16 : index
          %parallel_loop3A_449 = tpu.vector_load %arg8[%parallel_loop3A_447, %parallel_loop3A_448] {strides = array<i32>} : memref<128x32xf32, #tpu.memory_space<vmem>>, vector<1x16xf32>,
          %parallel_loop3A_450 = vector.shape_cast %parallel_loop3A_449 : vector<1x16xf32> to vector<16xf32>
          %parallel_loop3A_451 = vector.broadcast %parallel_loop3A_422 : f32 to vector<16xf32>
          %parallel_loop3A_452 = arith.mulf %parallel_loop3A_450, %parallel_loop3A_451 : vector<16xf32>
          %parallel_loop3A_453 = arith.constant 16 : i32
          %parallel_loop3A_454 = arith.addi %parallel_loop3A_426, %parallel_loop3A_453 : i32
          %parallel_loop3A_455 = arith.index_cast %parallel_loop3A_454 : i32 to index
          %parallel_loop3A_456 = tpu.vector_load %arg7[%parallel_loop3A_455] {strides = array<i32>} : memref<100000xf32, #tpu.memory_space<vmem>>, vector<16xf32>,
          %parallel_loop3A_457 = vector.shape_cast %parallel_loop3A_456 : vector<16xf32> to vector<16xf32>
          %parallel_loop3A_458 = vector.shape_cast %parallel_loop3A_452 : vector<16xf32> to vector<16xf32>
          tpu.vector_store %arg7[%parallel_loop3A_455], %parallel_loop3A_458 {add = true, strides = array<i32>} : memref<100000xf32, #tpu.memory_space<vmem>>, vector<16xf32>,
          %parallel_loop3A_459 = vector.extract_strided_slice %parallel_loop3A_116 {offsets = [9], sizes = [1], strides = [1]} : vector<16xf32> to vector<1xf32>
          %parallel_loop3A_460 = vector.extract %parallel_loop3A_459[0] : f32 from vector<1xf32>
          %parallel_loop3A_461 = vector.extract_strided_slice %parallel_loop3A_103 {offsets = [9], sizes = [1], strides = [1]} : vector<16xi32> to vector<1xi32>
          %parallel_loop3A_462 = vector.extract %parallel_loop3A_461[0] : i32 from vector<1xi32>
          %parallel_loop3A_463 = arith.constant 32 : i32
          %parallel_loop3A_464 = arith.muli %parallel_loop3A_462, %parallel_loop3A_463 : i32
          %parallel_loop3A_465 = arith.constant 16 : i32
          %parallel_loop3A_466 = arith.muli %parallel_loop3A_465, %parallel_loop3A_88 : i32
          %parallel_loop3A_467 = arith.constant 9 : i32
          %parallel_loop3A_468 = arith.addi %parallel_loop3A_466, %parallel_loop3A_467 : i32
          %parallel_loop3A_469 = arith.index_cast %parallel_loop3A_468 : i32 to index
          %parallel_loop3A_470 = arith.constant 0 : index
          %parallel_loop3A_471 = tpu.vector_load %arg8[%parallel_loop3A_469, %parallel_loop3A_470] {strides = array<i32>} : memref<128x32xf32, #tpu.memory_space<vmem>>, vector<1x16xf32>,
          %parallel_loop3A_472 = vector.shape_cast %parallel_loop3A_471 : vector<1x16xf32> to vector<16xf32>
          %parallel_loop3A_473 = vector.broadcast %parallel_loop3A_460 : f32 to vector<16xf32>
          %parallel_loop3A_474 = arith.mulf %parallel_loop3A_472, %parallel_loop3A_473 : vector<16xf32>
          %parallel_loop3A_475 = arith.constant 0 : i32
          %parallel_loop3A_476 = arith.addi %parallel_loop3A_464, %parallel_loop3A_475 : i32
          %parallel_loop3A_477 = arith.index_cast %parallel_loop3A_476 : i32 to index
          %parallel_loop3A_478 = tpu.vector_load %arg7[%parallel_loop3A_477] {strides = array<i32>} : memref<100000xf32, #tpu.memory_space<vmem>>, vector<16xf32>,
          %parallel_loop3A_479 = vector.shape_cast %parallel_loop3A_478 : vector<16xf32> to vector<16xf32>
          %parallel_loop3A_480 = vector.shape_cast %parallel_loop3A_474 : vector<16xf32> to vector<16xf32>
          tpu.vector_store %arg7[%parallel_loop3A_477], %parallel_loop3A_480 {add = true, strides = array<i32>} : memref<100000xf32, #tpu.memory_space<vmem>>, vector<16xf32>,
          %parallel_loop3A_481 = arith.constant 16 : i32
          %parallel_loop3A_482 = arith.muli %parallel_loop3A_481, %parallel_loop3A_88 : i32
          %parallel_loop3A_483 = arith.constant 9 : i32
          %parallel_loop3A_484 = arith.addi %parallel_loop3A_482, %parallel_loop3A_483 : i32
          %parallel_loop3A_485 = arith.index_cast %parallel_loop3A_484 : i32 to index
          %parallel_loop3A_486 = arith.constant 16 : index
          %parallel_loop3A_487 = tpu.vector_load %arg8[%parallel_loop3A_485, %parallel_loop3A_486] {strides = array<i32>} : memref<128x32xf32, #tpu.memory_space<vmem>>, vector<1x16xf32>,
          %parallel_loop3A_488 = vector.shape_cast %parallel_loop3A_487 : vector<1x16xf32> to vector<16xf32>
          %parallel_loop3A_489 = vector.broadcast %parallel_loop3A_460 : f32 to vector<16xf32>
          %parallel_loop3A_490 = arith.mulf %parallel_loop3A_488, %parallel_loop3A_489 : vector<16xf32>
          %parallel_loop3A_491 = arith.constant 16 : i32
          %parallel_loop3A_492 = arith.addi %parallel_loop3A_464, %parallel_loop3A_491 : i32
          %parallel_loop3A_493 = arith.index_cast %parallel_loop3A_492 : i32 to index
          %parallel_loop3A_494 = tpu.vector_load %arg7[%parallel_loop3A_493] {strides = array<i32>} : memref<100000xf32, #tpu.memory_space<vmem>>, vector<16xf32>,
          %parallel_loop3A_495 = vector.shape_cast %parallel_loop3A_494 : vector<16xf32> to vector<16xf32>
          %parallel_loop3A_496 = vector.shape_cast %parallel_loop3A_490 : vector<16xf32> to vector<16xf32>
          tpu.vector_store %arg7[%parallel_loop3A_493], %parallel_loop3A_496 {add = true, strides = array<i32>} : memref<100000xf32, #tpu.memory_space<vmem>>, vector<16xf32>,
          %parallel_loop3A_497 = vector.extract_strided_slice %parallel_loop3A_116 {offsets = [10], sizes = [1], strides = [1]} : vector<16xf32> to vector<1xf32>
          %parallel_loop3A_498 = vector.extract %parallel_loop3A_497[0] : f32 from vector<1xf32>
          %parallel_loop3A_499 = vector.extract_strided_slice %parallel_loop3A_103 {offsets = [10], sizes = [1], strides = [1]} : vector<16xi32> to vector<1xi32>
          %parallel_loop3A_500 = vector.extract %parallel_loop3A_499[0] : i32 from vector<1xi32>
          %parallel_loop3A_501 = arith.constant 32 : i32
          %parallel_loop3A_502 = arith.muli %parallel_loop3A_500, %parallel_loop3A_501 : i32
          %parallel_loop3A_503 = arith.constant 16 : i32
          %parallel_loop3A_504 = arith.muli %parallel_loop3A_503, %parallel_loop3A_88 : i32
          %parallel_loop3A_505 = arith.constant 10 : i32
          %parallel_loop3A_506 = arith.addi %parallel_loop3A_504, %parallel_loop3A_505 : i32
          %parallel_loop3A_507 = arith.index_cast %parallel_loop3A_506 : i32 to index
          %parallel_loop3A_508 = arith.constant 0 : index
          %parallel_loop3A_509 = tpu.vector_load %arg8[%parallel_loop3A_507, %parallel_loop3A_508] {strides = array<i32>} : memref<128x32xf32, #tpu.memory_space<vmem>>, vector<1x16xf32>,
          %parallel_loop3A_510 = vector.shape_cast %parallel_loop3A_509 : vector<1x16xf32> to vector<16xf32>
          %parallel_loop3A_511 = vector.broadcast %parallel_loop3A_498 : f32 to vector<16xf32>
          %parallel_loop3A_512 = arith.mulf %parallel_loop3A_510, %parallel_loop3A_511 : vector<16xf32>
          %parallel_loop3A_513 = arith.constant 0 : i32
          %parallel_loop3A_514 = arith.addi %parallel_loop3A_502, %parallel_loop3A_513 : i32
          %parallel_loop3A_515 = arith.index_cast %parallel_loop3A_514 : i32 to index
          %parallel_loop3A_516 = tpu.vector_load %arg7[%parallel_loop3A_515] {strides = array<i32>} : memref<100000xf32, #tpu.memory_space<vmem>>, vector<16xf32>,
          %parallel_loop3A_517 = vector.shape_cast %parallel_loop3A_516 : vector<16xf32> to vector<16xf32>
          %parallel_loop3A_518 = vector.shape_cast %parallel_loop3A_512 : vector<16xf32> to vector<16xf32>
          tpu.vector_store %arg7[%parallel_loop3A_515], %parallel_loop3A_518 {add = true, strides = array<i32>} : memref<100000xf32, #tpu.memory_space<vmem>>, vector<16xf32>,
          %parallel_loop3A_519 = arith.constant 16 : i32
          %parallel_loop3A_520 = arith.muli %parallel_loop3A_519, %parallel_loop3A_88 : i32
          %parallel_loop3A_521 = arith.constant 10 : i32
          %parallel_loop3A_522 = arith.addi %parallel_loop3A_520, %parallel_loop3A_521 : i32
          %parallel_loop3A_523 = arith.index_cast %parallel_loop3A_522 : i32 to index
          %parallel_loop3A_524 = arith.constant 16 : index
          %parallel_loop3A_525 = tpu.vector_load %arg8[%parallel_loop3A_523, %parallel_loop3A_524] {strides = array<i32>} : memref<128x32xf32, #tpu.memory_space<vmem>>, vector<1x16xf32>,
          %parallel_loop3A_526 = vector.shape_cast %parallel_loop3A_525 : vector<1x16xf32> to vector<16xf32>
          %parallel_loop3A_527 = vector.broadcast %parallel_loop3A_498 : f32 to vector<16xf32>
          %parallel_loop3A_528 = arith.mulf %parallel_loop3A_526, %parallel_loop3A_527 : vector<16xf32>
          %parallel_loop3A_529 = arith.constant 16 : i32
          %parallel_loop3A_530 = arith.addi %parallel_loop3A_502, %parallel_loop3A_529 : i32
          %parallel_loop3A_531 = arith.index_cast %parallel_loop3A_530 : i32 to index
          %parallel_loop3A_532 = tpu.vector_load %arg7[%parallel_loop3A_531] {strides = array<i32>} : memref<100000xf32, #tpu.memory_space<vmem>>, vector<16xf32>,
          %parallel_loop3A_533 = vector.shape_cast %parallel_loop3A_532 : vector<16xf32> to vector<16xf32>
          %parallel_loop3A_534 = vector.shape_cast %parallel_loop3A_528 : vector<16xf32> to vector<16xf32>
          tpu.vector_store %arg7[%parallel_loop3A_531], %parallel_loop3A_534 {add = true, strides = array<i32>} : memref<100000xf32, #tpu.memory_space<vmem>>, vector<16xf32>,
          %parallel_loop3A_535 = vector.extract_strided_slice %parallel_loop3A_116 {offsets = [11], sizes = [1], strides = [1]} : vector<16xf32> to vector<1xf32>
          %parallel_loop3A_536 = vector.extract %parallel_loop3A_535[0] : f32 from vector<1xf32>
          %parallel_loop3A_537 = vector.extract_strided_slice %parallel_loop3A_103 {offsets = [11], sizes = [1], strides = [1]} : vector<16xi32> to vector<1xi32>
          %parallel_loop3A_538 = vector.extract %parallel_loop3A_537[0] : i32 from vector<1xi32>
          %parallel_loop3A_539 = arith.constant 32 : i32
          %parallel_loop3A_540 = arith.muli %parallel_loop3A_538, %parallel_loop3A_539 : i32
          %parallel_loop3A_541 = arith.constant 16 : i32
          %parallel_loop3A_542 = arith.muli %parallel_loop3A_541, %parallel_loop3A_88 : i32
          %parallel_loop3A_543 = arith.constant 11 : i32
          %parallel_loop3A_544 = arith.addi %parallel_loop3A_542, %parallel_loop3A_543 : i32
          %parallel_loop3A_545 = arith.index_cast %parallel_loop3A_544 : i32 to index
          %parallel_loop3A_546 = arith.constant 0 : index
          %parallel_loop3A_547 = tpu.vector_load %arg8[%parallel_loop3A_545, %parallel_loop3A_546] {strides = array<i32>} : memref<128x32xf32, #tpu.memory_space<vmem>>, vector<1x16xf32>,
          %parallel_loop3A_548 = vector.shape_cast %parallel_loop3A_547 : vector<1x16xf32> to vector<16xf32>
          %parallel_loop3A_549 = vector.broadcast %parallel_loop3A_536 : f32 to vector<16xf32>
          %parallel_loop3A_550 = arith.mulf %parallel_loop3A_548, %parallel_loop3A_549 : vector<16xf32>
          %parallel_loop3A_551 = arith.constant 0 : i32
          %parallel_loop3A_552 = arith.addi %parallel_loop3A_540, %parallel_loop3A_551 : i32
          %parallel_loop3A_553 = arith.index_cast %parallel_loop3A_552 : i32 to index
          %parallel_loop3A_554 = tpu.vector_load %arg7[%parallel_loop3A_553] {strides = array<i32>} : memref<100000xf32, #tpu.memory_space<vmem>>, vector<16xf32>,
          %parallel_loop3A_555 = vector.shape_cast %parallel_loop3A_554 : vector<16xf32> to vector<16xf32>
          %parallel_loop3A_556 = vector.shape_cast %parallel_loop3A_550 : vector<16xf32> to vector<16xf32>
          tpu.vector_store %arg7[%parallel_loop3A_553], %parallel_loop3A_556 {add = true, strides = array<i32>} : memref<100000xf32, #tpu.memory_space<vmem>>, vector<16xf32>,
          %parallel_loop3A_557 = arith.constant 16 : i32
          %parallel_loop3A_558 = arith.muli %parallel_loop3A_557, %parallel_loop3A_88 : i32
          %parallel_loop3A_559 = arith.constant 11 : i32
          %parallel_loop3A_560 = arith.addi %parallel_loop3A_558, %parallel_loop3A_559 : i32
          %parallel_loop3A_561 = arith.index_cast %parallel_loop3A_560 : i32 to index
          %parallel_loop3A_562 = arith.constant 16 : index
          %parallel_loop3A_563 = tpu.vector_load %arg8[%parallel_loop3A_561, %parallel_loop3A_562] {strides = array<i32>} : memref<128x32xf32, #tpu.memory_space<vmem>>, vector<1x16xf32>,
          %parallel_loop3A_564 = vector.shape_cast %parallel_loop3A_563 : vector<1x16xf32> to vector<16xf32>
          %parallel_loop3A_565 = vector.broadcast %parallel_loop3A_536 : f32 to vector<16xf32>
          %parallel_loop3A_566 = arith.mulf %parallel_loop3A_564, %parallel_loop3A_565 : vector<16xf32>
          %parallel_loop3A_567 = arith.constant 16 : i32
          %parallel_loop3A_568 = arith.addi %parallel_loop3A_540, %parallel_loop3A_567 : i32
          %parallel_loop3A_569 = arith.index_cast %parallel_loop3A_568 : i32 to index
          %parallel_loop3A_570 = tpu.vector_load %arg7[%parallel_loop3A_569] {strides = array<i32>} : memref<100000xf32, #tpu.memory_space<vmem>>, vector<16xf32>,
          %parallel_loop3A_571 = vector.shape_cast %parallel_loop3A_570 : vector<16xf32> to vector<16xf32>
          %parallel_loop3A_572 = vector.shape_cast %parallel_loop3A_566 : vector<16xf32> to vector<16xf32>
          tpu.vector_store %arg7[%parallel_loop3A_569], %parallel_loop3A_572 {add = true, strides = array<i32>} : memref<100000xf32, #tpu.memory_space<vmem>>, vector<16xf32>,
          %parallel_loop3A_573 = vector.extract_strided_slice %parallel_loop3A_116 {offsets = [12], sizes = [1], strides = [1]} : vector<16xf32> to vector<1xf32>
          %parallel_loop3A_574 = vector.extract %parallel_loop3A_573[0] : f32 from vector<1xf32>
          %parallel_loop3A_575 = vector.extract_strided_slice %parallel_loop3A_103 {offsets = [12], sizes = [1], strides = [1]} : vector<16xi32> to vector<1xi32>
          %parallel_loop3A_576 = vector.extract %parallel_loop3A_575[0] : i32 from vector<1xi32>
          %parallel_loop3A_577 = arith.constant 32 : i32
          %parallel_loop3A_578 = arith.muli %parallel_loop3A_576, %parallel_loop3A_577 : i32
          %parallel_loop3A_579 = arith.constant 16 : i32
          %parallel_loop3A_580 = arith.muli %parallel_loop3A_579, %parallel_loop3A_88 : i32
          %parallel_loop3A_581 = arith.constant 12 : i32
          %parallel_loop3A_582 = arith.addi %parallel_loop3A_580, %parallel_loop3A_581 : i32
          %parallel_loop3A_583 = arith.index_cast %parallel_loop3A_582 : i32 to index
          %parallel_loop3A_584 = arith.constant 0 : index
          %parallel_loop3A_585 = tpu.vector_load %arg8[%parallel_loop3A_583, %parallel_loop3A_584] {strides = array<i32>} : memref<128x32xf32, #tpu.memory_space<vmem>>, vector<1x16xf32>,
          %parallel_loop3A_586 = vector.shape_cast %parallel_loop3A_585 : vector<1x16xf32> to vector<16xf32>
          %parallel_loop3A_587 = vector.broadcast %parallel_loop3A_574 : f32 to vector<16xf32>
          %parallel_loop3A_588 = arith.mulf %parallel_loop3A_586, %parallel_loop3A_587 : vector<16xf32>
          %parallel_loop3A_589 = arith.constant 0 : i32
          %parallel_loop3A_590 = arith.addi %parallel_loop3A_578, %parallel_loop3A_589 : i32
          %parallel_loop3A_591 = arith.index_cast %parallel_loop3A_590 : i32 to index
          %parallel_loop3A_592 = tpu.vector_load %arg7[%parallel_loop3A_591] {strides = array<i32>} : memref<100000xf32, #tpu.memory_space<vmem>>, vector<16xf32>,
          %parallel_loop3A_593 = vector.shape_cast %parallel_loop3A_592 : vector<16xf32> to vector<16xf32>
          %parallel_loop3A_594 = vector.shape_cast %parallel_loop3A_588 : vector<16xf32> to vector<16xf32>
          tpu.vector_store %arg7[%parallel_loop3A_591], %parallel_loop3A_594 {add = true, strides = array<i32>} : memref<100000xf32, #tpu.memory_space<vmem>>, vector<16xf32>,
          %parallel_loop3A_595 = arith.constant 16 : i32
          %parallel_loop3A_596 = arith.muli %parallel_loop3A_595, %parallel_loop3A_88 : i32
          %parallel_loop3A_597 = arith.constant 12 : i32
          %parallel_loop3A_598 = arith.addi %parallel_loop3A_596, %parallel_loop3A_597 : i32
          %parallel_loop3A_599 = arith.index_cast %parallel_loop3A_598 : i32 to index
          %parallel_loop3A_600 = arith.constant 16 : index
          %parallel_loop3A_601 = tpu.vector_load %arg8[%parallel_loop3A_599, %parallel_loop3A_600] {strides = array<i32>} : memref<128x32xf32, #tpu.memory_space<vmem>>, vector<1x16xf32>,
          %parallel_loop3A_602 = vector.shape_cast %parallel_loop3A_601 : vector<1x16xf32> to vector<16xf32>
          %parallel_loop3A_603 = vector.broadcast %parallel_loop3A_574 : f32 to vector<16xf32>
          %parallel_loop3A_604 = arith.mulf %parallel_loop3A_602, %parallel_loop3A_603 : vector<16xf32>
          %parallel_loop3A_605 = arith.constant 16 : i32
          %parallel_loop3A_606 = arith.addi %parallel_loop3A_578, %parallel_loop3A_605 : i32
          %parallel_loop3A_607 = arith.index_cast %parallel_loop3A_606 : i32 to index
          %parallel_loop3A_608 = tpu.vector_load %arg7[%parallel_loop3A_607] {strides = array<i32>} : memref<100000xf32, #tpu.memory_space<vmem>>, vector<16xf32>,
          %parallel_loop3A_609 = vector.shape_cast %parallel_loop3A_608 : vector<16xf32> to vector<16xf32>
          %parallel_loop3A_610 = vector.shape_cast %parallel_loop3A_604 : vector<16xf32> to vector<16xf32>
          tpu.vector_store %arg7[%parallel_loop3A_607], %parallel_loop3A_610 {add = true, strides = array<i32>} : memref<100000xf32, #tpu.memory_space<vmem>>, vector<16xf32>,
          %parallel_loop3A_611 = vector.extract_strided_slice %parallel_loop3A_116 {offsets = [13], sizes = [1], strides = [1]} : vector<16xf32> to vector<1xf32>
          %parallel_loop3A_612 = vector.extract %parallel_loop3A_611[0] : f32 from vector<1xf32>
          %parallel_loop3A_613 = vector.extract_strided_slice %parallel_loop3A_103 {offsets = [13], sizes = [1], strides = [1]} : vector<16xi32> to vector<1xi32>
          %parallel_loop3A_614 = vector.extract %parallel_loop3A_613[0] : i32 from vector<1xi32>
          %parallel_loop3A_615 = arith.constant 32 : i32
          %parallel_loop3A_616 = arith.muli %parallel_loop3A_614, %parallel_loop3A_615 : i32
          %parallel_loop3A_617 = arith.constant 16 : i32
          %parallel_loop3A_618 = arith.muli %parallel_loop3A_617, %parallel_loop3A_88 : i32
          %parallel_loop3A_619 = arith.constant 13 : i32
          %parallel_loop3A_620 = arith.addi %parallel_loop3A_618, %parallel_loop3A_619 : i32
          %parallel_loop3A_621 = arith.index_cast %parallel_loop3A_620 : i32 to index
          %parallel_loop3A_622 = arith.constant 0 : index
          %parallel_loop3A_623 = tpu.vector_load %arg8[%parallel_loop3A_621, %parallel_loop3A_622] {strides = array<i32>} : memref<128x32xf32, #tpu.memory_space<vmem>>, vector<1x16xf32>,
          %parallel_loop3A_624 = vector.shape_cast %parallel_loop3A_623 : vector<1x16xf32> to vector<16xf32>
          %parallel_loop3A_625 = vector.broadcast %parallel_loop3A_612 : f32 to vector<16xf32>
          %parallel_loop3A_626 = arith.mulf %parallel_loop3A_624, %parallel_loop3A_625 : vector<16xf32>
          %parallel_loop3A_627 = arith.constant 0 : i32
          %parallel_loop3A_628 = arith.addi %parallel_loop3A_616, %parallel_loop3A_627 : i32
          %parallel_loop3A_629 = arith.index_cast %parallel_loop3A_628 : i32 to index
          %parallel_loop3A_630 = tpu.vector_load %arg7[%parallel_loop3A_629] {strides = array<i32>} : memref<100000xf32, #tpu.memory_space<vmem>>, vector<16xf32>,
          %parallel_loop3A_631 = vector.shape_cast %parallel_loop3A_630 : vector<16xf32> to vector<16xf32>
          %parallel_loop3A_632 = vector.shape_cast %parallel_loop3A_626 : vector<16xf32> to vector<16xf32>
          tpu.vector_store %arg7[%parallel_loop3A_629], %parallel_loop3A_632 {add = true, strides = array<i32>} : memref<100000xf32, #tpu.memory_space<vmem>>, vector<16xf32>,
          %parallel_loop3A_633 = arith.constant 16 : i32
          %parallel_loop3A_634 = arith.muli %parallel_loop3A_633, %parallel_loop3A_88 : i32
          %parallel_loop3A_635 = arith.constant 13 : i32
          %parallel_loop3A_636 = arith.addi %parallel_loop3A_634, %parallel_loop3A_635 : i32
          %parallel_loop3A_637 = arith.index_cast %parallel_loop3A_636 : i32 to index
          %parallel_loop3A_638 = arith.constant 16 : index
          %parallel_loop3A_639 = tpu.vector_load %arg8[%parallel_loop3A_637, %parallel_loop3A_638] {strides = array<i32>} : memref<128x32xf32, #tpu.memory_space<vmem>>, vector<1x16xf32>,
          %parallel_loop3A_640 = vector.shape_cast %parallel_loop3A_639 : vector<1x16xf32> to vector<16xf32>
          %parallel_loop3A_641 = vector.broadcast %parallel_loop3A_612 : f32 to vector<16xf32>
          %parallel_loop3A_642 = arith.mulf %parallel_loop3A_640, %parallel_loop3A_641 : vector<16xf32>
          %parallel_loop3A_643 = arith.constant 16 : i32
          %parallel_loop3A_644 = arith.addi %parallel_loop3A_616, %parallel_loop3A_643 : i32
          %parallel_loop3A_645 = arith.index_cast %parallel_loop3A_644 : i32 to index
          %parallel_loop3A_646 = tpu.vector_load %arg7[%parallel_loop3A_645] {strides = array<i32>} : memref<100000xf32, #tpu.memory_space<vmem>>, vector<16xf32>,
          %parallel_loop3A_647 = vector.shape_cast %parallel_loop3A_646 : vector<16xf32> to vector<16xf32>
          %parallel_loop3A_648 = vector.shape_cast %parallel_loop3A_642 : vector<16xf32> to vector<16xf32>
          tpu.vector_store %arg7[%parallel_loop3A_645], %parallel_loop3A_648 {add = true, strides = array<i32>} : memref<100000xf32, #tpu.memory_space<vmem>>, vector<16xf32>,
          %parallel_loop3A_649 = vector.extract_strided_slice %parallel_loop3A_116 {offsets = [14], sizes = [1], strides = [1]} : vector<16xf32> to vector<1xf32>
          %parallel_loop3A_650 = vector.extract %parallel_loop3A_649[0] : f32 from vector<1xf32>
          %parallel_loop3A_651 = vector.extract_strided_slice %parallel_loop3A_103 {offsets = [14], sizes = [1], strides = [1]} : vector<16xi32> to vector<1xi32>
          %parallel_loop3A_652 = vector.extract %parallel_loop3A_651[0] : i32 from vector<1xi32>
          %parallel_loop3A_653 = arith.constant 32 : i32
          %parallel_loop3A_654 = arith.muli %parallel_loop3A_652, %parallel_loop3A_653 : i32
          %parallel_loop3A_655 = arith.constant 16 : i32
          %parallel_loop3A_656 = arith.muli %parallel_loop3A_655, %parallel_loop3A_88 : i32
          %parallel_loop3A_657 = arith.constant 14 : i32
          %parallel_loop3A_658 = arith.addi %parallel_loop3A_656, %parallel_loop3A_657 : i32
          %parallel_loop3A_659 = arith.index_cast %parallel_loop3A_658 : i32 to index
          %parallel_loop3A_660 = arith.constant 0 : index
          %parallel_loop3A_661 = tpu.vector_load %arg8[%parallel_loop3A_659, %parallel_loop3A_660] {strides = array<i32>} : memref<128x32xf32, #tpu.memory_space<vmem>>, vector<1x16xf32>,
          %parallel_loop3A_662 = vector.shape_cast %parallel_loop3A_661 : vector<1x16xf32> to vector<16xf32>
          %parallel_loop3A_663 = vector.broadcast %parallel_loop3A_650 : f32 to vector<16xf32>
          %parallel_loop3A_664 = arith.mulf %parallel_loop3A_662, %parallel_loop3A_663 : vector<16xf32>
          %parallel_loop3A_665 = arith.constant 0 : i32
          %parallel_loop3A_666 = arith.addi %parallel_loop3A_654, %parallel_loop3A_665 : i32
          %parallel_loop3A_667 = arith.index_cast %parallel_loop3A_666 : i32 to index
          %parallel_loop3A_668 = tpu.vector_load %arg7[%parallel_loop3A_667] {strides = array<i32>} : memref<100000xf32, #tpu.memory_space<vmem>>, vector<16xf32>,
          %parallel_loop3A_669 = vector.shape_cast %parallel_loop3A_668 : vector<16xf32> to vector<16xf32>
          %parallel_loop3A_670 = vector.shape_cast %parallel_loop3A_664 : vector<16xf32> to vector<16xf32>
          tpu.vector_store %arg7[%parallel_loop3A_667], %parallel_loop3A_670 {add = true, strides = array<i32>} : memref<100000xf32, #tpu.memory_space<vmem>>, vector<16xf32>,
          %parallel_loop3A_671 = arith.constant 16 : i32
          %parallel_loop3A_672 = arith.muli %parallel_loop3A_671, %parallel_loop3A_88 : i32
          %parallel_loop3A_673 = arith.constant 14 : i32
          %parallel_loop3A_674 = arith.addi %parallel_loop3A_672, %parallel_loop3A_673 : i32
          %parallel_loop3A_675 = arith.index_cast %parallel_loop3A_674 : i32 to index
          %parallel_loop3A_676 = arith.constant 16 : index
          %parallel_loop3A_677 = tpu.vector_load %arg8[%parallel_loop3A_675, %parallel_loop3A_676] {strides = array<i32>} : memref<128x32xf32, #tpu.memory_space<vmem>>, vector<1x16xf32>,
          %parallel_loop3A_678 = vector.shape_cast %parallel_loop3A_677 : vector<1x16xf32> to vector<16xf32>
          %parallel_loop3A_679 = vector.broadcast %parallel_loop3A_650 : f32 to vector<16xf32>
          %parallel_loop3A_680 = arith.mulf %parallel_loop3A_678, %parallel_loop3A_679 : vector<16xf32>
          %parallel_loop3A_681 = arith.constant 16 : i32
          %parallel_loop3A_682 = arith.addi %parallel_loop3A_654, %parallel_loop3A_681 : i32
          %parallel_loop3A_683 = arith.index_cast %parallel_loop3A_682 : i32 to index
          %parallel_loop3A_684 = tpu.vector_load %arg7[%parallel_loop3A_683] {strides = array<i32>} : memref<100000xf32, #tpu.memory_space<vmem>>, vector<16xf32>,
          %parallel_loop3A_685 = vector.shape_cast %parallel_loop3A_684 : vector<16xf32> to vector<16xf32>
          %parallel_loop3A_686 = vector.shape_cast %parallel_loop3A_680 : vector<16xf32> to vector<16xf32>
          tpu.vector_store %arg7[%parallel_loop3A_683], %parallel_loop3A_686 {add = true, strides = array<i32>} : memref<100000xf32, #tpu.memory_space<vmem>>, vector<16xf32>,
          %parallel_loop3A_687 = vector.extract_strided_slice %parallel_loop3A_116 {offsets = [15], sizes = [1], strides = [1]} : vector<16xf32> to vector<1xf32>
          %parallel_loop3A_688 = vector.extract %parallel_loop3A_687[0] : f32 from vector<1xf32>
          %parallel_loop3A_689 = vector.extract_strided_slice %parallel_loop3A_103 {offsets = [15], sizes = [1], strides = [1]} : vector<16xi32> to vector<1xi32>
          %parallel_loop3A_690 = vector.extract %parallel_loop3A_689[0] : i32 from vector<1xi32>
          %parallel_loop3A_691 = arith.constant 32 : i32
          %parallel_loop3A_692 = arith.muli %parallel_loop3A_690, %parallel_loop3A_691 : i32
          %parallel_loop3A_693 = arith.constant 16 : i32
          %parallel_loop3A_694 = arith.muli %parallel_loop3A_693, %parallel_loop3A_88 : i32
          %parallel_loop3A_695 = arith.constant 15 : i32
          %parallel_loop3A_696 = arith.addi %parallel_loop3A_694, %parallel_loop3A_695 : i32
          %parallel_loop3A_697 = arith.index_cast %parallel_loop3A_696 : i32 to index
          %parallel_loop3A_698 = arith.constant 0 : index
          %parallel_loop3A_699 = tpu.vector_load %arg8[%parallel_loop3A_697, %parallel_loop3A_698] {strides = array<i32>} : memref<128x32xf32, #tpu.memory_space<vmem>>, vector<1x16xf32>,
          %parallel_loop3A_700 = vector.shape_cast %parallel_loop3A_699 : vector<1x16xf32> to vector<16xf32>
          %parallel_loop3A_701 = vector.broadcast %parallel_loop3A_688 : f32 to vector<16xf32>
          %parallel_loop3A_702 = arith.mulf %parallel_loop3A_700, %parallel_loop3A_701 : vector<16xf32>
          %parallel_loop3A_703 = arith.constant 0 : i32
          %parallel_loop3A_704 = arith.addi %parallel_loop3A_692, %parallel_loop3A_703 : i32
          %parallel_loop3A_705 = arith.index_cast %parallel_loop3A_704 : i32 to index
          %parallel_loop3A_706 = tpu.vector_load %arg7[%parallel_loop3A_705] {strides = array<i32>} : memref<100000xf32, #tpu.memory_space<vmem>>, vector<16xf32>,
          %parallel_loop3A_707 = vector.shape_cast %parallel_loop3A_706 : vector<16xf32> to vector<16xf32>
          %parallel_loop3A_708 = vector.shape_cast %parallel_loop3A_702 : vector<16xf32> to vector<16xf32>
          tpu.vector_store %arg7[%parallel_loop3A_705], %parallel_loop3A_708 {add = true, strides = array<i32>} : memref<100000xf32, #tpu.memory_space<vmem>>, vector<16xf32>,
          %parallel_loop3A_709 = arith.constant 16 : i32
          %parallel_loop3A_710 = arith.muli %parallel_loop3A_709, %parallel_loop3A_88 : i32
          %parallel_loop3A_711 = arith.constant 15 : i32
          %parallel_loop3A_712 = arith.addi %parallel_loop3A_710, %parallel_loop3A_711 : i32
          %parallel_loop3A_713 = arith.index_cast %parallel_loop3A_712 : i32 to index
          %parallel_loop3A_714 = arith.constant 16 : index
          %parallel_loop3A_715 = tpu.vector_load %arg8[%parallel_loop3A_713, %parallel_loop3A_714] {strides = array<i32>} : memref<128x32xf32, #tpu.memory_space<vmem>>, vector<1x16xf32>,
          %parallel_loop3A_716 = vector.shape_cast %parallel_loop3A_715 : vector<1x16xf32> to vector<16xf32>
          %parallel_loop3A_717 = vector.broadcast %parallel_loop3A_688 : f32 to vector<16xf32>
          %parallel_loop3A_718 = arith.mulf %parallel_loop3A_716, %parallel_loop3A_717 : vector<16xf32>
          %parallel_loop3A_719 = arith.constant 16 : i32
          %parallel_loop3A_720 = arith.addi %parallel_loop3A_692, %parallel_loop3A_719 : i32
          %parallel_loop3A_721 = arith.index_cast %parallel_loop3A_720 : i32 to index
          %parallel_loop3A_722 = tpu.vector_load %arg7[%parallel_loop3A_721] {strides = array<i32>} : memref<100000xf32, #tpu.memory_space<vmem>>, vector<16xf32>,
          %parallel_loop3A_723 = vector.shape_cast %parallel_loop3A_722 : vector<16xf32> to vector<16xf32>
          %parallel_loop3A_724 = vector.shape_cast %parallel_loop3A_718 : vector<16xf32> to vector<16xf32>
          tpu.vector_store %arg7[%parallel_loop3A_721], %parallel_loop3A_724 {add = true, strides = array<i32>} : memref<100000xf32, #tpu.memory_space<vmem>>, vector<16xf32>,
        } {sc.loop_unroll_factor = 8 : i64, sc.parallel_access}
        %add3A_82 = arith.constant 2 : i32
        %add3A_83 = arith.addi %add3A_58, %add3A_82 : i32
        %lt3A_84 = arith.cmpi slt, %add3A_83, %add3A_13 : i32
        %convert_element_type3A_85 = arith.extui %lt3A_84 : i1 to i32
        %cond3A_86 = arith.constant 0 : i32
        %cond3A_87 = arith.cmpi ne, %convert_element_type3A_85, %cond3A_86 : i32
        scf.if %cond3A_87 {
          %add3A_88 = arith.constant 2 : i32
          %add3A_89 = arith.addi %add3A_58, %add3A_88 : i32
          %mul3A_90 = arith.constant 384 : i32
          %mul3A_91 = arith.muli %add3A_89, %mul3A_90 : i32
          %dma_start3A = tpu.memref_slice %arg4[%mul3A_91] : memref<4800768xi32, #tpu.memory_space<hbm>> -> memref<384xi32, #tpu.memory_space<hbm>>
          %dma_start3A_92 = tpu.memref_slice %arg4[%mul3A_91] : memref<4800768xi32, #tpu.memory_space<hbm>> -> memref<384xi32, #tpu.memory_space<hbm>>
          tpu.enqueue_dma source(%dma_start3A_92 : memref<384xi32, #tpu.memory_space<hbm>>) target(%arg10 : memref<384xi32, #tpu.memory_space<vmem>>) target_semaphore(%arg15 : memref<!tpu.dma_semaphore, #tpu.memory_space<semaphore_mem>>)
        } else {
        }
      } else {
      }
      %add3A_62 = arith.constant 1 : i32
      %add3A_63 = arith.addi %add3A_56, %add3A_62 : i32
      %lt3A_64 = arith.cmpi slt, %add3A_63, %add3A_13 : i32
      %convert_element_type3A_65 = arith.extui %lt3A_64 : i1 to i32
      %cond3A_66 = arith.constant 0 : i32
      %cond3A_67 = arith.cmpi ne, %convert_element_type3A_65, %cond3A_66 : i32
      scf.if %cond3A_67 {
        %dma_wait3A = arith.constant 0 : i32
        %dma_wait3A_68 = tpu.memref_slice %arg11[%dma_wait3A] : memref<384xi32, #tpu.memory_space<vmem>> -> memref<128xi32, #tpu.memory_space<vmem>>
        %dma_wait3A_69 = arith.constant 0 : i32
        %dma_wait3A_70 = arith.constant 0 : i32
        %dma_wait3A_71 = tpu.memref_slice %arg2[%dma_wait3A_69, %dma_wait3A_70] : memref<100000x32xf32, #tpu.memory_space<hbm>> -> memref<100000x32xf32, #tpu.memory_space<hbm>>
        tpu.wait_indirect_dma semaphore(%arg14 : memref<!tpu.dma_semaphore, #tpu.memory_space<semaphore_mem>>) src(%dma_wait3A_71 : memref<100000x32xf32, #tpu.memory_space<hbm>>) dst(%arg9 : memref<128x32xf32, #tpu.memory_space<vmem>>)
        %add3A_72 = arith.constant 1 : i32
        %add3A_73 = arith.addi %add3A_63, %add3A_72 : i32
        %lt3A_74 = arith.cmpi slt, %add3A_73, %add3A_13 : i32
        %convert_element_type3A_75 = arith.extui %lt3A_74 : i1 to i32
        %cond3A_76 = arith.constant 0 : i32
        %cond3A_77 = arith.cmpi ne, %convert_element_type3A_75, %cond3A_76 : i32
        scf.if %cond3A_77 {
          %add3A_88 = arith.constant 1 : i32
          %add3A_89 = arith.addi %add3A_63, %add3A_88 : i32
          %mul3A_90 = arith.constant 384 : i32
          %mul3A_91 = arith.muli %add3A_89, %mul3A_90 : i32
          %dma_wait3A_92 = tpu.memref_slice %arg4[%mul3A_91] : memref<4800768xi32, #tpu.memory_space<hbm>> -> memref<384xi32, #tpu.memory_space<hbm>>
          %dma_wait3A_93 = tpu.memref_slice %arg4[%mul3A_91] : memref<4800768xi32, #tpu.memory_space<hbm>> -> memref<384xi32, #tpu.memory_space<hbm>>
          tpu.wait_dma2 semaphore(%arg15 : memref<!tpu.dma_semaphore, #tpu.memory_space<semaphore_mem>>) src(%dma_wait3A_93 : memref<384xi32, #tpu.memory_space<hbm>>) dst(%arg10 : memref<384xi32, #tpu.memory_space<vmem>>)
          %dma_start3A = arith.constant 0 : i32
          %dma_start3A_94 = tpu.memref_slice %arg10[%dma_start3A] : memref<384xi32, #tpu.memory_space<vmem>> -> memref<128xi32, #tpu.memory_space<vmem>>
          %dma_start3A_95 = arith.constant 0 : i32
          %dma_start3A_96 = arith.constant 0 : i32
          %dma_start3A_97 = tpu.memref_slice %arg2[%dma_start3A_95, %dma_start3A_96] : memref<100000x32xf32, #tpu.memory_space<hbm>> -> memref<100000x32xf32, #tpu.memory_space<hbm>>
          tpu.enqueue_indirect_dma source(%dma_start3A_97 : memref<100000x32xf32, #tpu.memory_space<hbm>>) target(%arg8 : memref<128x32xf32, #tpu.memory_space<vmem>>) offsets(%dma_start3A_94 : memref<128xi32, #tpu.memory_space<vmem>>) semaphore(%arg13 : memref<!tpu.dma_semaphore, #tpu.memory_space<semaphore_mem>>)
        } else {
        }
        %mul3A_78 = arith.constant 128 : i32
        %mul3A_79 = arith.muli %add3A_63, %mul3A_78 : i32
        %parallel_loop3A = arith.constant 0 : i32
        %parallel_loop3A_80 = arith.constant 8 : i32
        %parallel_loop3A_81 = arith.constant 1 : i32
        scf.for %parallel_loop3A_88 = %parallel_loop3A to %parallel_loop3A_80 step %parallel_loop3A_81  : i32 {
          %parallel_loop3A_89 = arith.constant 16 : i32
          %parallel_loop3A_90 = arith.muli %parallel_loop3A_89, %parallel_loop3A_88 : i32
          %parallel_loop3A_91 = arith.constant 128 : i32
          %parallel_loop3A_92 = arith.addi %parallel_loop3A_91, %parallel_loop3A_90 : i32
          %parallel_loop3A_93 = arith.index_cast %parallel_loop3A_92 : i32 to index
          %parallel_loop3A_94 = tpu.vector_load %arg11[%parallel_loop3A_93] {strides = array<i32>} : memref<384xi32, #tpu.memory_space<vmem>>, vector<16xi32>,
          %parallel_loop3A_95 = vector.shape_cast %parallel_loop3A_94 : vector<16xi32> to vector<16xi32>
          %parallel_loop3A_96 = tpu.bitcast %parallel_loop3A_95 : vector<16xi32> -> vector<16xf32>
          %parallel_loop3A_97 = arith.constant 16 : i32
          %parallel_loop3A_98 = arith.muli %parallel_loop3A_97, %parallel_loop3A_88 : i32
          %parallel_loop3A_99 = arith.constant 256 : i32
          %parallel_loop3A_100 = arith.addi %parallel_loop3A_99, %parallel_loop3A_98 : i32
          %parallel_loop3A_101 = arith.index_cast %parallel_loop3A_100 : i32 to index
          %parallel_loop3A_102 = tpu.vector_load %arg11[%parallel_loop3A_101] {strides = array<i32>} : memref<384xi32, #tpu.memory_space<vmem>>, vector<16xi32>,
          %parallel_loop3A_103 = vector.shape_cast %parallel_loop3A_102 : vector<16xi32> to vector<16xi32>
          %parallel_loop3A_104 = arith.constant 16 : i32
          %parallel_loop3A_105 = arith.muli %parallel_loop3A_104, %parallel_loop3A_88 : i32
          %parallel_loop3A_106 = arith.addi %mul3A_79, %parallel_loop3A_105 : i32
          %parallel_loop3A_107 = vector.broadcast %parallel_loop3A_106 : i32 to vector<16xi32>
          %parallel_loop3A_108 = arith.addi %iota3A, %parallel_loop3A_107 : vector<16xi32>
          %parallel_loop3A_109 = vector.broadcast %squeeze3A_10 : i32 to vector<16xi32>
          %parallel_loop3A_110 = arith.cmpi sge, %parallel_loop3A_108, %parallel_loop3A_109 : vector<16xi32>
          %parallel_loop3A_111 = vector.broadcast %squeeze3A_12 : i32 to vector<16xi32>
          %parallel_loop3A_112 = arith.cmpi slt, %parallel_loop3A_108, %parallel_loop3A_111 : vector<16xi32>
          %parallel_loop3A_113 = arith.andi %parallel_loop3A_110, %parallel_loop3A_112 : vector<16xi1>
          %parallel_loop3A_114 = arith.constant 0.000000e+00 : f32
          %parallel_loop3A_115 = vector.broadcast %parallel_loop3A_114 : f32 to vector<16xf32>
          %parallel_loop3A_116 = arith.select %parallel_loop3A_113, %parallel_loop3A_96, %parallel_loop3A_115 : vector<16xi1>, vector<16xf32>
          %parallel_loop3A_117 = vector.extract_strided_slice %parallel_loop3A_116 {offsets = [0], sizes = [1], strides = [1]} : vector<16xf32> to vector<1xf32>
          %parallel_loop3A_118 = vector.extract %parallel_loop3A_117[0] : f32 from vector<1xf32>
          %parallel_loop3A_119 = vector.extract_strided_slice %parallel_loop3A_103 {offsets = [0], sizes = [1], strides = [1]} : vector<16xi32> to vector<1xi32>
          %parallel_loop3A_120 = vector.extract %parallel_loop3A_119[0] : i32 from vector<1xi32>
          %parallel_loop3A_121 = arith.constant 32 : i32
          %parallel_loop3A_122 = arith.muli %parallel_loop3A_120, %parallel_loop3A_121 : i32
          %parallel_loop3A_123 = arith.constant 16 : i32
          %parallel_loop3A_124 = arith.muli %parallel_loop3A_123, %parallel_loop3A_88 : i32
          %parallel_loop3A_125 = arith.constant 0 : i32
          %parallel_loop3A_126 = arith.addi %parallel_loop3A_124, %parallel_loop3A_125 : i32
          %parallel_loop3A_127 = arith.index_cast %parallel_loop3A_126 : i32 to index
          %parallel_loop3A_128 = arith.constant 0 : index
          %parallel_loop3A_129 = tpu.vector_load %arg9[%parallel_loop3A_127, %parallel_loop3A_128] {strides = array<i32>} : memref<128x32xf32, #tpu.memory_space<vmem>>, vector<1x16xf32>,
          %parallel_loop3A_130 = vector.shape_cast %parallel_loop3A_129 : vector<1x16xf32> to vector<16xf32>
          %parallel_loop3A_131 = vector.broadcast %parallel_loop3A_118 : f32 to vector<16xf32>
          %parallel_loop3A_132 = arith.mulf %parallel_loop3A_130, %parallel_loop3A_131 : vector<16xf32>
          %parallel_loop3A_133 = arith.constant 0 : i32
          %parallel_loop3A_134 = arith.addi %parallel_loop3A_122, %parallel_loop3A_133 : i32
          %parallel_loop3A_135 = arith.index_cast %parallel_loop3A_134 : i32 to index
          %parallel_loop3A_136 = tpu.vector_load %arg7[%parallel_loop3A_135] {strides = array<i32>} : memref<100000xf32, #tpu.memory_space<vmem>>, vector<16xf32>,
          %parallel_loop3A_137 = vector.shape_cast %parallel_loop3A_136 : vector<16xf32> to vector<16xf32>
          %parallel_loop3A_138 = vector.shape_cast %parallel_loop3A_132 : vector<16xf32> to vector<16xf32>
          tpu.vector_store %arg7[%parallel_loop3A_135], %parallel_loop3A_138 {add = true, strides = array<i32>} : memref<100000xf32, #tpu.memory_space<vmem>>, vector<16xf32>,
          %parallel_loop3A_139 = arith.constant 16 : i32
          %parallel_loop3A_140 = arith.muli %parallel_loop3A_139, %parallel_loop3A_88 : i32
          %parallel_loop3A_141 = arith.constant 0 : i32
          %parallel_loop3A_142 = arith.addi %parallel_loop3A_140, %parallel_loop3A_141 : i32
          %parallel_loop3A_143 = arith.index_cast %parallel_loop3A_142 : i32 to index
          %parallel_loop3A_144 = arith.constant 16 : index
          %parallel_loop3A_145 = tpu.vector_load %arg9[%parallel_loop3A_143, %parallel_loop3A_144] {strides = array<i32>} : memref<128x32xf32, #tpu.memory_space<vmem>>, vector<1x16xf32>,
          %parallel_loop3A_146 = vector.shape_cast %parallel_loop3A_145 : vector<1x16xf32> to vector<16xf32>
          %parallel_loop3A_147 = vector.broadcast %parallel_loop3A_118 : f32 to vector<16xf32>
          %parallel_loop3A_148 = arith.mulf %parallel_loop3A_146, %parallel_loop3A_147 : vector<16xf32>
          %parallel_loop3A_149 = arith.constant 16 : i32
          %parallel_loop3A_150 = arith.addi %parallel_loop3A_122, %parallel_loop3A_149 : i32
          %parallel_loop3A_151 = arith.index_cast %parallel_loop3A_150 : i32 to index
          %parallel_loop3A_152 = tpu.vector_load %arg7[%parallel_loop3A_151] {strides = array<i32>} : memref<100000xf32, #tpu.memory_space<vmem>>, vector<16xf32>,
          %parallel_loop3A_153 = vector.shape_cast %parallel_loop3A_152 : vector<16xf32> to vector<16xf32>
          %parallel_loop3A_154 = vector.shape_cast %parallel_loop3A_148 : vector<16xf32> to vector<16xf32>
          tpu.vector_store %arg7[%parallel_loop3A_151], %parallel_loop3A_154 {add = true, strides = array<i32>} : memref<100000xf32, #tpu.memory_space<vmem>>, vector<16xf32>,
          %parallel_loop3A_155 = vector.extract_strided_slice %parallel_loop3A_116 {offsets = [1], sizes = [1], strides = [1]} : vector<16xf32> to vector<1xf32>
          %parallel_loop3A_156 = vector.extract %parallel_loop3A_155[0] : f32 from vector<1xf32>
          %parallel_loop3A_157 = vector.extract_strided_slice %parallel_loop3A_103 {offsets = [1], sizes = [1], strides = [1]} : vector<16xi32> to vector<1xi32>
          %parallel_loop3A_158 = vector.extract %parallel_loop3A_157[0] : i32 from vector<1xi32>
          %parallel_loop3A_159 = arith.constant 32 : i32
          %parallel_loop3A_160 = arith.muli %parallel_loop3A_158, %parallel_loop3A_159 : i32
          %parallel_loop3A_161 = arith.constant 16 : i32
          %parallel_loop3A_162 = arith.muli %parallel_loop3A_161, %parallel_loop3A_88 : i32
          %parallel_loop3A_163 = arith.constant 1 : i32
          %parallel_loop3A_164 = arith.addi %parallel_loop3A_162, %parallel_loop3A_163 : i32
          %parallel_loop3A_165 = arith.index_cast %parallel_loop3A_164 : i32 to index
          %parallel_loop3A_166 = arith.constant 0 : index
          %parallel_loop3A_167 = tpu.vector_load %arg9[%parallel_loop3A_165, %parallel_loop3A_166] {strides = array<i32>} : memref<128x32xf32, #tpu.memory_space<vmem>>, vector<1x16xf32>,
          %parallel_loop3A_168 = vector.shape_cast %parallel_loop3A_167 : vector<1x16xf32> to vector<16xf32>
          %parallel_loop3A_169 = vector.broadcast %parallel_loop3A_156 : f32 to vector<16xf32>
          %parallel_loop3A_170 = arith.mulf %parallel_loop3A_168, %parallel_loop3A_169 : vector<16xf32>
          %parallel_loop3A_171 = arith.constant 0 : i32
          %parallel_loop3A_172 = arith.addi %parallel_loop3A_160, %parallel_loop3A_171 : i32
          %parallel_loop3A_173 = arith.index_cast %parallel_loop3A_172 : i32 to index
          %parallel_loop3A_174 = tpu.vector_load %arg7[%parallel_loop3A_173] {strides = array<i32>} : memref<100000xf32, #tpu.memory_space<vmem>>, vector<16xf32>,
          %parallel_loop3A_175 = vector.shape_cast %parallel_loop3A_174 : vector<16xf32> to vector<16xf32>
          %parallel_loop3A_176 = vector.shape_cast %parallel_loop3A_170 : vector<16xf32> to vector<16xf32>
          tpu.vector_store %arg7[%parallel_loop3A_173], %parallel_loop3A_176 {add = true, strides = array<i32>} : memref<100000xf32, #tpu.memory_space<vmem>>, vector<16xf32>,
          %parallel_loop3A_177 = arith.constant 16 : i32
          %parallel_loop3A_178 = arith.muli %parallel_loop3A_177, %parallel_loop3A_88 : i32
          %parallel_loop3A_179 = arith.constant 1 : i32
          %parallel_loop3A_180 = arith.addi %parallel_loop3A_178, %parallel_loop3A_179 : i32
          %parallel_loop3A_181 = arith.index_cast %parallel_loop3A_180 : i32 to index
          %parallel_loop3A_182 = arith.constant 16 : index
          %parallel_loop3A_183 = tpu.vector_load %arg9[%parallel_loop3A_181, %parallel_loop3A_182] {strides = array<i32>} : memref<128x32xf32, #tpu.memory_space<vmem>>, vector<1x16xf32>,
          %parallel_loop3A_184 = vector.shape_cast %parallel_loop3A_183 : vector<1x16xf32> to vector<16xf32>
          %parallel_loop3A_185 = vector.broadcast %parallel_loop3A_156 : f32 to vector<16xf32>
          %parallel_loop3A_186 = arith.mulf %parallel_loop3A_184, %parallel_loop3A_185 : vector<16xf32>
          %parallel_loop3A_187 = arith.constant 16 : i32
          %parallel_loop3A_188 = arith.addi %parallel_loop3A_160, %parallel_loop3A_187 : i32
          %parallel_loop3A_189 = arith.index_cast %parallel_loop3A_188 : i32 to index
          %parallel_loop3A_190 = tpu.vector_load %arg7[%parallel_loop3A_189] {strides = array<i32>} : memref<100000xf32, #tpu.memory_space<vmem>>, vector<16xf32>,
          %parallel_loop3A_191 = vector.shape_cast %parallel_loop3A_190 : vector<16xf32> to vector<16xf32>
          %parallel_loop3A_192 = vector.shape_cast %parallel_loop3A_186 : vector<16xf32> to vector<16xf32>
          tpu.vector_store %arg7[%parallel_loop3A_189], %parallel_loop3A_192 {add = true, strides = array<i32>} : memref<100000xf32, #tpu.memory_space<vmem>>, vector<16xf32>,
          %parallel_loop3A_193 = vector.extract_strided_slice %parallel_loop3A_116 {offsets = [2], sizes = [1], strides = [1]} : vector<16xf32> to vector<1xf32>
          %parallel_loop3A_194 = vector.extract %parallel_loop3A_193[0] : f32 from vector<1xf32>
          %parallel_loop3A_195 = vector.extract_strided_slice %parallel_loop3A_103 {offsets = [2], sizes = [1], strides = [1]} : vector<16xi32> to vector<1xi32>
          %parallel_loop3A_196 = vector.extract %parallel_loop3A_195[0] : i32 from vector<1xi32>
          %parallel_loop3A_197 = arith.constant 32 : i32
          %parallel_loop3A_198 = arith.muli %parallel_loop3A_196, %parallel_loop3A_197 : i32
          %parallel_loop3A_199 = arith.constant 16 : i32
          %parallel_loop3A_200 = arith.muli %parallel_loop3A_199, %parallel_loop3A_88 : i32
          %parallel_loop3A_201 = arith.constant 2 : i32
          %parallel_loop3A_202 = arith.addi %parallel_loop3A_200, %parallel_loop3A_201 : i32
          %parallel_loop3A_203 = arith.index_cast %parallel_loop3A_202 : i32 to index
          %parallel_loop3A_204 = arith.constant 0 : index
          %parallel_loop3A_205 = tpu.vector_load %arg9[%parallel_loop3A_203, %parallel_loop3A_204] {strides = array<i32>} : memref<128x32xf32, #tpu.memory_space<vmem>>, vector<1x16xf32>,
          %parallel_loop3A_206 = vector.shape_cast %parallel_loop3A_205 : vector<1x16xf32> to vector<16xf32>
          %parallel_loop3A_207 = vector.broadcast %parallel_loop3A_194 : f32 to vector<16xf32>
          %parallel_loop3A_208 = arith.mulf %parallel_loop3A_206, %parallel_loop3A_207 : vector<16xf32>
          %parallel_loop3A_209 = arith.constant 0 : i32
          %parallel_loop3A_210 = arith.addi %parallel_loop3A_198, %parallel_loop3A_209 : i32
          %parallel_loop3A_211 = arith.index_cast %parallel_loop3A_210 : i32 to index
          %parallel_loop3A_212 = tpu.vector_load %arg7[%parallel_loop3A_211] {strides = array<i32>} : memref<100000xf32, #tpu.memory_space<vmem>>, vector<16xf32>,
          %parallel_loop3A_213 = vector.shape_cast %parallel_loop3A_212 : vector<16xf32> to vector<16xf32>
          %parallel_loop3A_214 = vector.shape_cast %parallel_loop3A_208 : vector<16xf32> to vector<16xf32>
          tpu.vector_store %arg7[%parallel_loop3A_211], %parallel_loop3A_214 {add = true, strides = array<i32>} : memref<100000xf32, #tpu.memory_space<vmem>>, vector<16xf32>,
          %parallel_loop3A_215 = arith.constant 16 : i32
          %parallel_loop3A_216 = arith.muli %parallel_loop3A_215, %parallel_loop3A_88 : i32
          %parallel_loop3A_217 = arith.constant 2 : i32
          %parallel_loop3A_218 = arith.addi %parallel_loop3A_216, %parallel_loop3A_217 : i32
          %parallel_loop3A_219 = arith.index_cast %parallel_loop3A_218 : i32 to index
          %parallel_loop3A_220 = arith.constant 16 : index
          %parallel_loop3A_221 = tpu.vector_load %arg9[%parallel_loop3A_219, %parallel_loop3A_220] {strides = array<i32>} : memref<128x32xf32, #tpu.memory_space<vmem>>, vector<1x16xf32>,
          %parallel_loop3A_222 = vector.shape_cast %parallel_loop3A_221 : vector<1x16xf32> to vector<16xf32>
          %parallel_loop3A_223 = vector.broadcast %parallel_loop3A_194 : f32 to vector<16xf32>
          %parallel_loop3A_224 = arith.mulf %parallel_loop3A_222, %parallel_loop3A_223 : vector<16xf32>
          %parallel_loop3A_225 = arith.constant 16 : i32
          %parallel_loop3A_226 = arith.addi %parallel_loop3A_198, %parallel_loop3A_225 : i32
          %parallel_loop3A_227 = arith.index_cast %parallel_loop3A_226 : i32 to index
          %parallel_loop3A_228 = tpu.vector_load %arg7[%parallel_loop3A_227] {strides = array<i32>} : memref<100000xf32, #tpu.memory_space<vmem>>, vector<16xf32>,
          %parallel_loop3A_229 = vector.shape_cast %parallel_loop3A_228 : vector<16xf32> to vector<16xf32>
          %parallel_loop3A_230 = vector.shape_cast %parallel_loop3A_224 : vector<16xf32> to vector<16xf32>
          tpu.vector_store %arg7[%parallel_loop3A_227], %parallel_loop3A_230 {add = true, strides = array<i32>} : memref<100000xf32, #tpu.memory_space<vmem>>, vector<16xf32>,
          %parallel_loop3A_231 = vector.extract_strided_slice %parallel_loop3A_116 {offsets = [3], sizes = [1], strides = [1]} : vector<16xf32> to vector<1xf32>
          %parallel_loop3A_232 = vector.extract %parallel_loop3A_231[0] : f32 from vector<1xf32>
          %parallel_loop3A_233 = vector.extract_strided_slice %parallel_loop3A_103 {offsets = [3], sizes = [1], strides = [1]} : vector<16xi32> to vector<1xi32>
          %parallel_loop3A_234 = vector.extract %parallel_loop3A_233[0] : i32 from vector<1xi32>
          %parallel_loop3A_235 = arith.constant 32 : i32
          %parallel_loop3A_236 = arith.muli %parallel_loop3A_234, %parallel_loop3A_235 : i32
          %parallel_loop3A_237 = arith.constant 16 : i32
          %parallel_loop3A_238 = arith.muli %parallel_loop3A_237, %parallel_loop3A_88 : i32
          %parallel_loop3A_239 = arith.constant 3 : i32
          %parallel_loop3A_240 = arith.addi %parallel_loop3A_238, %parallel_loop3A_239 : i32
          %parallel_loop3A_241 = arith.index_cast %parallel_loop3A_240 : i32 to index
          %parallel_loop3A_242 = arith.constant 0 : index
          %parallel_loop3A_243 = tpu.vector_load %arg9[%parallel_loop3A_241, %parallel_loop3A_242] {strides = array<i32>} : memref<128x32xf32, #tpu.memory_space<vmem>>, vector<1x16xf32>,
          %parallel_loop3A_244 = vector.shape_cast %parallel_loop3A_243 : vector<1x16xf32> to vector<16xf32>
          %parallel_loop3A_245 = vector.broadcast %parallel_loop3A_232 : f32 to vector<16xf32>
          %parallel_loop3A_246 = arith.mulf %parallel_loop3A_244, %parallel_loop3A_245 : vector<16xf32>
          %parallel_loop3A_247 = arith.constant 0 : i32
          %parallel_loop3A_248 = arith.addi %parallel_loop3A_236, %parallel_loop3A_247 : i32
          %parallel_loop3A_249 = arith.index_cast %parallel_loop3A_248 : i32 to index
          %parallel_loop3A_250 = tpu.vector_load %arg7[%parallel_loop3A_249] {strides = array<i32>} : memref<100000xf32, #tpu.memory_space<vmem>>, vector<16xf32>,
          %parallel_loop3A_251 = vector.shape_cast %parallel_loop3A_250 : vector<16xf32> to vector<16xf32>
          %parallel_loop3A_252 = vector.shape_cast %parallel_loop3A_246 : vector<16xf32> to vector<16xf32>
          tpu.vector_store %arg7[%parallel_loop3A_249], %parallel_loop3A_252 {add = true, strides = array<i32>} : memref<100000xf32, #tpu.memory_space<vmem>>, vector<16xf32>,
          %parallel_loop3A_253 = arith.constant 16 : i32
          %parallel_loop3A_254 = arith.muli %parallel_loop3A_253, %parallel_loop3A_88 : i32
          %parallel_loop3A_255 = arith.constant 3 : i32
          %parallel_loop3A_256 = arith.addi %parallel_loop3A_254, %parallel_loop3A_255 : i32
          %parallel_loop3A_257 = arith.index_cast %parallel_loop3A_256 : i32 to index
          %parallel_loop3A_258 = arith.constant 16 : index
          %parallel_loop3A_259 = tpu.vector_load %arg9[%parallel_loop3A_257, %parallel_loop3A_258] {strides = array<i32>} : memref<128x32xf32, #tpu.memory_space<vmem>>, vector<1x16xf32>,
          %parallel_loop3A_260 = vector.shape_cast %parallel_loop3A_259 : vector<1x16xf32> to vector<16xf32>
          %parallel_loop3A_261 = vector.broadcast %parallel_loop3A_232 : f32 to vector<16xf32>
          %parallel_loop3A_262 = arith.mulf %parallel_loop3A_260, %parallel_loop3A_261 : vector<16xf32>
          %parallel_loop3A_263 = arith.constant 16 : i32
          %parallel_loop3A_264 = arith.addi %parallel_loop3A_236, %parallel_loop3A_263 : i32
          %parallel_loop3A_265 = arith.index_cast %parallel_loop3A_264 : i32 to index
          %parallel_loop3A_266 = tpu.vector_load %arg7[%parallel_loop3A_265] {strides = array<i32>} : memref<100000xf32, #tpu.memory_space<vmem>>, vector<16xf32>,
          %parallel_loop3A_267 = vector.shape_cast %parallel_loop3A_266 : vector<16xf32> to vector<16xf32>
          %parallel_loop3A_268 = vector.shape_cast %parallel_loop3A_262 : vector<16xf32> to vector<16xf32>
          tpu.vector_store %arg7[%parallel_loop3A_265], %parallel_loop3A_268 {add = true, strides = array<i32>} : memref<100000xf32, #tpu.memory_space<vmem>>, vector<16xf32>,
          %parallel_loop3A_269 = vector.extract_strided_slice %parallel_loop3A_116 {offsets = [4], sizes = [1], strides = [1]} : vector<16xf32> to vector<1xf32>
          %parallel_loop3A_270 = vector.extract %parallel_loop3A_269[0] : f32 from vector<1xf32>
          %parallel_loop3A_271 = vector.extract_strided_slice %parallel_loop3A_103 {offsets = [4], sizes = [1], strides = [1]} : vector<16xi32> to vector<1xi32>
          %parallel_loop3A_272 = vector.extract %parallel_loop3A_271[0] : i32 from vector<1xi32>
          %parallel_loop3A_273 = arith.constant 32 : i32
          %parallel_loop3A_274 = arith.muli %parallel_loop3A_272, %parallel_loop3A_273 : i32
          %parallel_loop3A_275 = arith.constant 16 : i32
          %parallel_loop3A_276 = arith.muli %parallel_loop3A_275, %parallel_loop3A_88 : i32
          %parallel_loop3A_277 = arith.constant 4 : i32
          %parallel_loop3A_278 = arith.addi %parallel_loop3A_276, %parallel_loop3A_277 : i32
          %parallel_loop3A_279 = arith.index_cast %parallel_loop3A_278 : i32 to index
          %parallel_loop3A_280 = arith.constant 0 : index
          %parallel_loop3A_281 = tpu.vector_load %arg9[%parallel_loop3A_279, %parallel_loop3A_280] {strides = array<i32>} : memref<128x32xf32, #tpu.memory_space<vmem>>, vector<1x16xf32>,
          %parallel_loop3A_282 = vector.shape_cast %parallel_loop3A_281 : vector<1x16xf32> to vector<16xf32>
          %parallel_loop3A_283 = vector.broadcast %parallel_loop3A_270 : f32 to vector<16xf32>
          %parallel_loop3A_284 = arith.mulf %parallel_loop3A_282, %parallel_loop3A_283 : vector<16xf32>
          %parallel_loop3A_285 = arith.constant 0 : i32
          %parallel_loop3A_286 = arith.addi %parallel_loop3A_274, %parallel_loop3A_285 : i32
          %parallel_loop3A_287 = arith.index_cast %parallel_loop3A_286 : i32 to index
          %parallel_loop3A_288 = tpu.vector_load %arg7[%parallel_loop3A_287] {strides = array<i32>} : memref<100000xf32, #tpu.memory_space<vmem>>, vector<16xf32>,
          %parallel_loop3A_289 = vector.shape_cast %parallel_loop3A_288 : vector<16xf32> to vector<16xf32>
          %parallel_loop3A_290 = vector.shape_cast %parallel_loop3A_284 : vector<16xf32> to vector<16xf32>
          tpu.vector_store %arg7[%parallel_loop3A_287], %parallel_loop3A_290 {add = true, strides = array<i32>} : memref<100000xf32, #tpu.memory_space<vmem>>, vector<16xf32>,
          %parallel_loop3A_291 = arith.constant 16 : i32
          %parallel_loop3A_292 = arith.muli %parallel_loop3A_291, %parallel_loop3A_88 : i32
          %parallel_loop3A_293 = arith.constant 4 : i32
          %parallel_loop3A_294 = arith.addi %parallel_loop3A_292, %parallel_loop3A_293 : i32
          %parallel_loop3A_295 = arith.index_cast %parallel_loop3A_294 : i32 to index
          %parallel_loop3A_296 = arith.constant 16 : index
          %parallel_loop3A_297 = tpu.vector_load %arg9[%parallel_loop3A_295, %parallel_loop3A_296] {strides = array<i32>} : memref<128x32xf32, #tpu.memory_space<vmem>>, vector<1x16xf32>,
          %parallel_loop3A_298 = vector.shape_cast %parallel_loop3A_297 : vector<1x16xf32> to vector<16xf32>
          %parallel_loop3A_299 = vector.broadcast %parallel_loop3A_270 : f32 to vector<16xf32>
          %parallel_loop3A_300 = arith.mulf %parallel_loop3A_298, %parallel_loop3A_299 : vector<16xf32>
          %parallel_loop3A_301 = arith.constant 16 : i32
          %parallel_loop3A_302 = arith.addi %parallel_loop3A_274, %parallel_loop3A_301 : i32
          %parallel_loop3A_303 = arith.index_cast %parallel_loop3A_302 : i32 to index
          %parallel_loop3A_304 = tpu.vector_load %arg7[%parallel_loop3A_303] {strides = array<i32>} : memref<100000xf32, #tpu.memory_space<vmem>>, vector<16xf32>,
          %parallel_loop3A_305 = vector.shape_cast %parallel_loop3A_304 : vector<16xf32> to vector<16xf32>
          %parallel_loop3A_306 = vector.shape_cast %parallel_loop3A_300 : vector<16xf32> to vector<16xf32>
          tpu.vector_store %arg7[%parallel_loop3A_303], %parallel_loop3A_306 {add = true, strides = array<i32>} : memref<100000xf32, #tpu.memory_space<vmem>>, vector<16xf32>,
          %parallel_loop3A_307 = vector.extract_strided_slice %parallel_loop3A_116 {offsets = [5], sizes = [1], strides = [1]} : vector<16xf32> to vector<1xf32>
          %parallel_loop3A_308 = vector.extract %parallel_loop3A_307[0] : f32 from vector<1xf32>
          %parallel_loop3A_309 = vector.extract_strided_slice %parallel_loop3A_103 {offsets = [5], sizes = [1], strides = [1]} : vector<16xi32> to vector<1xi32>
          %parallel_loop3A_310 = vector.extract %parallel_loop3A_309[0] : i32 from vector<1xi32>
          %parallel_loop3A_311 = arith.constant 32 : i32
          %parallel_loop3A_312 = arith.muli %parallel_loop3A_310, %parallel_loop3A_311 : i32
          %parallel_loop3A_313 = arith.constant 16 : i32
          %parallel_loop3A_314 = arith.muli %parallel_loop3A_313, %parallel_loop3A_88 : i32
          %parallel_loop3A_315 = arith.constant 5 : i32
          %parallel_loop3A_316 = arith.addi %parallel_loop3A_314, %parallel_loop3A_315 : i32
          %parallel_loop3A_317 = arith.index_cast %parallel_loop3A_316 : i32 to index
          %parallel_loop3A_318 = arith.constant 0 : index
          %parallel_loop3A_319 = tpu.vector_load %arg9[%parallel_loop3A_317, %parallel_loop3A_318] {strides = array<i32>} : memref<128x32xf32, #tpu.memory_space<vmem>>, vector<1x16xf32>,
          %parallel_loop3A_320 = vector.shape_cast %parallel_loop3A_319 : vector<1x16xf32> to vector<16xf32>
          %parallel_loop3A_321 = vector.broadcast %parallel_loop3A_308 : f32 to vector<16xf32>
          %parallel_loop3A_322 = arith.mulf %parallel_loop3A_320, %parallel_loop3A_321 : vector<16xf32>
          %parallel_loop3A_323 = arith.constant 0 : i32
          %parallel_loop3A_324 = arith.addi %parallel_loop3A_312, %parallel_loop3A_323 : i32
          %parallel_loop3A_325 = arith.index_cast %parallel_loop3A_324 : i32 to index
          %parallel_loop3A_326 = tpu.vector_load %arg7[%parallel_loop3A_325] {strides = array<i32>} : memref<100000xf32, #tpu.memory_space<vmem>>, vector<16xf32>,
          %parallel_loop3A_327 = vector.shape_cast %parallel_loop3A_326 : vector<16xf32> to vector<16xf32>
          %parallel_loop3A_328 = vector.shape_cast %parallel_loop3A_322 : vector<16xf32> to vector<16xf32>
          tpu.vector_store %arg7[%parallel_loop3A_325], %parallel_loop3A_328 {add = true, strides = array<i32>} : memref<100000xf32, #tpu.memory_space<vmem>>, vector<16xf32>,
          %parallel_loop3A_329 = arith.constant 16 : i32
          %parallel_loop3A_330 = arith.muli %parallel_loop3A_329, %parallel_loop3A_88 : i32
          %parallel_loop3A_331 = arith.constant 5 : i32
          %parallel_loop3A_332 = arith.addi %parallel_loop3A_330, %parallel_loop3A_331 : i32
          %parallel_loop3A_333 = arith.index_cast %parallel_loop3A_332 : i32 to index
          %parallel_loop3A_334 = arith.constant 16 : index
          %parallel_loop3A_335 = tpu.vector_load %arg9[%parallel_loop3A_333, %parallel_loop3A_334] {strides = array<i32>} : memref<128x32xf32, #tpu.memory_space<vmem>>, vector<1x16xf32>,
          %parallel_loop3A_336 = vector.shape_cast %parallel_loop3A_335 : vector<1x16xf32> to vector<16xf32>
          %parallel_loop3A_337 = vector.broadcast %parallel_loop3A_308 : f32 to vector<16xf32>
          %parallel_loop3A_338 = arith.mulf %parallel_loop3A_336, %parallel_loop3A_337 : vector<16xf32>
          %parallel_loop3A_339 = arith.constant 16 : i32
          %parallel_loop3A_340 = arith.addi %parallel_loop3A_312, %parallel_loop3A_339 : i32
          %parallel_loop3A_341 = arith.index_cast %parallel_loop3A_340 : i32 to index
          %parallel_loop3A_342 = tpu.vector_load %arg7[%parallel_loop3A_341] {strides = array<i32>} : memref<100000xf32, #tpu.memory_space<vmem>>, vector<16xf32>,
          %parallel_loop3A_343 = vector.shape_cast %parallel_loop3A_342 : vector<16xf32> to vector<16xf32>
          %parallel_loop3A_344 = vector.shape_cast %parallel_loop3A_338 : vector<16xf32> to vector<16xf32>
          tpu.vector_store %arg7[%parallel_loop3A_341], %parallel_loop3A_344 {add = true, strides = array<i32>} : memref<100000xf32, #tpu.memory_space<vmem>>, vector<16xf32>,
          %parallel_loop3A_345 = vector.extract_strided_slice %parallel_loop3A_116 {offsets = [6], sizes = [1], strides = [1]} : vector<16xf32> to vector<1xf32>
          %parallel_loop3A_346 = vector.extract %parallel_loop3A_345[0] : f32 from vector<1xf32>
          %parallel_loop3A_347 = vector.extract_strided_slice %parallel_loop3A_103 {offsets = [6], sizes = [1], strides = [1]} : vector<16xi32> to vector<1xi32>
          %parallel_loop3A_348 = vector.extract %parallel_loop3A_347[0] : i32 from vector<1xi32>
          %parallel_loop3A_349 = arith.constant 32 : i32
          %parallel_loop3A_350 = arith.muli %parallel_loop3A_348, %parallel_loop3A_349 : i32
          %parallel_loop3A_351 = arith.constant 16 : i32
          %parallel_loop3A_352 = arith.muli %parallel_loop3A_351, %parallel_loop3A_88 : i32
          %parallel_loop3A_353 = arith.constant 6 : i32
          %parallel_loop3A_354 = arith.addi %parallel_loop3A_352, %parallel_loop3A_353 : i32
          %parallel_loop3A_355 = arith.index_cast %parallel_loop3A_354 : i32 to index
          %parallel_loop3A_356 = arith.constant 0 : index
          %parallel_loop3A_357 = tpu.vector_load %arg9[%parallel_loop3A_355, %parallel_loop3A_356] {strides = array<i32>} : memref<128x32xf32, #tpu.memory_space<vmem>>, vector<1x16xf32>,
          %parallel_loop3A_358 = vector.shape_cast %parallel_loop3A_357 : vector<1x16xf32> to vector<16xf32>
          %parallel_loop3A_359 = vector.broadcast %parallel_loop3A_346 : f32 to vector<16xf32>
          %parallel_loop3A_360 = arith.mulf %parallel_loop3A_358, %parallel_loop3A_359 : vector<16xf32>
          %parallel_loop3A_361 = arith.constant 0 : i32
          %parallel_loop3A_362 = arith.addi %parallel_loop3A_350, %parallel_loop3A_361 : i32
          %parallel_loop3A_363 = arith.index_cast %parallel_loop3A_362 : i32 to index
          %parallel_loop3A_364 = tpu.vector_load %arg7[%parallel_loop3A_363] {strides = array<i32>} : memref<100000xf32, #tpu.memory_space<vmem>>, vector<16xf32>,
          %parallel_loop3A_365 = vector.shape_cast %parallel_loop3A_364 : vector<16xf32> to vector<16xf32>
          %parallel_loop3A_366 = vector.shape_cast %parallel_loop3A_360 : vector<16xf32> to vector<16xf32>
          tpu.vector_store %arg7[%parallel_loop3A_363], %parallel_loop3A_366 {add = true, strides = array<i32>} : memref<100000xf32, #tpu.memory_space<vmem>>, vector<16xf32>,
          %parallel_loop3A_367 = arith.constant 16 : i32
          %parallel_loop3A_368 = arith.muli %parallel_loop3A_367, %parallel_loop3A_88 : i32
          %parallel_loop3A_369 = arith.constant 6 : i32
          %parallel_loop3A_370 = arith.addi %parallel_loop3A_368, %parallel_loop3A_369 : i32
          %parallel_loop3A_371 = arith.index_cast %parallel_loop3A_370 : i32 to index
          %parallel_loop3A_372 = arith.constant 16 : index
          %parallel_loop3A_373 = tpu.vector_load %arg9[%parallel_loop3A_371, %parallel_loop3A_372] {strides = array<i32>} : memref<128x32xf32, #tpu.memory_space<vmem>>, vector<1x16xf32>,
          %parallel_loop3A_374 = vector.shape_cast %parallel_loop3A_373 : vector<1x16xf32> to vector<16xf32>
          %parallel_loop3A_375 = vector.broadcast %parallel_loop3A_346 : f32 to vector<16xf32>
          %parallel_loop3A_376 = arith.mulf %parallel_loop3A_374, %parallel_loop3A_375 : vector<16xf32>
          %parallel_loop3A_377 = arith.constant 16 : i32
          %parallel_loop3A_378 = arith.addi %parallel_loop3A_350, %parallel_loop3A_377 : i32
          %parallel_loop3A_379 = arith.index_cast %parallel_loop3A_378 : i32 to index
          %parallel_loop3A_380 = tpu.vector_load %arg7[%parallel_loop3A_379] {strides = array<i32>} : memref<100000xf32, #tpu.memory_space<vmem>>, vector<16xf32>,
          %parallel_loop3A_381 = vector.shape_cast %parallel_loop3A_380 : vector<16xf32> to vector<16xf32>
          %parallel_loop3A_382 = vector.shape_cast %parallel_loop3A_376 : vector<16xf32> to vector<16xf32>
          tpu.vector_store %arg7[%parallel_loop3A_379], %parallel_loop3A_382 {add = true, strides = array<i32>} : memref<100000xf32, #tpu.memory_space<vmem>>, vector<16xf32>,
          %parallel_loop3A_383 = vector.extract_strided_slice %parallel_loop3A_116 {offsets = [7], sizes = [1], strides = [1]} : vector<16xf32> to vector<1xf32>
          %parallel_loop3A_384 = vector.extract %parallel_loop3A_383[0] : f32 from vector<1xf32>
          %parallel_loop3A_385 = vector.extract_strided_slice %parallel_loop3A_103 {offsets = [7], sizes = [1], strides = [1]} : vector<16xi32> to vector<1xi32>
          %parallel_loop3A_386 = vector.extract %parallel_loop3A_385[0] : i32 from vector<1xi32>
          %parallel_loop3A_387 = arith.constant 32 : i32
          %parallel_loop3A_388 = arith.muli %parallel_loop3A_386, %parallel_loop3A_387 : i32
          %parallel_loop3A_389 = arith.constant 16 : i32
          %parallel_loop3A_390 = arith.muli %parallel_loop3A_389, %parallel_loop3A_88 : i32
          %parallel_loop3A_391 = arith.constant 7 : i32
          %parallel_loop3A_392 = arith.addi %parallel_loop3A_390, %parallel_loop3A_391 : i32
          %parallel_loop3A_393 = arith.index_cast %parallel_loop3A_392 : i32 to index
          %parallel_loop3A_394 = arith.constant 0 : index
          %parallel_loop3A_395 = tpu.vector_load %arg9[%parallel_loop3A_393, %parallel_loop3A_394] {strides = array<i32>} : memref<128x32xf32, #tpu.memory_space<vmem>>, vector<1x16xf32>,
          %parallel_loop3A_396 = vector.shape_cast %parallel_loop3A_395 : vector<1x16xf32> to vector<16xf32>
          %parallel_loop3A_397 = vector.broadcast %parallel_loop3A_384 : f32 to vector<16xf32>
          %parallel_loop3A_398 = arith.mulf %parallel_loop3A_396, %parallel_loop3A_397 : vector<16xf32>
          %parallel_loop3A_399 = arith.constant 0 : i32
          %parallel_loop3A_400 = arith.addi %parallel_loop3A_388, %parallel_loop3A_399 : i32
          %parallel_loop3A_401 = arith.index_cast %parallel_loop3A_400 : i32 to index
          %parallel_loop3A_402 = tpu.vector_load %arg7[%parallel_loop3A_401] {strides = array<i32>} : memref<100000xf32, #tpu.memory_space<vmem>>, vector<16xf32>,
          %parallel_loop3A_403 = vector.shape_cast %parallel_loop3A_402 : vector<16xf32> to vector<16xf32>
          %parallel_loop3A_404 = vector.shape_cast %parallel_loop3A_398 : vector<16xf32> to vector<16xf32>
          tpu.vector_store %arg7[%parallel_loop3A_401], %parallel_loop3A_404 {add = true, strides = array<i32>} : memref<100000xf32, #tpu.memory_space<vmem>>, vector<16xf32>,
          %parallel_loop3A_405 = arith.constant 16 : i32
          %parallel_loop3A_406 = arith.muli %parallel_loop3A_405, %parallel_loop3A_88 : i32
          %parallel_loop3A_407 = arith.constant 7 : i32
          %parallel_loop3A_408 = arith.addi %parallel_loop3A_406, %parallel_loop3A_407 : i32
          %parallel_loop3A_409 = arith.index_cast %parallel_loop3A_408 : i32 to index
          %parallel_loop3A_410 = arith.constant 16 : index
          %parallel_loop3A_411 = tpu.vector_load %arg9[%parallel_loop3A_409, %parallel_loop3A_410] {strides = array<i32>} : memref<128x32xf32, #tpu.memory_space<vmem>>, vector<1x16xf32>,
          %parallel_loop3A_412 = vector.shape_cast %parallel_loop3A_411 : vector<1x16xf32> to vector<16xf32>
          %parallel_loop3A_413 = vector.broadcast %parallel_loop3A_384 : f32 to vector<16xf32>
          %parallel_loop3A_414 = arith.mulf %parallel_loop3A_412, %parallel_loop3A_413 : vector<16xf32>
          %parallel_loop3A_415 = arith.constant 16 : i32
          %parallel_loop3A_416 = arith.addi %parallel_loop3A_388, %parallel_loop3A_415 : i32
          %parallel_loop3A_417 = arith.index_cast %parallel_loop3A_416 : i32 to index
          %parallel_loop3A_418 = tpu.vector_load %arg7[%parallel_loop3A_417] {strides = array<i32>} : memref<100000xf32, #tpu.memory_space<vmem>>, vector<16xf32>,
          %parallel_loop3A_419 = vector.shape_cast %parallel_loop3A_418 : vector<16xf32> to vector<16xf32>
          %parallel_loop3A_420 = vector.shape_cast %parallel_loop3A_414 : vector<16xf32> to vector<16xf32>
          tpu.vector_store %arg7[%parallel_loop3A_417], %parallel_loop3A_420 {add = true, strides = array<i32>} : memref<100000xf32, #tpu.memory_space<vmem>>, vector<16xf32>,
          %parallel_loop3A_421 = vector.extract_strided_slice %parallel_loop3A_116 {offsets = [8], sizes = [1], strides = [1]} : vector<16xf32> to vector<1xf32>
          %parallel_loop3A_422 = vector.extract %parallel_loop3A_421[0] : f32 from vector<1xf32>
          %parallel_loop3A_423 = vector.extract_strided_slice %parallel_loop3A_103 {offsets = [8], sizes = [1], strides = [1]} : vector<16xi32> to vector<1xi32>
          %parallel_loop3A_424 = vector.extract %parallel_loop3A_423[0] : i32 from vector<1xi32>
          %parallel_loop3A_425 = arith.constant 32 : i32
          %parallel_loop3A_426 = arith.muli %parallel_loop3A_424, %parallel_loop3A_425 : i32
          %parallel_loop3A_427 = arith.constant 16 : i32
          %parallel_loop3A_428 = arith.muli %parallel_loop3A_427, %parallel_loop3A_88 : i32
          %parallel_loop3A_429 = arith.constant 8 : i32
          %parallel_loop3A_430 = arith.addi %parallel_loop3A_428, %parallel_loop3A_429 : i32
          %parallel_loop3A_431 = arith.index_cast %parallel_loop3A_430 : i32 to index
          %parallel_loop3A_432 = arith.constant 0 : index
          %parallel_loop3A_433 = tpu.vector_load %arg9[%parallel_loop3A_431, %parallel_loop3A_432] {strides = array<i32>} : memref<128x32xf32, #tpu.memory_space<vmem>>, vector<1x16xf32>,
          %parallel_loop3A_434 = vector.shape_cast %parallel_loop3A_433 : vector<1x16xf32> to vector<16xf32>
          %parallel_loop3A_435 = vector.broadcast %parallel_loop3A_422 : f32 to vector<16xf32>
          %parallel_loop3A_436 = arith.mulf %parallel_loop3A_434, %parallel_loop3A_435 : vector<16xf32>
          %parallel_loop3A_437 = arith.constant 0 : i32
          %parallel_loop3A_438 = arith.addi %parallel_loop3A_426, %parallel_loop3A_437 : i32
          %parallel_loop3A_439 = arith.index_cast %parallel_loop3A_438 : i32 to index
          %parallel_loop3A_440 = tpu.vector_load %arg7[%parallel_loop3A_439] {strides = array<i32>} : memref<100000xf32, #tpu.memory_space<vmem>>, vector<16xf32>,
          %parallel_loop3A_441 = vector.shape_cast %parallel_loop3A_440 : vector<16xf32> to vector<16xf32>
          %parallel_loop3A_442 = vector.shape_cast %parallel_loop3A_436 : vector<16xf32> to vector<16xf32>
          tpu.vector_store %arg7[%parallel_loop3A_439], %parallel_loop3A_442 {add = true, strides = array<i32>} : memref<100000xf32, #tpu.memory_space<vmem>>, vector<16xf32>,
          %parallel_loop3A_443 = arith.constant 16 : i32
          %parallel_loop3A_444 = arith.muli %parallel_loop3A_443, %parallel_loop3A_88 : i32
          %parallel_loop3A_445 = arith.constant 8 : i32
          %parallel_loop3A_446 = arith.addi %parallel_loop3A_444, %parallel_loop3A_445 : i32
          %parallel_loop3A_447 = arith.index_cast %parallel_loop3A_446 : i32 to index
          %parallel_loop3A_448 = arith.constant 16 : index
          %parallel_loop3A_449 = tpu.vector_load %arg9[%parallel_loop3A_447, %parallel_loop3A_448] {strides = array<i32>} : memref<128x32xf32, #tpu.memory_space<vmem>>, vector<1x16xf32>,
          %parallel_loop3A_450 = vector.shape_cast %parallel_loop3A_449 : vector<1x16xf32> to vector<16xf32>
          %parallel_loop3A_451 = vector.broadcast %parallel_loop3A_422 : f32 to vector<16xf32>
          %parallel_loop3A_452 = arith.mulf %parallel_loop3A_450, %parallel_loop3A_451 : vector<16xf32>
          %parallel_loop3A_453 = arith.constant 16 : i32
          %parallel_loop3A_454 = arith.addi %parallel_loop3A_426, %parallel_loop3A_453 : i32
          %parallel_loop3A_455 = arith.index_cast %parallel_loop3A_454 : i32 to index
          %parallel_loop3A_456 = tpu.vector_load %arg7[%parallel_loop3A_455] {strides = array<i32>} : memref<100000xf32, #tpu.memory_space<vmem>>, vector<16xf32>,
          %parallel_loop3A_457 = vector.shape_cast %parallel_loop3A_456 : vector<16xf32> to vector<16xf32>
          %parallel_loop3A_458 = vector.shape_cast %parallel_loop3A_452 : vector<16xf32> to vector<16xf32>
          tpu.vector_store %arg7[%parallel_loop3A_455], %parallel_loop3A_458 {add = true, strides = array<i32>} : memref<100000xf32, #tpu.memory_space<vmem>>, vector<16xf32>,
          %parallel_loop3A_459 = vector.extract_strided_slice %parallel_loop3A_116 {offsets = [9], sizes = [1], strides = [1]} : vector<16xf32> to vector<1xf32>
          %parallel_loop3A_460 = vector.extract %parallel_loop3A_459[0] : f32 from vector<1xf32>
          %parallel_loop3A_461 = vector.extract_strided_slice %parallel_loop3A_103 {offsets = [9], sizes = [1], strides = [1]} : vector<16xi32> to vector<1xi32>
          %parallel_loop3A_462 = vector.extract %parallel_loop3A_461[0] : i32 from vector<1xi32>
          %parallel_loop3A_463 = arith.constant 32 : i32
          %parallel_loop3A_464 = arith.muli %parallel_loop3A_462, %parallel_loop3A_463 : i32
          %parallel_loop3A_465 = arith.constant 16 : i32
          %parallel_loop3A_466 = arith.muli %parallel_loop3A_465, %parallel_loop3A_88 : i32
          %parallel_loop3A_467 = arith.constant 9 : i32
          %parallel_loop3A_468 = arith.addi %parallel_loop3A_466, %parallel_loop3A_467 : i32
          %parallel_loop3A_469 = arith.index_cast %parallel_loop3A_468 : i32 to index
          %parallel_loop3A_470 = arith.constant 0 : index
          %parallel_loop3A_471 = tpu.vector_load %arg9[%parallel_loop3A_469, %parallel_loop3A_470] {strides = array<i32>} : memref<128x32xf32, #tpu.memory_space<vmem>>, vector<1x16xf32>,
          %parallel_loop3A_472 = vector.shape_cast %parallel_loop3A_471 : vector<1x16xf32> to vector<16xf32>
          %parallel_loop3A_473 = vector.broadcast %parallel_loop3A_460 : f32 to vector<16xf32>
          %parallel_loop3A_474 = arith.mulf %parallel_loop3A_472, %parallel_loop3A_473 : vector<16xf32>
          %parallel_loop3A_475 = arith.constant 0 : i32
          %parallel_loop3A_476 = arith.addi %parallel_loop3A_464, %parallel_loop3A_475 : i32
          %parallel_loop3A_477 = arith.index_cast %parallel_loop3A_476 : i32 to index
          %parallel_loop3A_478 = tpu.vector_load %arg7[%parallel_loop3A_477] {strides = array<i32>} : memref<100000xf32, #tpu.memory_space<vmem>>, vector<16xf32>,
          %parallel_loop3A_479 = vector.shape_cast %parallel_loop3A_478 : vector<16xf32> to vector<16xf32>
          %parallel_loop3A_480 = vector.shape_cast %parallel_loop3A_474 : vector<16xf32> to vector<16xf32>
          tpu.vector_store %arg7[%parallel_loop3A_477], %parallel_loop3A_480 {add = true, strides = array<i32>} : memref<100000xf32, #tpu.memory_space<vmem>>, vector<16xf32>,
          %parallel_loop3A_481 = arith.constant 16 : i32
          %parallel_loop3A_482 = arith.muli %parallel_loop3A_481, %parallel_loop3A_88 : i32
          %parallel_loop3A_483 = arith.constant 9 : i32
          %parallel_loop3A_484 = arith.addi %parallel_loop3A_482, %parallel_loop3A_483 : i32
          %parallel_loop3A_485 = arith.index_cast %parallel_loop3A_484 : i32 to index
          %parallel_loop3A_486 = arith.constant 16 : index
          %parallel_loop3A_487 = tpu.vector_load %arg9[%parallel_loop3A_485, %parallel_loop3A_486] {strides = array<i32>} : memref<128x32xf32, #tpu.memory_space<vmem>>, vector<1x16xf32>,
          %parallel_loop3A_488 = vector.shape_cast %parallel_loop3A_487 : vector<1x16xf32> to vector<16xf32>
          %parallel_loop3A_489 = vector.broadcast %parallel_loop3A_460 : f32 to vector<16xf32>
          %parallel_loop3A_490 = arith.mulf %parallel_loop3A_488, %parallel_loop3A_489 : vector<16xf32>
          %parallel_loop3A_491 = arith.constant 16 : i32
          %parallel_loop3A_492 = arith.addi %parallel_loop3A_464, %parallel_loop3A_491 : i32
          %parallel_loop3A_493 = arith.index_cast %parallel_loop3A_492 : i32 to index
          %parallel_loop3A_494 = tpu.vector_load %arg7[%parallel_loop3A_493] {strides = array<i32>} : memref<100000xf32, #tpu.memory_space<vmem>>, vector<16xf32>,
          %parallel_loop3A_495 = vector.shape_cast %parallel_loop3A_494 : vector<16xf32> to vector<16xf32>
          %parallel_loop3A_496 = vector.shape_cast %parallel_loop3A_490 : vector<16xf32> to vector<16xf32>
          tpu.vector_store %arg7[%parallel_loop3A_493], %parallel_loop3A_496 {add = true, strides = array<i32>} : memref<100000xf32, #tpu.memory_space<vmem>>, vector<16xf32>,
          %parallel_loop3A_497 = vector.extract_strided_slice %parallel_loop3A_116 {offsets = [10], sizes = [1], strides = [1]} : vector<16xf32> to vector<1xf32>
          %parallel_loop3A_498 = vector.extract %parallel_loop3A_497[0] : f32 from vector<1xf32>
          %parallel_loop3A_499 = vector.extract_strided_slice %parallel_loop3A_103 {offsets = [10], sizes = [1], strides = [1]} : vector<16xi32> to vector<1xi32>
          %parallel_loop3A_500 = vector.extract %parallel_loop3A_499[0] : i32 from vector<1xi32>
          %parallel_loop3A_501 = arith.constant 32 : i32
          %parallel_loop3A_502 = arith.muli %parallel_loop3A_500, %parallel_loop3A_501 : i32
          %parallel_loop3A_503 = arith.constant 16 : i32
          %parallel_loop3A_504 = arith.muli %parallel_loop3A_503, %parallel_loop3A_88 : i32
          %parallel_loop3A_505 = arith.constant 10 : i32
          %parallel_loop3A_506 = arith.addi %parallel_loop3A_504, %parallel_loop3A_505 : i32
          %parallel_loop3A_507 = arith.index_cast %parallel_loop3A_506 : i32 to index
          %parallel_loop3A_508 = arith.constant 0 : index
          %parallel_loop3A_509 = tpu.vector_load %arg9[%parallel_loop3A_507, %parallel_loop3A_508] {strides = array<i32>} : memref<128x32xf32, #tpu.memory_space<vmem>>, vector<1x16xf32>,
          %parallel_loop3A_510 = vector.shape_cast %parallel_loop3A_509 : vector<1x16xf32> to vector<16xf32>
          %parallel_loop3A_511 = vector.broadcast %parallel_loop3A_498 : f32 to vector<16xf32>
          %parallel_loop3A_512 = arith.mulf %parallel_loop3A_510, %parallel_loop3A_511 : vector<16xf32>
          %parallel_loop3A_513 = arith.constant 0 : i32
          %parallel_loop3A_514 = arith.addi %parallel_loop3A_502, %parallel_loop3A_513 : i32
          %parallel_loop3A_515 = arith.index_cast %parallel_loop3A_514 : i32 to index
          %parallel_loop3A_516 = tpu.vector_load %arg7[%parallel_loop3A_515] {strides = array<i32>} : memref<100000xf32, #tpu.memory_space<vmem>>, vector<16xf32>,
          %parallel_loop3A_517 = vector.shape_cast %parallel_loop3A_516 : vector<16xf32> to vector<16xf32>
          %parallel_loop3A_518 = vector.shape_cast %parallel_loop3A_512 : vector<16xf32> to vector<16xf32>
          tpu.vector_store %arg7[%parallel_loop3A_515], %parallel_loop3A_518 {add = true, strides = array<i32>} : memref<100000xf32, #tpu.memory_space<vmem>>, vector<16xf32>,
          %parallel_loop3A_519 = arith.constant 16 : i32
          %parallel_loop3A_520 = arith.muli %parallel_loop3A_519, %parallel_loop3A_88 : i32
          %parallel_loop3A_521 = arith.constant 10 : i32
          %parallel_loop3A_522 = arith.addi %parallel_loop3A_520, %parallel_loop3A_521 : i32
          %parallel_loop3A_523 = arith.index_cast %parallel_loop3A_522 : i32 to index
          %parallel_loop3A_524 = arith.constant 16 : index
          %parallel_loop3A_525 = tpu.vector_load %arg9[%parallel_loop3A_523, %parallel_loop3A_524] {strides = array<i32>} : memref<128x32xf32, #tpu.memory_space<vmem>>, vector<1x16xf32>,
          %parallel_loop3A_526 = vector.shape_cast %parallel_loop3A_525 : vector<1x16xf32> to vector<16xf32>
          %parallel_loop3A_527 = vector.broadcast %parallel_loop3A_498 : f32 to vector<16xf32>
          %parallel_loop3A_528 = arith.mulf %parallel_loop3A_526, %parallel_loop3A_527 : vector<16xf32>
          %parallel_loop3A_529 = arith.constant 16 : i32
          %parallel_loop3A_530 = arith.addi %parallel_loop3A_502, %parallel_loop3A_529 : i32
          %parallel_loop3A_531 = arith.index_cast %parallel_loop3A_530 : i32 to index
          %parallel_loop3A_532 = tpu.vector_load %arg7[%parallel_loop3A_531] {strides = array<i32>} : memref<100000xf32, #tpu.memory_space<vmem>>, vector<16xf32>,
          %parallel_loop3A_533 = vector.shape_cast %parallel_loop3A_532 : vector<16xf32> to vector<16xf32>
          %parallel_loop3A_534 = vector.shape_cast %parallel_loop3A_528 : vector<16xf32> to vector<16xf32>
          tpu.vector_store %arg7[%parallel_loop3A_531], %parallel_loop3A_534 {add = true, strides = array<i32>} : memref<100000xf32, #tpu.memory_space<vmem>>, vector<16xf32>,
          %parallel_loop3A_535 = vector.extract_strided_slice %parallel_loop3A_116 {offsets = [11], sizes = [1], strides = [1]} : vector<16xf32> to vector<1xf32>
          %parallel_loop3A_536 = vector.extract %parallel_loop3A_535[0] : f32 from vector<1xf32>
          %parallel_loop3A_537 = vector.extract_strided_slice %parallel_loop3A_103 {offsets = [11], sizes = [1], strides = [1]} : vector<16xi32> to vector<1xi32>
          %parallel_loop3A_538 = vector.extract %parallel_loop3A_537[0] : i32 from vector<1xi32>
          %parallel_loop3A_539 = arith.constant 32 : i32
          %parallel_loop3A_540 = arith.muli %parallel_loop3A_538, %parallel_loop3A_539 : i32
          %parallel_loop3A_541 = arith.constant 16 : i32
          %parallel_loop3A_542 = arith.muli %parallel_loop3A_541, %parallel_loop3A_88 : i32
          %parallel_loop3A_543 = arith.constant 11 : i32
          %parallel_loop3A_544 = arith.addi %parallel_loop3A_542, %parallel_loop3A_543 : i32
          %parallel_loop3A_545 = arith.index_cast %parallel_loop3A_544 : i32 to index
          %parallel_loop3A_546 = arith.constant 0 : index
          %parallel_loop3A_547 = tpu.vector_load %arg9[%parallel_loop3A_545, %parallel_loop3A_546] {strides = array<i32>} : memref<128x32xf32, #tpu.memory_space<vmem>>, vector<1x16xf32>,
          %parallel_loop3A_548 = vector.shape_cast %parallel_loop3A_547 : vector<1x16xf32> to vector<16xf32>
          %parallel_loop3A_549 = vector.broadcast %parallel_loop3A_536 : f32 to vector<16xf32>
          %parallel_loop3A_550 = arith.mulf %parallel_loop3A_548, %parallel_loop3A_549 : vector<16xf32>
          %parallel_loop3A_551 = arith.constant 0 : i32
          %parallel_loop3A_552 = arith.addi %parallel_loop3A_540, %parallel_loop3A_551 : i32
          %parallel_loop3A_553 = arith.index_cast %parallel_loop3A_552 : i32 to index
          %parallel_loop3A_554 = tpu.vector_load %arg7[%parallel_loop3A_553] {strides = array<i32>} : memref<100000xf32, #tpu.memory_space<vmem>>, vector<16xf32>,
          %parallel_loop3A_555 = vector.shape_cast %parallel_loop3A_554 : vector<16xf32> to vector<16xf32>
          %parallel_loop3A_556 = vector.shape_cast %parallel_loop3A_550 : vector<16xf32> to vector<16xf32>
          tpu.vector_store %arg7[%parallel_loop3A_553], %parallel_loop3A_556 {add = true, strides = array<i32>} : memref<100000xf32, #tpu.memory_space<vmem>>, vector<16xf32>,
          %parallel_loop3A_557 = arith.constant 16 : i32
          %parallel_loop3A_558 = arith.muli %parallel_loop3A_557, %parallel_loop3A_88 : i32
          %parallel_loop3A_559 = arith.constant 11 : i32
          %parallel_loop3A_560 = arith.addi %parallel_loop3A_558, %parallel_loop3A_559 : i32
          %parallel_loop3A_561 = arith.index_cast %parallel_loop3A_560 : i32 to index
          %parallel_loop3A_562 = arith.constant 16 : index
          %parallel_loop3A_563 = tpu.vector_load %arg9[%parallel_loop3A_561, %parallel_loop3A_562] {strides = array<i32>} : memref<128x32xf32, #tpu.memory_space<vmem>>, vector<1x16xf32>,
          %parallel_loop3A_564 = vector.shape_cast %parallel_loop3A_563 : vector<1x16xf32> to vector<16xf32>
          %parallel_loop3A_565 = vector.broadcast %parallel_loop3A_536 : f32 to vector<16xf32>
          %parallel_loop3A_566 = arith.mulf %parallel_loop3A_564, %parallel_loop3A_565 : vector<16xf32>
          %parallel_loop3A_567 = arith.constant 16 : i32
          %parallel_loop3A_568 = arith.addi %parallel_loop3A_540, %parallel_loop3A_567 : i32
          %parallel_loop3A_569 = arith.index_cast %parallel_loop3A_568 : i32 to index
          %parallel_loop3A_570 = tpu.vector_load %arg7[%parallel_loop3A_569] {strides = array<i32>} : memref<100000xf32, #tpu.memory_space<vmem>>, vector<16xf32>,
          %parallel_loop3A_571 = vector.shape_cast %parallel_loop3A_570 : vector<16xf32> to vector<16xf32>
          %parallel_loop3A_572 = vector.shape_cast %parallel_loop3A_566 : vector<16xf32> to vector<16xf32>
          tpu.vector_store %arg7[%parallel_loop3A_569], %parallel_loop3A_572 {add = true, strides = array<i32>} : memref<100000xf32, #tpu.memory_space<vmem>>, vector<16xf32>,
          %parallel_loop3A_573 = vector.extract_strided_slice %parallel_loop3A_116 {offsets = [12], sizes = [1], strides = [1]} : vector<16xf32> to vector<1xf32>
          %parallel_loop3A_574 = vector.extract %parallel_loop3A_573[0] : f32 from vector<1xf32>
          %parallel_loop3A_575 = vector.extract_strided_slice %parallel_loop3A_103 {offsets = [12], sizes = [1], strides = [1]} : vector<16xi32> to vector<1xi32>
          %parallel_loop3A_576 = vector.extract %parallel_loop3A_575[0] : i32 from vector<1xi32>
          %parallel_loop3A_577 = arith.constant 32 : i32
          %parallel_loop3A_578 = arith.muli %parallel_loop3A_576, %parallel_loop3A_577 : i32
          %parallel_loop3A_579 = arith.constant 16 : i32
          %parallel_loop3A_580 = arith.muli %parallel_loop3A_579, %parallel_loop3A_88 : i32
          %parallel_loop3A_581 = arith.constant 12 : i32
          %parallel_loop3A_582 = arith.addi %parallel_loop3A_580, %parallel_loop3A_581 : i32
          %parallel_loop3A_583 = arith.index_cast %parallel_loop3A_582 : i32 to index
          %parallel_loop3A_584 = arith.constant 0 : index
          %parallel_loop3A_585 = tpu.vector_load %arg9[%parallel_loop3A_583, %parallel_loop3A_584] {strides = array<i32>} : memref<128x32xf32, #tpu.memory_space<vmem>>, vector<1x16xf32>,
          %parallel_loop3A_586 = vector.shape_cast %parallel_loop3A_585 : vector<1x16xf32> to vector<16xf32>
          %parallel_loop3A_587 = vector.broadcast %parallel_loop3A_574 : f32 to vector<16xf32>
          %parallel_loop3A_588 = arith.mulf %parallel_loop3A_586, %parallel_loop3A_587 : vector<16xf32>
          %parallel_loop3A_589 = arith.constant 0 : i32
          %parallel_loop3A_590 = arith.addi %parallel_loop3A_578, %parallel_loop3A_589 : i32
          %parallel_loop3A_591 = arith.index_cast %parallel_loop3A_590 : i32 to index
          %parallel_loop3A_592 = tpu.vector_load %arg7[%parallel_loop3A_591] {strides = array<i32>} : memref<100000xf32, #tpu.memory_space<vmem>>, vector<16xf32>,
          %parallel_loop3A_593 = vector.shape_cast %parallel_loop3A_592 : vector<16xf32> to vector<16xf32>
          %parallel_loop3A_594 = vector.shape_cast %parallel_loop3A_588 : vector<16xf32> to vector<16xf32>
          tpu.vector_store %arg7[%parallel_loop3A_591], %parallel_loop3A_594 {add = true, strides = array<i32>} : memref<100000xf32, #tpu.memory_space<vmem>>, vector<16xf32>,
          %parallel_loop3A_595 = arith.constant 16 : i32
          %parallel_loop3A_596 = arith.muli %parallel_loop3A_595, %parallel_loop3A_88 : i32
          %parallel_loop3A_597 = arith.constant 12 : i32
          %parallel_loop3A_598 = arith.addi %parallel_loop3A_596, %parallel_loop3A_597 : i32
          %parallel_loop3A_599 = arith.index_cast %parallel_loop3A_598 : i32 to index
          %parallel_loop3A_600 = arith.constant 16 : index
          %parallel_loop3A_601 = tpu.vector_load %arg9[%parallel_loop3A_599, %parallel_loop3A_600] {strides = array<i32>} : memref<128x32xf32, #tpu.memory_space<vmem>>, vector<1x16xf32>,
          %parallel_loop3A_602 = vector.shape_cast %parallel_loop3A_601 : vector<1x16xf32> to vector<16xf32>
          %parallel_loop3A_603 = vector.broadcast %parallel_loop3A_574 : f32 to vector<16xf32>
          %parallel_loop3A_604 = arith.mulf %parallel_loop3A_602, %parallel_loop3A_603 : vector<16xf32>
          %parallel_loop3A_605 = arith.constant 16 : i32
          %parallel_loop3A_606 = arith.addi %parallel_loop3A_578, %parallel_loop3A_605 : i32
          %parallel_loop3A_607 = arith.index_cast %parallel_loop3A_606 : i32 to index
          %parallel_loop3A_608 = tpu.vector_load %arg7[%parallel_loop3A_607] {strides = array<i32>} : memref<100000xf32, #tpu.memory_space<vmem>>, vector<16xf32>,
          %parallel_loop3A_609 = vector.shape_cast %parallel_loop3A_608 : vector<16xf32> to vector<16xf32>
          %parallel_loop3A_610 = vector.shape_cast %parallel_loop3A_604 : vector<16xf32> to vector<16xf32>
          tpu.vector_store %arg7[%parallel_loop3A_607], %parallel_loop3A_610 {add = true, strides = array<i32>} : memref<100000xf32, #tpu.memory_space<vmem>>, vector<16xf32>,
          %parallel_loop3A_611 = vector.extract_strided_slice %parallel_loop3A_116 {offsets = [13], sizes = [1], strides = [1]} : vector<16xf32> to vector<1xf32>
          %parallel_loop3A_612 = vector.extract %parallel_loop3A_611[0] : f32 from vector<1xf32>
          %parallel_loop3A_613 = vector.extract_strided_slice %parallel_loop3A_103 {offsets = [13], sizes = [1], strides = [1]} : vector<16xi32> to vector<1xi32>
          %parallel_loop3A_614 = vector.extract %parallel_loop3A_613[0] : i32 from vector<1xi32>
          %parallel_loop3A_615 = arith.constant 32 : i32
          %parallel_loop3A_616 = arith.muli %parallel_loop3A_614, %parallel_loop3A_615 : i32
          %parallel_loop3A_617 = arith.constant 16 : i32
          %parallel_loop3A_618 = arith.muli %parallel_loop3A_617, %parallel_loop3A_88 : i32
          %parallel_loop3A_619 = arith.constant 13 : i32
          %parallel_loop3A_620 = arith.addi %parallel_loop3A_618, %parallel_loop3A_619 : i32
          %parallel_loop3A_621 = arith.index_cast %parallel_loop3A_620 : i32 to index
          %parallel_loop3A_622 = arith.constant 0 : index
          %parallel_loop3A_623 = tpu.vector_load %arg9[%parallel_loop3A_621, %parallel_loop3A_622] {strides = array<i32>} : memref<128x32xf32, #tpu.memory_space<vmem>>, vector<1x16xf32>,
          %parallel_loop3A_624 = vector.shape_cast %parallel_loop3A_623 : vector<1x16xf32> to vector<16xf32>
          %parallel_loop3A_625 = vector.broadcast %parallel_loop3A_612 : f32 to vector<16xf32>
          %parallel_loop3A_626 = arith.mulf %parallel_loop3A_624, %parallel_loop3A_625 : vector<16xf32>
          %parallel_loop3A_627 = arith.constant 0 : i32
          %parallel_loop3A_628 = arith.addi %parallel_loop3A_616, %parallel_loop3A_627 : i32
          %parallel_loop3A_629 = arith.index_cast %parallel_loop3A_628 : i32 to index
          %parallel_loop3A_630 = tpu.vector_load %arg7[%parallel_loop3A_629] {strides = array<i32>} : memref<100000xf32, #tpu.memory_space<vmem>>, vector<16xf32>,
          %parallel_loop3A_631 = vector.shape_cast %parallel_loop3A_630 : vector<16xf32> to vector<16xf32>
          %parallel_loop3A_632 = vector.shape_cast %parallel_loop3A_626 : vector<16xf32> to vector<16xf32>
          tpu.vector_store %arg7[%parallel_loop3A_629], %parallel_loop3A_632 {add = true, strides = array<i32>} : memref<100000xf32, #tpu.memory_space<vmem>>, vector<16xf32>,
          %parallel_loop3A_633 = arith.constant 16 : i32
          %parallel_loop3A_634 = arith.muli %parallel_loop3A_633, %parallel_loop3A_88 : i32
          %parallel_loop3A_635 = arith.constant 13 : i32
          %parallel_loop3A_636 = arith.addi %parallel_loop3A_634, %parallel_loop3A_635 : i32
          %parallel_loop3A_637 = arith.index_cast %parallel_loop3A_636 : i32 to index
          %parallel_loop3A_638 = arith.constant 16 : index
          %parallel_loop3A_639 = tpu.vector_load %arg9[%parallel_loop3A_637, %parallel_loop3A_638] {strides = array<i32>} : memref<128x32xf32, #tpu.memory_space<vmem>>, vector<1x16xf32>,
          %parallel_loop3A_640 = vector.shape_cast %parallel_loop3A_639 : vector<1x16xf32> to vector<16xf32>
          %parallel_loop3A_641 = vector.broadcast %parallel_loop3A_612 : f32 to vector<16xf32>
          %parallel_loop3A_642 = arith.mulf %parallel_loop3A_640, %parallel_loop3A_641 : vector<16xf32>
          %parallel_loop3A_643 = arith.constant 16 : i32
          %parallel_loop3A_644 = arith.addi %parallel_loop3A_616, %parallel_loop3A_643 : i32
          %parallel_loop3A_645 = arith.index_cast %parallel_loop3A_644 : i32 to index
          %parallel_loop3A_646 = tpu.vector_load %arg7[%parallel_loop3A_645] {strides = array<i32>} : memref<100000xf32, #tpu.memory_space<vmem>>, vector<16xf32>,
          %parallel_loop3A_647 = vector.shape_cast %parallel_loop3A_646 : vector<16xf32> to vector<16xf32>
          %parallel_loop3A_648 = vector.shape_cast %parallel_loop3A_642 : vector<16xf32> to vector<16xf32>
          tpu.vector_store %arg7[%parallel_loop3A_645], %parallel_loop3A_648 {add = true, strides = array<i32>} : memref<100000xf32, #tpu.memory_space<vmem>>, vector<16xf32>,
          %parallel_loop3A_649 = vector.extract_strided_slice %parallel_loop3A_116 {offsets = [14], sizes = [1], strides = [1]} : vector<16xf32> to vector<1xf32>
          %parallel_loop3A_650 = vector.extract %parallel_loop3A_649[0] : f32 from vector<1xf32>
          %parallel_loop3A_651 = vector.extract_strided_slice %parallel_loop3A_103 {offsets = [14], sizes = [1], strides = [1]} : vector<16xi32> to vector<1xi32>
          %parallel_loop3A_652 = vector.extract %parallel_loop3A_651[0] : i32 from vector<1xi32>
          %parallel_loop3A_653 = arith.constant 32 : i32
          %parallel_loop3A_654 = arith.muli %parallel_loop3A_652, %parallel_loop3A_653 : i32
          %parallel_loop3A_655 = arith.constant 16 : i32
          %parallel_loop3A_656 = arith.muli %parallel_loop3A_655, %parallel_loop3A_88 : i32
          %parallel_loop3A_657 = arith.constant 14 : i32
          %parallel_loop3A_658 = arith.addi %parallel_loop3A_656, %parallel_loop3A_657 : i32
          %parallel_loop3A_659 = arith.index_cast %parallel_loop3A_658 : i32 to index
          %parallel_loop3A_660 = arith.constant 0 : index
          %parallel_loop3A_661 = tpu.vector_load %arg9[%parallel_loop3A_659, %parallel_loop3A_660] {strides = array<i32>} : memref<128x32xf32, #tpu.memory_space<vmem>>, vector<1x16xf32>,
          %parallel_loop3A_662 = vector.shape_cast %parallel_loop3A_661 : vector<1x16xf32> to vector<16xf32>
          %parallel_loop3A_663 = vector.broadcast %parallel_loop3A_650 : f32 to vector<16xf32>
          %parallel_loop3A_664 = arith.mulf %parallel_loop3A_662, %parallel_loop3A_663 : vector<16xf32>
          %parallel_loop3A_665 = arith.constant 0 : i32
          %parallel_loop3A_666 = arith.addi %parallel_loop3A_654, %parallel_loop3A_665 : i32
          %parallel_loop3A_667 = arith.index_cast %parallel_loop3A_666 : i32 to index
          %parallel_loop3A_668 = tpu.vector_load %arg7[%parallel_loop3A_667] {strides = array<i32>} : memref<100000xf32, #tpu.memory_space<vmem>>, vector<16xf32>,
          %parallel_loop3A_669 = vector.shape_cast %parallel_loop3A_668 : vector<16xf32> to vector<16xf32>
          %parallel_loop3A_670 = vector.shape_cast %parallel_loop3A_664 : vector<16xf32> to vector<16xf32>
          tpu.vector_store %arg7[%parallel_loop3A_667], %parallel_loop3A_670 {add = true, strides = array<i32>} : memref<100000xf32, #tpu.memory_space<vmem>>, vector<16xf32>,
          %parallel_loop3A_671 = arith.constant 16 : i32
          %parallel_loop3A_672 = arith.muli %parallel_loop3A_671, %parallel_loop3A_88 : i32
          %parallel_loop3A_673 = arith.constant 14 : i32
          %parallel_loop3A_674 = arith.addi %parallel_loop3A_672, %parallel_loop3A_673 : i32
          %parallel_loop3A_675 = arith.index_cast %parallel_loop3A_674 : i32 to index
          %parallel_loop3A_676 = arith.constant 16 : index
          %parallel_loop3A_677 = tpu.vector_load %arg9[%parallel_loop3A_675, %parallel_loop3A_676] {strides = array<i32>} : memref<128x32xf32, #tpu.memory_space<vmem>>, vector<1x16xf32>,
          %parallel_loop3A_678 = vector.shape_cast %parallel_loop3A_677 : vector<1x16xf32> to vector<16xf32>
          %parallel_loop3A_679 = vector.broadcast %parallel_loop3A_650 : f32 to vector<16xf32>
          %parallel_loop3A_680 = arith.mulf %parallel_loop3A_678, %parallel_loop3A_679 : vector<16xf32>
          %parallel_loop3A_681 = arith.constant 16 : i32
          %parallel_loop3A_682 = arith.addi %parallel_loop3A_654, %parallel_loop3A_681 : i32
          %parallel_loop3A_683 = arith.index_cast %parallel_loop3A_682 : i32 to index
          %parallel_loop3A_684 = tpu.vector_load %arg7[%parallel_loop3A_683] {strides = array<i32>} : memref<100000xf32, #tpu.memory_space<vmem>>, vector<16xf32>,
          %parallel_loop3A_685 = vector.shape_cast %parallel_loop3A_684 : vector<16xf32> to vector<16xf32>
          %parallel_loop3A_686 = vector.shape_cast %parallel_loop3A_680 : vector<16xf32> to vector<16xf32>
          tpu.vector_store %arg7[%parallel_loop3A_683], %parallel_loop3A_686 {add = true, strides = array<i32>} : memref<100000xf32, #tpu.memory_space<vmem>>, vector<16xf32>,
          %parallel_loop3A_687 = vector.extract_strided_slice %parallel_loop3A_116 {offsets = [15], sizes = [1], strides = [1]} : vector<16xf32> to vector<1xf32>
          %parallel_loop3A_688 = vector.extract %parallel_loop3A_687[0] : f32 from vector<1xf32>
          %parallel_loop3A_689 = vector.extract_strided_slice %parallel_loop3A_103 {offsets = [15], sizes = [1], strides = [1]} : vector<16xi32> to vector<1xi32>
          %parallel_loop3A_690 = vector.extract %parallel_loop3A_689[0] : i32 from vector<1xi32>
          %parallel_loop3A_691 = arith.constant 32 : i32
          %parallel_loop3A_692 = arith.muli %parallel_loop3A_690, %parallel_loop3A_691 : i32
          %parallel_loop3A_693 = arith.constant 16 : i32
          %parallel_loop3A_694 = arith.muli %parallel_loop3A_693, %parallel_loop3A_88 : i32
          %parallel_loop3A_695 = arith.constant 15 : i32
          %parallel_loop3A_696 = arith.addi %parallel_loop3A_694, %parallel_loop3A_695 : i32
          %parallel_loop3A_697 = arith.index_cast %parallel_loop3A_696 : i32 to index
          %parallel_loop3A_698 = arith.constant 0 : index
          %parallel_loop3A_699 = tpu.vector_load %arg9[%parallel_loop3A_697, %parallel_loop3A_698] {strides = array<i32>} : memref<128x32xf32, #tpu.memory_space<vmem>>, vector<1x16xf32>,
          %parallel_loop3A_700 = vector.shape_cast %parallel_loop3A_699 : vector<1x16xf32> to vector<16xf32>
          %parallel_loop3A_701 = vector.broadcast %parallel_loop3A_688 : f32 to vector<16xf32>
          %parallel_loop3A_702 = arith.mulf %parallel_loop3A_700, %parallel_loop3A_701 : vector<16xf32>
          %parallel_loop3A_703 = arith.constant 0 : i32
          %parallel_loop3A_704 = arith.addi %parallel_loop3A_692, %parallel_loop3A_703 : i32
          %parallel_loop3A_705 = arith.index_cast %parallel_loop3A_704 : i32 to index
          %parallel_loop3A_706 = tpu.vector_load %arg7[%parallel_loop3A_705] {strides = array<i32>} : memref<100000xf32, #tpu.memory_space<vmem>>, vector<16xf32>,
          %parallel_loop3A_707 = vector.shape_cast %parallel_loop3A_706 : vector<16xf32> to vector<16xf32>
          %parallel_loop3A_708 = vector.shape_cast %parallel_loop3A_702 : vector<16xf32> to vector<16xf32>
          tpu.vector_store %arg7[%parallel_loop3A_705], %parallel_loop3A_708 {add = true, strides = array<i32>} : memref<100000xf32, #tpu.memory_space<vmem>>, vector<16xf32>,
          %parallel_loop3A_709 = arith.constant 16 : i32
          %parallel_loop3A_710 = arith.muli %parallel_loop3A_709, %parallel_loop3A_88 : i32
          %parallel_loop3A_711 = arith.constant 15 : i32
          %parallel_loop3A_712 = arith.addi %parallel_loop3A_710, %parallel_loop3A_711 : i32
          %parallel_loop3A_713 = arith.index_cast %parallel_loop3A_712 : i32 to index
          %parallel_loop3A_714 = arith.constant 16 : index
          %parallel_loop3A_715 = tpu.vector_load %arg9[%parallel_loop3A_713, %parallel_loop3A_714] {strides = array<i32>} : memref<128x32xf32, #tpu.memory_space<vmem>>, vector<1x16xf32>,
          %parallel_loop3A_716 = vector.shape_cast %parallel_loop3A_715 : vector<1x16xf32> to vector<16xf32>
          %parallel_loop3A_717 = vector.broadcast %parallel_loop3A_688 : f32 to vector<16xf32>
          %parallel_loop3A_718 = arith.mulf %parallel_loop3A_716, %parallel_loop3A_717 : vector<16xf32>
          %parallel_loop3A_719 = arith.constant 16 : i32
          %parallel_loop3A_720 = arith.addi %parallel_loop3A_692, %parallel_loop3A_719 : i32
          %parallel_loop3A_721 = arith.index_cast %parallel_loop3A_720 : i32 to index
          %parallel_loop3A_722 = tpu.vector_load %arg7[%parallel_loop3A_721] {strides = array<i32>} : memref<100000xf32, #tpu.memory_space<vmem>>, vector<16xf32>,
          %parallel_loop3A_723 = vector.shape_cast %parallel_loop3A_722 : vector<16xf32> to vector<16xf32>
          %parallel_loop3A_724 = vector.shape_cast %parallel_loop3A_718 : vector<16xf32> to vector<16xf32>
          tpu.vector_store %arg7[%parallel_loop3A_721], %parallel_loop3A_724 {add = true, strides = array<i32>} : memref<100000xf32, #tpu.memory_space<vmem>>, vector<16xf32>,
        } {sc.loop_unroll_factor = 8 : i64, sc.parallel_access}
        %add3A_82 = arith.constant 2 : i32
        %add3A_83 = arith.addi %add3A_63, %add3A_82 : i32
        %lt3A_84 = arith.cmpi slt, %add3A_83, %add3A_13 : i32
        %convert_element_type3A_85 = arith.extui %lt3A_84 : i1 to i32
        %cond3A_86 = arith.constant 0 : i32
        %cond3A_87 = arith.cmpi ne, %convert_element_type3A_85, %cond3A_86 : i32
        scf.if %cond3A_87 {
          %add3A_88 = arith.constant 2 : i32
          %add3A_89 = arith.addi %add3A_63, %add3A_88 : i32
          %mul3A_90 = arith.constant 384 : i32
          %mul3A_91 = arith.muli %add3A_89, %mul3A_90 : i32
          %dma_start3A = tpu.memref_slice %arg4[%mul3A_91] : memref<4800768xi32, #tpu.memory_space<hbm>> -> memref<384xi32, #tpu.memory_space<hbm>>
          %dma_start3A_92 = tpu.memref_slice %arg4[%mul3A_91] : memref<4800768xi32, #tpu.memory_space<hbm>> -> memref<384xi32, #tpu.memory_space<hbm>>
          tpu.enqueue_dma source(%dma_start3A_92 : memref<384xi32, #tpu.memory_space<hbm>>) target(%arg11 : memref<384xi32, #tpu.memory_space<vmem>>) target_semaphore(%arg16 : memref<!tpu.dma_semaphore, #tpu.memory_space<semaphore_mem>>)
        } else {
        }
      } else {
      }
    }
    "tpu.region"() ({
      %run_scoped3A = tpu.sem_alloc : memref<!tpu.dma_semaphore, #tpu.memory_space<semaphore_mem>>
      %dma_start3A = tpu.memref_slice %arg6[%mul3A_2] : memref<3200000xf32, #tpu.memory_space<hbm>> -> memref<100000xf32, #tpu.memory_space<hbm>>
      %dma_start3A_53 = tpu.memref_slice %arg6[%mul3A_2] : memref<3200000xf32, #tpu.memory_space<hbm>> -> memref<100000xf32, #tpu.memory_space<hbm>>
      tpu.enqueue_dma source(%arg7 : memref<100000xf32, #tpu.memory_space<vmem>>) target(%dma_start3A_53 : memref<100000xf32, #tpu.memory_space<hbm>>) target_semaphore(%run_scoped3A : memref<!tpu.dma_semaphore, #tpu.memory_space<semaphore_mem>>)
      %dma_wait3A = tpu.memref_slice %arg6[%mul3A_2] : memref<3200000xf32, #tpu.memory_space<hbm>> -> memref<100000xf32, #tpu.memory_space<hbm>>
      %dma_wait3A_54 = tpu.memref_slice %arg6[%mul3A_2] : memref<3200000xf32, #tpu.memory_space<hbm>> -> memref<100000xf32, #tpu.memory_space<hbm>>
      tpu.wait_dma2 semaphore(%run_scoped3A : memref<!tpu.dma_semaphore, #tpu.memory_space<semaphore_mem>>) src(%arg7 : memref<100000xf32, #tpu.memory_space<vmem>>) dst(%dma_wait3A_54 : memref<100000xf32, #tpu.memory_space<hbm>>)
      tpu.yield
    }) : () -> ()
    return
  }
}

</mosaic_0001>

<sc_bundles>
// kernel: gather_offload_async_start.1
scs
__scs_entry_jumppad:
0x0: {  	(pc) =	sbr.rel $0x88, $3  }
0x1: {  	(tag) =	ssettag $0x0;
	lr =	simm.s32 $0x1  }
0x2: {  	[smem:$0x3F9E] =	sst lr;
	_ =	strace $0xD0000000  }
0x3: {  	_ = 	snop  }
0x4: {  	_ = 	snop  }
0x5: {  	_ = 	snop  }
0x6: {  	_ = 	snop  }
0x7: {  	_ = 	snop  }
__scs_overlays_trampoline_lowered:
0x8: {  	[smem:$0x3FAD] =	sst s0  }
0x9: {  	[smem:$0x3FAE] =	sst s1  }
0xa: {  	[smem:$0x3FAF] =	sst s2  }
0xb: {  	[smem:$0x3FB0] =	sst s3  }
0xc: {  	[smem:$0x3FB1] =	sst s4  }
0xd: {  	[smem:$0x3FB2] =	sst s5  }
0xe: {  	[smem:$0x3FB3] =	sst s6  }
0xf: {  	[smem:$0x3FB4] =	sst s7  }
0x10: {  	[smem:$0x3FB5] =	sst s8  }
0x11: {  	[smem:$0x3FB6] =	sst s9;
	s0 =	simm.s32 @!p0 $0x0  }
0x12: {  	s1 =	sld [smem:$0x3F9C];
	s0 =	simm.s32 @p0 $0x1  }
0x13: {  	[smem:$0x3FB7] =	sst s0;
	s0 =	simm.s32 @!p1 $0x0  }
0x14: {  	s2 =	sld [smem:$0x3F9B];
	s0 =	simm.s32 @p1 $0x1  }
0x15: {  	[smem:$0x3FB8] =	sst s0;
	s0 =	simm.s32 @!p2 $0x0  }
0x16: {  	s3 =	sld [smem:$0x3FDB];
	s0 =	simm.s32 @p2 $0x1  }
0x17: {  	s4 =	simm.s32 $0x1BF5;
	[smem:$0x3FBA] =	sst s0  }
0x18: {  	s0 =	sld [smem:$0x3F9D];
	_ =	swait.ge [sflag:s4], $0x0  }
0x19: {  	s7 =	sld [smem:$0x3F9E]  }
0x1a: {  	s8 =	sadd.s32 $0xFFFFE003, lr  }
0x1b: {  	s9 =	sadd.s32 $0xFFFFFEF7, lr;
	s5 =	simm.s32 $0xFFFFFFFF;
	p2 =	slt.u32 s8, $0xFFFFF086  }
0x1c: {  	p1 =	slt.u32 s9, $0xF7A;
	s5 =	simm.s32 @!p2 $0x0  }
0x1d: {  	s5 =	simm.s32 @p1 $0x1;
	p0 =	seq.s32 s7, s2  }
0x1e: {  	s7 =	smul.u32 @!p0 $0xF7A, s2;
	p2 =	seq.s32 @!p0 s5, $0x0  }
0x1f: {  	s9 =	smul.u32 $0xF7A, s1;
	s8 =	simm.s32 @!p0 $0x1BF5;
	p2 =	por !p2, p0  }
0x20: {  	[sflag:s8] =	ssyncset.s32 @!p0 $0xFFFFF086;
	s6 =	sadd.s32 @!p0 s3, s7;
	s7 =	simm.s32 @!p0 $0x108  }
0x21: {  	s3 =	sadd.s32 s3, s9;
	s6 =	sadd.s32 @!p0 $0x88, s6;
	s7 =	simm.s32 @p2 $0x1082  }
0x22: {  	[simem:s7], [sflag:s8] =	dma.local @!p0 [hbm:s6], $0xF7A  }
0x23: {  	s9 =	sor.u32 $0xD0000000, s2;
	s6 =	simm.s32 $0x108;
	_ =	swait.ge @!p0 [sflag:s8], $0x0  }
0x24: {  	s3 =	sadd.s32 $0x88, s3;
	s6 =	simm.s32 @!p1 $0x1082;
	[sflag:s4] =	ssyncset.s32 $0xFFFFF086  }
0x25: {  	[simem:s6], [sflag:s4] =	dma.local [hbm:s3], $0xF7A  }
0x26: {  	[smem:$0x3F9E] =	sst s1;
	(tag) =	ssettag s2;
	_ =	strace s9  }
0x27: {  	s1 =	sld [smem:$0x3FAE]  }
0x28: {  	s2 =	sld [smem:$0x3FAF]  }
0x29: {  	s4 =	sld [smem:$0x3FB1]  }
0x2a: {  	p0 =	seq.s32 s5, $0x0;
	s5 =	sld [smem:$0x3FB2]  }
0x2b: {  	s6 =	sld [smem:$0x3FB3]  }
0x2c: {  	s7 =	sld [smem:$0x3FB4]  }
0x2d: {  	s3 =	simm.s32 $0x108;
	s8 =	sld [smem:$0x3FB5]  }
0x2e: {  	s3 =	simm.s32 @!p0 $0x1082;
	s9 =	sld [smem:$0x3FB6]  }
0x2f: {  	lr =	sadd.s32 s0, s3;
	s0 =	sld [smem:$0x3FAD]  }
0x30: {  	s3 =	sld [smem:$0x3FB0]  }
0x31: {  	[smem:$0x3FB9] =	sst s10  }
0x32: {  	s10 =	sld [smem:$0x3FB7];
	_ =	sdelay $0x3  }
0x33: {  	p0 =	seq.s32 s10, $0x1;
	s10 =	sld [smem:$0x3FB9];
	_ =	sdelay $0x3  }
0x34: {  	[smem:$0x3FB9] =	sst s10  }
0x35: {  	s10 =	sld [smem:$0x3FB8];
	_ =	sdelay $0x3  }
0x36: {  	p1 =	seq.s32 s10, $0x1;
	s10 =	sld [smem:$0x3FB9];
	_ =	sdelay $0x3  }
0x37: {  	[smem:$0x3FB9] =	sst s10  }
0x38: {  	s10 =	sld [smem:$0x3FBA]  }
0x39: {  	_ = 	snop;
	(pc) =	sbr.ind lr, $3  }
0x3a: {  	_ = 	snop  }
0x3b: {  	_ = 	snop  }
0x3c: {  	p2 =	seq.s32 s10, $0x1;
	s10 =	sld [smem:$0x3FB9]  }
0x3d: {  	_ =	shalt  }
0x3e: {  	_ =	shalt  }
0x3f: {  	_ =	shalt  }
0x40: {  	_ =	shalt  }
0x41: {  	_ =	shalt  }
0x42: {  	_ =	shalt  }
0x43: {  	_ =	shalt  }
0x44: {  	_ =	shalt  }
0x45: {  	_ =	shalt  }
0x46: {  	_ =	shalt  }
0x47: {  	_ =	shalt  }
0x48: {  	_ =	shalt  }
0x49: {  	_ =	shalt  }
0x4a: {  	_ =	shalt  }
0x4b: {  	_ =	shalt  }
0x4c: {  	_ =	shalt  }
0x4d: {  	_ =	shalt  }
0x4e: {  	_ =	shalt  }
0x4f: {  	_ =	shalt  }
0x50: {  	_ =	shalt  }
0x51: {  	_ =	shalt  }
0x52: {  	_ =	shalt  }
0x53: {  	_ =	shalt  }
0x54: {  	_ =	shalt  }
0x55: {  	_ =	shalt  }
0x56: {  	_ =	shalt  }
0x57: {  	_ =	shalt  }
0x58: {  	_ =	shalt  }
0x59: {  	_ =	shalt  }
0x5a: {  	_ =	shalt  }
0x5b: {  	_ =	shalt  }
0x5c: {  	_ =	shalt  }
0x5d: {  	_ =	shalt  }
0x5e: {  	_ =	shalt  }
0x5f: {  	_ =	shalt  }
0x60: {  	_ =	shalt  }
0x61: {  	_ =	shalt  }
0x62: {  	_ =	shalt  }
0x63: {  	_ =	shalt  }
0x64: {  	_ =	shalt  }
0x65: {  	_ =	shalt  }
0x66: {  	_ =	shalt  }
0x67: {  	_ =	shalt  }
0x68: {  	_ =	shalt  }
0x69: {  	_ =	shalt  }
0x6a: {  	_ =	shalt  }
0x6b: {  	_ =	shalt  }
0x6c: {  	_ =	shalt  }
0x6d: {  	_ =	shalt  }
0x6e: {  	_ =	shalt  }
0x6f: {  	_ =	shalt  }
0x70: {  	_ =	shalt  }
0x71: {  	_ =	shalt  }
0x72: {  	_ =	shalt  }
0x73: {  	_ =	shalt  }
0x74: {  	_ =	shalt  }
0x75: {  	_ =	shalt  }
0x76: {  	_ =	shalt  }
0x77: {  	_ =	shalt  }
0x78: {  	_ =	shalt  }
0x79: {  	_ =	shalt  }
0x7a: {  	_ =	shalt  }
0x7b: {  	_ =	shalt  }
0x7c: {  	_ =	shalt  }
0x7d: {  	_ =	shalt  }
0x7e: {  	_ =	shalt  }
0x7f: {  	_ =	shalt  }
0x80: {  	_ =	shalt  }
0x81: {  	_ =	shalt  }
0x82: {  	_ =	shalt  }
0x83: {  	_ =	shalt  }
0x84: {  	_ =	shalt  }
0x85: {  	_ =	shalt  }
0x86: {  	_ =	shalt  }
0x87: {  	_ =	shalt  }
.Lfunc_end0:
.L_simem_size_0:
called_computation.1_lowered:
.L_overlay_start_0:
0x88: {  	s2 =	sld [smem:$0x3FD9]  }
0x89: {  	s3 =	sld [smem:$0x3FFE];
	_ =	sdelay $0x1  }
0x8a: {  	s1 =	srdreg.scid  }
0x8b: {  	s0 =	sand.u32 $0x1, s1  }
0x8c: {  	s16 =	sshll.u32 s0, $0xA;
	s2 =	sadd.s32 s3, s2  }
0x8d: {  	s2 =	sadd.s32 s2, s16  }
0x8e: {  	[smem:$0x3FC5] =	sst s2  }
0x8f: {  	_ = 	snop  }
0x90: {  	(tm) =	ssettm $0x1  }
0x91: {  	s17 =	sld [smem:$0x3FFB];
	_ =	sdelay $0x3  }
0x92: {  	_ =	strace s17  }
0x93: {  	s2 =	sld [smem:$0x3FFC];
	_ =	sdelay $0x3  }
0x94: {  	_ =	strace s2  }
0x95: {  	s2 =	sld [smem:$0x3FFD];
	_ =	sdelay $0x3  }
0x96: {  	_ =	strace s2  }
0x97: {  	_ =	strace $0x8FFFFFFF  }
0x98: {  	s18 =	sld [smem:$0x3FDB];
	_ =	sdelay $0x1  }
0x99: {  	s19 =	simm.s32 $_scs_section_size  }
0x9a: {  	s4 =	simm.s32 $_size__tile_overlayer_lowered;
	s5 =	simm.s32 $_tile_overlayer_lowered  }
0x9b: {  	s22 =	simm.s32 $0x1BFF;
	s21 =	sshll.u32 s5, $0x1;
	s2 =	sadd.s32 s19, s18  }
0x9c: {  	s6 =	simm.s32 $0x0;
	s20 =	sshll.u32 s4, $0x1;
	s4 =	sadd.s32 s21, s2  }
0x9d: {  	[timem:s6], [sflag:s22] =	dma.local [hbm:s4], s20  }
0x9e: {  	_ =	swait.ge [sflag:s22], s20  }
0x9f: {  	s3 =	ssub.s32 $0x0, s20;
	[sflag:s22] =	ssyncset.done $0x0  }
0xa0: {  	[sflag:s22] =	ssyncadd.s32 s3;
	_ =	sdelay $0x1  }
0xa1: {  	s23 =	simm.s32 $0x1B8B  }
0xa2: {  	_ =	swait.ge [sflag:s23], $0x1  }
0xa3: {  	[sflag:s23] =	ssyncset.done $0x0  }
0xa4: {  	s25 =	simm.s32 $0x1B8E;
	s24 =	sld [smem:$0x3FFE];
	[sflag:s23] =	ssyncadd.s32 $0xFFFFFFFF  }
0xa5: {  	s26 =	simm.s32 $execute0_lowered;
	[smem:$0x3FD2] =	sst s25  }
0xa6: {  	s4 =	sshll.u32 s26, $0x1;
	_ =	strace $0x80000046;
	[dreg:$0x1] =	wrdreg $0xFFFFFFFF  }
0xa7: {  	s28 =	simm.s32 $_size_execute0_lowered;
	s2 =	sadd.s32 s2, s4;
	[dreg:$0x0] =	wrdreg $0x0  }
0xa8: {  	s4 =	sshll.u32 s28, $0x1;
	[dreg:$0x2] =	wrdreg s2  }
0xa9: {  	[dreg:$0x3] =	wrdreg s4  }
0xaa: {  	[dreg:$0x4] =	wrdreg $0xC0  }
0xab: {  	_ =	task [dreg:s6], $0x5FFFF  }
0xac: {  	[dreg:$0x1] =	wrdreg $0xFFFFFFFF  }
0xad: {  	[dreg:$0x0] =	wrdreg $0x60  }
0xae: {  	[dreg:$0x2] =	wrdreg s24  }
0xaf: {  	[dreg:$0x3] =	wrdreg $0x9  }
0xb0: {  	_ =	task.clear_ibuf [dreg:s6], $0x4FFFF;
	_ =	strace $0x90000046  }
0xb1: {  	s29 =	simm.s32 $0x9;
	_ =	strace $0x80000048  }
0xb2: {  	_ =	swait.ge [sflag:s29], $0x1  }
0xb3: {  	[sflag:s29] =	ssyncadd.s32 $0xFFFFFFFF  }
0xb4: {  	_ =	strace $0x90000048  }
0xb5: {  	_ =	sfence  }
0xb6: {  	s30 =	sld [smem:$0x0];
	_ =	sdelay $0x2  }
0xb7: {  	s31 =	sshll.u32 s1, $0xD;
	s1 =	sshrl.u32 s1, $0x2  }
0xb8: {  	s3 =	sand.u32 $0x4000, s31;
	s1 =	sadd.s32 s1, s30  }
0xb9: {  	s0 =	sor.u32 s3, s0;
	s1 =	sshll.u32 s1, $0x11  }
0xba: {  	s0 =	sor.u32 s1, s0  }
0xbb: {  	s0 =	sadd.s32 $0x8F2B, s0  }
0xbc: {  	[sflag:s0] =	ssyncadd.remote.s32 $0x1  }
0xbd: {  	_ =	sfence.sel $0xFFFF  }
0xbe: {  	[dreg:$0x0] =	wrdreg $0xFFFFFFFF;
	(pc) =	sbr.abs _section_cstart, $3  }
0xbf: {  	[dreg:$0x1] =	wrdreg $0xFFFFFFFF  }
0xc0: {  	_ =	task.clear_ibuf [dreg:s6], $0x2FFFF;
	_ =	strace $0x9FFFFFFF  }
0xc1: {  	(tm) =	ssettm $0x7FFFFFFF  }
tec
execute0_lowered:
.L_overlay_start_1:
0x0: {  	(tag) =	ssettag $0x1  }
0x1: {  	s8 =	rddreg [dreg:$0x0]  }
0x2: {  	s0 =	rddreg [dreg:$0x1];
	_ =	strace $0x80000047;
	s1 =	stileid.u32  }
0x3: {  	s3 =	srdreg.scid;
	s4 =	simm.s32 $0x1;
	s7 =	simm.s32 $0x1  }
0x4: {  	s9 =	simm.s32 $0x1;
	s10 =	simm.s32 $0x3;
	s13 =	simm.s32 $0x0  }
0x5: {  	s12 =	simm.s32 $0x0;
	s5 =	sand.u32 $0x1, s3;
	s6 =	sshll.u32 s1, $0x1  }
0x6: {  	s2 =	sadd.s32 $0x34400, s8;
	s3 =	sadd.s32 $0x65200, s8;
	s5 =	sor.u32 s6, s5  }
.Ltmp0:
0x7: {  	[sflag:s4] =	ssyncpa.u1 $0x0;
	p0 =	slt.u32 s5, $0x13;
	(pc) =	sbr.rel .LBB2_1-.Ltmp0, $4  }
0x8: {  	s6 =	simm.s32 $0x2;
	s7 =	simm.s32 @!p0 $0x0;
	p0 =	sne.s32 s5, $0x12  }
0x9: {  	[sflag:s6] =	ssyncpa.u1 $0x0;
	s5 =	smul.u32 $0x7D00, s5;
	s9 =	simm.s32 @!p0 $0x0  }
0xa: {  	s8 =	sadd.s32 $0xC7000, s8;
	[sflag:s10] =	ssyncpa.u1 $0x0;
	s7 =	sadd.s32 s9, s7  }
0xb: {  	vm0 =	vmmov $0xffff;
	s10 =	simm.s32 $0x0;
	s11 =	smov.u32 s5;
	s9 =	sadd.s32 $0x1, s7  }
.LBB2_4:
0xc: {  	v2 =	vnsel vm1, $0x0, v2  }
0xd: {  	vm1 =	vgt.s32 v0, $0x0;
	v2 =	vmin.u32 v2, $0x1869FF  }
0xe: {  	v0 =	vnsel vm1, $0x0, v0  }
0xf: {  	v0 =	vmin.u32 v0, $0x1869FF  }
0x10: {  	[tilespmem:s18], [sflag:$0x1] =	stream.indirect_vreg.gather [hbm4b:s2+s10], $0x1, v1, vm0, $0x4038;
	[tilespmem:$0x1F400] =	vst v63  }
0x11: {  	(ifvalue) =	ssetifvalue $0x7FFFFFFF  }
0x12: {  	[tilespmem:s15], [sflag:$0x1] =	stream.indirect_vreg.gather [hbm4b:s2+s10], $0x1, v2, vm0, $0x4038;
	[tilespmem:$0x1F400] =	vst v63  }
0x13: {  	s29 =	sadd.s32 $0x10, s15;
	(ifvalue) =	ssetifvalue $0x7FFFFFFF  }
0x14: {  	[tilespmem:s29], [sflag:$0x1] =	stream.indirect_vreg.gather [hbm4b:s2+s10], $0x1, v0, vm0, $0x4038;
	[tilespmem:$0x1F400] =	vst v63  }
0x15: {  	_ =	swait.ge [sflag:s4], $0x7D00  }
0x16: {  	s30 =	sshrl.u32 s13, $0x3;
	[sflag:s4] =	ssyncset.done $0x0  }
0x17: {  	s31 =	sand.u32 $0x7, s13;
	s15 =	sadd.s32 s8, s30;
	[sflag:s4] =	ssyncadd.s32 $0xFFFF8300  }
0x18: {  	[hbm4b:s15+s31] =	stream.linear.scatter [tilespmem:s14], [sflag:$0x3], $0x7D00, $0x38;
	[tilespmem:$0x1F400] =	vst v63  }
.LBB2_5:
0x19: {  	s15 =	sadd.s32 $0xFA000, s11  }
0x1a: {  	p1 =	sgt.s32 s15, $0x1869FF  }
0x1b: {  	s15 =	smov.u32 @p1 s5;
	p1 =	sne.s32 s12, s9  }
.Ltmp1:
0x1c: {  	p0 =	slt.u32 s12, $0x2;
	(pc) =	sbr.rel @!p1 .LBB2_6-.Ltmp1, $4  }
0x1d: {  	s14 =	simm.s32 @!p0 $0x3  }
0x1e: {  	_ =	swait.ge @!p0 [sflag:s14], $0x7D00  }
0x1f: {  	s16 =	sadd.s32 $0x1, s12;
	s13 =	smov.u32 s11;
	[sflag:s14] =	ssyncset.done @!p0 $0x0  }
0x20: {  	s12 =	smov.u32 s16;
	s11 =	smov.u32 s15;
	[sflag:s14] =	ssyncadd.s32 @!p0 $0xFFFF8300  }
.LBB2_1:
0x21: {  	p0 =	sge.u32 s12, s7  }
0x22: {  	s14 =	sxor.u32 @!p0 $0x1, s12  }
0x23: {  	s14 =	smul.u32 @!p0 $0x1F400, s14  }
0x24: {  	s31 =	sadd.s32 $0xFFFFFFFF, s12;
	s15 =	sshrl.u32 @!p0 s11, $0x3  }
0x25: {  	s16 =	sand.u32 @!p0 $0x7, s11;
	s15 =	sadd.s32 @!p0 s3, s15;
	s14 =	sshra.s32 @!p0 s14, $0x2  }
0x26: {  	[tilespmem:s14], [sflag:$0x2] =	stream.linear.gather @!p0 [hbm4b:s15+s16], $0x7D00, $0x38;
	[tilespmem:$0x1F400] =	vst v63  }
0x27: {  	p0 =	sge.u32 s31, s7  }
.Ltmp2:
0x28: {  	_ = 	snop;
	(pc) =	sbr.rel @p0 .LBB2_5-.Ltmp2, $1  }
0x29: {  	_ =	sdelay $0x3  }
0x2a: {  	s14 =	sand.u32 $0x1, s12  }
0x2b: {  	_ =	swait.ge [sflag:s6], $0x7D00;
	p0 =	seq.s32 s14, $0x1;
	s14 =	simm.s32 $0x7D00  }
0x2c: {  	[sflag:s6] =	ssyncset.done $0x0;
	s14 =	simm.s32 @!p0 $0x0  }
0x2d: {  	[sflag:s6] =	ssyncadd.s32 $0xFFFF8300;
	(ifvalue) =	ssetifvalue $0x7FFFFFFF;
	v0 =	vld.msk [tilespmem:s14+$0x0 ss:$0x1], $0xffff;
	_ =	sdelay $0x4  }
0x2e: {  	s15 =	sadd.s32 $0x10, s14;
	vm1 =	vgt.s32 v0, $0x0  }
0x2f: {  	v2 =	vld.msk [tilespmem:s15+$0x0 ss:$0x1], $0xffff;
	v1 =	vnsel vm1, $0x0, v0  }
0x30: {  	v1 =	vmin.u32 v1, $0x1869FF;
	_ =	sdelay $0x2  }
0x31: {  	s17 =	simm.s32 $0x20;
	s14 =	sadd.s32 $0xFA00, s14;
	s16 =	sadd.s32 $0x10, s15  }
0x32: {  	s15 =	sadd.s32 $0x10, s14;
	s18 =	smov.u32 s14;
	v0 =	vld.msk [tilespmem:s16+$0x0 ss:$0x1], $0xffff;
	vm1 =	vgt.s32 v2, $0x0;
	(ifvalue) =	ssetifvalue $0x7FFFFFFF  }
.LBB2_3:
0x33: {  	[tilespmem:s18], [sflag:$0x1] =	stream.indirect_vreg.gather [hbm4b:s2+s10], $0x1, v1, vm0, $0x4038;
	[tilespmem:$0x1F400] =	vst v63  }
0x34: {  	s17 =	sadd.s32 $0x10, s17  }
0x35: {  	v2 =	vnsel vm1, $0x0, v2;
	p0 =	slt.u32 s17, $0x7CF0  }
.Ltmp3:
0x36: {  	s18 =	smov.u32 s15;
	v1 =	vmin.u32 v2, $0x1869FF;
	(pc) =	sbr.rel @p0 .LBB2_3-.Ltmp3, $3  }
0x37: {  	_ =	sdelay $0x1  }
0x38: {  	s16 =	sadd.s32 $0x10, s16  }
0x39: {  	vm1 =	vgt.s32 v0, $0x0;
	s15 =	sadd.s32 $0x10, s15;
	v2 =	vmov v0;
	(ifvalue) =	ssetifvalue $0x7FFFFFFF;
	v0 =	vld.msk [tilespmem:s16+$0x0 ss:$0x1], $0xffff  }
.Ltmp4:
0x3a: {  	_ = 	snop;
	(pc) =	sbr.rel .LBB2_4-.Ltmp4, $1  }
0x3b: {  	_ =	sdelay $0x3  }
.LBB2_6:
0x3c: {  	_ =	sfence.sel $0x180000  }
0x3d: {  	s2 =	simm.s32 $0x2;
	[bflag:$0x0] =	sbarrier.arrive $0xFFFF  }
0x3e: {  	s30 =	simm.s32 $0x3;
	[sflag:s2] =	ssyncpa.u1 $0x1  }
0x3f: {  	s31 =	simm.s32 $0x1;
	[sflag:s30] =	ssyncpa.u1 $0x1  }
0x40: {  	[sflag:s31] =	ssyncpa.u1 $0x1  }
0x41: {  	p0 =	sne.s32 s1, $0x0;
	_ =	strace $0x90000047  }
0x42: {  	s0 =	sadd.s32 @!p0 $0x100000, s0;
	[bflag:$0x2] =	sbarrier.arrive $0xFFFF  }
0x43: {  	[sflag:s0] =	ssyncadd.tile.s32 @!p0 $0x1;
	_ =	shalt  }
.Lfunc_end2:
_tile_overlayer_lowered:
.L_overlay_start_2:
0x44: {  	(tag) =	ssettag $0x2  }
0x45: {  	s0 =	rddreg [dreg:$0x0];
	s2 =	stileid.u32  }
0x46: {  	s1 =	rddreg [dreg:$0x1];
	p0 =	sne.s32 s2, $0x0  }
0x47: {  	s3 =	rddreg [dreg:$0x2];
	[bflag:$0x3] =	sbarrier.arrive $0xFFFF;
	s2 =	simm.s32 @!p0 $0x1C01  }
0x48: {  	[timem:s3], [sflag:s2] =	dma.local @!p0 [hbm:s0], s1  }
0x49: {  	s0 =	simm.s32 @!p0 $0x1  }
0x4a: {  	_ =	swait.ge @!p0 [sflag:s0], s1  }
0x4b: {  	s1 =	ssub.s32 @!p0 $0x0, s1;
	[sflag:s0] =	ssyncset.done @!p0 $0x0  }
0x4c: {  	[sflag:s0] =	ssyncadd.s32 @!p0 s1  }
0x4d: {  	[bflag:$0x3] =	sbarrier.arrive $0xFFFF  }
0x4e: {  	_ =	shalt  }

// kernel: gather_offload_async_start
scs
__scs_entry_jumppad:
0x0: {  	(pc) =	sbr.rel $0x88, $3  }
0x1: {  	(tag) =	ssettag $0x0;
	lr =	simm.s32 $0x1  }
0x2: {  	[smem:$0x3F9E] =	sst lr;
	_ =	strace $0xD0000000  }
0x3: {  	_ = 	snop  }
0x4: {  	_ = 	snop  }
0x5: {  	_ = 	snop  }
0x6: {  	_ = 	snop  }
0x7: {  	_ = 	snop  }
__scs_overlays_trampoline_lowered:
0x8: {  	[smem:$0x3FAD] =	sst s0  }
0x9: {  	[smem:$0x3FAE] =	sst s1  }
0xa: {  	[smem:$0x3FAF] =	sst s2  }
0xb: {  	[smem:$0x3FB0] =	sst s3  }
0xc: {  	[smem:$0x3FB1] =	sst s4  }
0xd: {  	[smem:$0x3FB2] =	sst s5  }
0xe: {  	[smem:$0x3FB3] =	sst s6  }
0xf: {  	[smem:$0x3FB4] =	sst s7  }
0x10: {  	[smem:$0x3FB5] =	sst s8  }
0x11: {  	[smem:$0x3FB6] =	sst s9;
	s0 =	simm.s32 @!p0 $0x0  }
0x12: {  	s1 =	sld [smem:$0x3F9C];
	s0 =	simm.s32 @p0 $0x1  }
0x13: {  	[smem:$0x3FB7] =	sst s0;
	s0 =	simm.s32 @!p1 $0x0  }
0x14: {  	s2 =	sld [smem:$0x3F9B];
	s0 =	simm.s32 @p1 $0x1  }
0x15: {  	[smem:$0x3FB8] =	sst s0;
	s0 =	simm.s32 @!p2 $0x0  }
0x16: {  	s3 =	sld [smem:$0x3FDB];
	s0 =	simm.s32 @p2 $0x1  }
0x17: {  	s4 =	simm.s32 $0x1BF5;
	[smem:$0x3FBA] =	sst s0  }
0x18: {  	s0 =	sld [smem:$0x3F9D];
	_ =	swait.ge [sflag:s4], $0x0  }
0x19: {  	s7 =	sld [smem:$0x3F9E]  }
0x1a: {  	s8 =	sadd.s32 $0xFFFFE003, lr  }
0x1b: {  	s9 =	sadd.s32 $0xFFFFFEF7, lr;
	s5 =	simm.s32 $0xFFFFFFFF;
	p2 =	slt.u32 s8, $0xFFFFF086  }
0x1c: {  	p1 =	slt.u32 s9, $0xF7A;
	s5 =	simm.s32 @!p2 $0x0  }
0x1d: {  	s5 =	simm.s32 @p1 $0x1;
	p0 =	seq.s32 s7, s2  }
0x1e: {  	s7 =	smul.u32 @!p0 $0xF7A, s2;
	p2 =	seq.s32 @!p0 s5, $0x0  }
0x1f: {  	s9 =	smul.u32 $0xF7A, s1;
	s8 =	simm.s32 @!p0 $0x1BF5;
	p2 =	por !p2, p0  }
0x20: {  	[sflag:s8] =	ssyncset.s32 @!p0 $0xFFFFF086;
	s6 =	sadd.s32 @!p0 s3, s7;
	s7 =	simm.s32 @!p0 $0x108  }
0x21: {  	s3 =	sadd.s32 s3, s9;
	s6 =	sadd.s32 @!p0 $0x88, s6;
	s7 =	simm.s32 @p2 $0x1082  }
0x22: {  	[simem:s7], [sflag:s8] =	dma.local @!p0 [hbm:s6], $0xF7A  }
0x23: {  	s9 =	sor.u32 $0xD0000000, s2;
	s6 =	simm.s32 $0x108;
	_ =	swait.ge @!p0 [sflag:s8], $0x0  }
0x24: {  	s3 =	sadd.s32 $0x88, s3;
	s6 =	simm.s32 @!p1 $0x1082;
	[sflag:s4] =	ssyncset.s32 $0xFFFFF086  }
0x25: {  	[simem:s6], [sflag:s4] =	dma.local [hbm:s3], $0xF7A  }
0x26: {  	[smem:$0x3F9E] =	sst s1;
	(tag) =	ssettag s2;
	_ =	strace s9  }
0x27: {  	s1 =	sld [smem:$0x3FAE]  }
0x28: {  	s2 =	sld [smem:$0x3FAF]  }
0x29: {  	s4 =	sld [smem:$0x3FB1]  }
0x2a: {  	p0 =	seq.s32 s5, $0x0;
	s5 =	sld [smem:$0x3FB2]  }
0x2b: {  	s6 =	sld [smem:$0x3FB3]  }
0x2c: {  	s7 =	sld [smem:$0x3FB4]  }
0x2d: {  	s3 =	simm.s32 $0x108;
	s8 =	sld [smem:$0x3FB5]  }
0x2e: {  	s3 =	simm.s32 @!p0 $0x1082;
	s9 =	sld [smem:$0x3FB6]  }
0x2f: {  	lr =	sadd.s32 s0, s3;
	s0 =	sld [smem:$0x3FAD]  }
0x30: {  	s3 =	sld [smem:$0x3FB0]  }
0x31: {  	[smem:$0x3FB9] =	sst s10  }
0x32: {  	s10 =	sld [smem:$0x3FB7];
	_ =	sdelay $0x3  }
0x33: {  	p0 =	seq.s32 s10, $0x1;
	s10 =	sld [smem:$0x3FB9];
	_ =	sdelay $0x3  }
0x34: {  	[smem:$0x3FB9] =	sst s10  }
0x35: {  	s10 =	sld [smem:$0x3FB8];
	_ =	sdelay $0x3  }
0x36: {  	p1 =	seq.s32 s10, $0x1;
	s10 =	sld [smem:$0x3FB9];
	_ =	sdelay $0x3  }
0x37: {  	[smem:$0x3FB9] =	sst s10  }
0x38: {  	s10 =	sld [smem:$0x3FBA]  }
0x39: {  	_ = 	snop;
	(pc) =	sbr.ind lr, $3  }
0x3a: {  	_ = 	snop  }
0x3b: {  	_ = 	snop  }
0x3c: {  	p2 =	seq.s32 s10, $0x1;
	s10 =	sld [smem:$0x3FB9]  }
0x3d: {  	_ =	shalt  }
0x3e: {  	_ =	shalt  }
0x3f: {  	_ =	shalt  }
0x40: {  	_ =	shalt  }
0x41: {  	_ =	shalt  }
0x42: {  	_ =	shalt  }
0x43: {  	_ =	shalt  }
0x44: {  	_ =	shalt  }
0x45: {  	_ =	shalt  }
0x46: {  	_ =	shalt  }
0x47: {  	_ =	shalt  }
0x48: {  	_ =	shalt  }
0x49: {  	_ =	shalt  }
0x4a: {  	_ =	shalt  }
0x4b: {  	_ =	shalt  }
0x4c: {  	_ =	shalt  }
0x4d: {  	_ =	shalt  }
0x4e: {  	_ =	shalt  }
0x4f: {  	_ =	shalt  }
0x50: {  	_ =	shalt  }
0x51: {  	_ =	shalt  }
0x52: {  	_ =	shalt  }
0x53: {  	_ =	shalt  }
0x54: {  	_ =	shalt  }
0x55: {  	_ =	shalt  }
0x56: {  	_ =	shalt  }
0x57: {  	_ =	shalt  }
0x58: {  	_ =	shalt  }
0x59: {  	_ =	shalt  }
0x5a: {  	_ =	shalt  }
0x5b: {  	_ =	shalt  }
0x5c: {  	_ =	shalt  }
0x5d: {  	_ =	shalt  }
0x5e: {  	_ =	shalt  }
0x5f: {  	_ =	shalt  }
0x60: {  	_ =	shalt  }
0x61: {  	_ =	shalt  }
0x62: {  	_ =	shalt  }
0x63: {  	_ =	shalt  }
0x64: {  	_ =	shalt  }
0x65: {  	_ =	shalt  }
0x66: {  	_ =	shalt  }
0x67: {  	_ =	shalt  }
0x68: {  	_ =	shalt  }
0x69: {  	_ =	shalt  }
0x6a: {  	_ =	shalt  }
0x6b: {  	_ =	shalt  }
0x6c: {  	_ =	shalt  }
0x6d: {  	_ =	shalt  }
0x6e: {  	_ =	shalt  }
0x6f: {  	_ =	shalt  }
0x70: {  	_ =	shalt  }
0x71: {  	_ =	shalt  }
0x72: {  	_ =	shalt  }
0x73: {  	_ =	shalt  }
0x74: {  	_ =	shalt  }
0x75: {  	_ =	shalt  }
0x76: {  	_ =	shalt  }
0x77: {  	_ =	shalt  }
0x78: {  	_ =	shalt  }
0x79: {  	_ =	shalt  }
0x7a: {  	_ =	shalt  }
0x7b: {  	_ =	shalt  }
0x7c: {  	_ =	shalt  }
0x7d: {  	_ =	shalt  }
0x7e: {  	_ =	shalt  }
0x7f: {  	_ =	shalt  }
0x80: {  	_ =	shalt  }
0x81: {  	_ =	shalt  }
0x82: {  	_ =	shalt  }
0x83: {  	_ =	shalt  }
0x84: {  	_ =	shalt  }
0x85: {  	_ =	shalt  }
0x86: {  	_ =	shalt  }
0x87: {  	_ =	shalt  }
.Lfunc_end0:
.L_simem_size_0:
called_computation_lowered:
.L_overlay_start_0:
0x88: {  	s2 =	sld [smem:$0x3FD9]  }
0x89: {  	s3 =	sld [smem:$0x3FFE];
	_ =	sdelay $0x1  }
0x8a: {  	s1 =	srdreg.scid  }
0x8b: {  	s0 =	sand.u32 $0x1, s1  }
0x8c: {  	s16 =	sshll.u32 s0, $0xA;
	s2 =	sadd.s32 s3, s2  }
0x8d: {  	s2 =	sadd.s32 s2, s16  }
0x8e: {  	[smem:$0x3FC5] =	sst s2  }
0x8f: {  	_ = 	snop  }
0x90: {  	(tm) =	ssettm $0x1  }
0x91: {  	s17 =	sld [smem:$0x3FFB];
	_ =	sdelay $0x3  }
0x92: {  	_ =	strace s17  }
0x93: {  	s2 =	sld [smem:$0x3FFC];
	_ =	sdelay $0x3  }
0x94: {  	_ =	strace s2  }
0x95: {  	s2 =	sld [smem:$0x3FFD];
	_ =	sdelay $0x3  }
0x96: {  	_ =	strace s2  }
0x97: {  	_ =	strace $0x8FFFFFFF  }
0x98: {  	s18 =	sld [smem:$0x3FDB];
	_ =	sdelay $0x1  }
0x99: {  	s19 =	simm.s32 $_scs_section_size  }
0x9a: {  	s4 =	simm.s32 $_size__tile_overlayer_lowered;
	s5 =	simm.s32 $_tile_overlayer_lowered  }
0x9b: {  	s22 =	simm.s32 $0x1BFF;
	s21 =	sshll.u32 s5, $0x1;
	s2 =	sadd.s32 s19, s18  }
0x9c: {  	s6 =	simm.s32 $0x0;
	s20 =	sshll.u32 s4, $0x1;
	s4 =	sadd.s32 s21, s2  }
0x9d: {  	[timem:s6], [sflag:s22] =	dma.local [hbm:s4], s20  }
0x9e: {  	_ =	swait.ge [sflag:s22], s20  }
0x9f: {  	s3 =	ssub.s32 $0x0, s20;
	[sflag:s22] =	ssyncset.done $0x0  }
0xa0: {  	[sflag:s22] =	ssyncadd.s32 s3;
	_ =	sdelay $0x1  }
0xa1: {  	s23 =	simm.s32 $0x1B8B  }
0xa2: {  	_ =	swait.ge [sflag:s23], $0x1  }
0xa3: {  	[sflag:s23] =	ssyncset.done $0x0  }
0xa4: {  	s25 =	simm.s32 $0x1B8E;
	s24 =	sld [smem:$0x3FFE];
	[sflag:s23] =	ssyncadd.s32 $0xFFFFFFFF  }
0xa5: {  	s26 =	simm.s32 $execute0_lowered;
	[smem:$0x3FD2] =	sst s25  }
0xa6: {  	s4 =	sshll.u32 s26, $0x1;
	_ =	strace $0x80000049;
	[dreg:$0x1] =	wrdreg $0xFFFFFFFF  }
0xa7: {  	s28 =	simm.s32 $_size_execute0_lowered;
	s2 =	sadd.s32 s2, s4;
	[dreg:$0x0] =	wrdreg $0x0  }
0xa8: {  	s4 =	sshll.u32 s28, $0x1;
	[dreg:$0x2] =	wrdreg s2  }
0xa9: {  	[dreg:$0x3] =	wrdreg s4  }
0xaa: {  	[dreg:$0x4] =	wrdreg $0xC0  }
0xab: {  	_ =	task [dreg:s6], $0x5FFFF  }
0xac: {  	[dreg:$0x1] =	wrdreg $0xFFFFFFFF  }
0xad: {  	[dreg:$0x0] =	wrdreg $0x60  }
0xae: {  	[dreg:$0x2] =	wrdreg s24  }
0xaf: {  	[dreg:$0x3] =	wrdreg $0x9  }
0xb0: {  	_ =	task.clear_ibuf [dreg:s6], $0x4FFFF;
	_ =	strace $0x90000049  }
0xb1: {  	s29 =	simm.s32 $0x9;
	_ =	strace $0x8000004B  }
0xb2: {  	_ =	swait.ge [sflag:s29], $0x1  }
0xb3: {  	[sflag:s29] =	ssyncadd.s32 $0xFFFFFFFF  }
0xb4: {  	_ =	strace $0x9000004B  }
0xb5: {  	_ =	sfence  }
0xb6: {  	s30 =	sld [smem:$0x0];
	_ =	sdelay $0x2  }
0xb7: {  	s31 =	sshll.u32 s1, $0xD;
	s1 =	sshrl.u32 s1, $0x2  }
0xb8: {  	s3 =	sand.u32 $0x4000, s31;
	s1 =	sadd.s32 s1, s30  }
0xb9: {  	s0 =	sor.u32 s3, s0;
	s1 =	sshll.u32 s1, $0x11  }
0xba: {  	s0 =	sor.u32 s1, s0  }
0xbb: {  	s0 =	sadd.s32 $0x8F2B, s0  }
0xbc: {  	[sflag:s0] =	ssyncadd.remote.s32 $0x1  }
0xbd: {  	_ =	sfence.sel $0xFFFF  }
0xbe: {  	[dreg:$0x0] =	wrdreg $0xFFFFFFFF;
	(pc) =	sbr.abs _section_cstart, $3  }
0xbf: {  	[dreg:$0x1] =	wrdreg $0xFFFFFFFF  }
0xc0: {  	_ =	task.clear_ibuf [dreg:s6], $0x2FFFF;
	_ =	strace $0x9FFFFFFF  }
0xc1: {  	(tm) =	ssettm $0x7FFFFFFF  }
tec
execute0_lowered:
.L_overlay_start_1:
0x0: {  	(tag) =	ssettag $0x1  }
0x1: {  	s8 =	rddreg [dreg:$0x0]  }
0x2: {  	s0 =	rddreg [dreg:$0x1];
	_ =	strace $0x8000004A;
	s1 =	stileid.u32  }
0x3: {  	s3 =	srdreg.scid;
	s4 =	simm.s32 $0x1;
	s7 =	simm.s32 $0x1  }
0x4: {  	s9 =	simm.s32 $0x1;
	s10 =	simm.s32 $0x3;
	s13 =	simm.s32 $0x0  }
0x5: {  	s12 =	simm.s32 $0x0;
	s5 =	sand.u32 $0x1, s3;
	s6 =	sshll.u32 s1, $0x1  }
0x6: {  	s2 =	sadd.s32 $0x96000, s8;
	s3 =	sadd.s32 $0x65200, s8;
	s5 =	sor.u32 s6, s5  }
.Ltmp0:
0x7: {  	[sflag:s4] =	ssyncpa.u1 $0x0;
	p0 =	slt.u32 s5, $0x13;
	(pc) =	sbr.rel .LBB2_1-.Ltmp0, $4  }
0x8: {  	s6 =	simm.s32 $0x2;
	s7 =	simm.s32 @!p0 $0x0;
	p0 =	sne.s32 s5, $0x12  }
0x9: {  	[sflag:s6] =	ssyncpa.u1 $0x0;
	s5 =	smul.u32 $0x7D00, s5;
	s9 =	simm.s32 @!p0 $0x0  }
0xa: {  	s8 =	sadd.s32 $0xC7000, s8;
	[sflag:s10] =	ssyncpa.u1 $0x0;
	s7 =	sadd.s32 s9, s7  }
0xb: {  	vm0 =	vmmov $0xffff;
	s10 =	simm.s32 $0x0;
	s11 =	smov.u32 s5;
	s9 =	sadd.s32 $0x1, s7  }
.LBB2_4:
0xc: {  	v2 =	vnsel vm1, $0x0, v2  }
0xd: {  	vm1 =	vgt.s32 v0, $0x0;
	v2 =	vmin.u32 v2, $0x1869FF  }
0xe: {  	v0 =	vnsel vm1, $0x0, v0  }
0xf: {  	v0 =	vmin.u32 v0, $0x1869FF  }
0x10: {  	[tilespmem:s18], [sflag:$0x1] =	stream.indirect_vreg.gather [hbm4b:s2+s10], $0x1, v1, vm0, $0x4038;
	[tilespmem:$0x1F400] =	vst v63  }
0x11: {  	(ifvalue) =	ssetifvalue $0x7FFFFFFF  }
0x12: {  	[tilespmem:s15], [sflag:$0x1] =	stream.indirect_vreg.gather [hbm4b:s2+s10], $0x1, v2, vm0, $0x4038;
	[tilespmem:$0x1F400] =	vst v63  }
0x13: {  	s29 =	sadd.s32 $0x10, s15;
	(ifvalue) =	ssetifvalue $0x7FFFFFFF  }
0x14: {  	[tilespmem:s29], [sflag:$0x1] =	stream.indirect_vreg.gather [hbm4b:s2+s10], $0x1, v0, vm0, $0x4038;
	[tilespmem:$0x1F400] =	vst v63  }
0x15: {  	_ =	swait.ge [sflag:s4], $0x7D00  }
0x16: {  	s30 =	sshrl.u32 s13, $0x3;
	[sflag:s4] =	ssyncset.done $0x0  }
0x17: {  	s31 =	sand.u32 $0x7, s13;
	s15 =	sadd.s32 s8, s30;
	[sflag:s4] =	ssyncadd.s32 $0xFFFF8300  }
0x18: {  	[hbm4b:s15+s31] =	stream.linear.scatter [tilespmem:s14], [sflag:$0x3], $0x7D00, $0x38;
	[tilespmem:$0x1F400] =	vst v63  }
.LBB2_5:
0x19: {  	s15 =	sadd.s32 $0xFA000, s11  }
0x1a: {  	p1 =	sgt.s32 s15, $0x1869FF  }
0x1b: {  	s15 =	smov.u32 @p1 s5;
	p1 =	sne.s32 s12, s9  }
.Ltmp1:
0x1c: {  	p0 =	slt.u32 s12, $0x2;
	(pc) =	sbr.rel @!p1 .LBB2_6-.Ltmp1, $4  }
0x1d: {  	s14 =	simm.s32 @!p0 $0x3  }
0x1e: {  	_ =	swait.ge @!p0 [sflag:s14], $0x7D00  }
0x1f: {  	s16 =	sadd.s32 $0x1, s12;
	s13 =	smov.u32 s11;
	[sflag:s14] =	ssyncset.done @!p0 $0x0  }
0x20: {  	s12 =	smov.u32 s16;
	s11 =	smov.u32 s15;
	[sflag:s14] =	ssyncadd.s32 @!p0 $0xFFFF8300  }
.LBB2_1:
0x21: {  	p0 =	sge.u32 s12, s7  }
0x22: {  	s14 =	sxor.u32 @!p0 $0x1, s12  }
0x23: {  	s14 =	smul.u32 @!p0 $0x1F400, s14  }
0x24: {  	s31 =	sadd.s32 $0xFFFFFFFF, s12;
	s15 =	sshrl.u32 @!p0 s11, $0x3  }
0x25: {  	s16 =	sand.u32 @!p0 $0x7, s11;
	s15 =	sadd.s32 @!p0 s3, s15;
	s14 =	sshra.s32 @!p0 s14, $0x2  }
0x26: {  	[tilespmem:s14], [sflag:$0x2] =	stream.linear.gather @!p0 [hbm4b:s15+s16], $0x7D00, $0x38;
	[tilespmem:$0x1F400] =	vst v63  }
0x27: {  	p0 =	sge.u32 s31, s7  }
.Ltmp2:
0x28: {  	_ = 	snop;
	(pc) =	sbr.rel @p0 .LBB2_5-.Ltmp2, $1  }
0x29: {  	_ =	sdelay $0x3  }
0x2a: {  	s14 =	sand.u32 $0x1, s12  }
0x2b: {  	_ =	swait.ge [sflag:s6], $0x7D00;
	p0 =	seq.s32 s14, $0x1;
	s14 =	simm.s32 $0x7D00  }
0x2c: {  	[sflag:s6] =	ssyncset.done $0x0;
	s14 =	simm.s32 @!p0 $0x0  }
0x2d: {  	[sflag:s6] =	ssyncadd.s32 $0xFFFF8300;
	(ifvalue) =	ssetifvalue $0x7FFFFFFF;
	v0 =	vld.msk [tilespmem:s14+$0x0 ss:$0x1], $0xffff;
	_ =	sdelay $0x4  }
0x2e: {  	s15 =	sadd.s32 $0x10, s14;
	vm1 =	vgt.s32 v0, $0x0  }
0x2f: {  	v2 =	vld.msk [tilespmem:s15+$0x0 ss:$0x1], $0xffff;
	v1 =	vnsel vm1, $0x0, v0  }
0x30: {  	v1 =	vmin.u32 v1, $0x1869FF;
	_ =	sdelay $0x2  }
0x31: {  	s17 =	simm.s32 $0x20;
	s14 =	sadd.s32 $0xFA00, s14;
	s16 =	sadd.s32 $0x10, s15  }
0x32: {  	s15 =	sadd.s32 $0x10, s14;
	s18 =	smov.u32 s14;
	v0 =	vld.msk [tilespmem:s16+$0x0 ss:$0x1], $0xffff;
	vm1 =	vgt.s32 v2, $0x0;
	(ifvalue) =	ssetifvalue $0x7FFFFFFF  }
.LBB2_3:
0x33: {  	[tilespmem:s18], [sflag:$0x1] =	stream.indirect_vreg.gather [hbm4b:s2+s10], $0x1, v1, vm0, $0x4038;
	[tilespmem:$0x1F400] =	vst v63  }
0x34: {  	s17 =	sadd.s32 $0x10, s17  }
0x35: {  	v2 =	vnsel vm1, $0x0, v2;
	p0 =	slt.u32 s17, $0x7CF0  }
.Ltmp3:
0x36: {  	s18 =	smov.u32 s15;
	v1 =	vmin.u32 v2, $0x1869FF;
	(pc) =	sbr.rel @p0 .LBB2_3-.Ltmp3, $3  }
0x37: {  	_ =	sdelay $0x1  }
0x38: {  	s16 =	sadd.s32 $0x10, s16  }
0x39: {  	vm1 =	vgt.s32 v0, $0x0;
	s15 =	sadd.s32 $0x10, s15;
	v2 =	vmov v0;
	(ifvalue) =	ssetifvalue $0x7FFFFFFF;
	v0 =	vld.msk [tilespmem:s16+$0x0 ss:$0x1], $0xffff  }
.Ltmp4:
0x3a: {  	_ = 	snop;
	(pc) =	sbr.rel .LBB2_4-.Ltmp4, $1  }
0x3b: {  	_ =	sdelay $0x3  }
.LBB2_6:
0x3c: {  	_ =	sfence.sel $0x180000  }
0x3d: {  	s2 =	simm.s32 $0x2;
	[bflag:$0x0] =	sbarrier.arrive $0xFFFF  }
0x3e: {  	s30 =	simm.s32 $0x3;
	[sflag:s2] =	ssyncpa.u1 $0x1  }
0x3f: {  	s31 =	simm.s32 $0x1;
	[sflag:s30] =	ssyncpa.u1 $0x1  }
0x40: {  	[sflag:s31] =	ssyncpa.u1 $0x1  }
0x41: {  	p0 =	sne.s32 s1, $0x0;
	_ =	strace $0x9000004A  }
0x42: {  	s0 =	sadd.s32 @!p0 $0x100000, s0;
	[bflag:$0x2] =	sbarrier.arrive $0xFFFF  }
0x43: {  	[sflag:s0] =	ssyncadd.tile.s32 @!p0 $0x1;
	_ =	shalt  }
.Lfunc_end2:
_tile_overlayer_lowered:
.L_overlay_start_2:
0x44: {  	(tag) =	ssettag $0x2  }
0x45: {  	s0 =	rddreg [dreg:$0x0];
	s2 =	stileid.u32  }
0x46: {  	s1 =	rddreg [dreg:$0x1];
	p0 =	sne.s32 s2, $0x0  }
0x47: {  	s3 =	rddreg [dreg:$0x2];
	[bflag:$0x3] =	sbarrier.arrive $0xFFFF;
	s2 =	simm.s32 @!p0 $0x1C01  }
0x48: {  	[timem:s3], [sflag:s2] =	dma.local @!p0 [hbm:s0], s1  }
0x49: {  	s0 =	simm.s32 @!p0 $0x1  }
0x4a: {  	_ =	swait.ge @!p0 [sflag:s0], s1  }
0x4b: {  	s1 =	ssub.s32 @!p0 $0x0, s1;
	[sflag:s0] =	ssyncset.done @!p0 $0x0  }
0x4c: {  	[sflag:s0] =	ssyncadd.s32 @!p0 s1  }
0x4d: {  	[bflag:$0x3] =	sbarrier.arrive $0xFFFF  }
0x4e: {  	_ =	shalt  }

// kernel: kernel.3.cloned.1.call-start
scs
__scs_entry_jumppad:
0x0: {  	(pc) =	sbr.rel $0x88, $3  }
0x1: {  	(tag) =	ssettag $0x0;
	lr =	simm.s32 $0x1  }
0x2: {  	[smem:$0x3F9E] =	sst lr;
	_ =	strace $0xD0000000  }
0x3: {  	_ = 	snop  }
0x4: {  	_ = 	snop  }
0x5: {  	_ = 	snop  }
0x6: {  	_ = 	snop  }
0x7: {  	_ = 	snop  }
__scs_overlays_trampoline_lowered:
0x8: {  	[smem:$0x3FAD] =	sst s0  }
0x9: {  	[smem:$0x3FAE] =	sst s1  }
0xa: {  	[smem:$0x3FAF] =	sst s2  }
0xb: {  	[smem:$0x3FB0] =	sst s3  }
0xc: {  	[smem:$0x3FB1] =	sst s4  }
0xd: {  	[smem:$0x3FB2] =	sst s5  }
0xe: {  	[smem:$0x3FB3] =	sst s6  }
0xf: {  	[smem:$0x3FB4] =	sst s7  }
0x10: {  	[smem:$0x3FB5] =	sst s8  }
0x11: {  	[smem:$0x3FB6] =	sst s9;
	s0 =	simm.s32 @!p0 $0x0  }
0x12: {  	s1 =	sld [smem:$0x3F9C];
	s0 =	simm.s32 @p0 $0x1  }
0x13: {  	[smem:$0x3FB7] =	sst s0;
	s0 =	simm.s32 @!p1 $0x0  }
0x14: {  	s2 =	sld [smem:$0x3F9B];
	s0 =	simm.s32 @p1 $0x1  }
0x15: {  	[smem:$0x3FB8] =	sst s0;
	s0 =	simm.s32 @!p2 $0x0  }
0x16: {  	s3 =	sld [smem:$0x3FDB];
	s0 =	simm.s32 @p2 $0x1  }
0x17: {  	s4 =	simm.s32 $0x1BF5;
	[smem:$0x3FBA] =	sst s0  }
0x18: {  	s0 =	sld [smem:$0x3F9D];
	_ =	swait.ge [sflag:s4], $0x0  }
0x19: {  	s7 =	sld [smem:$0x3F9E]  }
0x1a: {  	s8 =	sadd.s32 $0xFFFFE003, lr  }
0x1b: {  	s9 =	sadd.s32 $0xFFFFFEF7, lr;
	s5 =	simm.s32 $0xFFFFFFFF;
	p2 =	slt.u32 s8, $0xFFFFF086  }
0x1c: {  	p1 =	slt.u32 s9, $0xF7A;
	s5 =	simm.s32 @!p2 $0x0  }
0x1d: {  	s5 =	simm.s32 @p1 $0x1;
	p0 =	seq.s32 s7, s2  }
0x1e: {  	s7 =	smul.u32 @!p0 $0xF7A, s2;
	p2 =	seq.s32 @!p0 s5, $0x0  }
0x1f: {  	s9 =	smul.u32 $0xF7A, s1;
	s8 =	simm.s32 @!p0 $0x1BF5;
	p2 =	por !p2, p0  }
0x20: {  	[sflag:s8] =	ssyncset.s32 @!p0 $0xFFFFF086;
	s6 =	sadd.s32 @!p0 s3, s7;
	s7 =	simm.s32 @!p0 $0x108  }
0x21: {  	s3 =	sadd.s32 s3, s9;
	s6 =	sadd.s32 @!p0 $0x88, s6;
	s7 =	simm.s32 @p2 $0x1082  }
0x22: {  	[simem:s7], [sflag:s8] =	dma.local @!p0 [hbm:s6], $0xF7A  }
0x23: {  	s9 =	sor.u32 $0xD0000000, s2;
	s6 =	simm.s32 $0x108;
	_ =	swait.ge @!p0 [sflag:s8], $0x0  }
0x24: {  	s3 =	sadd.s32 $0x88, s3;
	s6 =	simm.s32 @!p1 $0x1082;
	[sflag:s4] =	ssyncset.s32 $0xFFFFF086  }
0x25: {  	[simem:s6], [sflag:s4] =	dma.local [hbm:s3], $0xF7A  }
0x26: {  	[smem:$0x3F9E] =	sst s1;
	(tag) =	ssettag s2;
	_ =	strace s9  }
0x27: {  	s1 =	sld [smem:$0x3FAE]  }
0x28: {  	s2 =	sld [smem:$0x3FAF]  }
0x29: {  	s4 =	sld [smem:$0x3FB1]  }
0x2a: {  	p0 =	seq.s32 s5, $0x0;
	s5 =	sld [smem:$0x3FB2]  }
0x2b: {  	s6 =	sld [smem:$0x3FB3]  }
0x2c: {  	s7 =	sld [smem:$0x3FB4]  }
0x2d: {  	s3 =	simm.s32 $0x108;
	s8 =	sld [smem:$0x3FB5]  }
0x2e: {  	s3 =	simm.s32 @!p0 $0x1082;
	s9 =	sld [smem:$0x3FB6]  }
0x2f: {  	lr =	sadd.s32 s0, s3;
	s0 =	sld [smem:$0x3FAD]  }
0x30: {  	s3 =	sld [smem:$0x3FB0]  }
0x31: {  	[smem:$0x3FB9] =	sst s10  }
0x32: {  	s10 =	sld [smem:$0x3FB7];
	_ =	sdelay $0x3  }
0x33: {  	p0 =	seq.s32 s10, $0x1;
	s10 =	sld [smem:$0x3FB9];
	_ =	sdelay $0x3  }
0x34: {  	[smem:$0x3FB9] =	sst s10  }
0x35: {  	s10 =	sld [smem:$0x3FB8];
	_ =	sdelay $0x3  }
0x36: {  	p1 =	seq.s32 s10, $0x1;
	s10 =	sld [smem:$0x3FB9];
	_ =	sdelay $0x3  }
0x37: {  	[smem:$0x3FB9] =	sst s10  }
0x38: {  	s10 =	sld [smem:$0x3FBA]  }
0x39: {  	_ = 	snop;
	(pc) =	sbr.ind lr, $3  }
0x3a: {  	_ = 	snop  }
0x3b: {  	_ = 	snop  }
0x3c: {  	p2 =	seq.s32 s10, $0x1;
	s10 =	sld [smem:$0x3FB9]  }
0x3d: {  	_ =	shalt  }
0x3e: {  	_ =	shalt  }
0x3f: {  	_ =	shalt  }
0x40: {  	_ =	shalt  }
0x41: {  	_ =	shalt  }
0x42: {  	_ =	shalt  }
0x43: {  	_ =	shalt  }
0x44: {  	_ =	shalt  }
0x45: {  	_ =	shalt  }
0x46: {  	_ =	shalt  }
0x47: {  	_ =	shalt  }
0x48: {  	_ =	shalt  }
0x49: {  	_ =	shalt  }
0x4a: {  	_ =	shalt  }
0x4b: {  	_ =	shalt  }
0x4c: {  	_ =	shalt  }
0x4d: {  	_ =	shalt  }
0x4e: {  	_ =	shalt  }
0x4f: {  	_ =	shalt  }
0x50: {  	_ =	shalt  }
0x51: {  	_ =	shalt  }
0x52: {  	_ =	shalt  }
0x53: {  	_ =	shalt  }
0x54: {  	_ =	shalt  }
0x55: {  	_ =	shalt  }
0x56: {  	_ =	shalt  }
0x57: {  	_ =	shalt  }
0x58: {  	_ =	shalt  }
0x59: {  	_ =	shalt  }
0x5a: {  	_ =	shalt  }
0x5b: {  	_ =	shalt  }
0x5c: {  	_ =	shalt  }
0x5d: {  	_ =	shalt  }
0x5e: {  	_ =	shalt  }
0x5f: {  	_ =	shalt  }
0x60: {  	_ =	shalt  }
0x61: {  	_ =	shalt  }
0x62: {  	_ =	shalt  }
0x63: {  	_ =	shalt  }
0x64: {  	_ =	shalt  }
0x65: {  	_ =	shalt  }
0x66: {  	_ =	shalt  }
0x67: {  	_ =	shalt  }
0x68: {  	_ =	shalt  }
0x69: {  	_ =	shalt  }
0x6a: {  	_ =	shalt  }
0x6b: {  	_ =	shalt  }
0x6c: {  	_ =	shalt  }
0x6d: {  	_ =	shalt  }
0x6e: {  	_ =	shalt  }
0x6f: {  	_ =	shalt  }
0x70: {  	_ =	shalt  }
0x71: {  	_ =	shalt  }
0x72: {  	_ =	shalt  }
0x73: {  	_ =	shalt  }
0x74: {  	_ =	shalt  }
0x75: {  	_ =	shalt  }
0x76: {  	_ =	shalt  }
0x77: {  	_ =	shalt  }
0x78: {  	_ =	shalt  }
0x79: {  	_ =	shalt  }
0x7a: {  	_ =	shalt  }
0x7b: {  	_ =	shalt  }
0x7c: {  	_ =	shalt  }
0x7d: {  	_ =	shalt  }
0x7e: {  	_ =	shalt  }
0x7f: {  	_ =	shalt  }
0x80: {  	_ =	shalt  }
0x81: {  	_ =	shalt  }
0x82: {  	_ =	shalt  }
0x83: {  	_ =	shalt  }
0x84: {  	_ =	shalt  }
0x85: {  	_ =	shalt  }
0x86: {  	_ =	shalt  }
0x87: {  	_ =	shalt  }
.Lfunc_end0:
.L_simem_size_0:
called_computation.2_lowered:
.L_overlay_start_0:
0x88: {  	s2 =	sld [smem:$0x3FD9]  }
0x89: {  	s3 =	sld [smem:$0x3FFE];
	_ =	sdelay $0x1  }
0x8a: {  	s1 =	srdreg.scid  }
0x8b: {  	s0 =	sand.u32 $0x1, s1  }
0x8c: {  	s17 =	sshll.u32 s0, $0xA;
	s2 =	sadd.s32 s3, s2  }
0x8d: {  	s2 =	sadd.s32 s2, s17  }
0x8e: {  	[smem:$0x3FC5] =	sst s2  }
0x8f: {  	_ = 	snop  }
0x90: {  	s2 =	sld [smem:$0x3FD0];
	(tm) =	ssettm $0x1  }
0x91: {  	s18 =	sld [smem:$0x3FFB];
	_ =	sdelay $0x3  }
0x92: {  	_ =	strace s18  }
0x93: {  	s3 =	sld [smem:$0x3FFC];
	_ =	sdelay $0x3  }
0x94: {  	_ =	strace s3  }
0x95: {  	s3 =	sld [smem:$0x3FFD];
	_ =	sdelay $0x3  }
0x96: {  	_ =	strace s3  }
0x97: {  	_ =	strace $0x8FFFFFFF  }
0x98: {  	s19 =	sld [smem:$0x3FDB];
	_ =	sdelay $0x1  }
0x99: {  	s4 =	simm.s32 $_scs_section_size  }
0x9a: {  	s5 =	simm.s32 $_size__tile_overlayer_lowered;
	s6 =	simm.s32 $_tile_overlayer_lowered  }
0x9b: {  	s22 =	simm.s32 $0x1BFF;
	s21 =	sshll.u32 s6, $0x1;
	s3 =	sadd.s32 s4, s19  }
0x9c: {  	s7 =	simm.s32 $0x0;
	s20 =	sshll.u32 s5, $0x1;
	s5 =	sadd.s32 s21, s3  }
0x9d: {  	[timem:s7], [sflag:s22] =	dma.local [hbm:s5], s20  }
0x9e: {  	_ =	swait.ge [sflag:s22], s20  }
0x9f: {  	s4 =	ssub.s32 $0x0, s20;
	[sflag:s22] =	ssyncset.done $0x0  }
0xa0: {  	[sflag:s22] =	ssyncadd.s32 s4;
	_ =	sdelay $0x1  }
0xa1: {  	s23 =	simm.s32 $0x1B8B  }
0xa2: {  	_ =	swait.ge [sflag:s23], $0x1  }
0xa3: {  	[sflag:s23] =	ssyncset.done $0x0  }
0xa4: {  	s25 =	simm.s32 $0x1B8E;
	s24 =	sld [smem:$0x3FFE];
	[sflag:s23] =	ssyncadd.s32 $0xFFFFFFFF  }
0xa5: {  	s26 =	simm.s32 $execute0_lowered;
	[smem:$0x3FD2] =	sst s25  }
0xa6: {  	s5 =	sshll.u32 s26, $0x1;
	_ =	strace $0x8000004C;
	[dreg:$0x1] =	wrdreg $0xFFFFFFFF  }
0xa7: {  	s28 =	simm.s32 $_size_execute0_lowered;
	s3 =	sadd.s32 s3, s5;
	[dreg:$0x0] =	wrdreg $0x0  }
0xa8: {  	s5 =	sshll.u32 s28, $0x1;
	[dreg:$0x2] =	wrdreg s3  }
0xa9: {  	[dreg:$0x3] =	wrdreg s5  }
0xaa: {  	[dreg:$0x4] =	wrdreg $0xC0  }
0xab: {  	_ =	task [dreg:s7], $0x5FFFF  }
0xac: {  	[dreg:$0x1] =	wrdreg $0xFFFFFFFF  }
0xad: {  	[dreg:$0x0] =	wrdreg $0x60  }
0xae: {  	[dreg:$0x2] =	wrdreg s2  }
0xaf: {  	[dreg:$0x3] =	wrdreg s24  }
0xb0: {  	[dreg:$0x4] =	wrdreg $0x9  }
0xb1: {  	_ =	task.clear_ibuf [dreg:s7], $0x5FFFF;
	_ =	strace $0x9000004C  }
0xb2: {  	s29 =	simm.s32 $0x9;
	_ =	strace $0x8000004E  }
0xb3: {  	_ =	swait.ge [sflag:s29], $0x1  }
0xb4: {  	[sflag:s29] =	ssyncadd.s32 $0xFFFFFFFF  }
0xb5: {  	_ =	strace $0x9000004E  }
0xb6: {  	_ =	sfence  }
0xb7: {  	s30 =	sld [smem:$0x0];
	_ =	sdelay $0x2  }
0xb8: {  	s31 =	sshll.u32 s1, $0xD;
	s1 =	sshrl.u32 s1, $0x2  }
0xb9: {  	s3 =	sand.u32 $0x4000, s31;
	s1 =	sadd.s32 s1, s30  }
0xba: {  	s0 =	sor.u32 s3, s0;
	s1 =	sshll.u32 s1, $0x11  }
0xbb: {  	s0 =	sor.u32 s1, s0  }
0xbc: {  	s0 =	sadd.s32 $0x8F2B, s0  }
0xbd: {  	[sflag:s0] =	ssyncadd.remote.s32 $0x1  }
0xbe: {  	_ =	sfence.sel $0xFFFF  }
0xbf: {  	[dreg:$0x0] =	wrdreg $0xFFFFFFFF;
	(pc) =	sbr.abs _section_cstart, $3  }
0xc0: {  	[dreg:$0x1] =	wrdreg $0xFFFFFFFF  }
0xc1: {  	_ =	task.clear_ibuf [dreg:s7], $0x2FFFF;
	_ =	strace $0x9FFFFFFF  }
0xc2: {  	(tm) =	ssettm $0x7FFFFFFF  }
0xc3: {  	_ =	shalt  }
tec
execute0_lowered:
.L_overlay_start_1:
0x0: {  	(tag) =	ssettag $0x1  }
0x1: {  	s0 =	rddreg [dreg:$0x1]  }
0x2: {  	s1 =	srdreg.scid;
	s2 =	stileid.u32;
	s5 =	simm.s32 $0x0  }
0x3: {  	s1 =	sand.u32 $0x1, s1;
	s2 =	sshll.u32 s2, $0x1;
	[smem:$0x7FF] =	sst s5  }
0x4: {  	s4 =	sadd.s32 $0xC7000, s0;
	s2 =	sor.u32 s1, s2;
	_ =	strace $0x8000004D  }
0x5: {  	s1 =	ssub.s32 $0x2, s1;
	s3 =	smul.u32 $0x30D4, s2;
	s2 =	sshll.u32 s2, $0x1  }
0x6: {  	[dreg:$0x3] =	wrdreg s4;
	s29 =	sshrl.u32 s1, $0x1;
	s2 =	sadd.s32 s2, s0  }
.Ltmp0:
0x7: {  	s1 =	ssub.s32 s1, s29;
	s2 =	sadd.s32 $0xC6E00, s2;
	(pc) =	sbr.rel .LBB2_1-.Ltmp0, $4  }
0x8: {  	s0 =	sadd.s32 s3, s0;
	s31 =	smax.u32 s1, $0x1;
	[dreg:$0x4] =	wrdreg s2  }
0x9: {  	s30 =	sadd.s32 $0x189E00, s0;
	[dreg:$0x7] =	wrdreg s31  }
0xa: {  	s0 =	sadd.s32 $0x3400, s0;
	[dreg:$0x5] =	wrdreg s30  }
0xb: {  	v0 =	vlaneseq.u32;
	s3 =	simm.s32 $0x5;
	s1 =	simm.s32 $0x0;
	[dreg:$0x6] =	wrdreg s0  }
.LBB2_8:
0xc: {  	s5 =	simm.s32 $0x0;
	s0 =	rddreg [dreg:$0x6];
	s3 =	simm.s32 $0x5  }
0xd: {  	[hbm4b:s0+s5] =	stream.linear.scatter [tilespmem:s5], [sflag:$0x5], $0x186A0, $0x38;
	[tilespmem:$0x1A9B0] =	vst v63  }
0xe: {  	_ =	swait.ge [sflag:s3], $0x186A0  }
0xf: {  	s1 =	rddreg [dreg:$0x8]  }
0x10: {  	s31 =	rddreg [dreg:$0x7];
	s1 =	sadd.s32 $0x1, s1  }
0x11: {  	p0 =	sne.s32 s1, s31  }
.Ltmp1:
0x12: {  	_ = 	snop;
	(pc) =	sbr.rel @!p0 .LBB2_9-.Ltmp1, $3  }
0x13: {  	_ =	sdelay $0x1  }
0x14: {  	[sflag:s3] =	ssyncset.done $0x0  }
0x15: {  	[sflag:s3] =	ssyncadd.s32 $0xFFFE7960  }
.LBB2_1:
0x16: {  	[dreg:$0x8] =	wrdreg s1  }
0x17: {  	s0 =	rddreg [dreg:$0x4];
	s26 =	simm.s32 $0x1A9A0  }
0x18: {  	[tilespmem:s26], [sflag:$0x5] =	stream.linear.gather [hbm4b:s0+s5], $0x10, $0x38;
	[tilespmem:$0x1A9B0] =	vst v63  }
0x19: {  	_ =	swait.ge [sflag:s3], $0x10  }
0x1a: {  	[sflag:s3] =	ssyncset.done $0x0  }
0x1b: {  	[sflag:s3] =	ssyncadd.s32 $0xFFFFFFF0  }
0x1c: {  	v2 =	vld [tilespmem:$0x1A9A0];
	_ =	sdelay $0x4  }
0x1d: {  	(v2sf) =	vpush v2, $0x0  }
0x1e: {  	(v2sf) =	vpush v2, $0x1;
	_ =	sdelay $0xb  }
0x1f: {  	s2 =	rddreg [dreg:$0x5]  }
0x20: {  	[tilespmem:s5], [sflag:$0x5] =	stream.linear.gather [hbm4b:s2+s5], $0x186A0, $0x38;
	[tilespmem:$0x1A9B0] =	vst v63  }
0x21: {  	s0 =	spop (v2sf)  }
0x22: {  	s1 =	spop (v2sf)  }
0x23: {  	p0 =	slt.s32 s1, $0x1;
	_ =	swait.ge [sflag:s3], $0x186A0  }
0x24: {  	s2 =	smul.u32 @!p0 $0x180, s0;
	[sflag:s3] =	ssyncset.done $0x0;
	p1 =	seq.s32 @!p0 s1, $0x1  }
0x25: {  	s6 =	rddreg [dreg:$0x3];
	s4 =	simm.s32 @!p0 $0x0;
	p1 =	por p1, p0  }
0x26: {  	[sflag:s3] =	ssyncadd.s32 $0xFFFE7960;
	s3 =	sshrl.u32 @!p0 s2, $0x3;
	s2 =	sadd.s32 @!p1 $0x180, s2  }
0x27: {  	s5 =	simm.s32 @!p0 $0x1A6A0;
	s3 =	sadd.s32 @!p0 s6, s3;
	s2 =	sshrl.u32 @!p1 s2, $0x3  }
0x28: {  	[tilespmem:s5], [sflag:$0x3] =	stream.linear.gather @!p0 [hbm4b:s3+s4], $0x180, $0x38;
	[tilespmem:$0x1A9B0] =	vst v63  }
0x29: {  	s2 =	sadd.s32 @!p1 s6, s2;
	s3 =	simm.s32 @!p1 $0x0;
	s4 =	simm.s32 @!p1 $0x1A820  }
0x2a: {  	[tilespmem:s4], [sflag:$0x4] =	stream.linear.gather @!p1 [hbm4b:s2+s3], $0x180, $0x38;
	[tilespmem:$0x1A9B0] =	vst v63  }
0x2b: {  	s2 =	simm.s32 @!p0 $0x3  }
0x2c: {  	_ =	swait.ge @!p0 [sflag:s2], $0x180  }
0x2d: {  	[sflag:s2] =	ssyncset.done @!p0 $0x0  }
0x2e: {  	[sflag:s2] =	ssyncadd.s32 @!p0 $0xFFFFFE80  }
0x2f: {  	s3 =	simm.s32 @!p0 $0x186A0;
	s2 =	simm.s32 @!p0 $0x80;
	s4 =	rddreg [dreg:$0x0]  }
0x30: {  	[tilespmem:s3], [sflag:$0x1] =	stream.indirect.gather @!p0 [hbm4b:s4+s2], $0x20, s5, s2, $0xb8;
	[tilespmem:$0x1A9B0] =	vst v63  }
0x31: {  	s28 =	sadd.s32 $0x1, s1;
	p0 =	slt.u32 s1, $0x7FFFFFFF;
	s3 =	simm.s32 $0x1  }
0x32: {  	s29 =	sshra.s32 s28, $0x1F;
	s3 =	simm.s32 @!p0 $0x0  }
0x33: {  	s30 =	sand.u32 $0x1, s28;
	s3 =	sadd.s32 s3, s29  }
0x34: {  	p6 =	seq.s32 s30, $0x1;
	p5 =	sne.s32 s3, $0x1  }
0x35: {  	s31 =	sshrl.u32 s28, $0x1F;
	p0 =	por !p5, !p6  }
0x36: {  	s2 =	sadd.s32 s31, s28;
	s3 =	simm.s32 $0x1;
	p0 =	por !p0, !p0  }
0x37: {  	s2 =	sshra.s32 s2, $0x1;
	s3 =	simm.s32 @!p0 $0x0  }
0x38: {  	s3 =	ssub.s32 s2, s3  }
0x39: {  	p0 =	slt.s32 s3, $0x1  }
.Ltmp2:
0x3a: {  	_ = 	snop;
	(pc) =	sbr.rel @p0 .LBB2_8-.Ltmp2, $1  }
0x3b: {  	_ =	sdelay $0x3  }
.Ltmp3:
0x3c: {  	(pc) =	sbr.rel .LBB2_3-.Ltmp3, $4  }
0x3d: {  	_ = 	snop  }
0x3e: {  	s2 =	smul.u32 $0x180, s0  }
0x3f: {  	s4 =	sadd.s32 s1, s0;
	s31 =	sshll.u32 s0, $0x7;
	s5 =	sadd.s32 $0x1, s0  }
0x40: {  	v1 =	vbroadcast v2, $0x2;
	v2 =	vbroadcast v2, $0x3;
	s30 =	sadd.s32 $0xF0, s31;
	[dreg:$0xa] =	wrdreg s4;
	s6 =	sadd.s32 $0x300, s2  }
.LBB2_7:
0x41: {  	s3 =	sadd.s32 $0xFFFFFFFF, s3  }
0x42: {  	p0 =	sne.s32 s3, $0x0  }
.Ltmp4:
0x43: {  	_ = 	snop;
	(pc) =	sbr.rel @!p0 .LBB2_8-.Ltmp4, $2  }
0x44: {  	_ =	sdelay $0x2  }
0x45: {  	s30 =	sadd.s32 $0x100, s30;
	s5 =	sadd.s32 $0x2, s5;
	s6 =	sadd.s32 $0x300, s6  }
.LBB2_3:
0x46: {  	s0 =	sadd.s32 $0xFFFFFFFF, s5  }
0x47: {  	p1 =	sge.s32 s0, s4  }
.Ltmp5:
0x48: {  	_ = 	snop;
	(pc) =	sbr.rel @p1 .LBB2_5-.Ltmp5, $4  }
0x49: {  	_ = 	snop  }
0x4a: {  	[dreg:$0x9] =	wrdreg s3  }
0x4b: {  	[dreg:$0xb] =	wrdreg s5  }
0x4c: {  	p0 =	sge.s32 s5, s4;
	[dreg:$0xc] =	wrdreg s6  }
0x4d: {  	s0 =	simm.s32 $0x1  }
0x4e: {  	_ =	swait.ge [sflag:s0], $0x1000  }
0x4f: {  	[sflag:s0] =	ssyncset.done $0x0  }
0x50: {  	[sflag:s0] =	ssyncadd.s32 $0xFFFFF000;
	s0 =	simm.s32 @!p0 $0x4  }
0x51: {  	_ =	swait.ge @!p0 [sflag:s0], $0x180  }
0x52: {  	[sflag:s0] =	ssyncset.done @!p0 $0x0  }
0x53: {  	s1 =	simm.s32 @!p0 $0x1A820;
	[sflag:s0] =	ssyncadd.s32 @!p0 $0xFFFFFE80  }
0x54: {  	s2 =	simm.s32 @!p0 $0x196A0;
	s0 =	simm.s32 @!p0 $0x80;
	s3 =	rddreg [dreg:$0x0]  }
0x55: {  	[tilespmem:s2], [sflag:$0x2] =	stream.indirect.gather @!p0 [hbm4b:s3+s0], $0x20, s1, s0, $0xb8;
	[tilespmem:$0x1A9B0] =	vst v63  }
0x56: {  	v3 =	vld [tilespmem:$0x1A7A0];
	_ =	sdelay $0x4  }
0x57: {  	v3 =	vshll.u32 v3, $0x7  }
0x58: {  	v3 =	vshra.s32 v3, $0x2  }
0x59: {  	(v2sf) =	vpush v3, $0x0  }
0x5a: {  	(v2sf) =	vpush v3, $0x1  }
0x5b: {  	(v2sf) =	vpush v3, $0x2  }
0x5c: {  	(v2sf) =	vpush v3, $0x3  }
0x5d: {  	(v2sf) =	vpush v3, $0x4  }
0x5e: {  	(v2sf) =	vpush v3, $0x5  }
0x5f: {  	(v2sf) =	vpush v3, $0x6  }
0x60: {  	(v2sf) =	vpush v3, $0x7  }
0x61: {  	(v2sf) =	vpush v3, $0x8  }
0x62: {  	v4 =	vld [tilespmem:$0x1A7B0];
	(v2sf) =	vpush v3, $0x9  }
0x63: {  	(v2sf) =	vpush v3, $0xA  }
0x64: {  	(v2sf) =	vpush v3, $0xB  }
0x65: {  	(v2sf) =	vpush v3, $0xC  }
0x66: {  	(v2sf) =	vpush v3, $0xD  }
0x67: {  	v4 =	vshll.u32 v4, $0x7;
	(v2sf) =	vpush v3, $0xE  }
0x68: {  	s7 =	spop (v2sf);
	(v2sf) =	vpush v3, $0xF;
	v3 =	vshra.s32 v4, $0x2  }
0x69: {  	s6 =	spop (v2sf);
	(v2sf) =	vpush v3, $0x0  }
0x6a: {  	s24 =	spop (v2sf)  }
0x6b: {  	v59 =	vld [tilespmem:$0x1A720];
	s2 =	spop (v2sf)  }
0x6c: {  	s15 =	sadd.s32 $0xFFFFFF10, s30;
	s20 =	spop (v2sf)  }
0x6d: {  	v5 =	vor.u32 s15, v0;
	s19 =	spop (v2sf)  }
0x6e: {  	vm0 =	vge.s32 v5, v1;
	vm1 =	vlt.s32 v5, v2;
	v7 =	vld [tilespmem:$0x186A0];
	s4 =	spop (v2sf)  }
0x6f: {  	vm0 =	vmand vm0, vm1;
	s15 =	spop (v2sf)  }
0x70: {  	v4 =	vnsel vm0, $0x0, v59;
	s12 =	spop (v2sf)  }
0x71: {  	v9 =	vbroadcast v4, $0x0;
	s9 =	spop (v2sf)  }
0x72: {  	s21 =	spop (v2sf)  }
0x73: {  	v6 =	vld [tilespmem:$0x1A730];
	v61 =	vmul.f32 v9, v7;
	s5 =	spop (v2sf)  }
0x74: {  	s16 =	sadd.s32 $0xFFFFFF20, s30;
	v8 =	vld [tilespmem:$0x188A0];
	s3 =	spop (v2sf)  }
0x75: {  	v60 =	vor.u32 s16, v0;
	(v2sf) =	vpush v3, $0x1;
	[tilespmem:s7+$0x0] =	vst.add.f32.msk $0xffff, v61;
	s10 =	spop (v2sf)  }
0x76: {  	vm14 =	vge.s32 v60, v1;
	vm15 =	vlt.s32 v60, v2;
	(v2sf) =	vpush v3, $0x2;
	v12 =	vld [tilespmem:$0x186B0];
	s1 =	spop (v2sf)  }
0x77: {  	vm0 =	vmand vm14, vm15;
	s0 =	spop (v2sf);
	(v2sf) =	vpush v3, $0x3  }
0x78: {  	v5 =	vnsel vm0, $0x0, v6;
	s8 =	spop (v2sf);
	(v2sf) =	vpush v3, $0x4  }
0x79: {  	v62 =	vbroadcast v5, $0x0;
	(v2sf) =	vpush v3, $0x5  }
0x7a: {  	(v2sf) =	vpush v3, $0x6  }
0x7b: {  	v63 =	vmul.f32 v62, v8;
	v8 =	vmul.f32 v12, v9;
	(v2sf) =	vpush v3, $0x7  }
0x7c: {  	s7 =	sor.u32 $0x10, s7;
	(v2sf) =	vpush v3, $0x8  }
0x7d: {  	[tilespmem:s7+$0x0] =	vst.add.f32.msk $0xffff, v8;
	(v2sf) =	vpush v3, $0x9  }
0x7e: {  	v14 =	vld [tilespmem:$0x186C0];
	(v2sf) =	vpush v3, $0xA  }
0x7f: {  	(v2sf) =	vpush v3, $0xB  }
0x80: {  	(v2sf) =	vpush v3, $0xC  }
0x81: {  	v17 =	vbroadcast v4, $0x1;
	(v2sf) =	vpush v3, $0xD  }
0x82: {  	(v2sf) =	vpush v3, $0xE  }
0x83: {  	[tilespmem:s8+$0x0] =	vst.add.f32.msk $0xffff, v63;
	(v2sf) =	vpush v3, $0xF;
	v3 =	vmul.f32 v14, v17  }
0x84: {  	v6 =	vld [tilespmem:$0x188B0]  }
0x85: {  	[tilespmem:s6+$0x0] =	vst.add.f32.msk $0xffff, v3  }
0x86: {  	v19 =	vld [tilespmem:$0x186D0];
	_ =	sdelay $0x2  }
0x87: {  	v6 =	vmul.f32 v6, v62  }
0x88: {  	v13 =	vld [tilespmem:$0x1A7C0];
	s17 =	sor.u32 $0x10, s8  }
0x89: {  	[tilespmem:s17+$0x0] =	vst.add.f32.msk $0xffff, v6;
	v8 =	vmul.f32 v19, v17  }
0x8a: {  	v15 =	vld [tilespmem:$0x188C0];
	s6 =	sor.u32 $0x10, s6  }
0x8b: {  	[tilespmem:s6+$0x0] =	vst.add.f32.msk $0xffff, v8  }
0x8c: {  	v22 =	vld [tilespmem:$0x186E0]  }
0x8d: {  	v16 =	vshll.u32 v13, $0x7;
	v18 =	vbroadcast v5, $0x1  }
0x8e: {  	v6 =	vshra.s32 v16, $0x2  }
0x8f: {  	v25 =	vbroadcast v4, $0x2;
	s18 =	spop (v2sf);
	(v2sf) =	vpush v6, $0x0;
	v3 =	vmul.f32 v15, v18  }
0x90: {  	s28 =	spop (v2sf)  }
0x91: {  	s26 =	spop (v2sf);
	[tilespmem:s18+$0x0] =	vst.add.f32.msk $0xffff, v3;
	v9 =	vmul.f32 v22, v25  }
0x92: {  	s25 =	spop (v2sf);
	v10 =	vld [tilespmem:$0x188D0]  }
0x93: {  	s23 =	spop (v2sf);
	[tilespmem:s24+$0x0] =	vst.add.f32.msk $0xffff, v9  }
0x94: {  	s22 =	spop (v2sf);
	v27 =	vld [tilespmem:$0x186F0]  }
0x95: {  	v3 =	vld [tilespmem:$0x1A740];
	s7 =	spop (v2sf)  }
0x96: {  	s11 =	sadd.s32 $0xFFFFFF30, s30;
	s17 =	spop (v2sf)  }
0x97: {  	v11 =	vor.u32 s11, v0;
	s16 =	spop (v2sf);
	v7 =	vmul.f32 v10, v18  }
0x98: {  	vm4 =	vge.s32 v11, v1;
	vm5 =	vlt.s32 v11, v2;
	v20 =	vld [tilespmem:$0x18AA0];
	s8 =	sor.u32 $0x10, s18;
	s13 =	spop (v2sf)  }
0x99: {  	vm0 =	vmand vm4, vm5;
	s11 =	spop (v2sf);
	[tilespmem:s8+$0x0] =	vst.add.f32.msk $0xffff, v7;
	v29 =	vmul.f32 v27, v25  }
0x9a: {  	v3 =	vnsel vm0, $0x0, v3;
	s14 =	spop (v2sf);
	v24 =	vld [tilespmem:$0x188E0];
	s24 =	sor.u32 $0x10, s24  }
0x9b: {  	v21 =	vbroadcast v3, $0x0;
	s6 =	spop (v2sf);
	[tilespmem:s24+$0x0] =	vst.add.f32.msk $0xffff, v29  }
0x9c: {  	s18 =	spop (v2sf);
	v31 =	vld [tilespmem:$0x18700]  }
0x9d: {  	v12 =	vbroadcast v5, $0x2;
	v23 =	vmul.f32 v21, v20;
	s8 =	spop (v2sf)  }
0x9e: {  	s29 =	spop (v2sf)  }
0x9f: {  	v32 =	vbroadcast v4, $0x3;
	(v2sf) =	vpush v6, $0x1;
	[tilespmem:s29+$0x0] =	vst.add.f32.msk $0xffff, v23;
	v26 =	vmul.f32 v24, v12  }
0xa0: {  	v7 =	vld [tilespmem:$0x18AB0]  }
0xa1: {  	[tilespmem:s28+$0x0] =	vst.add.f32.msk $0xffff, v26;
	v10 =	vmul.f32 v31, v32  }
0xa2: {  	v28 =	vld [tilespmem:$0x188F0]  }
0xa3: {  	[tilespmem:s2+$0x0] =	vst.add.f32.msk $0xffff, v10  }
0xa4: {  	v10 =	vld [tilespmem:$0x18710]  }
0xa5: {  	v7 =	vmul.f32 v7, v21  }
0xa6: {  	s29 =	sor.u32 $0x10, s29  }
0xa7: {  	[tilespmem:s29+$0x0] =	vst.add.f32.msk $0xffff, v7;
	v8 =	vmul.f32 v28, v12  }
0xa8: {  	s29 =	sor.u32 $0x10, s28;
	v7 =	vld [tilespmem:$0x18AC0]  }
0xa9: {  	[tilespmem:s29+$0x0] =	vst.add.f32.msk $0xffff, v8;
	v34 =	vmul.f32 v10, v32  }
0xaa: {  	v8 =	vld [tilespmem:$0x18900];
	s2 =	sor.u32 $0x10, s2  }
0xab: {  	v30 =	vbroadcast v3, $0x1;
	[tilespmem:s2+$0x0] =	vst.add.f32.msk $0xffff, v34  }
0xac: {  	v36 =	vld [tilespmem:$0x18720]  }
0xad: {  	v33 =	vbroadcast v5, $0x3;
	v7 =	vmul.f32 v7, v30  }
0xae: {  	s31 =	spop (v2sf)  }
0xaf: {  	v37 =	vbroadcast v4, $0x4;
	(v2sf) =	vpush v6, $0x2;
	[tilespmem:s31+$0x0] =	vst.add.f32.msk $0xffff, v7;
	v8 =	vmul.f32 v8, v33  }
0xb0: {  	v7 =	vld [tilespmem:$0x18AD0]  }
0xb1: {  	[tilespmem:s26+$0x0] =	vst.add.f32.msk $0xffff, v8;
	v10 =	vmul.f32 v36, v37  }
0xb2: {  	v8 =	vld [tilespmem:$0x18910]  }
0xb3: {  	[tilespmem:s20+$0x0] =	vst.add.f32.msk $0xffff, v10  }
0xb4: {  	v10 =	vld [tilespmem:$0x18730]  }
0xb5: {  	v7 =	vmul.f32 v7, v30  }
0xb6: {  	s24 =	sor.u32 $0x10, s31  }
0xb7: {  	[tilespmem:s24+$0x0] =	vst.add.f32.msk $0xffff, v7;
	v8 =	vmul.f32 v8, v33  }
0xb8: {  	s24 =	sor.u32 $0x10, s26;
	v7 =	vld [tilespmem:$0x18AE0]  }
0xb9: {  	[tilespmem:s24+$0x0] =	vst.add.f32.msk $0xffff, v8;
	v39 =	vmul.f32 v10, v37  }
0xba: {  	s28 =	sor.u32 $0x10, s20;
	v8 =	vld [tilespmem:$0x18920]  }
0xbb: {  	v35 =	vbroadcast v3, $0x2;
	[tilespmem:s28+$0x0] =	vst.add.f32.msk $0xffff, v39  }
0xbc: {  	v41 =	vld [tilespmem:$0x18740]  }
0xbd: {  	v38 =	vbroadcast v5, $0x4;
	v7 =	vmul.f32 v7, v35  }
0xbe: {  	s26 =	spop (v2sf)  }
0xbf: {  	v42 =	vbroadcast v4, $0x5;
	(v2sf) =	vpush v6, $0x3;
	[tilespmem:s26+$0x0] =	vst.add.f32.msk $0xffff, v7;
	v8 =	vmul.f32 v8, v38  }
0xc0: {  	v7 =	vld [tilespmem:$0x18AF0]  }
0xc1: {  	[tilespmem:s25+$0x0] =	vst.add.f32.msk $0xffff, v8;
	v10 =	vmul.f32 v41, v42  }
0xc2: {  	v8 =	vld [tilespmem:$0x18930]  }
0xc3: {  	[tilespmem:s19+$0x0] =	vst.add.f32.msk $0xffff, v10  }
0xc4: {  	v10 =	vld [tilespmem:$0x18750]  }
0xc5: {  	v7 =	vmul.f32 v7, v35  }
0xc6: {  	s2 =	sor.u32 $0x10, s26  }
0xc7: {  	[tilespmem:s2+$0x0] =	vst.add.f32.msk $0xffff, v7;
	v8 =	vmul.f32 v8, v38  }
0xc8: {  	s29 =	sor.u32 $0x10, s25;
	v7 =	vld [tilespmem:$0x18B00]  }
0xc9: {  	[tilespmem:s29+$0x0] =	vst.add.f32.msk $0xffff, v8;
	v44 =	vmul.f32 v10, v42  }
0xca: {  	s20 =	sor.u32 $0x10, s19;
	v8 =	vld [tilespmem:$0x18940]  }
0xcb: {  	v40 =	vbroadcast v3, $0x3;
	[tilespmem:s20+$0x0] =	vst.add.f32.msk $0xffff, v44  }
0xcc: {  	v46 =	vld [tilespmem:$0x18760]  }
0xcd: {  	v43 =	vbroadcast v5, $0x5;
	v7 =	vmul.f32 v7, v40  }
0xce: {  	s31 =	spop (v2sf)  }
0xcf: {  	v47 =	vbroadcast v4, $0x6;
	(v2sf) =	vpush v6, $0x4;
	[tilespmem:s31+$0x0] =	vst.add.f32.msk $0xffff, v7;
	v8 =	vmul.f32 v8, v43  }
0xd0: {  	v7 =	vld [tilespmem:$0x18B10]  }
0xd1: {  	[tilespmem:s23+$0x0] =	vst.add.f32.msk $0xffff, v8;
	v10 =	vmul.f32 v46, v47  }
0xd2: {  	v8 =	vld [tilespmem:$0x18950]  }
0xd3: {  	[tilespmem:s4+$0x0] =	vst.add.f32.msk $0xffff, v10  }
0xd4: {  	v10 =	vld [tilespmem:$0x18770]  }
0xd5: {  	v7 =	vmul.f32 v7, v40  }
0xd6: {  	s2 =	sor.u32 $0x10, s31  }
0xd7: {  	[tilespmem:s2+$0x0] =	vst.add.f32.msk $0xffff, v7;
	v8 =	vmul.f32 v8, v43  }
0xd8: {  	s24 =	sor.u32 $0x10, s23;
	v7 =	vld [tilespmem:$0x18B20]  }
0xd9: {  	[tilespmem:s24+$0x0] =	vst.add.f32.msk $0xffff, v8;
	v49 =	vmul.f32 v10, v47  }
0xda: {  	s26 =	sor.u32 $0x10, s4;
	v8 =	vld [tilespmem:$0x18960]  }
0xdb: {  	v45 =	vbroadcast v3, $0x4;
	[tilespmem:s26+$0x0] =	vst.add.f32.msk $0xffff, v49  }
0xdc: {  	v51 =	vld [tilespmem:$0x18780]  }
0xdd: {  	v48 =	vbroadcast v5, $0x6;
	v7 =	vmul.f32 v7, v45  }
0xde: {  	s25 =	spop (v2sf)  }
0xdf: {  	v52 =	vbroadcast v4, $0x7;
	(v2sf) =	vpush v6, $0x5;
	[tilespmem:s25+$0x0] =	vst.add.f32.msk $0xffff, v7;
	v8 =	vmul.f32 v8, v48  }
0xe0: {  	v7 =	vld [tilespmem:$0x18B30]  }
0xe1: {  	[tilespmem:s22+$0x0] =	vst.add.f32.msk $0xffff, v8;
	v10 =	vmul.f32 v51, v52  }
0xe2: {  	v8 =	vld [tilespmem:$0x18970]  }
0xe3: {  	[tilespmem:s15+$0x0] =	vst.add.f32.msk $0xffff, v10  }
0xe4: {  	v10 =	vld [tilespmem:$0x18790]  }
0xe5: {  	v7 =	vmul.f32 v7, v45  }
0xe6: {  	s2 =	sor.u32 $0x10, s25  }
0xe7: {  	[tilespmem:s2+$0x0] =	vst.add.f32.msk $0xffff, v7;
	v8 =	vmul.f32 v8, v48  }
0xe8: {  	s28 =	sor.u32 $0x10, s22;
	v7 =	vld [tilespmem:$0x18B40]  }
0xe9: {  	[tilespmem:s28+$0x0] =	vst.add.f32.msk $0xffff, v8;
	v54 =	vmul.f32 v10, v52  }
0xea: {  	s31 =	sor.u32 $0x10, s15;
	v8 =	vld [tilespmem:$0x18980]  }
0xeb: {  	v50 =	vbroadcast v3, $0x5;
	[tilespmem:s31+$0x0] =	vst.add.f32.msk $0xffff, v54  }
0xec: {  	v56 =	vld [tilespmem:$0x187A0]  }
0xed: {  	v53 =	vbroadcast v5, $0x7;
	v7 =	vmul.f32 v7, v50  }
0xee: {  	s29 =	spop (v2sf)  }
0xef: {  	v57 =	vbroadcast v4, $0x8;
	(v2sf) =	vpush v6, $0x6;
	[tilespmem:s29+$0x0] =	vst.add.f32.msk $0xffff, v7;
	v8 =	vmul.f32 v8, v53  }
0xf0: {  	v7 =	vld [tilespmem:$0x18B50]  }
0xf1: {  	[tilespmem:s7+$0x0] =	vst.add.f32.msk $0xffff, v8;
	v10 =	vmul.f32 v56, v57  }
0xf2: {  	v8 =	vld [tilespmem:$0x18990]  }
0xf3: {  	[tilespmem:s12+$0x0] =	vst.add.f32.msk $0xffff, v10  }
0xf4: {  	v10 =	vld [tilespmem:$0x187B0]  }
0xf5: {  	v7 =	vmul.f32 v7, v50  }
0xf6: {  	s2 =	sor.u32 $0x10, s29  }
0xf7: {  	[tilespmem:s2+$0x0] =	vst.add.f32.msk $0xffff, v7;
	v8 =	vmul.f32 v8, v53  }
0xf8: {  	s4 =	sor.u32 $0x10, s7;
	v7 =	vld [tilespmem:$0x18B60]  }
0xf9: {  	[tilespmem:s4+$0x0] =	vst.add.f32.msk $0xffff, v8;
	v59 =	vmul.f32 v10, v57  }
0xfa: {  	v8 =	vld [tilespmem:$0x189A0];
	s12 =	sor.u32 $0x10, s12  }
0xfb: {  	v55 =	vbroadcast v3, $0x6;
	[tilespmem:s12+$0x0] =	vst.add.f32.msk $0xffff, v59  }
0xfc: {  	v61 =	vld [tilespmem:$0x187C0]  }
0xfd: {  	v58 =	vbroadcast v5, $0x8;
	v7 =	vmul.f32 v7, v55  }
0xfe: {  	s7 =	spop (v2sf)  }
0xff: {  	v62 =	vbroadcast v4, $0x9;
	(v2sf) =	vpush v6, $0x7;
	[tilespmem:s7+$0x0] =	vst.add.f32.msk $0xffff, v7;
	v8 =	vmul.f32 v8, v58  }
0x100: {  	v7 =	vld [tilespmem:$0x18B70]  }
0x101: {  	[tilespmem:s17+$0x0] =	vst.add.f32.msk $0xffff, v8;
	v10 =	vmul.f32 v61, v62  }
0x102: {  	v8 =	vld [tilespmem:$0x189B0]  }
0x103: {  	[tilespmem:s9+$0x0] =	vst.add.f32.msk $0xffff, v10  }
0x104: {  	v10 =	vld [tilespmem:$0x187D0]  }
0x105: {  	v7 =	vmul.f32 v7, v55  }
0x106: {  	s2 =	sor.u32 $0x10, s7  }
0x107: {  	[tilespmem:s2+$0x0] =	vst.add.f32.msk $0xffff, v7;
	v8 =	vmul.f32 v8, v58  }
0x108: {  	s15 =	sor.u32 $0x10, s17;
	v7 =	vld [tilespmem:$0x18B80]  }
0x109: {  	[tilespmem:s15+$0x0] =	vst.add.f32.msk $0xffff, v8;
	v15 =	vmul.f32 v10, v62  }
0x10a: {  	s19 =	sor.u32 $0x10, s9;
	v8 =	vld [tilespmem:$0x189C0]  }
0x10b: {  	v60 =	vbroadcast v3, $0x7;
	[tilespmem:s19+$0x0] =	vst.add.f32.msk $0xffff, v15  }
0x10c: {  	v17 =	vld [tilespmem:$0x187E0]  }
0x10d: {  	v63 =	vbroadcast v5, $0x9;
	v7 =	vmul.f32 v7, v60  }
0x10e: {  	s17 =	spop (v2sf)  }
0x10f: {  	v18 =	vbroadcast v4, $0xA;
	(v2sf) =	vpush v6, $0x8;
	[tilespmem:s17+$0x0] =	vst.add.f32.msk $0xffff, v7;
	v8 =	vmul.f32 v8, v63  }
0x110: {  	v7 =	vld [tilespmem:$0x18B90]  }
0x111: {  	[tilespmem:s16+$0x0] =	vst.add.f32.msk $0xffff, v8;
	v10 =	vmul.f32 v17, v18  }
0x112: {  	v8 =	vld [tilespmem:$0x189D0]  }
0x113: {  	[tilespmem:s21+$0x0] =	vst.add.f32.msk $0xffff, v10  }
0x114: {  	v10 =	vld [tilespmem:$0x187F0]  }
0x115: {  	v7 =	vmul.f32 v7, v60  }
0x116: {  	s2 =	sor.u32 $0x10, s17  }
0x117: {  	[tilespmem:s2+$0x0] =	vst.add.f32.msk $0xffff, v7;
	v8 =	vmul.f32 v8, v63  }
0x118: {  	s20 =	sor.u32 $0x10, s16;
	v7 =	vld [tilespmem:$0x18BA0]  }
0x119: {  	[tilespmem:s20+$0x0] =	vst.add.f32.msk $0xffff, v8;
	v20 =	vmul.f32 v10, v18  }
0x11a: {  	s23 =	sor.u32 $0x10, s21;
	v8 =	vld [tilespmem:$0x189E0]  }
0x11b: {  	v16 =	vbroadcast v3, $0x8;
	[tilespmem:s23+$0x0] =	vst.add.f32.msk $0xffff, v20  }
0x11c: {  	v22 =	vld [tilespmem:$0x18800]  }
0x11d: {  	v19 =	vbroadcast v5, $0xA;
	v7 =	vmul.f32 v7, v16  }
0x11e: {  	s22 =	spop (v2sf)  }
0x11f: {  	(v2sf) =	vpush v6, $0x9;
	v23 =	vbroadcast v4, $0xB;
	[tilespmem:s22+$0x0] =	vst.add.f32.msk $0xffff, v7;
	v8 =	vmul.f32 v8, v19  }
0x120: {  	v7 =	vld [tilespmem:$0x18BB0]  }
0x121: {  	[tilespmem:s13+$0x0] =	vst.add.f32.msk $0xffff, v8;
	v10 =	vmul.f32 v22, v23  }
0x122: {  	v8 =	vld [tilespmem:$0x189F0]  }
0x123: {  	[tilespmem:s5+$0x0] =	vst.add.f32.msk $0xffff, v10  }
0x124: {  	v10 =	vld [tilespmem:$0x18810]  }
0x125: {  	v7 =	vmul.f32 v7, v16  }
0x126: {  	s2 =	sor.u32 $0x10, s22  }
0x127: {  	[tilespmem:s2+$0x0] =	vst.add.f32.msk $0xffff, v7;
	v8 =	vmul.f32 v8, v19  }
0x128: {  	s24 =	sor.u32 $0x10, s13;
	v7 =	vld [tilespmem:$0x18BC0]  }
0x129: {  	[tilespmem:s24+$0x0] =	vst.add.f32.msk $0xffff, v8;
	v25 =	vmul.f32 v10, v23  }
0x12a: {  	s26 =	sor.u32 $0x10, s5;
	v8 =	vld [tilespmem:$0x18A00]  }
0x12b: {  	v21 =	vbroadcast v3, $0x9;
	[tilespmem:s26+$0x0] =	vst.add.f32.msk $0xffff, v25  }
0x12c: {  	v27 =	vld [tilespmem:$0x18820]  }
0x12d: {  	v24 =	vbroadcast v5, $0xB;
	v7 =	vmul.f32 v7, v21  }
0x12e: {  	s25 =	spop (v2sf)  }
0x12f: {  	(v2sf) =	vpush v6, $0xA;
	v28 =	vbroadcast v4, $0xC;
	[tilespmem:s25+$0x0] =	vst.add.f32.msk $0xffff, v7;
	v8 =	vmul.f32 v8, v24  }
0x130: {  	v7 =	vld [tilespmem:$0x18BD0]  }
0x131: {  	[tilespmem:s11+$0x0] =	vst.add.f32.msk $0xffff, v8;
	v10 =	vmul.f32 v27, v28  }
0x132: {  	v8 =	vld [tilespmem:$0x18A10]  }
0x133: {  	[tilespmem:s3+$0x0] =	vst.add.f32.msk $0xffff, v10  }
0x134: {  	v10 =	vld [tilespmem:$0x18830]  }
0x135: {  	v7 =	vmul.f32 v7, v21  }
0x136: {  	s2 =	sor.u32 $0x10, s25  }
0x137: {  	[tilespmem:s2+$0x0] =	vst.add.f32.msk $0xffff, v7;
	v8 =	vmul.f32 v8, v24  }
0x138: {  	s28 =	sor.u32 $0x10, s11;
	v7 =	vld [tilespmem:$0x18BE0]  }
0x139: {  	[tilespmem:s28+$0x0] =	vst.add.f32.msk $0xffff, v8;
	v30 =	vmul.f32 v10, v28  }
0x13a: {  	s31 =	sor.u32 $0x10, s3;
	v8 =	vld [tilespmem:$0x18A20]  }
0x13b: {  	v26 =	vbroadcast v3, $0xA;
	[tilespmem:s31+$0x0] =	vst.add.f32.msk $0xffff, v30  }
0x13c: {  	v32 =	vld [tilespmem:$0x18840]  }
0x13d: {  	v29 =	vbroadcast v5, $0xC;
	v7 =	vmul.f32 v7, v26  }
0x13e: {  	s29 =	spop (v2sf)  }
0x13f: {  	(v2sf) =	vpush v6, $0xB;
	v33 =	vbroadcast v4, $0xD;
	[tilespmem:s29+$0x0] =	vst.add.f32.msk $0xffff, v7;
	v8 =	vmul.f32 v8, v29  }
0x140: {  	v7 =	vld [tilespmem:$0x18BF0]  }
0x141: {  	[tilespmem:s14+$0x0] =	vst.add.f32.msk $0xffff, v8;
	v10 =	vmul.f32 v32, v33  }
0x142: {  	v8 =	vld [tilespmem:$0x18A30]  }
0x143: {  	[tilespmem:s10+$0x0] =	vst.add.f32.msk $0xffff, v10  }
0x144: {  	v10 =	vld [tilespmem:$0x18850]  }
0x145: {  	v7 =	vmul.f32 v7, v26  }
0x146: {  	s2 =	sor.u32 $0x10, s29  }
0x147: {  	[tilespmem:s2+$0x0] =	vst.add.f32.msk $0xffff, v7;
	v8 =	vmul.f32 v8, v29  }
0x148: {  	s3 =	sor.u32 $0x10, s14;
	v7 =	vld [tilespmem:$0x18C00]  }
0x149: {  	[tilespmem:s3+$0x0] =	vst.add.f32.msk $0xffff, v8;
	v35 =	vmul.f32 v10, v33  }
0x14a: {  	s5 =	sor.u32 $0x10, s10;
	v8 =	vld [tilespmem:$0x18A40]  }
0x14b: {  	v31 =	vbroadcast v3, $0xB;
	[tilespmem:s5+$0x0] =	vst.add.f32.msk $0xffff, v35  }
0x14c: {  	v37 =	vld [tilespmem:$0x18860]  }
0x14d: {  	v34 =	vbroadcast v5, $0xD;
	v7 =	vmul.f32 v7, v31  }
0x14e: {  	s4 =	spop (v2sf)  }
0x14f: {  	(v2sf) =	vpush v6, $0xC;
	v38 =	vbroadcast v4, $0xE;
	[tilespmem:s4+$0x0] =	vst.add.f32.msk $0xffff, v7;
	v8 =	vmul.f32 v8, v34  }
0x150: {  	v7 =	vld [tilespmem:$0x18C10]  }
0x151: {  	[tilespmem:s6+$0x0] =	vst.add.f32.msk $0xffff, v8;
	v10 =	vmul.f32 v37, v38  }
0x152: {  	v8 =	vld [tilespmem:$0x18A50]  }
0x153: {  	[tilespmem:s1+$0x0] =	vst.add.f32.msk $0xffff, v10  }
0x154: {  	v10 =	vld [tilespmem:$0x18870]  }
0x155: {  	v7 =	vmul.f32 v7, v31  }
0x156: {  	s2 =	sor.u32 $0x10, s4  }
0x157: {  	[tilespmem:s2+$0x0] =	vst.add.f32.msk $0xffff, v7;
	v8 =	vmul.f32 v8, v34  }
0x158: {  	s6 =	sor.u32 $0x10, s6;
	v7 =	vld [tilespmem:$0x18C20]  }
0x159: {  	[tilespmem:s6+$0x0] =	vst.add.f32.msk $0xffff, v8;
	v40 =	vmul.f32 v10, v38  }
0x15a: {  	v8 =	vld [tilespmem:$0x18A60];
	s1 =	sor.u32 $0x10, s1  }
0x15b: {  	v36 =	vbroadcast v3, $0xC;
	[tilespmem:s1+$0x0] =	vst.add.f32.msk $0xffff, v40  }
0x15c: {  	v42 =	vld [tilespmem:$0x18880]  }
0x15d: {  	v39 =	vbroadcast v5, $0xE;
	v7 =	vmul.f32 v7, v36  }
0x15e: {  	s7 =	spop (v2sf)  }
0x15f: {  	v4 =	vbroadcast v4, $0xF;
	[tilespmem:s7+$0x0] =	vst.add.f32.msk $0xffff, v7;
	v8 =	vmul.f32 v8, v39  }
0x160: {  	v7 =	vld [tilespmem:$0x18C30]  }
0x161: {  	(v2sf) =	vpush v6, $0xD;
	[tilespmem:s18+$0x0] =	vst.add.f32.msk $0xffff, v8;
	v10 =	vmul.f32 v42, v4  }
0x162: {  	v8 =	vld [tilespmem:$0x18A70]  }
0x163: {  	[tilespmem:s0+$0x0] =	vst.add.f32.msk $0xffff, v10  }
0x164: {  	v44 =	vld [tilespmem:$0x18890];
	_ =	sdelay $0x1  }
0x165: {  	v50 =	vld [tilespmem:$0x1A7D0];
	v7 =	vmul.f32 v7, v36  }
0x166: {  	s2 =	sor.u32 $0x10, s7  }
0x167: {  	[tilespmem:s2+$0x0] =	vst.add.f32.msk $0xffff, v7;
	v8 =	vmul.f32 v8, v39  }
0x168: {  	s9 =	sor.u32 $0x10, s18;
	v7 =	vld [tilespmem:$0x18C40];
	v4 =	vmul.f32 v44, v4  }
0x169: {  	[tilespmem:s9+$0x0] =	vst.add.f32.msk $0xffff, v8;
	s0 =	sor.u32 $0x10, s0  }
0x16a: {  	(v2sf) =	vpush v6, $0xE;
	[tilespmem:s0+$0x0] =	vst.add.f32.msk $0xffff, v4;
	v4 =	vshll.u32 v50, $0x7  }
0x16b: {  	(v2sf) =	vpush v6, $0xF;
	v8 =	vld [tilespmem:$0x18A80];
	v51 =	vshra.s32 v4, $0x2  }
0x16c: {  	v41 =	vbroadcast v3, $0xD;
	(v2sf) =	vpush v51, $0x0;
	_ =	sdelay $0x1  }
0x16d: {  	v43 =	vbroadcast v5, $0xF;
	v7 =	vmul.f32 v7, v41  }
0x16e: {  	v52 =	vld [tilespmem:$0x1A750];
	s10 =	spop (v2sf)  }
0x16f: {  	[tilespmem:s10+$0x0] =	vst.add.f32.msk $0xffff, v7;
	v5 =	vmul.f32 v8, v43  }
0x170: {  	v7 =	vld [tilespmem:$0x18C50]  }
0x171: {  	[tilespmem:s8+$0x0] =	vst.add.f32.msk $0xffff, v5  }
0x172: {  	s12 =	sadd.s32 $0xFFFFFF40, s30;
	v46 =	vld [tilespmem:$0x18A90]  }
0x173: {  	v53 =	vor.u32 s12, v0  }
0x174: {  	v54 =	vld [tilespmem:$0x18CA0];
	vm6 =	vge.s32 v53, v1;
	vm7 =	vlt.s32 v53, v2  }
0x175: {  	vm0 =	vmand vm6, vm7  }
0x176: {  	v45 =	vmul.f32 v7, v41;
	v4 =	vnsel vm0, $0x0, v52  }
0x177: {  	s1 =	sor.u32 $0x10, s10;
	v7 =	vmul.f32 v46, v43;
	v55 =	vbroadcast v4, $0x0  }
0x178: {  	s11 =	sor.u32 $0x10, s8;
	[tilespmem:s1+$0x0] =	vst.add.f32.msk $0xffff, v45;
	s1 =	spop (v2sf)  }
0x179: {  	s13 =	spop (v2sf);
	[tilespmem:s11+$0x0] =	vst.add.f32.msk $0xffff, v7;
	v7 =	vmul.f32 v55, v54  }
0x17a: {  	s14 =	spop (v2sf)  }
0x17b: {  	(v2sf) =	vpush v51, $0x1;
	[tilespmem:s14+$0x0] =	vst.add.f32.msk $0xffff, v7  }
0x17c: {  	v7 =	vld [tilespmem:$0x18CB0];
	_ =	sdelay $0x4  }
0x17d: {  	v7 =	vmul.f32 v7, v55  }
0x17e: {  	s0 =	sor.u32 $0x10, s14  }
0x17f: {  	[tilespmem:s0+$0x0] =	vst.add.f32.msk $0xffff, v7  }
0x180: {  	v7 =	vld [tilespmem:$0x18CC0];
	_ =	sdelay $0x2  }
0x181: {  	v56 =	vbroadcast v4, $0x1;
	_ =	sdelay $0x1  }
0x182: {  	v7 =	vmul.f32 v7, v56  }
0x183: {  	s15 =	spop (v2sf)  }
0x184: {  	(v2sf) =	vpush v51, $0x2;
	[tilespmem:s15+$0x0] =	vst.add.f32.msk $0xffff, v7  }
0x185: {  	v7 =	vld [tilespmem:$0x18CD0];
	_ =	sdelay $0x4  }
0x186: {  	v7 =	vmul.f32 v7, v56  }
0x187: {  	s0 =	sor.u32 $0x10, s15  }
0x188: {  	[tilespmem:s0+$0x0] =	vst.add.f32.msk $0xffff, v7  }
0x189: {  	v7 =	vld [tilespmem:$0x18CE0];
	_ =	sdelay $0x2  }
0x18a: {  	v57 =	vbroadcast v4, $0x2;
	_ =	sdelay $0x1  }
0x18b: {  	v7 =	vmul.f32 v7, v57  }
0x18c: {  	s16 =	spop (v2sf)  }
0x18d: {  	(v2sf) =	vpush v51, $0x3;
	[tilespmem:s16+$0x0] =	vst.add.f32.msk $0xffff, v7  }
0x18e: {  	v7 =	vld [tilespmem:$0x18CF0];
	_ =	sdelay $0x4  }
0x18f: {  	v7 =	vmul.f32 v7, v57  }
0x190: {  	s0 =	sor.u32 $0x10, s16  }
0x191: {  	[tilespmem:s0+$0x0] =	vst.add.f32.msk $0xffff, v7  }
0x192: {  	v7 =	vld [tilespmem:$0x18D00];
	_ =	sdelay $0x2  }
0x193: {  	v58 =	vbroadcast v4, $0x3;
	_ =	sdelay $0x1  }
0x194: {  	v7 =	vmul.f32 v7, v58  }
0x195: {  	s17 =	spop (v2sf)  }
0x196: {  	(v2sf) =	vpush v51, $0x4;
	[tilespmem:s17+$0x0] =	vst.add.f32.msk $0xffff, v7  }
0x197: {  	v7 =	vld [tilespmem:$0x18D10];
	_ =	sdelay $0x4  }
0x198: {  	v7 =	vmul.f32 v7, v58  }
0x199: {  	s0 =	sor.u32 $0x10, s17  }
0x19a: {  	[tilespmem:s0+$0x0] =	vst.add.f32.msk $0xffff, v7  }
0x19b: {  	v7 =	vld [tilespmem:$0x18D20];
	_ =	sdelay $0x2  }
0x19c: {  	v59 =	vbroadcast v4, $0x4;
	_ =	sdelay $0x1  }
0x19d: {  	v7 =	vmul.f32 v7, v59  }
0x19e: {  	s18 =	spop (v2sf)  }
0x19f: {  	(v2sf) =	vpush v51, $0x5;
	[tilespmem:s18+$0x0] =	vst.add.f32.msk $0xffff, v7  }
0x1a0: {  	v7 =	vld [tilespmem:$0x18D30];
	_ =	sdelay $0x4  }
0x1a1: {  	v7 =	vmul.f32 v7, v59  }
0x1a2: {  	s0 =	sor.u32 $0x10, s18  }
0x1a3: {  	[tilespmem:s0+$0x0] =	vst.add.f32.msk $0xffff, v7  }
0x1a4: {  	v7 =	vld [tilespmem:$0x18D40];
	_ =	sdelay $0x2  }
0x1a5: {  	v60 =	vbroadcast v4, $0x5;
	_ =	sdelay $0x1  }
0x1a6: {  	v7 =	vmul.f32 v7, v60  }
0x1a7: {  	s19 =	spop (v2sf)  }
0x1a8: {  	(v2sf) =	vpush v51, $0x6;
	[tilespmem:s19+$0x0] =	vst.add.f32.msk $0xffff, v7  }
0x1a9: {  	v7 =	vld [tilespmem:$0x18D50];
	_ =	sdelay $0x4  }
0x1aa: {  	v7 =	vmul.f32 v7, v60  }
0x1ab: {  	s0 =	sor.u32 $0x10, s19  }
0x1ac: {  	[tilespmem:s0+$0x0] =	vst.add.f32.msk $0xffff, v7  }
0x1ad: {  	v7 =	vld [tilespmem:$0x18D60];
	_ =	sdelay $0x2  }
0x1ae: {  	v61 =	vbroadcast v4, $0x6;
	_ =	sdelay $0x1  }
0x1af: {  	v7 =	vmul.f32 v7, v61  }
0x1b0: {  	v47 =	vld [tilespmem:$0x18C60];
	s20 =	spop (v2sf)  }
0x1b1: {  	(v2sf) =	vpush v51, $0x7;
	[tilespmem:s20+$0x0] =	vst.add.f32.msk $0xffff, v7  }
0x1b2: {  	v7 =	vld [tilespmem:$0x18D70];
	_ =	sdelay $0x1  }
0x1b3: {  	v48 =	vbroadcast v3, $0xE;
	_ =	sdelay $0x1  }
0x1b4: {  	v49 =	vmul.f32 v47, v48  }
0x1b5: {  	v7 =	vmul.f32 v7, v61  }
0x1b6: {  	[tilespmem:s1+$0x0] =	vst.add.f32.msk $0xffff, v49;
	s0 =	sor.u32 $0x10, s20  }
0x1b7: {  	[dreg:$0xd] =	wrdreg s13;
	[tilespmem:s0+$0x0] =	vst.add.f32.msk $0xffff, v7  }
0x1b8: {  	v7 =	vld [tilespmem:$0x18D80];
	_ =	sdelay $0x2  }
0x1b9: {  	v62 =	vbroadcast v4, $0x7;
	_ =	sdelay $0x1  }
0x1ba: {  	v7 =	vmul.f32 v7, v62  }
0x1bb: {  	s21 =	spop (v2sf)  }
0x1bc: {  	(v2sf) =	vpush v51, $0x8;
	[tilespmem:s21+$0x0] =	vst.add.f32.msk $0xffff, v7  }
0x1bd: {  	v7 =	vld [tilespmem:$0x18D90];
	_ =	sdelay $0x4  }
0x1be: {  	v7 =	vmul.f32 v7, v62  }
0x1bf: {  	s0 =	sor.u32 $0x10, s21  }
0x1c0: {  	[tilespmem:s0+$0x0] =	vst.add.f32.msk $0xffff, v7  }
0x1c1: {  	v7 =	vld [tilespmem:$0x18DA0];
	_ =	sdelay $0x2  }
0x1c2: {  	v63 =	vbroadcast v4, $0x8;
	_ =	sdelay $0x1  }
0x1c3: {  	v7 =	vmul.f32 v7, v63  }
0x1c4: {  	s22 =	spop (v2sf)  }
0x1c5: {  	(v2sf) =	vpush v51, $0x9;
	[tilespmem:s22+$0x0] =	vst.add.f32.msk $0xffff, v7  }
0x1c6: {  	v7 =	vld [tilespmem:$0x18DB0];
	_ =	sdelay $0x4  }
0x1c7: {  	v7 =	vmul.f32 v7, v63  }
0x1c8: {  	s0 =	sor.u32 $0x10, s22  }
0x1c9: {  	[tilespmem:s0+$0x0] =	vst.add.f32.msk $0xffff, v7  }
0x1ca: {  	v7 =	vld [tilespmem:$0x18DC0];
	_ =	sdelay $0x2  }
0x1cb: {  	v12 =	vbroadcast v4, $0x9;
	_ =	sdelay $0x1  }
0x1cc: {  	v7 =	vmul.f32 v7, v12  }
0x1cd: {  	s23 =	spop (v2sf)  }
0x1ce: {  	(v2sf) =	vpush v51, $0xA;
	[tilespmem:s23+$0x0] =	vst.add.f32.msk $0xffff, v7  }
0x1cf: {  	v7 =	vld [tilespmem:$0x18DD0];
	_ =	sdelay $0x4  }
0x1d0: {  	v7 =	vmul.f32 v7, v12  }
0x1d1: {  	s0 =	sor.u32 $0x10, s23  }
0x1d2: {  	[tilespmem:s0+$0x0] =	vst.add.f32.msk $0xffff, v7  }
0x1d3: {  	v7 =	vld [tilespmem:$0x18DE0]  }
0x1d4: {  	v13 =	vld [tilespmem:$0x1A7E0];
	_ =	sdelay $0x1  }
0x1d5: {  	v14 =	vbroadcast v4, $0xA;
	(v2sf) =	vpush v51, $0xB  }
0x1d6: {  	(v2sf) =	vpush v51, $0xC  }
0x1d7: {  	(v2sf) =	vpush v51, $0xD;
	v7 =	vmul.f32 v7, v14  }
0x1d8: {  	v15 =	vshll.u32 v13, $0x7;
	(v2sf) =	vpush v51, $0xE;
	s24 =	spop (v2sf)  }
0x1d9: {  	v17 =	vshra.s32 v15, $0x2;
	(v2sf) =	vpush v51, $0xF;
	[tilespmem:s24+$0x0] =	vst.add.f32.msk $0xffff, v7  }
0x1da: {  	(v2sf) =	vpush v17, $0x0;
	v16 =	vld [tilespmem:$0x18DF0]  }
0x1db: {  	(v2sf) =	vpush v17, $0x1  }
0x1dc: {  	(v2sf) =	vpush v17, $0x2  }
0x1dd: {  	(v2sf) =	vpush v17, $0x3  }
0x1de: {  	(v2sf) =	vpush v17, $0x4  }
0x1df: {  	(v2sf) =	vpush v17, $0x5;
	v18 =	vmul.f32 v16, v14  }
0x1e0: {  	(v2sf) =	vpush v17, $0x6;
	s0 =	sor.u32 $0x10, s24  }
0x1e1: {  	(v2sf) =	vpush v17, $0x7;
	[tilespmem:s0+$0x0] =	vst.add.f32.msk $0xffff, v18  }
0x1e2: {  	(v2sf) =	vpush v17, $0x8;
	v7 =	vld [tilespmem:$0x18E00]  }
0x1e3: {  	v19 =	vld [tilespmem:$0x1A7F0];
	(v2sf) =	vpush v17, $0x9  }
0x1e4: {  	s25 =	spop (v2sf);
	(v2sf) =	vpush v17, $0xA  }
0x1e5: {  	v20 =	vbroadcast v4, $0xB;
	s26 =	spop (v2sf);
	(v2sf) =	vpush v17, $0xB  }
0x1e6: {  	s7 =	spop (v2sf);
	(v2sf) =	vpush v17, $0xC  }
0x1e7: {  	s29 =	spop (v2sf);
	(v2sf) =	vpush v17, $0xD;
	v7 =	vmul.f32 v7, v20  }
0x1e8: {  	v21 =	vshll.u32 v19, $0x7;
	s31 =	spop (v2sf);
	(v2sf) =	vpush v17, $0xE  }
0x1e9: {  	v23 =	vshra.s32 v21, $0x2;
	s14 =	spop (v2sf);
	(v2sf) =	vpush v17, $0xF;
	[tilespmem:s25+$0x0] =	vst.add.f32.msk $0xffff, v7  }
0x1ea: {  	s6 =	spop (v2sf);
	(v2sf) =	vpush v23, $0x0;
	v22 =	vld [tilespmem:$0x18E10]  }
0x1eb: {  	s4 =	spop (v2sf);
	(v2sf) =	vpush v23, $0x1  }
0x1ec: {  	[dreg:$0x13] =	wrdreg s29;
	s29 =	spop (v2sf);
	(v2sf) =	vpush v23, $0x2  }
0x1ed: {  	s8 =	spop (v2sf);
	(v2sf) =	vpush v23, $0x3  }
0x1ee: {  	s11 =	spop (v2sf);
	(v2sf) =	vpush v23, $0x4  }
0x1ef: {  	s15 =	spop (v2sf);
	(v2sf) =	vpush v23, $0x5;
	v24 =	vmul.f32 v22, v20  }
0x1f0: {  	s2 =	sor.u32 $0x10, s25;
	s20 =	spop (v2sf);
	(v2sf) =	vpush v23, $0x6  }
0x1f1: {  	s3 =	spop (v2sf);
	(v2sf) =	vpush v23, $0x7;
	[tilespmem:s2+$0x0] =	vst.add.f32.msk $0xffff, v24  }
0x1f2: {  	s5 =	spop (v2sf);
	(v2sf) =	vpush v23, $0x8;
	v7 =	vld [tilespmem:$0x18E20]  }
0x1f3: {  	v25 =	vld [tilespmem:$0x1A800];
	s9 =	spop (v2sf);
	(v2sf) =	vpush v23, $0x9  }
0x1f4: {  	s10 =	spop (v2sf);
	(v2sf) =	vpush v23, $0xA  }
0x1f5: {  	v26 =	vbroadcast v4, $0xC;
	s12 =	spop (v2sf);
	(v2sf) =	vpush v23, $0xB  }
0x1f6: {  	s13 =	spop (v2sf);
	(v2sf) =	vpush v23, $0xC  }
0x1f7: {  	s16 =	spop (v2sf);
	(v2sf) =	vpush v23, $0xD;
	v7 =	vmul.f32 v7, v26  }
0x1f8: {  	v27 =	vshll.u32 v25, $0x7;
	s17 =	spop (v2sf);
	(v2sf) =	vpush v23, $0xE  }
0x1f9: {  	v29 =	vshra.s32 v27, $0x2;
	s28 =	spop (v2sf);
	(v2sf) =	vpush v23, $0xF;
	[tilespmem:s26+$0x0] =	vst.add.f32.msk $0xffff, v7  }
0x1fa: {  	[smem:$0x7F7] =	sst s10;
	s10 =	spop (v2sf);
	(v2sf) =	vpush v29, $0x0;
	v28 =	vld [tilespmem:$0x18E30]  }
0x1fb: {  	s23 =	spop (v2sf);
	(v2sf) =	vpush v29, $0x1  }
0x1fc: {  	v37 =	vld [tilespmem:$0x1A760];
	[dreg:$0x1f] =	wrdreg s12;
	s12 =	sadd.s32 $0xFFFFFF50, s30;
	s19 =	spop (v2sf);
	(v2sf) =	vpush v29, $0x2  }
0x1fd: {  	[dreg:$0xf] =	wrdreg s31;
	v38 =	vor.u32 s12, v0;
	(v2sf) =	vpush v29, $0x3;
	s31 =	spop (v2sf)  }
0x1fe: {  	[smem:$0x7F3] =	sst s5;
	vm8 =	vge.s32 v38, v1;
	(v2sf) =	vpush v29, $0x4;
	s5 =	spop (v2sf)  }
0x1ff: {  	v41 =	vld [tilespmem:$0x18EA0];
	[smem:$0x7F5] =	sst s9;
	vm9 =	vlt.s32 v38, v2;
	(v2sf) =	vpush v29, $0x5;
	s9 =	spop (v2sf);
	v30 =	vmul.f32 v28, v26  }
0x200: {  	v31 =	vld [tilespmem:$0x18C70];
	[dreg:$0x19] =	wrdreg s13;
	vm0 =	vmand vm8, vm9;
	(v2sf) =	vpush v29, $0x6;
	s13 =	spop (v2sf);
	s0 =	sor.u32 $0x10, s26  }
0x201: {  	[dreg:$0x17] =	wrdreg s16;
	v6 =	vnsel vm0, $0x0, v37;
	(v2sf) =	vpush v29, $0x7;
	s16 =	spop (v2sf);
	[tilespmem:s0+$0x0] =	vst.add.f32.msk $0xffff, v30  }
0x202: {  	v15 =	vbroadcast v6, $0x0;
	(v2sf) =	vpush v29, $0x8;
	s18 =	spop (v2sf);
	v32 =	vld [tilespmem:$0x18E40]  }
0x203: {  	v33 =	vld [tilespmem:$0x1A810];
	(v2sf) =	vpush v29, $0x9;
	s21 =	spop (v2sf)  }
0x204: {  	v45 =	vmul.f32 v15, v41;
	(v2sf) =	vpush v29, $0xA;
	s22 =	spop (v2sf)  }
0x205: {  	v34 =	vbroadcast v4, $0xD;
	v39 =	vld [tilespmem:$0x1A770];
	(v2sf) =	vpush v29, $0xB;
	s24 =	spop (v2sf)  }
0x206: {  	v5 =	vmul.f32 v31, v48;
	[smem:$0x7F2] =	sst s3;
	[tilespmem:s14+$0x0] =	vst.add.f32.msk $0xffff, v45;
	(v2sf) =	vpush v29, $0xC;
	s25 =	spop (v2sf)  }
0x207: {  	[dreg:$0x11] =	wrdreg s17;
	v17 =	vld [tilespmem:$0x18EB0];
	(v2sf) =	vpush v29, $0xD;
	s2 =	spop (v2sf);
	s26 =	sor.u32 $0x10, s1;
	v35 =	vmul.f32 v32, v34  }
0x208: {  	v36 =	vshll.u32 v33, $0x7;
	[smem:$0x7F4] =	sst s18;
	(v2sf) =	vpush v29, $0xE;
	s3 =	spop (v2sf);
	[tilespmem:s26+$0x0] =	vst.add.f32.msk $0xffff, v5  }
0x209: {  	[smem:$0x7F6] =	sst s21;
	(v2sf) =	vpush v29, $0xF;
	s1 =	spop (v2sf);
	v5 =	vshra.s32 v36, $0x2;
	[tilespmem:s7+$0x0] =	vst.add.f32.msk $0xffff, v35  }
0x20a: {  	s17 =	sadd.s32 $0xFFFFFF60, s30;
	[dreg:$0x16] =	wrdreg s3;
	s3 =	spop (v2sf);
	(v2sf) =	vpush v5, $0x0;
	v7 =	vld [tilespmem:$0x18E50]  }
0x20b: {  	v40 =	vor.u32 s17, v0;
	[smem:$0x7FB] =	sst s25;
	s25 =	spop (v2sf)  }
0x20c: {  	vm10 =	vge.s32 v40, v1;
	s18 =	sadd.s32 $0xFFFFFF70, s30;
	[smem:$0x7F9] =	sst s24;
	v14 =	vld [tilespmem:$0x1A780];
	s24 =	spop (v2sf)  }
0x20d: {  	v43 =	vld [tilespmem:$0x190A0];
	vm11 =	vlt.s32 v40, v2;
	s14 =	sor.u32 $0x10, s14;
	v42 =	vor.u32 s18, v0;
	[smem:$0x7F8] =	sst s22;
	v15 =	vmul.f32 v17, v15;
	s21 =	spop (v2sf)  }
0x20e: {  	v44 =	vld [tilespmem:$0x192A0];
	vm0 =	vmand vm10, vm11;
	s22 =	sadd.s32 $0xFFFFFF80, s30;
	vm12 =	vge.s32 v42, v1;
	vm13 =	vlt.s32 v42, v2;
	[dreg:$0x1c] =	wrdreg s2;
	s2 =	spop (v2sf)  }
0x20f: {  	v13 =	vor.u32 s22, v0;
	s22 =	smov.u32 s30;
	[tilespmem:s14+$0x0] =	vst.add.f32.msk $0xffff, v15;
	s30 =	spop (v2sf);
	v10 =	vmul.f32 v7, v34;
	v7 =	vnsel vm0, $0x0, v39  }
0x210: {  	v16 =	vld [tilespmem:$0x1A790];
	s17 =	spop (v2sf);
	vm0 =	vmand vm12, vm13;
	v46 =	vbroadcast v7, $0x0  }
0x211: {  	v15 =	vld [tilespmem:$0x18EC0];
	s26 =	sor.u32 $0x10, s7;
	s7 =	spop (v2sf);
	v8 =	vnsel vm0, $0x0, v14  }
0x212: {  	v47 =	vld [tilespmem:$0x194A0];
	s18 =	spop (v2sf);
	v14 =	vbroadcast v8, $0x0;
	v11 =	vmul.f32 v46, v43  }
0x213: {  	vm14 =	vge.s32 v13, v1;
	vm15 =	vlt.s32 v13, v2;
	s12 =	spop (v2sf);
	[tilespmem:s26+$0x0] =	vst.add.f32.msk $0xffff, v10  }
0x214: {  	v55 =	vbroadcast v6, $0x1;
	vm0 =	vmand vm14, vm15;
	s26 =	spop (v2sf);
	v48 =	vmul.f32 v14, v44;
	[tilespmem:s28+$0x0] =	vst.add.f32.msk $0xffff, v11  }
0x215: {  	v9 =	vnsel vm0, $0x0, v16;
	s0 =	spop (v2sf);
	v50 =	vld [tilespmem:$0x190B0]  }
0x216: {  	v57 =	vmul.f32 v15, v55;
	v49 =	vbroadcast v9, $0x0;
	[smem:$0x7FA] =	sst s0;
	s0 =	spop (v2sf);
	[tilespmem:s1+$0x0] =	vst.add.f32.msk $0xffff, v48  }
0x217: {  	[smem:$0x7FC] =	sst s0;
	s0 =	spop (v2sf);
	v52 =	vld [tilespmem:$0x192B0]  }
0x218: {  	[tilespmem:s6+$0x0] =	vst.add.f32.msk $0xffff, v57;
	v51 =	vmul.f32 v49, v47;
	[smem:$0x7FD] =	sst s0;
	s0 =	spop (v2sf)  }
0x219: {  	v62 =	vld [tilespmem:$0x18ED0];
	[dreg:$0x1e] =	wrdreg s0;
	s0 =	spop (v2sf)  }
0x21a: {  	(v2sf) =	vpush v5, $0x1;
	[tilespmem:s0+$0x0] =	vst.add.f32.msk $0xffff, v51;
	v10 =	vmul.f32 v50, v46  }
0x21b: {  	s28 =	sor.u32 $0x10, s28;
	v11 =	vld [tilespmem:$0x194B0]  }
0x21c: {  	v53 =	vmul.f32 v52, v14;
	[tilespmem:s28+$0x0] =	vst.add.f32.msk $0xffff, v10  }
0x21d: {  	s1 =	sor.u32 $0x10, s1;
	v54 =	vld [tilespmem:$0x190C0]  }
0x21e: {  	v10 =	vmul.f32 v62, v55;
	[tilespmem:s1+$0x0] =	vst.add.f32.msk $0xffff, v53  }
0x21f: {  	s28 =	sor.u32 $0x10, s6;
	v56 =	vld [tilespmem:$0x192C0]  }
0x220: {  	v58 =	vbroadcast v7, $0x1;
	v11 =	vmul.f32 v11, v49;
	[tilespmem:s28+$0x0] =	vst.add.f32.msk $0xffff, v10  }
0x221: {  	s0 =	sor.u32 $0x10, s0;
	v25 =	vld [tilespmem:$0x18EE0]  }
0x222: {  	v61 =	vbroadcast v8, $0x1;
	[tilespmem:s0+$0x0] =	vst.add.f32.msk $0xffff, v11;
	v60 =	vmul.f32 v54, v58  }
0x223: {  	v59 =	vld [tilespmem:$0x194C0]  }
0x224: {  	v28 =	vbroadcast v6, $0x2;
	v63 =	vmul.f32 v56, v61;
	[tilespmem:s10+$0x0] =	vst.add.f32.msk $0xffff, v60  }
0x225: {  	v21 =	vld [tilespmem:$0x190D0]  }
0x226: {  	v20 =	vbroadcast v9, $0x1;
	v30 =	vmul.f32 v25, v28;
	[tilespmem:s3+$0x0] =	vst.add.f32.msk $0xffff, v63  }
0x227: {  	v23 =	vld [tilespmem:$0x192D0]  }
0x228: {  	v22 =	vmul.f32 v59, v20;
	[tilespmem:s4+$0x0] =	vst.add.f32.msk $0xffff, v30  }
0x229: {  	s0 =	spop (v2sf);
	v35 =	vld [tilespmem:$0x18EF0]  }
0x22a: {  	(v2sf) =	vpush v5, $0x2;
	[tilespmem:s0+$0x0] =	vst.add.f32.msk $0xffff, v22;
	v24 =	vmul.f32 v21, v58  }
0x22b: {  	s14 =	sor.u32 $0x10, s10;
	v11 =	vld [tilespmem:$0x194D0]  }
0x22c: {  	v26 =	vmul.f32 v23, v61;
	[tilespmem:s14+$0x0] =	vst.add.f32.msk $0xffff, v24  }
0x22d: {  	s28 =	sor.u32 $0x10, s3;
	v27 =	vld [tilespmem:$0x190E0]  }
0x22e: {  	v10 =	vmul.f32 v35, v28;
	[tilespmem:s28+$0x0] =	vst.add.f32.msk $0xffff, v26  }
0x22f: {  	s14 =	sor.u32 $0x10, s4;
	v29 =	vld [tilespmem:$0x192E0]  }
0x230: {  	v31 =	vbroadcast v7, $0x2;
	v11 =	vmul.f32 v11, v20;
	[tilespmem:s14+$0x0] =	vst.add.f32.msk $0xffff, v10  }
0x231: {  	s0 =	sor.u32 $0x10, s0;
	v42 =	vld [tilespmem:$0x18F00]  }
0x232: {  	v34 =	vbroadcast v8, $0x2;
	[tilespmem:s0+$0x0] =	vst.add.f32.msk $0xffff, v11;
	v33 =	vmul.f32 v27, v31  }
0x233: {  	v32 =	vld [tilespmem:$0x194E0]  }
0x234: {  	v45 =	vbroadcast v6, $0x3;
	v36 =	vmul.f32 v29, v34;
	[tilespmem:s23+$0x0] =	vst.add.f32.msk $0xffff, v33  }
0x235: {  	v38 =	vld [tilespmem:$0x190F0]  }
0x236: {  	v37 =	vbroadcast v9, $0x2;
	v47 =	vmul.f32 v42, v45;
	[tilespmem:s25+$0x0] =	vst.add.f32.msk $0xffff, v36  }
0x237: {  	v40 =	vld [tilespmem:$0x192F0]  }
0x238: {  	v39 =	vmul.f32 v32, v37;
	[tilespmem:s29+$0x0] =	vst.add.f32.msk $0xffff, v47  }
0x239: {  	s10 =	spop (v2sf);
	v52 =	vld [tilespmem:$0x18F10]  }
0x23a: {  	(v2sf) =	vpush v5, $0x3;
	[tilespmem:s10+$0x0] =	vst.add.f32.msk $0xffff, v39;
	v41 =	vmul.f32 v38, v31  }
0x23b: {  	s23 =	sor.u32 $0x10, s23;
	v11 =	vld [tilespmem:$0x194F0]  }
0x23c: {  	v43 =	vmul.f32 v40, v34;
	[tilespmem:s23+$0x0] =	vst.add.f32.msk $0xffff, v41  }
0x23d: {  	s25 =	sor.u32 $0x10, s25;
	v44 =	vld [tilespmem:$0x19100]  }
0x23e: {  	v10 =	vmul.f32 v52, v45;
	[tilespmem:s25+$0x0] =	vst.add.f32.msk $0xffff, v43  }
0x23f: {  	s0 =	sor.u32 $0x10, s10;
	s10 =	sor.u32 $0x10, s29;
	v46 =	vld [tilespmem:$0x19300]  }
0x240: {  	v48 =	vbroadcast v7, $0x3;
	v11 =	vmul.f32 v11, v37;
	[tilespmem:s10+$0x0] =	vst.add.f32.msk $0xffff, v10  }
0x241: {  	v59 =	vld [tilespmem:$0x18F20]  }
0x242: {  	v51 =	vbroadcast v8, $0x3;
	[tilespmem:s0+$0x0] =	vst.add.f32.msk $0xffff, v11;
	v50 =	vmul.f32 v44, v48  }
0x243: {  	v49 =	vld [tilespmem:$0x19500]  }
0x244: {  	v62 =	vbroadcast v6, $0x4;
	v53 =	vmul.f32 v46, v51;
	[tilespmem:s19+$0x0] =	vst.add.f32.msk $0xffff, v50  }
0x245: {  	v55 =	vld [tilespmem:$0x19110]  }
0x246: {  	v54 =	vbroadcast v9, $0x3;
	v19 =	vmul.f32 v59, v62;
	[tilespmem:s24+$0x0] =	vst.add.f32.msk $0xffff, v53  }
0x247: {  	v57 =	vld [tilespmem:$0x19310]  }
0x248: {  	v56 =	vmul.f32 v49, v54;
	[tilespmem:s8+$0x0] =	vst.add.f32.msk $0xffff, v19  }
0x249: {  	s28 =	spop (v2sf);
	v24 =	vld [tilespmem:$0x18F30]  }
0x24a: {  	(v2sf) =	vpush v5, $0x4;
	[tilespmem:s28+$0x0] =	vst.add.f32.msk $0xffff, v56;
	v58 =	vmul.f32 v55, v48  }
0x24b: {  	s14 =	sor.u32 $0x10, s19;
	v11 =	vld [tilespmem:$0x19510]  }
0x24c: {  	v60 =	vmul.f32 v57, v51;
	[tilespmem:s14+$0x0] =	vst.add.f32.msk $0xffff, v58  }
0x24d: {  	s19 =	sor.u32 $0x10, s24;
	v61 =	vld [tilespmem:$0x19120]  }
0x24e: {  	v10 =	vmul.f32 v24, v62;
	[tilespmem:s19+$0x0] =	vst.add.f32.msk $0xffff, v60  }
0x24f: {  	s24 =	sor.u32 $0x10, s8;
	v63 =	vld [tilespmem:$0x19320]  }
0x250: {  	v20 =	vbroadcast v7, $0x4;
	v11 =	vmul.f32 v11, v54;
	[tilespmem:s24+$0x0] =	vst.add.f32.msk $0xffff, v10  }
0x251: {  	s0 =	sor.u32 $0x10, s28;
	v31 =	vld [tilespmem:$0x18F40]  }
0x252: {  	v23 =	vbroadcast v8, $0x4;
	[tilespmem:s0+$0x0] =	vst.add.f32.msk $0xffff, v11;
	v22 =	vmul.f32 v61, v20  }
0x253: {  	v21 =	vld [tilespmem:$0x19520]  }
0x254: {  	v34 =	vbroadcast v6, $0x5;
	v25 =	vmul.f32 v63, v23;
	[tilespmem:s31+$0x0] =	vst.add.f32.msk $0xffff, v22  }
0x255: {  	v27 =	vld [tilespmem:$0x19130]  }
0x256: {  	v26 =	vbroadcast v9, $0x4;
	v36 =	vmul.f32 v31, v34;
	[tilespmem:s21+$0x0] =	vst.add.f32.msk $0xffff, v25  }
0x257: {  	v29 =	vld [tilespmem:$0x19330]  }
0x258: {  	v28 =	vmul.f32 v21, v26;
	[tilespmem:s11+$0x0] =	vst.add.f32.msk $0xffff, v36  }
0x259: {  	s23 =	spop (v2sf);
	v41 =	vld [tilespmem:$0x18F50]  }
0x25a: {  	(v2sf) =	vpush v5, $0x5;
	[tilespmem:s23+$0x0] =	vst.add.f32.msk $0xffff, v28;
	v30 =	vmul.f32 v27, v20  }
0x25b: {  	s25 =	sor.u32 $0x10, s31;
	v11 =	vld [tilespmem:$0x19530]  }
0x25c: {  	v32 =	vmul.f32 v29, v23;
	[tilespmem:s25+$0x0] =	vst.add.f32.msk $0xffff, v30  }
0x25d: {  	s28 =	sor.u32 $0x10, s21;
	v33 =	vld [tilespmem:$0x19140]  }
0x25e: {  	v10 =	vmul.f32 v41, v34;
	[tilespmem:s28+$0x0] =	vst.add.f32.msk $0xffff, v32  }
0x25f: {  	s31 =	sor.u32 $0x10, s11;
	v35 =	vld [tilespmem:$0x19340]  }
0x260: {  	v37 =	vbroadcast v7, $0x5;
	v11 =	vmul.f32 v11, v26;
	[tilespmem:s31+$0x0] =	vst.add.f32.msk $0xffff, v10  }
0x261: {  	s0 =	sor.u32 $0x10, s23;
	v48 =	vld [tilespmem:$0x18F60]  }
0x262: {  	v40 =	vbroadcast v8, $0x5;
	[tilespmem:s0+$0x0] =	vst.add.f32.msk $0xffff, v11;
	v39 =	vmul.f32 v33, v37  }
0x263: {  	v38 =	vld [tilespmem:$0x19540]  }
0x264: {  	v51 =	vbroadcast v6, $0x6;
	v42 =	vmul.f32 v35, v40;
	[tilespmem:s5+$0x0] =	vst.add.f32.msk $0xffff, v39  }
0x265: {  	v44 =	vld [tilespmem:$0x19150]  }
0x266: {  	v43 =	vbroadcast v9, $0x5;
	v53 =	vmul.f32 v48, v51;
	[tilespmem:s2+$0x0] =	vst.add.f32.msk $0xffff, v42  }
0x267: {  	v46 =	vld [tilespmem:$0x19350]  }
0x268: {  	v45 =	vmul.f32 v38, v43;
	[tilespmem:s15+$0x0] =	vst.add.f32.msk $0xffff, v53  }
0x269: {  	s29 =	spop (v2sf);
	v58 =	vld [tilespmem:$0x18F70]  }
0x26a: {  	(v2sf) =	vpush v5, $0x6;
	[tilespmem:s29+$0x0] =	vst.add.f32.msk $0xffff, v45;
	v47 =	vmul.f32 v44, v37  }
0x26b: {  	s8 =	sor.u32 $0x10, s5;
	v11 =	vld [tilespmem:$0x19550]  }
0x26c: {  	v49 =	vmul.f32 v46, v40;
	[tilespmem:s8+$0x0] =	vst.add.f32.msk $0xffff, v47  }
0x26d: {  	s10 =	sor.u32 $0x10, s2;
	v50 =	vld [tilespmem:$0x19160]  }
0x26e: {  	v10 =	vmul.f32 v58, v51;
	[tilespmem:s10+$0x0] =	vst.add.f32.msk $0xffff, v49  }
0x26f: {  	s14 =	sor.u32 $0x10, s15;
	v52 =	vld [tilespmem:$0x19360]  }
0x270: {  	v54 =	vbroadcast v7, $0x6;
	v11 =	vmul.f32 v11, v43;
	[tilespmem:s14+$0x0] =	vst.add.f32.msk $0xffff, v10  }
0x271: {  	s0 =	sor.u32 $0x10, s29;
	v19 =	vld [tilespmem:$0x18F80]  }
0x272: {  	v57 =	vbroadcast v8, $0x6;
	[tilespmem:s0+$0x0] =	vst.add.f32.msk $0xffff, v11;
	v56 =	vmul.f32 v50, v54  }
0x273: {  	v55 =	vld [tilespmem:$0x19560]  }
0x274: {  	v22 =	vbroadcast v6, $0x7;
	v59 =	vmul.f32 v52, v57;
	[tilespmem:s9+$0x0] =	vst.add.f32.msk $0xffff, v56  }
0x275: {  	v61 =	vld [tilespmem:$0x19170]  }
0x276: {  	v60 =	vbroadcast v9, $0x6;
	v24 =	vmul.f32 v19, v22;
	[tilespmem:s30+$0x0] =	vst.add.f32.msk $0xffff, v59  }
0x277: {  	v63 =	vld [tilespmem:$0x19370]  }
0x278: {  	v62 =	vmul.f32 v55, v60;
	[tilespmem:s20+$0x0] =	vst.add.f32.msk $0xffff, v24  }
0x279: {  	s11 =	spop (v2sf);
	v29 =	vld [tilespmem:$0x18F90]  }
0x27a: {  	(v2sf) =	vpush v5, $0x7;
	[tilespmem:s11+$0x0] =	vst.add.f32.msk $0xffff, v62;
	v18 =	vmul.f32 v61, v54  }
0x27b: {  	s15 =	sor.u32 $0x10, s9;
	v11 =	vld [tilespmem:$0x19570]  }
0x27c: {  	v20 =	vmul.f32 v63, v57;
	[tilespmem:s15+$0x0] =	vst.add.f32.msk $0xffff, v18  }
0x27d: {  	s19 =	sor.u32 $0x10, s30;
	v21 =	vld [tilespmem:$0x19180]  }
0x27e: {  	v10 =	vmul.f32 v29, v22;
	[tilespmem:s19+$0x0] =	vst.add.f32.msk $0xffff, v20  }
0x27f: {  	s30 =	smov.u32 s22;
	s22 =	sor.u32 $0x10, s20;
	v23 =	vld [tilespmem:$0x19380]  }
0x280: {  	v25 =	vbroadcast v7, $0x7;
	v11 =	vmul.f32 v11, v60;
	[tilespmem:s22+$0x0] =	vst.add.f32.msk $0xffff, v10  }
0x281: {  	s0 =	sor.u32 $0x10, s11;
	v36 =	vld [tilespmem:$0x18FA0]  }
0x282: {  	v28 =	vbroadcast v8, $0x7;
	[tilespmem:s0+$0x0] =	vst.add.f32.msk $0xffff, v11;
	v27 =	vmul.f32 v21, v25  }
0x283: {  	v26 =	vld [tilespmem:$0x19580]  }
0x284: {  	v39 =	vbroadcast v6, $0x8;
	v30 =	vmul.f32 v23, v28;
	[tilespmem:s13+$0x0] =	vst.add.f32.msk $0xffff, v27  }
0x285: {  	s25 =	sld [smem:$0x7F2];
	v32 =	vld [tilespmem:$0x19190]  }
0x286: {  	v31 =	vbroadcast v9, $0x7;
	v41 =	vmul.f32 v36, v39;
	[tilespmem:s17+$0x0] =	vst.add.f32.msk $0xffff, v30  }
0x287: {  	v34 =	vld [tilespmem:$0x19390]  }
0x288: {  	v33 =	vmul.f32 v26, v31;
	[tilespmem:s25+$0x0] =	vst.add.f32.msk $0xffff, v41  }
0x289: {  	s21 =	spop (v2sf);
	v46 =	vld [tilespmem:$0x18FB0]  }
0x28a: {  	(v2sf) =	vpush v5, $0x8;
	[tilespmem:s21+$0x0] =	vst.add.f32.msk $0xffff, v33;
	v35 =	vmul.f32 v32, v25  }
0x28b: {  	s23 =	sor.u32 $0x10, s13;
	v11 =	vld [tilespmem:$0x19590]  }
0x28c: {  	v37 =	vmul.f32 v34, v28;
	[tilespmem:s23+$0x0] =	vst.add.f32.msk $0xffff, v35  }
0x28d: {  	s24 =	sor.u32 $0x10, s17;
	v38 =	vld [tilespmem:$0x191A0]  }
0x28e: {  	v10 =	vmul.f32 v46, v39;
	[tilespmem:s24+$0x0] =	vst.add.f32.msk $0xffff, v37  }
0x28f: {  	s1 =	sor.u32 $0x10, s25;
	v40 =	vld [tilespmem:$0x193A0]  }
0x290: {  	v42 =	vbroadcast v7, $0x8;
	v11 =	vmul.f32 v11, v31;
	[tilespmem:s1+$0x0] =	vst.add.f32.msk $0xffff, v10  }
0x291: {  	s0 =	sor.u32 $0x10, s21;
	v53 =	vld [tilespmem:$0x18FC0]  }
0x292: {  	v45 =	vbroadcast v8, $0x8;
	[tilespmem:s0+$0x0] =	vst.add.f32.msk $0xffff, v11;
	v44 =	vmul.f32 v38, v42  }
0x293: {  	v43 =	vld [tilespmem:$0x195A0]  }
0x294: {  	v56 =	vbroadcast v6, $0x9;
	v47 =	vmul.f32 v40, v45;
	[tilespmem:s16+$0x0] =	vst.add.f32.msk $0xffff, v44  }
0x295: {  	s2 =	sld [smem:$0x7F3];
	v49 =	vld [tilespmem:$0x191B0]  }
0x296: {  	v48 =	vbroadcast v9, $0x8;
	v14 =	vmul.f32 v53, v56;
	[tilespmem:s7+$0x0] =	vst.add.f32.msk $0xffff, v47  }
0x297: {  	v51 =	vld [tilespmem:$0x193B0]  }
0x298: {  	v50 =	vmul.f32 v43, v48;
	[tilespmem:s2+$0x0] =	vst.add.f32.msk $0xffff, v14  }
0x299: {  	s28 =	spop (v2sf);
	v60 =	vld [tilespmem:$0x18FD0]  }
0x29a: {  	[tilespmem:s28+$0x0] =	vst.add.f32.msk $0xffff, v50;
	v52 =	vmul.f32 v49, v42  }
0x29b: {  	s29 =	sor.u32 $0x10, s16;
	(v2sf) =	vpush v5, $0x9;
	v11 =	vld [tilespmem:$0x195B0]  }
0x29c: {  	v54 =	vmul.f32 v51, v45;
	[tilespmem:s29+$0x0] =	vst.add.f32.msk $0xffff, v52  }
0x29d: {  	s31 =	sor.u32 $0x10, s7;
	v55 =	vld [tilespmem:$0x191C0]  }
0x29e: {  	v10 =	vmul.f32 v60, v56;
	[tilespmem:s31+$0x0] =	vst.add.f32.msk $0xffff, v54  }
0x29f: {  	s1 =	sor.u32 $0x10, s2;
	v57 =	vld [tilespmem:$0x193C0]  }
0x2a0: {  	v58 =	vbroadcast v7, $0x9;
	v11 =	vmul.f32 v11, v48;
	[tilespmem:s1+$0x0] =	vst.add.f32.msk $0xffff, v10  }
0x2a1: {  	s0 =	sor.u32 $0x10, s28;
	s7 =	sld [smem:$0x7F4];
	v18 =	vld [tilespmem:$0x18FE0]  }
0x2a2: {  	v59 =	vbroadcast v8, $0x9;
	[tilespmem:s0+$0x0] =	vst.add.f32.msk $0xffff, v11;
	v13 =	vmul.f32 v55, v58  }
0x2a3: {  	v11 =	vld [tilespmem:$0x195C0]  }
0x2a4: {  	v21 =	vbroadcast v6, $0xA;
	v12 =	vmul.f32 v57, v59;
	[tilespmem:s7+$0x0] =	vst.add.f32.msk $0xffff, v13  }
0x2a5: {  	s11 =	sld [smem:$0x7F5];
	v62 =	vld [tilespmem:$0x191D0]  }
0x2a6: {  	v23 =	vmul.f32 v18, v21;
	[tilespmem:s18+$0x0] =	vst.add.f32.msk $0xffff, v12  }
0x2a7: {  	v61 =	vbroadcast v9, $0x9;
	v12 =	vld [tilespmem:$0x193D0]  }
0x2a8: {  	[tilespmem:s11+$0x0] =	vst.add.f32.msk $0xffff, v23  }
0x2a9: {  	v11 =	vmul.f32 v11, v61;
	v26 =	vld [tilespmem:$0x18FF0]  }
0x2aa: {  	s8 =	spop (v2sf)  }
0x2ab: {  	[tilespmem:s8+$0x0] =	vst.add.f32.msk $0xffff, v11;
	v63 =	vmul.f32 v62, v58  }
0x2ac: {  	(v2sf) =	vpush v5, $0xA;
	s9 =	sor.u32 $0x10, s7;
	v11 =	vld [tilespmem:$0x195D0]  }
0x2ad: {  	[tilespmem:s9+$0x0] =	vst.add.f32.msk $0xffff, v63  }
0x2ae: {  	v19 =	vmul.f32 v12, v59;
	v10 =	vmul.f32 v26, v21;
	v26 =	vld [tilespmem:$0x18E60]  }
0x2af: {  	s10 =	sor.u32 $0x10, s18;
	v20 =	vld [tilespmem:$0x191E0]  }
0x2b0: {  	[tilespmem:s10+$0x0] =	vst.add.f32.msk $0xffff, v19  }
0x2b1: {  	s1 =	sor.u32 $0x10, s11;
	v22 =	vld [tilespmem:$0x193E0]  }
0x2b2: {  	v24 =	vbroadcast v7, $0xA;
	v11 =	vmul.f32 v11, v61;
	[tilespmem:s1+$0x0] =	vst.add.f32.msk $0xffff, v10  }
0x2b3: {  	s13 =	sld [smem:$0x7F6];
	s0 =	sor.u32 $0x10, s8;
	v31 =	vld [tilespmem:$0x19000]  }
0x2b4: {  	v25 =	vbroadcast v8, $0xA;
	[tilespmem:s0+$0x0] =	vst.add.f32.msk $0xffff, v11;
	v12 =	vmul.f32 v20, v24  }
0x2b5: {  	v11 =	vld [tilespmem:$0x195E0]  }
0x2b6: {  	v34 =	vbroadcast v6, $0xB;
	v27 =	vmul.f32 v22, v25;
	[tilespmem:s13+$0x0] =	vst.add.f32.msk $0xffff, v12  }
0x2b7: {  	s17 =	sld [smem:$0x7F7];
	v29 =	vld [tilespmem:$0x191F0]  }
0x2b8: {  	v28 =	vbroadcast v9, $0xA;
	v36 =	vmul.f32 v31, v34;
	[tilespmem:s12+$0x0] =	vst.add.f32.msk $0xffff, v27  }
0x2b9: {  	v12 =	vld [tilespmem:$0x193F0]  }
0x2ba: {  	v11 =	vmul.f32 v11, v28;
	[tilespmem:s17+$0x0] =	vst.add.f32.msk $0xffff, v36  }
0x2bb: {  	s14 =	spop (v2sf);
	v39 =	vld [tilespmem:$0x19010]  }
0x2bc: {  	[tilespmem:s14+$0x0] =	vst.add.f32.msk $0xffff, v11;
	v30 =	vmul.f32 v29, v24  }
0x2bd: {  	s15 =	sor.u32 $0x10, s13;
	(v2sf) =	vpush v5, $0xB;
	v11 =	vld [tilespmem:$0x195F0]  }
0x2be: {  	v32 =	vmul.f32 v12, v25;
	[tilespmem:s15+$0x0] =	vst.add.f32.msk $0xffff, v30  }
0x2bf: {  	s16 =	sor.u32 $0x10, s12;
	v29 =	vbroadcast v4, $0xE;
	v33 =	vld [tilespmem:$0x19200]  }
0x2c0: {  	v10 =	vmul.f32 v39, v34;
	[tilespmem:s16+$0x0] =	vst.add.f32.msk $0xffff, v32  }
0x2c1: {  	s1 =	sor.u32 $0x10, s17;
	v31 =	vmul.f32 v26, v29;
	v35 =	vld [tilespmem:$0x19400]  }
0x2c2: {  	s11 =	rddreg [dreg:$0x13];
	v11 =	vmul.f32 v11, v28;
	[tilespmem:s1+$0x0] =	vst.add.f32.msk $0xffff, v10  }
0x2c3: {  	s0 =	sor.u32 $0x10, s14;
	[tilespmem:s11+$0x0] =	vst.add.f32.msk $0xffff, v31  }
0x2c4: {  	v37 =	vbroadcast v7, $0xB;
	[tilespmem:s0+$0x0] =	vst.add.f32.msk $0xffff, v11  }
0x2c5: {  	s18 =	sld [smem:$0x7F8];
	v44 =	vld [tilespmem:$0x19020]  }
0x2c6: {  	v38 =	vbroadcast v8, $0xB;
	v11 =	vld [tilespmem:$0x19600];
	v12 =	vmul.f32 v33, v37  }
0x2c7: {  	v36 =	vld [tilespmem:$0x18E70]  }
0x2c8: {  	v47 =	vbroadcast v6, $0xC;
	v40 =	vmul.f32 v35, v38;
	[tilespmem:s18+$0x0] =	vst.add.f32.msk $0xffff, v12  }
0x2c9: {  	v41 =	vbroadcast v9, $0xB;
	v42 =	vld [tilespmem:$0x19210]  }
0x2ca: {  	v49 =	vmul.f32 v44, v47;
	[tilespmem:s26+$0x0] =	vst.add.f32.msk $0xffff, v40  }
0x2cb: {  	s22 =	rddreg [dreg:$0x1f];
	v11 =	vmul.f32 v11, v41;
	v12 =	vld [tilespmem:$0x19410]  }
0x2cc: {  	s19 =	spop (v2sf);
	[tilespmem:s22+$0x0] =	vst.add.f32.msk $0xffff, v49  }
0x2cd: {  	[tilespmem:s19+$0x0] =	vst.add.f32.msk $0xffff, v11  }
0x2ce: {  	v52 =	vld [tilespmem:$0x19030]  }
0x2cf: {  	(v2sf) =	vpush v5, $0xC;
	v11 =	vld [tilespmem:$0x19610];
	v43 =	vmul.f32 v42, v37  }
0x2d0: {  	s20 =	sor.u32 $0x10, s18;
	v44 =	vld [tilespmem:$0x18C80]  }
0x2d1: {  	v45 =	vmul.f32 v12, v38;
	[tilespmem:s20+$0x0] =	vst.add.f32.msk $0xffff, v43  }
0x2d2: {  	s21 =	sor.u32 $0x10, s26;
	v46 =	vld [tilespmem:$0x19220]  }
0x2d3: {  	v10 =	vmul.f32 v52, v47;
	[tilespmem:s21+$0x0] =	vst.add.f32.msk $0xffff, v45  }
0x2d4: {  	s1 =	sor.u32 $0x10, s22;
	v11 =	vmul.f32 v11, v41;
	v48 =	vld [tilespmem:$0x19420]  }
0x2d5: {  	v3 =	vbroadcast v3, $0xF;
	s0 =	sor.u32 $0x10, s19;
	[tilespmem:s1+$0x0] =	vst.add.f32.msk $0xffff, v10  }
0x2d6: {  	v50 =	vbroadcast v7, $0xC;
	[tilespmem:s0+$0x0] =	vst.add.f32.msk $0xffff, v11  }
0x2d7: {  	s23 =	sld [smem:$0x7F9];
	v49 =	vmul.f32 v44, v3;
	v57 =	vld [tilespmem:$0x19040]  }
0x2d8: {  	v51 =	vbroadcast v8, $0xC;
	s19 =	rddreg [dreg:$0xd];
	v11 =	vld [tilespmem:$0x19620];
	v12 =	vmul.f32 v46, v50  }
0x2d9: {  	s24 =	sld [smem:$0x7FA];
	[tilespmem:s19+$0x0] =	vst.add.f32.msk $0xffff, v49  }
0x2da: {  	v60 =	vbroadcast v6, $0xD;
	v53 =	vmul.f32 v48, v51;
	[tilespmem:s23+$0x0] =	vst.add.f32.msk $0xffff, v12  }
0x2db: {  	v54 =	vbroadcast v9, $0xC;
	v55 =	vld [tilespmem:$0x19230]  }
0x2dc: {  	v62 =	vmul.f32 v57, v60;
	[tilespmem:s24+$0x0] =	vst.add.f32.msk $0xffff, v53  }
0x2dd: {  	s29 =	rddreg [dreg:$0x19];
	v11 =	vmul.f32 v11, v54;
	v12 =	vld [tilespmem:$0x19430]  }
0x2de: {  	s25 =	spop (v2sf);
	[tilespmem:s29+$0x0] =	vst.add.f32.msk $0xffff, v62  }
0x2df: {  	(v2sf) =	vpush v5, $0xD;
	[tilespmem:s25+$0x0] =	vst.add.f32.msk $0xffff, v11  }
0x2e0: {  	v11 =	vld [tilespmem:$0x19630];
	v56 =	vmul.f32 v55, v50  }
0x2e1: {  	s26 =	sor.u32 $0x10, s23;
	v21 =	vld [tilespmem:$0x19050]  }
0x2e2: {  	v58 =	vmul.f32 v12, v51;
	[tilespmem:s26+$0x0] =	vst.add.f32.msk $0xffff, v56  }
0x2e3: {  	s28 =	sor.u32 $0x10, s24;
	v59 =	vld [tilespmem:$0x19240]  }
0x2e4: {  	[tilespmem:s28+$0x0] =	vst.add.f32.msk $0xffff, v58  }
0x2e5: {  	v11 =	vmul.f32 v11, v54;
	v54 =	vld [tilespmem:$0x18C90]  }
0x2e6: {  	s0 =	sor.u32 $0x10, s25;
	v61 =	vld [tilespmem:$0x19440]  }
0x2e7: {  	v63 =	vbroadcast v7, $0xD;
	v10 =	vmul.f32 v21, v60;
	[tilespmem:s0+$0x0] =	vst.add.f32.msk $0xffff, v11  }
0x2e8: {  	s31 =	sld [smem:$0x7FB];
	s1 =	sor.u32 $0x10, s29;
	v11 =	vld [tilespmem:$0x19640]  }
0x2e9: {  	v20 =	vbroadcast v8, $0xD;
	[tilespmem:s1+$0x0] =	vst.add.f32.msk $0xffff, v10;
	v12 =	vmul.f32 v59, v63  }
0x2ea: {  	s0 =	sld [smem:$0x7FC];
	v28 =	vld [tilespmem:$0x19060]  }
0x2eb: {  	v23 =	vbroadcast v9, $0xD;
	v22 =	vmul.f32 v61, v20;
	[tilespmem:s31+$0x0] =	vst.add.f32.msk $0xffff, v12  }
0x2ec: {  	v24 =	vld [tilespmem:$0x19250]  }
0x2ed: {  	v32 =	vbroadcast v6, $0xE;
	[tilespmem:s0+$0x0] =	vst.add.f32.msk $0xffff, v22;
	v11 =	vmul.f32 v11, v23  }
0x2ee: {  	s8 =	spop (v2sf);
	v12 =	vld [tilespmem:$0x19450]  }
0x2ef: {  	v34 =	vmul.f32 v28, v32;
	[tilespmem:s8+$0x0] =	vst.add.f32.msk $0xffff, v11  }
0x2f0: {  	s12 =	rddreg [dreg:$0x17];
	(v2sf) =	vpush v5, $0xE;
	v11 =	vld [tilespmem:$0x19650]  }
0x2f1: {  	[tilespmem:s12+$0x0] =	vst.add.f32.msk $0xffff, v34;
	v25 =	vmul.f32 v24, v63  }
0x2f2: {  	s9 =	sor.u32 $0x10, s31;
	v39 =	vld [tilespmem:$0x19070]  }
0x2f3: {  	v27 =	vmul.f32 v12, v20;
	[tilespmem:s9+$0x0] =	vst.add.f32.msk $0xffff, v25  }
0x2f4: {  	s10 =	sor.u32 $0x10, s0;
	v30 =	vld [tilespmem:$0x19260]  }
0x2f5: {  	[tilespmem:s10+$0x0] =	vst.add.f32.msk $0xffff, v27;
	v11 =	vmul.f32 v11, v23  }
0x2f6: {  	s0 =	sor.u32 $0x10, s8;
	v33 =	vld [tilespmem:$0x19460]  }
0x2f7: {  	v35 =	vbroadcast v7, $0xE;
	v10 =	vmul.f32 v36, v29;
	[tilespmem:s0+$0x0] =	vst.add.f32.msk $0xffff, v11  }
0x2f8: {  	s0 =	sor.u32 $0x10, s11;
	v42 =	vld [tilespmem:$0x19660]  }
0x2f9: {  	s13 =	rddreg [dreg:$0x1c];
	v38 =	vbroadcast v8, $0xE;
	[tilespmem:s0+$0x0] =	vst.add.f32.msk $0xffff, v10;
	v37 =	vmul.f32 v30, v35  }
0x2fa: {  	s14 =	sld [smem:$0x7FD];
	v47 =	vld [tilespmem:$0x18E80]  }
0x2fb: {  	v40 =	vmul.f32 v33, v38;
	[tilespmem:s13+$0x0] =	vst.add.f32.msk $0xffff, v37  }
0x2fc: {  	v46 =	vbroadcast v9, $0xE;
	v41 =	vld [tilespmem:$0x19270]  }
0x2fd: {  	v43 =	vmul.f32 v39, v32;
	[tilespmem:s14+$0x0] =	vst.add.f32.msk $0xffff, v40  }
0x2fe: {  	s15 =	sor.u32 $0x10, s12;
	v48 =	vmul.f32 v42, v46;
	v11 =	vld [tilespmem:$0x19470]  }
0x2ff: {  	v4 =	vbroadcast v4, $0xF;
	s18 =	spop (v2sf);
	[tilespmem:s15+$0x0] =	vst.add.f32.msk $0xffff, v43  }
0x300: {  	(v2sf) =	vpush v5, $0xF;
	[tilespmem:s18+$0x0] =	vst.add.f32.msk $0xffff, v48  }
0x301: {  	v51 =	vmul.f32 v47, v4;
	v50 =	vld [tilespmem:$0x19670]  }
0x302: {  	s20 =	rddreg [dreg:$0xf];
	v52 =	vld [tilespmem:$0x19080];
	v45 =	vmul.f32 v41, v35  }
0x303: {  	s16 =	sor.u32 $0x10, s13;
	[tilespmem:s20+$0x0] =	vst.add.f32.msk $0xffff, v51;
	v11 =	vmul.f32 v11, v38  }
0x304: {  	s17 =	sor.u32 $0x10, s14;
	[tilespmem:s16+$0x0] =	vst.add.f32.msk $0xffff, v45  }
0x305: {  	[tilespmem:s17+$0x0] =	vst.add.f32.msk $0xffff, v11  }
0x306: {  	v53 =	vld [tilespmem:$0x19280];
	v5 =	vmul.f32 v50, v46  }
0x307: {  	v6 =	vbroadcast v6, $0xF;
	s0 =	sor.u32 $0x10, s18;
	v55 =	vld [tilespmem:$0x19480]  }
0x308: {  	[tilespmem:s0+$0x0] =	vst.add.f32.msk $0xffff, v5  }
0x309: {  	v7 =	vbroadcast v7, $0xF;
	v11 =	vmul.f32 v52, v6;
	v5 =	vld [tilespmem:$0x19680]  }
0x30a: {  	v8 =	vbroadcast v8, $0xF;
	s21 =	rddreg [dreg:$0x11];
	v56 =	vld [tilespmem:$0x18E90]  }
0x30b: {  	[tilespmem:s21+$0x0] =	vst.add.f32.msk $0xffff, v11;
	v10 =	vmul.f32 v53, v7  }
0x30c: {  	s22 =	rddreg [dreg:$0x16];
	v9 =	vbroadcast v9, $0xF;
	v58 =	vld [tilespmem:$0x19090];
	v57 =	vmul.f32 v55, v8  }
0x30d: {  	s23 =	rddreg [dreg:$0x1e];
	[tilespmem:s22+$0x0] =	vst.add.f32.msk $0xffff, v10  }
0x30e: {  	[tilespmem:s23+$0x0] =	vst.add.f32.msk $0xffff, v57;
	v5 =	vmul.f32 v5, v9  }
0x30f: {  	s24 =	spop (v2sf);
	v59 =	vld [tilespmem:$0x19290]  }
0x310: {  	[tilespmem:s24+$0x0] =	vst.add.f32.msk $0xffff, v5  }
0x311: {  	v61 =	vld [tilespmem:$0x19690]  }
0x312: {  	v3 =	vmul.f32 v54, v3;
	v60 =	vld [tilespmem:$0x19490]  }
0x313: {  	s1 =	sor.u32 $0x10, s19;
	v4 =	vmul.f32 v56, v4  }
0x314: {  	s6 =	rddreg [dreg:$0xc];
	s25 =	sor.u32 $0x10, s20;
	[tilespmem:s1+$0x0] =	vst.add.f32.msk $0xffff, v3;
	v3 =	vmul.f32 v58, v6  }
0x315: {  	s5 =	rddreg [dreg:$0xb];
	s26 =	sor.u32 $0x10, s21;
	[tilespmem:s25+$0x0] =	vst.add.f32.msk $0xffff, v4;
	v62 =	vmul.f32 v59, v7  }
0x316: {  	s4 =	rddreg [dreg:$0xa];
	s29 =	sadd.s32 $0x1, s5;
	s28 =	sor.u32 $0x10, s22;
	[tilespmem:s26+$0x0] =	vst.add.f32.msk $0xffff, v3;
	v63 =	vmul.f32 v61, v9  }
0x317: {  	s3 =	rddreg [dreg:$0x9];
	p1 =	sge.s32 s29, s4;
	s0 =	sor.u32 $0x10, s24;
	v3 =	vmul.f32 v60, v8;
	[tilespmem:s28+$0x0] =	vst.add.f32.msk $0xffff, v62  }
0x318: {  	s31 =	sor.u32 $0x10, s23;
	s1 =	sshrl.u32 @!p1 s6, $0x3;
	[tilespmem:s0+$0x0] =	vst.add.f32.msk $0xffff, v63;
	s0 =	rddreg [dreg:$0x3]  }
0x319: {  	s2 =	simm.s32 @!p1 $0x1A6A0;
	[tilespmem:s31+$0x0] =	vst.add.f32.msk $0xffff, v3;
	s0 =	sadd.s32 @!p1 s0, s1;
	s1 =	simm.s32 @!p1 $0x0  }
0x31a: {  	[tilespmem:s2], [sflag:$0x3] =	stream.linear.gather @!p1 [hbm4b:s0+s1], $0x180, $0x38;
	[tilespmem:$0x1A9B0] =	vst v63  }
.LBB2_5:
.Ltmp6:
0x31b: {  	(pc) =	sbr.rel @p0 .LBB2_7-.Ltmp6, $1  }
0x31c: {  	_ =	sdelay $0x3  }
0x31d: {  	s1 =	simm.s32 $0x2  }
0x31e: {  	s0 =	sadd.s32 $0x1, s5;
	_ =	swait.ge [sflag:s1], $0x1000  }
0x31f: {  	p0 =	sge.s32 s0, s4;
	[sflag:s1] =	ssyncset.done $0x0  }
0x320: {  	s0 =	simm.s32 @!p0 $0x3;
	[sflag:s1] =	ssyncadd.s32 $0xFFFFF000  }
0x321: {  	_ =	swait.ge @!p0 [sflag:s0], $0x180  }
0x322: {  	[sflag:s0] =	ssyncset.done @!p0 $0x0  }
0x323: {  	s2 =	simm.s32 @!p0 $0x186A0;
	[sflag:s0] =	ssyncadd.s32 @!p0 $0xFFFFFE80  }
0x324: {  	s1 =	simm.s32 @!p0 $0x1A6A0;
	s0 =	simm.s32 @!p0 $0x80;
	s3 =	rddreg [dreg:$0x0]  }
0x325: {  	[tilespmem:s2], [sflag:$0x1] =	stream.indirect.gather @!p0 [hbm4b:s3+s0], $0x20, s1, s0, $0xb8;
	[tilespmem:$0x1A9B0] =	vst v63  }
0x326: {  	v3 =	vld [tilespmem:$0x1A920];
	_ =	sdelay $0x4  }
0x327: {  	v3 =	vshll.u32 v3, $0x7  }
0x328: {  	v3 =	vshra.s32 v3, $0x2  }
0x329: {  	(v2sf) =	vpush v3, $0x0  }
0x32a: {  	(v2sf) =	vpush v3, $0x1  }
0x32b: {  	(v2sf) =	vpush v3, $0x2  }
0x32c: {  	(v2sf) =	vpush v3, $0x3  }
0x32d: {  	(v2sf) =	vpush v3, $0x4  }
0x32e: {  	(v2sf) =	vpush v3, $0x5  }
0x32f: {  	(v2sf) =	vpush v3, $0x6  }
0x330: {  	(v2sf) =	vpush v3, $0x7  }
0x331: {  	(v2sf) =	vpush v3, $0x8  }
0x332: {  	v4 =	vld [tilespmem:$0x1A930];
	(v2sf) =	vpush v3, $0x9  }
0x333: {  	(v2sf) =	vpush v3, $0xA  }
0x334: {  	(v2sf) =	vpush v3, $0xB  }
0x335: {  	(v2sf) =	vpush v3, $0xC  }
0x336: {  	(v2sf) =	vpush v3, $0xD  }
0x337: {  	v4 =	vshll.u32 v4, $0x7;
	(v2sf) =	vpush v3, $0xE  }
0x338: {  	s7 =	spop (v2sf);
	(v2sf) =	vpush v3, $0xF;
	v3 =	vshra.s32 v4, $0x2  }
0x339: {  	s6 =	spop (v2sf);
	(v2sf) =	vpush v3, $0x0  }
0x33a: {  	s24 =	spop (v2sf)  }
0x33b: {  	v17 =	vld [tilespmem:$0x1A8A0];
	s2 =	spop (v2sf)  }
0x33c: {  	s15 =	sadd.s32 $0xFFFFFF90, s30;
	s20 =	spop (v2sf)  }
0x33d: {  	v5 =	vor.u32 s15, v0;
	s19 =	spop (v2sf)  }
0x33e: {  	vm0 =	vge.s32 v5, v1;
	vm1 =	vlt.s32 v5, v2;
	v7 =	vld [tilespmem:$0x196A0];
	s4 =	spop (v2sf)  }
0x33f: {  	vm0 =	vmand vm0, vm1;
	s15 =	spop (v2sf)  }
0x340: {  	v4 =	vnsel vm0, $0x0, v17;
	s12 =	spop (v2sf)  }
0x341: {  	v9 =	vbroadcast v4, $0x0;
	s9 =	spop (v2sf)  }
0x342: {  	s21 =	spop (v2sf)  }
0x343: {  	v6 =	vld [tilespmem:$0x1A8B0];
	v19 =	vmul.f32 v9, v7;
	s5 =	spop (v2sf)  }
0x344: {  	s16 =	sadd.s32 $0xFFFFFFA0, s30;
	v8 =	vld [tilespmem:$0x198A0];
	s3 =	spop (v2sf)  }
0x345: {  	v18 =	vor.u32 s16, v0;
	(v2sf) =	vpush v3, $0x1;
	[tilespmem:s7+$0x0] =	vst.add.f32.msk $0xffff, v19;
	s10 =	spop (v2sf)  }
0x346: {  	vm14 =	vge.s32 v18, v1;
	vm15 =	vlt.s32 v18, v2;
	(v2sf) =	vpush v3, $0x2;
	v22 =	vld [tilespmem:$0x196B0];
	s1 =	spop (v2sf)  }
0x347: {  	vm0 =	vmand vm14, vm15;
	s0 =	spop (v2sf);
	(v2sf) =	vpush v3, $0x3  }
0x348: {  	v5 =	vnsel vm0, $0x0, v6;
	s8 =	spop (v2sf);
	(v2sf) =	vpush v3, $0x4  }
0x349: {  	v20 =	vbroadcast v5, $0x0;
	(v2sf) =	vpush v3, $0x5  }
0x34a: {  	(v2sf) =	vpush v3, $0x6  }
0x34b: {  	v21 =	vmul.f32 v20, v8;
	v8 =	vmul.f32 v22, v9;
	(v2sf) =	vpush v3, $0x7  }
0x34c: {  	s7 =	sor.u32 $0x10, s7;
	(v2sf) =	vpush v3, $0x8  }
0x34d: {  	[tilespmem:s7+$0x0] =	vst.add.f32.msk $0xffff, v8;
	(v2sf) =	vpush v3, $0x9  }
0x34e: {  	v24 =	vld [tilespmem:$0x196C0];
	(v2sf) =	vpush v3, $0xA  }
0x34f: {  	(v2sf) =	vpush v3, $0xB  }
0x350: {  	(v2sf) =	vpush v3, $0xC  }
0x351: {  	v27 =	vbroadcast v4, $0x1;
	(v2sf) =	vpush v3, $0xD  }
0x352: {  	(v2sf) =	vpush v3, $0xE  }
0x353: {  	(v2sf) =	vpush v3, $0xF;
	v3 =	vmul.f32 v24, v27;
	_ =	sdelay $0x1  }
0x354: {  	[tilespmem:s6+$0x0] =	vst.add.f32.msk $0xffff, v3  }
0x355: {  	v29 =	vld [tilespmem:$0x196D0];
	_ =	sdelay $0x4  }
0x356: {  	[tilespmem:s8+$0x0] =	vst.add.f32.msk $0xffff, v21;
	v8 =	vmul.f32 v29, v27  }
0x357: {  	v6 =	vld [tilespmem:$0x198B0];
	s6 =	sor.u32 $0x10, s6  }
0x358: {  	[tilespmem:s6+$0x0] =	vst.add.f32.msk $0xffff, v8  }
0x359: {  	v32 =	vld [tilespmem:$0x196E0];
	_ =	sdelay $0x2  }
0x35a: {  	v35 =	vbroadcast v4, $0x2;
	v6 =	vmul.f32 v6, v20  }
0x35b: {  	s17 =	sor.u32 $0x10, s8  }
0x35c: {  	[tilespmem:s17+$0x0] =	vst.add.f32.msk $0xffff, v6;
	v9 =	vmul.f32 v32, v35  }
0x35d: {  	v25 =	vld [tilespmem:$0x198C0]  }
0x35e: {  	[tilespmem:s24+$0x0] =	vst.add.f32.msk $0xffff, v9  }
0x35f: {  	v37 =	vld [tilespmem:$0x196F0]  }
0x360: {  	v28 =	vbroadcast v5, $0x1;
	_ =	sdelay $0x1  }
0x361: {  	v3 =	vmul.f32 v25, v28  }
0x362: {  	v23 =	vld [tilespmem:$0x1A940];
	s18 =	spop (v2sf)  }
0x363: {  	[tilespmem:s18+$0x0] =	vst.add.f32.msk $0xffff, v3;
	v39 =	vmul.f32 v37, v35  }
0x364: {  	v10 =	vld [tilespmem:$0x198D0];
	s24 =	sor.u32 $0x10, s24  }
0x365: {  	[tilespmem:s24+$0x0] =	vst.add.f32.msk $0xffff, v39  }
0x366: {  	v41 =	vld [tilespmem:$0x19700]  }
0x367: {  	v26 =	vshll.u32 v23, $0x7  }
0x368: {  	v6 =	vshra.s32 v26, $0x2  }
0x369: {  	v42 =	vbroadcast v4, $0x3;
	(v2sf) =	vpush v6, $0x0  }
0x36a: {  	s28 =	spop (v2sf)  }
0x36b: {  	s26 =	spop (v2sf);
	v7 =	vmul.f32 v10, v28;
	v10 =	vmul.f32 v41, v42  }
0x36c: {  	s25 =	spop (v2sf)  }
0x36d: {  	s23 =	spop (v2sf);
	[tilespmem:s2+$0x0] =	vst.add.f32.msk $0xffff, v10  }
0x36e: {  	s22 =	spop (v2sf);
	v10 =	vld [tilespmem:$0x19710]  }
0x36f: {  	v3 =	vld [tilespmem:$0x1A8C0];
	s7 =	spop (v2sf)  }
0x370: {  	s11 =	sadd.s32 $0xFFFFFFB0, s30;
	s17 =	spop (v2sf)  }
0x371: {  	v11 =	vor.u32 s11, v0;
	s16 =	spop (v2sf)  }
0x372: {  	vm4 =	vge.s32 v11, v1;
	vm5 =	vlt.s32 v11, v2;
	v30 =	vld [tilespmem:$0x19AA0];
	s8 =	sor.u32 $0x10, s18;
	s13 =	spop (v2sf)  }
0x373: {  	vm0 =	vmand vm4, vm5;
	s11 =	spop (v2sf);
	[tilespmem:s8+$0x0] =	vst.add.f32.msk $0xffff, v7;
	v44 =	vmul.f32 v10, v42  }
0x374: {  	v3 =	vnsel vm0, $0x0, v3;
	s14 =	spop (v2sf);
	v34 =	vld [tilespmem:$0x198E0];
	s2 =	sor.u32 $0x10, s2  }
0x375: {  	v31 =	vbroadcast v3, $0x0;
	s6 =	spop (v2sf);
	[tilespmem:s2+$0x0] =	vst.add.f32.msk $0xffff, v44  }
0x376: {  	s18 =	spop (v2sf);
	v46 =	vld [tilespmem:$0x19720]  }
0x377: {  	v12 =	vbroadcast v5, $0x2;
	v33 =	vmul.f32 v31, v30;
	s8 =	spop (v2sf)  }
0x378: {  	s29 =	spop (v2sf)  }
0x379: {  	v47 =	vbroadcast v4, $0x4;
	[tilespmem:s29+$0x0] =	vst.add.f32.msk $0xffff, v33;
	v36 =	vmul.f32 v34, v12  }
0x37a: {  	v7 =	vld [tilespmem:$0x19AB0]  }
0x37b: {  	(v2sf) =	vpush v6, $0x1;
	[tilespmem:s28+$0x0] =	vst.add.f32.msk $0xffff, v36;
	v10 =	vmul.f32 v46, v47  }
0x37c: {  	v38 =	vld [tilespmem:$0x198F0]  }
0x37d: {  	[tilespmem:s20+$0x0] =	vst.add.f32.msk $0xffff, v10  }
0x37e: {  	v10 =	vld [tilespmem:$0x19730];
	_ =	sdelay $0x1  }
0x37f: {  	v7 =	vmul.f32 v7, v31  }
0x380: {  	s29 =	sor.u32 $0x10, s29  }
0x381: {  	[tilespmem:s29+$0x0] =	vst.add.f32.msk $0xffff, v7;
	v8 =	vmul.f32 v38, v12  }
0x382: {  	s29 =	sor.u32 $0x10, s28;
	v7 =	vld [tilespmem:$0x19AC0];
	v49 =	vmul.f32 v10, v47  }
0x383: {  	[tilespmem:s29+$0x0] =	vst.add.f32.msk $0xffff, v8;
	s29 =	sor.u32 $0x10, s20  }
0x384: {  	[tilespmem:s29+$0x0] =	vst.add.f32.msk $0xffff, v49  }
0x385: {  	v51 =	vld [tilespmem:$0x19740]  }
0x386: {  	v40 =	vbroadcast v3, $0x1;
	_ =	sdelay $0x1  }
0x387: {  	v52 =	vbroadcast v4, $0x5;
	v7 =	vmul.f32 v7, v40  }
0x388: {  	s31 =	spop (v2sf)  }
0x389: {  	[tilespmem:s31+$0x0] =	vst.add.f32.msk $0xffff, v7;
	v10 =	vmul.f32 v51, v52  }
0x38a: {  	v7 =	vld [tilespmem:$0x19AD0]  }
0x38b: {  	[tilespmem:s19+$0x0] =	vst.add.f32.msk $0xffff, v10  }
0x38c: {  	v10 =	vld [tilespmem:$0x19750];
	_ =	sdelay $0x3  }
0x38d: {  	v7 =	vmul.f32 v7, v40  }
0x38e: {  	s24 =	sor.u32 $0x10, s31;
	v54 =	vmul.f32 v10, v52  }
0x38f: {  	(v2sf) =	vpush v6, $0x2;
	[tilespmem:s24+$0x0] =	vst.add.f32.msk $0xffff, v7;
	s24 =	sor.u32 $0x10, s19  }
0x390: {  	[tilespmem:s24+$0x0] =	vst.add.f32.msk $0xffff, v54  }
0x391: {  	v56 =	vld [tilespmem:$0x19760];
	_ =	sdelay $0x2  }
0x392: {  	v57 =	vbroadcast v4, $0x6;
	_ =	sdelay $0x1  }
0x393: {  	v8 =	vld [tilespmem:$0x19900];
	v10 =	vmul.f32 v56, v57  }
0x394: {  	v7 =	vld [tilespmem:$0x19AE0]  }
0x395: {  	[tilespmem:s4+$0x0] =	vst.add.f32.msk $0xffff, v10  }
0x396: {  	v43 =	vbroadcast v5, $0x3;
	v10 =	vld [tilespmem:$0x19770];
	_ =	sdelay $0x1  }
0x397: {  	v45 =	vbroadcast v3, $0x2;
	v8 =	vmul.f32 v8, v43;
	_ =	sdelay $0x1  }
0x398: {  	[tilespmem:s26+$0x0] =	vst.add.f32.msk $0xffff, v8;
	v7 =	vmul.f32 v7, v45  }
0x399: {  	s28 =	spop (v2sf);
	v8 =	vld [tilespmem:$0x19910];
	v59 =	vmul.f32 v10, v57  }
0x39a: {  	s2 =	sor.u32 $0x10, s28;
	[tilespmem:s28+$0x0] =	vst.add.f32.msk $0xffff, v7;
	s28 =	sor.u32 $0x10, s4  }
0x39b: {  	[tilespmem:s28+$0x0] =	vst.add.f32.msk $0xffff, v59  }
0x39c: {  	v61 =	vld [tilespmem:$0x19780];
	_ =	sdelay $0x2  }
0x39d: {  	v62 =	vbroadcast v4, $0x7;
	v8 =	vmul.f32 v8, v43  }
0x39e: {  	s26 =	sor.u32 $0x10, s26  }
0x39f: {  	[tilespmem:s26+$0x0] =	vst.add.f32.msk $0xffff, v8;
	v10 =	vmul.f32 v61, v62  }
0x3a0: {  	v8 =	vld [tilespmem:$0x19920]  }
0x3a1: {  	[tilespmem:s15+$0x0] =	vst.add.f32.msk $0xffff, v10  }
0x3a2: {  	v10 =	vld [tilespmem:$0x19790]  }
0x3a3: {  	v48 =	vbroadcast v5, $0x4;
	_ =	sdelay $0x1  }
0x3a4: {  	v8 =	vmul.f32 v8, v48  }
0x3a5: {  	(v2sf) =	vpush v6, $0x3;
	v7 =	vld [tilespmem:$0x19AF0]  }
0x3a6: {  	[tilespmem:s25+$0x0] =	vst.add.f32.msk $0xffff, v8;
	v15 =	vmul.f32 v10, v62  }
0x3a7: {  	v8 =	vld [tilespmem:$0x19930];
	s4 =	sor.u32 $0x10, s15  }
0x3a8: {  	[tilespmem:s4+$0x0] =	vst.add.f32.msk $0xffff, v15  }
0x3a9: {  	v17 =	vld [tilespmem:$0x197A0]  }
0x3aa: {  	v7 =	vmul.f32 v7, v45;
	_ =	sdelay $0x1  }
0x3ab: {  	v18 =	vbroadcast v4, $0x8;
	[tilespmem:s2+$0x0] =	vst.add.f32.msk $0xffff, v7;
	v8 =	vmul.f32 v8, v48  }
0x3ac: {  	s31 =	sor.u32 $0x10, s25;
	v7 =	vld [tilespmem:$0x19B00]  }
0x3ad: {  	[tilespmem:s31+$0x0] =	vst.add.f32.msk $0xffff, v8;
	v10 =	vmul.f32 v17, v18  }
0x3ae: {  	v8 =	vld [tilespmem:$0x19940]  }
0x3af: {  	[tilespmem:s12+$0x0] =	vst.add.f32.msk $0xffff, v10  }
0x3b0: {  	v50 =	vbroadcast v3, $0x3;
	v10 =	vld [tilespmem:$0x197B0]  }
0x3b1: {  	v53 =	vbroadcast v5, $0x5  }
0x3b2: {  	v7 =	vmul.f32 v7, v50  }
0x3b3: {  	s20 =	spop (v2sf);
	v8 =	vmul.f32 v8, v53  }
0x3b4: {  	[tilespmem:s20+$0x0] =	vst.add.f32.msk $0xffff, v7  }
0x3b5: {  	[tilespmem:s23+$0x0] =	vst.add.f32.msk $0xffff, v8;
	v20 =	vmul.f32 v10, v18  }
0x3b6: {  	s2 =	sor.u32 $0x10, s20;
	s20 =	sor.u32 $0x10, s12;
	v8 =	vld [tilespmem:$0x19950]  }
0x3b7: {  	[tilespmem:s20+$0x0] =	vst.add.f32.msk $0xffff, v20  }
0x3b8: {  	v22 =	vld [tilespmem:$0x197C0];
	_ =	sdelay $0x2  }
0x3b9: {  	v23 =	vbroadcast v4, $0x9;
	v8 =	vmul.f32 v8, v53  }
0x3ba: {  	s25 =	sor.u32 $0x10, s23  }
0x3bb: {  	[tilespmem:s25+$0x0] =	vst.add.f32.msk $0xffff, v8;
	v10 =	vmul.f32 v22, v23  }
0x3bc: {  	v8 =	vld [tilespmem:$0x19960]  }
0x3bd: {  	[tilespmem:s9+$0x0] =	vst.add.f32.msk $0xffff, v10  }
0x3be: {  	v10 =	vld [tilespmem:$0x197D0]  }
0x3bf: {  	v58 =	vbroadcast v5, $0x6;
	_ =	sdelay $0x1  }
0x3c0: {  	v8 =	vmul.f32 v8, v58;
	_ =	sdelay $0x1  }
0x3c1: {  	[tilespmem:s22+$0x0] =	vst.add.f32.msk $0xffff, v8;
	v25 =	vmul.f32 v10, v23  }
0x3c2: {  	s24 =	sor.u32 $0x10, s9;
	v8 =	vld [tilespmem:$0x19970]  }
0x3c3: {  	[tilespmem:s24+$0x0] =	vst.add.f32.msk $0xffff, v25  }
0x3c4: {  	v27 =	vld [tilespmem:$0x197E0];
	_ =	sdelay $0x2  }
0x3c5: {  	v28 =	vbroadcast v4, $0xA;
	v8 =	vmul.f32 v8, v58  }
0x3c6: {  	s29 =	sor.u32 $0x10, s22  }
0x3c7: {  	[tilespmem:s29+$0x0] =	vst.add.f32.msk $0xffff, v8;
	v10 =	vmul.f32 v27, v28  }
0x3c8: {  	v8 =	vld [tilespmem:$0x19980]  }
0x3c9: {  	[tilespmem:s21+$0x0] =	vst.add.f32.msk $0xffff, v10  }
0x3ca: {  	v10 =	vld [tilespmem:$0x197F0]  }
0x3cb: {  	v63 =	vbroadcast v5, $0x7;
	_ =	sdelay $0x1  }
0x3cc: {  	v8 =	vmul.f32 v8, v63;
	_ =	sdelay $0x1  }
0x3cd: {  	[tilespmem:s7+$0x0] =	vst.add.f32.msk $0xffff, v8;
	v30 =	vmul.f32 v10, v28  }
0x3ce: {  	s28 =	sor.u32 $0x10, s21;
	v8 =	vld [tilespmem:$0x19990]  }
0x3cf: {  	[tilespmem:s28+$0x0] =	vst.add.f32.msk $0xffff, v30  }
0x3d0: {  	v32 =	vld [tilespmem:$0x19800];
	_ =	sdelay $0x2  }
0x3d1: {  	v33 =	vbroadcast v4, $0xB;
	v8 =	vmul.f32 v8, v63  }
0x3d2: {  	s15 =	sor.u32 $0x10, s7  }
0x3d3: {  	[tilespmem:s15+$0x0] =	vst.add.f32.msk $0xffff, v8;
	v10 =	vmul.f32 v32, v33  }
0x3d4: {  	v8 =	vld [tilespmem:$0x199A0]  }
0x3d5: {  	[tilespmem:s5+$0x0] =	vst.add.f32.msk $0xffff, v10  }
0x3d6: {  	v10 =	vld [tilespmem:$0x19810]  }
0x3d7: {  	v19 =	vbroadcast v5, $0x8;
	_ =	sdelay $0x1  }
0x3d8: {  	v8 =	vmul.f32 v8, v19;
	_ =	sdelay $0x1  }
0x3d9: {  	[tilespmem:s17+$0x0] =	vst.add.f32.msk $0xffff, v8;
	v35 =	vmul.f32 v10, v33  }
0x3da: {  	s4 =	sor.u32 $0x10, s5;
	v8 =	vld [tilespmem:$0x199B0]  }
0x3db: {  	[tilespmem:s4+$0x0] =	vst.add.f32.msk $0xffff, v35  }
0x3dc: {  	v37 =	vld [tilespmem:$0x19820];
	_ =	sdelay $0x2  }
0x3dd: {  	(v2sf) =	vpush v6, $0x4;
	v38 =	vbroadcast v4, $0xC;
	v8 =	vmul.f32 v8, v19  }
0x3de: {  	v7 =	vld [tilespmem:$0x19B10];
	s22 =	sor.u32 $0x10, s17  }
0x3df: {  	[tilespmem:s22+$0x0] =	vst.add.f32.msk $0xffff, v8;
	v10 =	vmul.f32 v37, v38  }
0x3e0: {  	v8 =	vld [tilespmem:$0x199C0]  }
0x3e1: {  	[tilespmem:s3+$0x0] =	vst.add.f32.msk $0xffff, v10  }
0x3e2: {  	v10 =	vld [tilespmem:$0x19830]  }
0x3e3: {  	v24 =	vbroadcast v5, $0x9;
	v7 =	vmul.f32 v7, v50;
	_ =	sdelay $0x1  }
0x3e4: {  	[tilespmem:s2+$0x0] =	vst.add.f32.msk $0xffff, v7;
	v8 =	vmul.f32 v8, v24  }
0x3e5: {  	v7 =	vld [tilespmem:$0x19B20]  }
0x3e6: {  	[tilespmem:s16+$0x0] =	vst.add.f32.msk $0xffff, v8;
	v40 =	vmul.f32 v10, v38  }
0x3e7: {  	s9 =	sor.u32 $0x10, s3;
	v8 =	vld [tilespmem:$0x199D0]  }
0x3e8: {  	v55 =	vbroadcast v3, $0x4;
	[tilespmem:s9+$0x0] =	vst.add.f32.msk $0xffff, v40  }
0x3e9: {  	v42 =	vld [tilespmem:$0x19840]  }
0x3ea: {  	v7 =	vmul.f32 v7, v55  }
0x3eb: {  	s26 =	spop (v2sf)  }
0x3ec: {  	v43 =	vbroadcast v4, $0xD;
	[tilespmem:s26+$0x0] =	vst.add.f32.msk $0xffff, v7;
	v8 =	vmul.f32 v8, v24  }
0x3ed: {  	s25 =	sor.u32 $0x10, s16;
	v7 =	vld [tilespmem:$0x19B30]  }
0x3ee: {  	(v2sf) =	vpush v6, $0x5;
	[tilespmem:s25+$0x0] =	vst.add.f32.msk $0xffff, v8;
	v10 =	vmul.f32 v42, v43  }
0x3ef: {  	v8 =	vld [tilespmem:$0x199E0]  }
0x3f0: {  	[tilespmem:s10+$0x0] =	vst.add.f32.msk $0xffff, v10  }
0x3f1: {  	v10 =	vld [tilespmem:$0x19850];
	_ =	sdelay $0x1  }
0x3f2: {  	v29 =	vbroadcast v5, $0xA;
	v7 =	vmul.f32 v7, v55  }
0x3f3: {  	s2 =	sor.u32 $0x10, s26  }
0x3f4: {  	[tilespmem:s2+$0x0] =	vst.add.f32.msk $0xffff, v7;
	v8 =	vmul.f32 v8, v29  }
0x3f5: {  	v7 =	vld [tilespmem:$0x19B40];
	v45 =	vmul.f32 v10, v43  }
0x3f6: {  	s29 =	sor.u32 $0x10, s13;
	[tilespmem:s13+$0x0] =	vst.add.f32.msk $0xffff, v8;
	s13 =	sor.u32 $0x10, s10  }
0x3f7: {  	[tilespmem:s13+$0x0] =	vst.add.f32.msk $0xffff, v45  }
0x3f8: {  	v47 =	vld [tilespmem:$0x19860]  }
0x3f9: {  	v60 =	vbroadcast v3, $0x5;
	_ =	sdelay $0x1  }
0x3fa: {  	v48 =	vbroadcast v4, $0xE;
	v7 =	vmul.f32 v7, v60  }
0x3fb: {  	s31 =	spop (v2sf)  }
0x3fc: {  	(v2sf) =	vpush v6, $0x6;
	[tilespmem:s31+$0x0] =	vst.add.f32.msk $0xffff, v7;
	v10 =	vmul.f32 v47, v48  }
0x3fd: {  	v7 =	vld [tilespmem:$0x19B50]  }
0x3fe: {  	[tilespmem:s1+$0x0] =	vst.add.f32.msk $0xffff, v10  }
0x3ff: {  	v10 =	vld [tilespmem:$0x19870];
	_ =	sdelay $0x2  }
0x400: {  	v7 =	vmul.f32 v7, v60  }
0x401: {  	s2 =	sor.u32 $0x10, s31  }
0x402: {  	[tilespmem:s2+$0x0] =	vst.add.f32.msk $0xffff, v7;
	v50 =	vmul.f32 v10, v48  }
0x403: {  	v7 =	vld [tilespmem:$0x19B60];
	s1 =	sor.u32 $0x10, s1  }
0x404: {  	[tilespmem:s1+$0x0] =	vst.add.f32.msk $0xffff, v50  }
0x405: {  	v52 =	vld [tilespmem:$0x19880]  }
0x406: {  	v16 =	vbroadcast v3, $0x6;
	_ =	sdelay $0x1  }
0x407: {  	v4 =	vbroadcast v4, $0xF;
	v7 =	vmul.f32 v7, v16  }
0x408: {  	s19 =	spop (v2sf)  }
0x409: {  	[tilespmem:s19+$0x0] =	vst.add.f32.msk $0xffff, v7;
	v10 =	vmul.f32 v52, v4  }
0x40a: {  	v7 =	vld [tilespmem:$0x19B70]  }
0x40b: {  	(v2sf) =	vpush v6, $0x7;
	[tilespmem:s0+$0x0] =	vst.add.f32.msk $0xffff, v10  }
0x40c: {  	v10 =	vld [tilespmem:$0x19890]  }
0x40d: {  	(v2sf) =	vpush v6, $0x8  }
0x40e: {  	(v2sf) =	vpush v6, $0x9;
	v56 =	vld [tilespmem:$0x1A950]  }
0x40f: {  	(v2sf) =	vpush v6, $0xA  }
0x410: {  	(v2sf) =	vpush v6, $0xB;
	v7 =	vmul.f32 v7, v16  }
0x411: {  	(v2sf) =	vpush v6, $0xC;
	s2 =	sor.u32 $0x10, s19;
	v4 =	vmul.f32 v10, v4  }
0x412: {  	(v2sf) =	vpush v6, $0xD;
	[tilespmem:s2+$0x0] =	vst.add.f32.msk $0xffff, v7;
	s0 =	sor.u32 $0x10, s0  }
0x413: {  	(v2sf) =	vpush v6, $0xE;
	[tilespmem:s0+$0x0] =	vst.add.f32.msk $0xffff, v4;
	v4 =	vshll.u32 v56, $0x7  }
0x414: {  	(v2sf) =	vpush v6, $0xF;
	v7 =	vld [tilespmem:$0x19B80];
	v57 =	vshra.s32 v4, $0x2  }
0x415: {  	(v2sf) =	vpush v57, $0x0;
	_ =	sdelay $0x1  }
0x416: {  	v21 =	vbroadcast v3, $0x7;
	_ =	sdelay $0x1  }
0x417: {  	v7 =	vmul.f32 v7, v21  }
0x418: {  	s23 =	spop (v2sf);
	v58 =	vld [tilespmem:$0x1A8D0]  }
0x419: {  	[tilespmem:s23+$0x0] =	vst.add.f32.msk $0xffff, v7  }
0x41a: {  	s26 =	spop (v2sf);
	s19 =	sadd.s32 $0xFFFFFFC0, s30;
	v7 =	vld [tilespmem:$0x19B90]  }
0x41b: {  	s31 =	spop (v2sf);
	v59 =	vor.u32 s19, v0  }
0x41c: {  	s7 =	spop (v2sf);
	v60 =	vld [tilespmem:$0x19CA0];
	vm6 =	vge.s32 v59, v1;
	vm7 =	vlt.s32 v59, v2  }
0x41d: {  	s12 =	spop (v2sf);
	vm0 =	vmand vm6, vm7  }
0x41e: {  	s15 =	spop (v2sf);
	v4 =	vnsel vm0, $0x0, v58  }
0x41f: {  	s17 =	spop (v2sf);
	v7 =	vmul.f32 v7, v21;
	v61 =	vbroadcast v4, $0x0  }
0x420: {  	s2 =	sor.u32 $0x10, s23;
	s3 =	spop (v2sf)  }
0x421: {  	[tilespmem:s2+$0x0] =	vst.add.f32.msk $0xffff, v7;
	s20 =	spop (v2sf);
	v6 =	vmul.f32 v61, v60  }
0x422: {  	v7 =	vld [tilespmem:$0x19BA0];
	s21 =	spop (v2sf)  }
0x423: {  	(v2sf) =	vpush v57, $0x1;
	[tilespmem:s21+$0x0] =	vst.add.f32.msk $0xffff, v6  }
0x424: {  	v6 =	vld [tilespmem:$0x19CB0]  }
0x425: {  	v26 =	vbroadcast v3, $0x8;
	_ =	sdelay $0x1  }
0x426: {  	v7 =	vmul.f32 v7, v26;
	_ =	sdelay $0x1  }
0x427: {  	[tilespmem:s26+$0x0] =	vst.add.f32.msk $0xffff, v7;
	v6 =	vmul.f32 v6, v61  }
0x428: {  	v7 =	vld [tilespmem:$0x19BB0];
	s0 =	sor.u32 $0x10, s21  }
0x429: {  	[tilespmem:s0+$0x0] =	vst.add.f32.msk $0xffff, v6  }
0x42a: {  	v6 =	vld [tilespmem:$0x19CC0];
	_ =	sdelay $0x2  }
0x42b: {  	v7 =	vmul.f32 v7, v26;
	v62 =	vbroadcast v4, $0x1  }
0x42c: {  	s2 =	sor.u32 $0x10, s26;
	v8 =	vld [tilespmem:$0x199F0]  }
0x42d: {  	[tilespmem:s2+$0x0] =	vst.add.f32.msk $0xffff, v7;
	v6 =	vmul.f32 v6, v62  }
0x42e: {  	v7 =	vld [tilespmem:$0x19BC0];
	s22 =	spop (v2sf)  }
0x42f: {  	(v2sf) =	vpush v57, $0x2;
	[tilespmem:s22+$0x0] =	vst.add.f32.msk $0xffff, v6  }
0x430: {  	v6 =	vld [tilespmem:$0x19CD0]  }
0x431: {  	v31 =	vbroadcast v3, $0x9;
	v8 =	vmul.f32 v8, v29;
	_ =	sdelay $0x1  }
0x432: {  	[tilespmem:s29+$0x0] =	vst.add.f32.msk $0xffff, v8;
	v7 =	vmul.f32 v7, v31  }
0x433: {  	v8 =	vld [tilespmem:$0x19A00]  }
0x434: {  	[tilespmem:s31+$0x0] =	vst.add.f32.msk $0xffff, v7;
	v6 =	vmul.f32 v6, v62  }
0x435: {  	v7 =	vld [tilespmem:$0x19BD0];
	s0 =	sor.u32 $0x10, s22  }
0x436: {  	v34 =	vbroadcast v5, $0xB;
	[tilespmem:s0+$0x0] =	vst.add.f32.msk $0xffff, v6  }
0x437: {  	v6 =	vld [tilespmem:$0x19CE0]  }
0x438: {  	v8 =	vmul.f32 v8, v34;
	_ =	sdelay $0x1  }
0x439: {  	[tilespmem:s11+$0x0] =	vst.add.f32.msk $0xffff, v8;
	v7 =	vmul.f32 v7, v31;
	v63 =	vbroadcast v4, $0x2  }
0x43a: {  	s2 =	sor.u32 $0x10, s31;
	v8 =	vld [tilespmem:$0x19A10]  }
0x43b: {  	[tilespmem:s2+$0x0] =	vst.add.f32.msk $0xffff, v7;
	v6 =	vmul.f32 v6, v63  }
0x43c: {  	v7 =	vld [tilespmem:$0x19BE0];
	s23 =	spop (v2sf)  }
0x43d: {  	(v2sf) =	vpush v57, $0x3;
	[tilespmem:s23+$0x0] =	vst.add.f32.msk $0xffff, v6  }
0x43e: {  	v6 =	vld [tilespmem:$0x19CF0]  }
0x43f: {  	v36 =	vbroadcast v3, $0xA;
	v8 =	vmul.f32 v8, v34  }
0x440: {  	s5 =	sor.u32 $0x10, s11  }
0x441: {  	[tilespmem:s5+$0x0] =	vst.add.f32.msk $0xffff, v8;
	v7 =	vmul.f32 v7, v36  }
0x442: {  	v8 =	vld [tilespmem:$0x19A20]  }
0x443: {  	[tilespmem:s7+$0x0] =	vst.add.f32.msk $0xffff, v7;
	v6 =	vmul.f32 v6, v63  }
0x444: {  	v7 =	vld [tilespmem:$0x19BF0];
	s0 =	sor.u32 $0x10, s23  }
0x445: {  	v39 =	vbroadcast v5, $0xC;
	[tilespmem:s0+$0x0] =	vst.add.f32.msk $0xffff, v6  }
0x446: {  	v6 =	vld [tilespmem:$0x19D00]  }
0x447: {  	v8 =	vmul.f32 v8, v39;
	_ =	sdelay $0x1  }
0x448: {  	[tilespmem:s14+$0x0] =	vst.add.f32.msk $0xffff, v8;
	v7 =	vmul.f32 v7, v36;
	v12 =	vbroadcast v4, $0x3  }
0x449: {  	s2 =	sor.u32 $0x10, s7;
	v8 =	vld [tilespmem:$0x19A30]  }
0x44a: {  	[tilespmem:s2+$0x0] =	vst.add.f32.msk $0xffff, v7;
	v6 =	vmul.f32 v6, v12  }
0x44b: {  	v7 =	vld [tilespmem:$0x19C00];
	s24 =	spop (v2sf)  }
0x44c: {  	(v2sf) =	vpush v57, $0x4;
	[tilespmem:s24+$0x0] =	vst.add.f32.msk $0xffff, v6  }
0x44d: {  	v6 =	vld [tilespmem:$0x19D10]  }
0x44e: {  	v41 =	vbroadcast v3, $0xB;
	v8 =	vmul.f32 v8, v39  }
0x44f: {  	s11 =	sor.u32 $0x10, s14  }
0x450: {  	[tilespmem:s11+$0x0] =	vst.add.f32.msk $0xffff, v8;
	v7 =	vmul.f32 v7, v41  }
0x451: {  	v8 =	vld [tilespmem:$0x19A40]  }
0x452: {  	[tilespmem:s12+$0x0] =	vst.add.f32.msk $0xffff, v7;
	v6 =	vmul.f32 v6, v12  }
0x453: {  	v7 =	vld [tilespmem:$0x19C10];
	s0 =	sor.u32 $0x10, s24  }
0x454: {  	v44 =	vbroadcast v5, $0xD;
	[tilespmem:s0+$0x0] =	vst.add.f32.msk $0xffff, v6  }
0x455: {  	v6 =	vld [tilespmem:$0x19D20]  }
0x456: {  	v8 =	vmul.f32 v8, v44;
	_ =	sdelay $0x1  }
0x457: {  	[tilespmem:s6+$0x0] =	vst.add.f32.msk $0xffff, v8;
	v7 =	vmul.f32 v7, v41;
	v13 =	vbroadcast v4, $0x4  }
0x458: {  	s2 =	sor.u32 $0x10, s12;
	v8 =	vld [tilespmem:$0x19A50]  }
0x459: {  	[tilespmem:s2+$0x0] =	vst.add.f32.msk $0xffff, v7;
	v6 =	vmul.f32 v6, v13  }
0x45a: {  	v7 =	vld [tilespmem:$0x19C20];
	s25 =	spop (v2sf)  }
0x45b: {  	(v2sf) =	vpush v57, $0x5;
	[tilespmem:s25+$0x0] =	vst.add.f32.msk $0xffff, v6  }
0x45c: {  	v6 =	vld [tilespmem:$0x19D30]  }
0x45d: {  	v46 =	vbroadcast v3, $0xC;
	v8 =	vmul.f32 v8, v44  }
0x45e: {  	s14 =	sor.u32 $0x10, s6  }
0x45f: {  	[tilespmem:s14+$0x0] =	vst.add.f32.msk $0xffff, v8;
	v7 =	vmul.f32 v7, v46  }
0x460: {  	v8 =	vld [tilespmem:$0x19A60]  }
0x461: {  	[tilespmem:s15+$0x0] =	vst.add.f32.msk $0xffff, v7;
	v6 =	vmul.f32 v6, v13  }
0x462: {  	v7 =	vld [tilespmem:$0x19C30];
	s0 =	sor.u32 $0x10, s25  }
0x463: {  	v49 =	vbroadcast v5, $0xE;
	[tilespmem:s0+$0x0] =	vst.add.f32.msk $0xffff, v6  }
0x464: {  	v6 =	vld [tilespmem:$0x19D40]  }
0x465: {  	v8 =	vmul.f32 v8, v49;
	_ =	sdelay $0x1  }
0x466: {  	[tilespmem:s18+$0x0] =	vst.add.f32.msk $0xffff, v8;
	v7 =	vmul.f32 v7, v46;
	v14 =	vbroadcast v4, $0x5  }
0x467: {  	s2 =	sor.u32 $0x10, s15;
	v8 =	vld [tilespmem:$0x19A70]  }
0x468: {  	[tilespmem:s2+$0x0] =	vst.add.f32.msk $0xffff, v7;
	v6 =	vmul.f32 v6, v14  }
0x469: {  	v7 =	vld [tilespmem:$0x19C40];
	s26 =	spop (v2sf)  }
0x46a: {  	(v2sf) =	vpush v57, $0x6;
	[tilespmem:s26+$0x0] =	vst.add.f32.msk $0xffff, v6  }
0x46b: {  	v6 =	vld [tilespmem:$0x19D50]  }
0x46c: {  	v51 =	vbroadcast v3, $0xD;
	v8 =	vmul.f32 v8, v49  }
0x46d: {  	s16 =	sor.u32 $0x10, s18  }
0x46e: {  	[tilespmem:s16+$0x0] =	vst.add.f32.msk $0xffff, v8;
	v7 =	vmul.f32 v7, v51  }
0x46f: {  	v8 =	vld [tilespmem:$0x19A80]  }
0x470: {  	[tilespmem:s17+$0x0] =	vst.add.f32.msk $0xffff, v7;
	v6 =	vmul.f32 v6, v14  }
0x471: {  	v7 =	vld [tilespmem:$0x19C50];
	s0 =	sor.u32 $0x10, s26  }
0x472: {  	v5 =	vbroadcast v5, $0xF;
	[tilespmem:s0+$0x0] =	vst.add.f32.msk $0xffff, v6  }
0x473: {  	v6 =	vld [tilespmem:$0x19D60]  }
0x474: {  	v8 =	vmul.f32 v8, v5;
	_ =	sdelay $0x1  }
0x475: {  	[tilespmem:s8+$0x0] =	vst.add.f32.msk $0xffff, v8;
	v7 =	vmul.f32 v7, v51;
	v15 =	vbroadcast v4, $0x6  }
0x476: {  	s1 =	sor.u32 $0x10, s17;
	v8 =	vld [tilespmem:$0x19A90]  }
0x477: {  	[tilespmem:s1+$0x0] =	vst.add.f32.msk $0xffff, v7;
	v6 =	vmul.f32 v6, v15  }
0x478: {  	v53 =	vld [tilespmem:$0x19C60];
	s28 =	spop (v2sf)  }
0x479: {  	(v2sf) =	vpush v57, $0x7;
	[tilespmem:s28+$0x0] =	vst.add.f32.msk $0xffff, v6  }
0x47a: {  	v6 =	vld [tilespmem:$0x19D70];
	_ =	sdelay $0x1  }
0x47b: {  	v54 =	vbroadcast v3, $0xE  }
0x47c: {  	v5 =	vmul.f32 v8, v5  }
0x47d: {  	s18 =	sor.u32 $0x10, s8;
	v55 =	vmul.f32 v53, v54  }
0x47e: {  	[tilespmem:s18+$0x0] =	vst.add.f32.msk $0xffff, v5;
	v6 =	vmul.f32 v6, v15  }
0x47f: {  	[tilespmem:s3+$0x0] =	vst.add.f32.msk $0xffff, v55;
	s0 =	sor.u32 $0x10, s28  }
0x480: {  	[dreg:$0xe] =	wrdreg s20;
	[tilespmem:s0+$0x0] =	vst.add.f32.msk $0xffff, v6  }
0x481: {  	v6 =	vld [tilespmem:$0x19D80];
	_ =	sdelay $0x2  }
0x482: {  	v16 =	vbroadcast v4, $0x7;
	_ =	sdelay $0x1  }
0x483: {  	v6 =	vmul.f32 v6, v16  }
0x484: {  	s29 =	spop (v2sf)  }
0x485: {  	(v2sf) =	vpush v57, $0x8;
	[tilespmem:s29+$0x0] =	vst.add.f32.msk $0xffff, v6  }
0x486: {  	v6 =	vld [tilespmem:$0x19D90];
	_ =	sdelay $0x4  }
0x487: {  	v6 =	vmul.f32 v6, v16  }
0x488: {  	s0 =	sor.u32 $0x10, s29  }
0x489: {  	[tilespmem:s0+$0x0] =	vst.add.f32.msk $0xffff, v6  }
0x48a: {  	v6 =	vld [tilespmem:$0x19DA0];
	_ =	sdelay $0x2  }
0x48b: {  	v17 =	vbroadcast v4, $0x8;
	_ =	sdelay $0x1  }
0x48c: {  	v6 =	vmul.f32 v6, v17  }
0x48d: {  	s31 =	spop (v2sf)  }
0x48e: {  	(v2sf) =	vpush v57, $0x9;
	[tilespmem:s31+$0x0] =	vst.add.f32.msk $0xffff, v6  }
0x48f: {  	v6 =	vld [tilespmem:$0x19DB0];
	_ =	sdelay $0x4  }
0x490: {  	v6 =	vmul.f32 v6, v17  }
0x491: {  	s0 =	sor.u32 $0x10, s31  }
0x492: {  	[tilespmem:s0+$0x0] =	vst.add.f32.msk $0xffff, v6  }
0x493: {  	v6 =	vld [tilespmem:$0x19DC0];
	_ =	sdelay $0x2  }
0x494: {  	v18 =	vbroadcast v4, $0x9;
	_ =	sdelay $0x1  }
0x495: {  	v6 =	vmul.f32 v6, v18  }
0x496: {  	s1 =	spop (v2sf)  }
0x497: {  	(v2sf) =	vpush v57, $0xA;
	[tilespmem:s1+$0x0] =	vst.add.f32.msk $0xffff, v6  }
0x498: {  	v6 =	vld [tilespmem:$0x19DD0];
	_ =	sdelay $0x4  }
0x499: {  	v6 =	vmul.f32 v6, v18  }
0x49a: {  	s0 =	sor.u32 $0x10, s1  }
0x49b: {  	[tilespmem:s0+$0x0] =	vst.add.f32.msk $0xffff, v6  }
0x49c: {  	v6 =	vld [tilespmem:$0x19DE0];
	_ =	sdelay $0x1  }
0x49d: {  	v19 =	vld [tilespmem:$0x1A960]  }
0x49e: {  	v20 =	vbroadcast v4, $0xA  }
0x49f: {  	(v2sf) =	vpush v57, $0xB  }
0x4a0: {  	(v2sf) =	vpush v57, $0xC;
	v6 =	vmul.f32 v6, v20  }
0x4a1: {  	(v2sf) =	vpush v57, $0xD;
	s2 =	spop (v2sf)  }
0x4a2: {  	v8 =	vshll.u32 v19, $0x7;
	(v2sf) =	vpush v57, $0xE;
	[tilespmem:s2+$0x0] =	vst.add.f32.msk $0xffff, v6  }
0x4a3: {  	v21 =	vshra.s32 v8, $0x2;
	(v2sf) =	vpush v57, $0xF;
	v6 =	vld [tilespmem:$0x19DF0]  }
0x4a4: {  	(v2sf) =	vpush v21, $0x0  }
0x4a5: {  	(v2sf) =	vpush v21, $0x1  }
0x4a6: {  	(v2sf) =	vpush v21, $0x2  }
0x4a7: {  	(v2sf) =	vpush v21, $0x3  }
0x4a8: {  	(v2sf) =	vpush v21, $0x4;
	v6 =	vmul.f32 v6, v20  }
0x4a9: {  	(v2sf) =	vpush v21, $0x5;
	s0 =	sor.u32 $0x10, s2  }
0x4aa: {  	(v2sf) =	vpush v21, $0x6;
	[tilespmem:s0+$0x0] =	vst.add.f32.msk $0xffff, v6  }
0x4ab: {  	(v2sf) =	vpush v21, $0x7;
	v6 =	vld [tilespmem:$0x19E00]  }
0x4ac: {  	(v2sf) =	vpush v21, $0x8  }
0x4ad: {  	v22 =	vld [tilespmem:$0x1A970];
	(v2sf) =	vpush v21, $0x9  }
0x4ae: {  	v23 =	vbroadcast v4, $0xB;
	s4 =	spop (v2sf);
	(v2sf) =	vpush v21, $0xA  }
0x4af: {  	s5 =	spop (v2sf);
	(v2sf) =	vpush v21, $0xB  }
0x4b0: {  	s11 =	spop (v2sf);
	(v2sf) =	vpush v21, $0xC;
	v6 =	vmul.f32 v6, v23  }
0x4b1: {  	s8 =	spop (v2sf);
	(v2sf) =	vpush v21, $0xD  }
0x4b2: {  	v8 =	vshll.u32 v22, $0x7;
	s9 =	spop (v2sf);
	(v2sf) =	vpush v21, $0xE;
	[tilespmem:s4+$0x0] =	vst.add.f32.msk $0xffff, v6  }
0x4b3: {  	v24 =	vshra.s32 v8, $0x2;
	[dreg:$0x10] =	wrdreg s9;
	s9 =	spop (v2sf);
	(v2sf) =	vpush v21, $0xF;
	v6 =	vld [tilespmem:$0x19E10]  }
0x4b4: {  	s22 =	spop (v2sf);
	(v2sf) =	vpush v24, $0x0  }
0x4b5: {  	s18 =	spop (v2sf);
	(v2sf) =	vpush v24, $0x1  }
0x4b6: {  	s6 =	spop (v2sf);
	(v2sf) =	vpush v24, $0x2  }
0x4b7: {  	s13 =	spop (v2sf);
	(v2sf) =	vpush v24, $0x3  }
0x4b8: {  	s17 =	spop (v2sf);
	(v2sf) =	vpush v24, $0x4;
	v6 =	vmul.f32 v6, v23  }
0x4b9: {  	s21 =	spop (v2sf);
	(v2sf) =	vpush v24, $0x5;
	s1 =	sor.u32 $0x10, s4  }
0x4ba: {  	s25 =	spop (v2sf);
	(v2sf) =	vpush v24, $0x6;
	[tilespmem:s1+$0x0] =	vst.add.f32.msk $0xffff, v6  }
0x4bb: {  	s10 =	spop (v2sf);
	(v2sf) =	vpush v24, $0x7;
	v6 =	vld [tilespmem:$0x19E20]  }
0x4bc: {  	s12 =	spop (v2sf);
	(v2sf) =	vpush v24, $0x8  }
0x4bd: {  	v25 =	vld [tilespmem:$0x1A980];
	s14 =	spop (v2sf);
	(v2sf) =	vpush v24, $0x9  }
0x4be: {  	v26 =	vbroadcast v4, $0xC;
	s15 =	spop (v2sf);
	(v2sf) =	vpush v24, $0xA  }
0x4bf: {  	s16 =	spop (v2sf);
	(v2sf) =	vpush v24, $0xB  }
0x4c0: {  	s19 =	spop (v2sf);
	(v2sf) =	vpush v24, $0xC;
	v6 =	vmul.f32 v6, v26  }
0x4c1: {  	s20 =	spop (v2sf);
	(v2sf) =	vpush v24, $0xD  }
0x4c2: {  	v8 =	vshll.u32 v25, $0x7;
	s23 =	spop (v2sf);
	(v2sf) =	vpush v24, $0xE;
	[tilespmem:s5+$0x0] =	vst.add.f32.msk $0xffff, v6  }
0x4c3: {  	v27 =	vshra.s32 v8, $0x2;
	s28 =	spop (v2sf);
	(v2sf) =	vpush v24, $0xF;
	v6 =	vld [tilespmem:$0x19E30]  }
0x4c4: {  	s4 =	spop (v2sf);
	(v2sf) =	vpush v27, $0x0  }
0x4c5: {  	s7 =	spop (v2sf);
	(v2sf) =	vpush v27, $0x1  }
0x4c6: {  	[dreg:$0x18] =	wrdreg s20;
	s20 =	spop (v2sf);
	(v2sf) =	vpush v27, $0x2  }
0x4c7: {  	[smem:$0x7EC] =	sst s16;
	(v2sf) =	vpush v27, $0x3;
	s16 =	spop (v2sf)  }
0x4c8: {  	v28 =	vld [tilespmem:$0x1A990];
	[smem:$0x7E6] =	sst s12;
	(v2sf) =	vpush v27, $0x4;
	s12 =	spop (v2sf);
	v6 =	vmul.f32 v6, v26  }
0x4c9: {  	v30 =	vld [tilespmem:$0x19C70];
	[smem:$0x7E8] =	sst s14;
	s0 =	sor.u32 $0x10, s5;
	(v2sf) =	vpush v27, $0x5;
	s14 =	spop (v2sf)  }
0x4ca: {  	[dreg:$0x1a] =	wrdreg s19;
	(v2sf) =	vpush v27, $0x6;
	s19 =	spop (v2sf);
	[tilespmem:s0+$0x0] =	vst.add.f32.msk $0xffff, v6  }
0x4cb: {  	[dreg:$0x12] =	wrdreg s23;
	(v2sf) =	vpush v27, $0x7;
	s23 =	spop (v2sf);
	v6 =	vld [tilespmem:$0x19E40]  }
0x4cc: {  	(v2sf) =	vpush v27, $0x8;
	s24 =	spop (v2sf)  }
0x4cd: {  	(v2sf) =	vpush v27, $0x9;
	s26 =	spop (v2sf)  }
0x4ce: {  	v29 =	vbroadcast v4, $0xD;
	v31 =	vld [tilespmem:$0x1A8E0];
	v8 =	vshll.u32 v28, $0x7;
	(v2sf) =	vpush v27, $0xA;
	s29 =	spop (v2sf)  }
0x4cf: {  	v34 =	vld [tilespmem:$0x19EA0];
	v7 =	vmul.f32 v30, v54;
	v5 =	vshra.s32 v8, $0x2;
	[dreg:$0x14] =	wrdreg s8;
	s8 =	sadd.s32 $0xFFFFFFD0, s30;
	(v2sf) =	vpush v27, $0xB;
	s31 =	spop (v2sf)  }
0x4d0: {  	v35 =	vld [tilespmem:$0x1A8F0];
	v32 =	vor.u32 s8, v0;
	(v2sf) =	vpush v27, $0xC;
	s1 =	spop (v2sf);
	v6 =	vmul.f32 v6, v29  }
0x4d1: {  	v13 =	vld [tilespmem:$0x1A900];
	vm8 =	vge.s32 v32, v1;
	vm9 =	vlt.s32 v32, v2;
	[smem:$0x7E5] =	sst s10;
	s10 =	sadd.s32 $0xFFFFFFE0, s30;
	(v2sf) =	vpush v27, $0xD;
	s2 =	spop (v2sf)  }
0x4d2: {  	vm0 =	vmand vm8, vm9;
	v36 =	vor.u32 s10, v0;
	(v2sf) =	vpush v27, $0xE;
	s5 =	spop (v2sf);
	[tilespmem:s11+$0x0] =	vst.add.f32.msk $0xffff, v6  }
0x4d3: {  	vm10 =	vge.s32 v36, v1;
	[dreg:$0x1b] =	wrdreg s2;
	(v2sf) =	vpush v27, $0xF;
	s2 =	spop (v2sf);
	v6 =	vnsel vm0, $0x0, v31;
	v33 =	vld [tilespmem:$0x19E50]  }
0x4d4: {  	v15 =	vld [tilespmem:$0x1A0A0];
	vm11 =	vlt.s32 v36, v2;
	[smem:$0x7EF] =	sst s1;
	(v2sf) =	vpush v5, $0x0;
	s1 =	spop (v2sf);
	v11 =	vbroadcast v6, $0x0  }
0x4d5: {  	s3 =	sor.u32 $0x10, s3;
	v38 =	vld [tilespmem:$0x1A910];
	[smem:$0x7E9] =	sst s26;
	s26 =	spop (v2sf);
	vm0 =	vmand vm10, vm11  }
0x4d6: {  	[tilespmem:s3+$0x0] =	vst.add.f32.msk $0xffff, v7;
	[smem:$0x7EA] =	sst s15;
	s15 =	sadd.s32 $0xFFFFFFF0, s30;
	s8 =	spop (v2sf);
	v7 =	vnsel vm0, $0x0, v35;
	v37 =	vmul.f32 v11, v34  }
0x4d7: {  	v39 =	vld [tilespmem:$0x1A2A0];
	v14 =	vor.u32 s15, v0;
	[dreg:$0x15] =	wrdreg s5;
	s5 =	spop (v2sf);
	v40 =	vbroadcast v7, $0x0  }
0x4d8: {  	vm12 =	vge.s32 v14, v1;
	vm13 =	vlt.s32 v14, v2;
	[smem:$0x7E7] =	sst s24;
	s3 =	spop (v2sf);
	[tilespmem:s9+$0x0] =	vst.add.f32.msk $0xffff, v37;
	v8 =	vmul.f32 v33, v29  }
0x4d9: {  	s24 =	sor.u32 $0x10, s11;
	[smem:$0x7ED] =	sst s31;
	s31 =	spop (v2sf);
	vm0 =	vmand vm12, vm13;
	v15 =	vmul.f32 v40, v15;
	v17 =	vld [tilespmem:$0x19EB0]  }
0x4da: {  	s10 =	spop (v2sf);
	[tilespmem:s24+$0x0] =	vst.add.f32.msk $0xffff, v8;
	v8 =	vnsel vm0, $0x0, v13  }
0x4db: {  	s11 =	spop (v2sf);
	[tilespmem:s28+$0x0] =	vst.add.f32.msk $0xffff, v15;
	v42 =	vbroadcast v8, $0x0  }
0x4dc: {  	v16 =	vor.u32 s30, v0;
	s15 =	spop (v2sf);
	v15 =	vld [tilespmem:$0x1A0B0]  }
0x4dd: {  	v41 =	vld [tilespmem:$0x1A4A0];
	vm14 =	vge.s32 v16, v1;
	vm15 =	vlt.s32 v16, v2;
	s24 =	spop (v2sf);
	v43 =	vmul.f32 v42, v39  }
0x4de: {  	[smem:$0x7EB] =	sst s29;
	vm0 =	vmand vm14, vm15;
	s29 =	spop (v2sf);
	v11 =	vmul.f32 v17, v11  }
0x4df: {  	s9 =	sor.u32 $0x10, s9;
	v9 =	vnsel vm0, $0x0, v38;
	s0 =	spop (v2sf);
	[tilespmem:s2+$0x0] =	vst.add.f32.msk $0xffff, v43  }
0x4e0: {  	v44 =	vbroadcast v9, $0x0;
	[smem:$0x7EE] =	sst s0;
	s0 =	spop (v2sf);
	[tilespmem:s9+$0x0] =	vst.add.f32.msk $0xffff, v11  }
0x4e1: {  	[smem:$0x7F0] =	sst s0;
	s0 =	spop (v2sf);
	v47 =	vmul.f32 v15, v40;
	v46 =	vld [tilespmem:$0x1A2B0]  }
0x4e2: {  	s28 =	sor.u32 $0x10, s28;
	v45 =	vmul.f32 v44, v41;
	[smem:$0x7F1] =	sst s0;
	s0 =	spop (v2sf);
	v48 =	vld [tilespmem:$0x19EC0]  }
0x4e3: {  	[dreg:$0x1d] =	wrdreg s0;
	s0 =	spop (v2sf);
	[tilespmem:s28+$0x0] =	vst.add.f32.msk $0xffff, v47  }
0x4e4: {  	[tilespmem:s0+$0x0] =	vst.add.f32.msk $0xffff, v45  }
0x4e5: {  	v51 =	vbroadcast v6, $0x1;
	v50 =	vld [tilespmem:$0x1A0C0]  }
0x4e6: {  	(v2sf) =	vpush v5, $0x1;
	v10 =	vld [tilespmem:$0x1A4B0];
	v49 =	vmul.f32 v46, v42  }
0x4e7: {  	s2 =	sor.u32 $0x10, s2;
	v53 =	vmul.f32 v48, v51  }
0x4e8: {  	v54 =	vbroadcast v7, $0x1;
	[tilespmem:s2+$0x0] =	vst.add.f32.msk $0xffff, v49  }
0x4e9: {  	[tilespmem:s22+$0x0] =	vst.add.f32.msk $0xffff, v53  }
0x4ea: {  	v56 =	vmul.f32 v50, v54;
	v52 =	vld [tilespmem:$0x1A2C0]  }
0x4eb: {  	v10 =	vmul.f32 v10, v44;
	v58 =	vld [tilespmem:$0x19ED0]  }
0x4ec: {  	s0 =	sor.u32 $0x10, s0;
	[tilespmem:s4+$0x0] =	vst.add.f32.msk $0xffff, v56  }
0x4ed: {  	v57 =	vbroadcast v8, $0x1;
	[tilespmem:s0+$0x0] =	vst.add.f32.msk $0xffff, v10  }
0x4ee: {  	v61 =	vld [tilespmem:$0x1A0D0]  }
0x4ef: {  	v55 =	vld [tilespmem:$0x1A4C0];
	v59 =	vmul.f32 v52, v57  }
0x4f0: {  	v11 =	vmul.f32 v58, v51  }
0x4f1: {  	s22 =	sor.u32 $0x10, s22;
	[tilespmem:s1+$0x0] =	vst.add.f32.msk $0xffff, v59  }
0x4f2: {  	v60 =	vbroadcast v9, $0x1;
	[tilespmem:s22+$0x0] =	vst.add.f32.msk $0xffff, v11  }
0x4f3: {  	v17 =	vmul.f32 v61, v54;
	v63 =	vld [tilespmem:$0x1A2D0]  }
0x4f4: {  	s28 =	sor.u32 $0x10, s4;
	v62 =	vmul.f32 v55, v60;
	v18 =	vld [tilespmem:$0x19EE0]  }
0x4f5: {  	s9 =	spop (v2sf);
	[tilespmem:s28+$0x0] =	vst.add.f32.msk $0xffff, v17  }
0x4f6: {  	[tilespmem:s9+$0x0] =	vst.add.f32.msk $0xffff, v62  }
0x4f7: {  	v21 =	vbroadcast v6, $0x2;
	v20 =	vld [tilespmem:$0x1A0E0]  }
0x4f8: {  	(v2sf) =	vpush v5, $0x2;
	v10 =	vld [tilespmem:$0x1A4D0];
	v19 =	vmul.f32 v63, v57  }
0x4f9: {  	s1 =	sor.u32 $0x10, s1;
	v23 =	vmul.f32 v18, v21  }
0x4fa: {  	v24 =	vbroadcast v7, $0x2;
	[tilespmem:s1+$0x0] =	vst.add.f32.msk $0xffff, v19  }
0x4fb: {  	[tilespmem:s18+$0x0] =	vst.add.f32.msk $0xffff, v23  }
0x4fc: {  	v26 =	vmul.f32 v20, v24;
	v22 =	vld [tilespmem:$0x1A2E0]  }
0x4fd: {  	v10 =	vmul.f32 v10, v60;
	v28 =	vld [tilespmem:$0x19EF0]  }
0x4fe: {  	s0 =	sor.u32 $0x10, s9;
	[tilespmem:s7+$0x0] =	vst.add.f32.msk $0xffff, v26  }
0x4ff: {  	v27 =	vbroadcast v8, $0x2;
	[tilespmem:s0+$0x0] =	vst.add.f32.msk $0xffff, v10  }
0x500: {  	v31 =	vld [tilespmem:$0x1A0F0]  }
0x501: {  	v25 =	vld [tilespmem:$0x1A4E0];
	v29 =	vmul.f32 v22, v27  }
0x502: {  	v11 =	vmul.f32 v28, v21  }
0x503: {  	s22 =	sor.u32 $0x10, s18;
	[tilespmem:s26+$0x0] =	vst.add.f32.msk $0xffff, v29  }
0x504: {  	v30 =	vbroadcast v9, $0x2;
	[tilespmem:s22+$0x0] =	vst.add.f32.msk $0xffff, v11  }
0x505: {  	v34 =	vmul.f32 v31, v24;
	v33 =	vld [tilespmem:$0x1A2F0]  }
0x506: {  	s28 =	sor.u32 $0x10, s7;
	v32 =	vmul.f32 v25, v30;
	v35 =	vld [tilespmem:$0x19F00]  }
0x507: {  	s9 =	spop (v2sf);
	[tilespmem:s28+$0x0] =	vst.add.f32.msk $0xffff, v34  }
0x508: {  	[tilespmem:s9+$0x0] =	vst.add.f32.msk $0xffff, v32  }
0x509: {  	v38 =	vbroadcast v6, $0x3;
	v37 =	vld [tilespmem:$0x1A100]  }
0x50a: {  	(v2sf) =	vpush v5, $0x3;
	v10 =	vld [tilespmem:$0x1A4F0];
	v36 =	vmul.f32 v33, v27  }
0x50b: {  	s2 =	sor.u32 $0x10, s26;
	v40 =	vmul.f32 v35, v38  }
0x50c: {  	v41 =	vbroadcast v7, $0x3;
	[tilespmem:s2+$0x0] =	vst.add.f32.msk $0xffff, v36  }
0x50d: {  	[tilespmem:s6+$0x0] =	vst.add.f32.msk $0xffff, v40  }
0x50e: {  	v43 =	vmul.f32 v37, v41;
	v39 =	vld [tilespmem:$0x1A300]  }
0x50f: {  	v10 =	vmul.f32 v10, v30;
	v45 =	vld [tilespmem:$0x19F10]  }
0x510: {  	s0 =	sor.u32 $0x10, s9;
	[tilespmem:s20+$0x0] =	vst.add.f32.msk $0xffff, v43  }
0x511: {  	v44 =	vbroadcast v8, $0x3;
	[tilespmem:s0+$0x0] =	vst.add.f32.msk $0xffff, v10  }
0x512: {  	v48 =	vld [tilespmem:$0x1A110]  }
0x513: {  	v42 =	vld [tilespmem:$0x1A500];
	v46 =	vmul.f32 v39, v44  }
0x514: {  	v11 =	vmul.f32 v45, v38  }
0x515: {  	s9 =	sor.u32 $0x10, s6;
	[tilespmem:s8+$0x0] =	vst.add.f32.msk $0xffff, v46  }
0x516: {  	v47 =	vbroadcast v9, $0x3;
	[tilespmem:s9+$0x0] =	vst.add.f32.msk $0xffff, v11  }
0x517: {  	v51 =	vmul.f32 v48, v41;
	v50 =	vld [tilespmem:$0x1A310]  }
0x518: {  	s18 =	sor.u32 $0x10, s20;
	v49 =	vmul.f32 v42, v47;
	v52 =	vld [tilespmem:$0x19F20]  }
0x519: {  	s7 =	spop (v2sf);
	[tilespmem:s18+$0x0] =	vst.add.f32.msk $0xffff, v51  }
0x51a: {  	[tilespmem:s7+$0x0] =	vst.add.f32.msk $0xffff, v49  }
0x51b: {  	v55 =	vbroadcast v6, $0x4;
	v54 =	vld [tilespmem:$0x1A120]  }
0x51c: {  	(v2sf) =	vpush v5, $0x4;
	v10 =	vld [tilespmem:$0x1A510];
	v53 =	vmul.f32 v50, v44  }
0x51d: {  	s20 =	sor.u32 $0x10, s8;
	v57 =	vmul.f32 v52, v55  }
0x51e: {  	v58 =	vbroadcast v7, $0x4;
	[tilespmem:s20+$0x0] =	vst.add.f32.msk $0xffff, v53  }
0x51f: {  	[tilespmem:s13+$0x0] =	vst.add.f32.msk $0xffff, v57  }
0x520: {  	v60 =	vmul.f32 v54, v58;
	v56 =	vld [tilespmem:$0x1A320]  }
0x521: {  	v10 =	vmul.f32 v10, v47;
	v62 =	vld [tilespmem:$0x19F30]  }
0x522: {  	s0 =	sor.u32 $0x10, s7;
	[tilespmem:s16+$0x0] =	vst.add.f32.msk $0xffff, v60  }
0x523: {  	v61 =	vbroadcast v8, $0x4;
	[tilespmem:s0+$0x0] =	vst.add.f32.msk $0xffff, v10  }
0x524: {  	v21 =	vld [tilespmem:$0x1A130]  }
0x525: {  	v59 =	vld [tilespmem:$0x1A520];
	v63 =	vmul.f32 v56, v61  }
0x526: {  	v11 =	vmul.f32 v62, v55  }
0x527: {  	s26 =	sor.u32 $0x10, s13;
	[tilespmem:s5+$0x0] =	vst.add.f32.msk $0xffff, v63  }
0x528: {  	v20 =	vbroadcast v9, $0x4;
	[tilespmem:s26+$0x0] =	vst.add.f32.msk $0xffff, v11  }
0x529: {  	v24 =	vmul.f32 v21, v58;
	v23 =	vld [tilespmem:$0x1A330]  }
0x52a: {  	s28 =	sor.u32 $0x10, s16;
	v22 =	vmul.f32 v59, v20;
	v25 =	vld [tilespmem:$0x19F40]  }
0x52b: {  	s22 =	spop (v2sf);
	[tilespmem:s28+$0x0] =	vst.add.f32.msk $0xffff, v24  }
0x52c: {  	[tilespmem:s22+$0x0] =	vst.add.f32.msk $0xffff, v22  }
0x52d: {  	v28 =	vbroadcast v6, $0x5;
	v27 =	vld [tilespmem:$0x1A140]  }
0x52e: {  	(v2sf) =	vpush v5, $0x5;
	v10 =	vld [tilespmem:$0x1A530];
	v26 =	vmul.f32 v23, v61  }
0x52f: {  	s2 =	sor.u32 $0x10, s5;
	v30 =	vmul.f32 v25, v28  }
0x530: {  	v31 =	vbroadcast v7, $0x5;
	[tilespmem:s2+$0x0] =	vst.add.f32.msk $0xffff, v26  }
0x531: {  	[tilespmem:s17+$0x0] =	vst.add.f32.msk $0xffff, v30  }
0x532: {  	v33 =	vmul.f32 v27, v31;
	v29 =	vld [tilespmem:$0x1A340]  }
0x533: {  	v10 =	vmul.f32 v10, v20;
	v35 =	vld [tilespmem:$0x19F50]  }
0x534: {  	s0 =	sor.u32 $0x10, s22;
	[tilespmem:s12+$0x0] =	vst.add.f32.msk $0xffff, v33  }
0x535: {  	v34 =	vbroadcast v8, $0x5;
	[tilespmem:s0+$0x0] =	vst.add.f32.msk $0xffff, v10  }
0x536: {  	v38 =	vld [tilespmem:$0x1A150]  }
0x537: {  	v32 =	vld [tilespmem:$0x1A540];
	v36 =	vmul.f32 v29, v34  }
0x538: {  	v11 =	vmul.f32 v35, v28  }
0x539: {  	s8 =	sor.u32 $0x10, s17;
	[tilespmem:s3+$0x0] =	vst.add.f32.msk $0xffff, v36  }
0x53a: {  	v37 =	vbroadcast v9, $0x5;
	[tilespmem:s8+$0x0] =	vst.add.f32.msk $0xffff, v11  }
0x53b: {  	v41 =	vmul.f32 v38, v31;
	v40 =	vld [tilespmem:$0x1A350]  }
0x53c: {  	s9 =	sor.u32 $0x10, s12;
	v39 =	vmul.f32 v32, v37;
	v42 =	vld [tilespmem:$0x19F60]  }
0x53d: {  	s7 =	spop (v2sf);
	[tilespmem:s9+$0x0] =	vst.add.f32.msk $0xffff, v41  }
0x53e: {  	[tilespmem:s7+$0x0] =	vst.add.f32.msk $0xffff, v39  }
0x53f: {  	v45 =	vbroadcast v6, $0x6;
	v44 =	vld [tilespmem:$0x1A160]  }
0x540: {  	(v2sf) =	vpush v5, $0x6;
	v10 =	vld [tilespmem:$0x1A550];
	v43 =	vmul.f32 v40, v34  }
0x541: {  	s12 =	sor.u32 $0x10, s3;
	v47 =	vmul.f32 v42, v45  }
0x542: {  	v48 =	vbroadcast v7, $0x6;
	[tilespmem:s12+$0x0] =	vst.add.f32.msk $0xffff, v43  }
0x543: {  	[tilespmem:s21+$0x0] =	vst.add.f32.msk $0xffff, v47  }
0x544: {  	v50 =	vmul.f32 v44, v48;
	v46 =	vld [tilespmem:$0x1A360]  }
0x545: {  	v10 =	vmul.f32 v10, v37;
	v52 =	vld [tilespmem:$0x19F70]  }
0x546: {  	s0 =	sor.u32 $0x10, s7;
	[tilespmem:s14+$0x0] =	vst.add.f32.msk $0xffff, v50  }
0x547: {  	v51 =	vbroadcast v8, $0x6;
	[tilespmem:s0+$0x0] =	vst.add.f32.msk $0xffff, v10  }
0x548: {  	v55 =	vld [tilespmem:$0x1A170]  }
0x549: {  	v49 =	vld [tilespmem:$0x1A560];
	v53 =	vmul.f32 v46, v51  }
0x54a: {  	v11 =	vmul.f32 v52, v45  }
0x54b: {  	s16 =	sor.u32 $0x10, s21;
	[tilespmem:s31+$0x0] =	vst.add.f32.msk $0xffff, v53  }
0x54c: {  	v54 =	vbroadcast v9, $0x6;
	[tilespmem:s16+$0x0] =	vst.add.f32.msk $0xffff, v11  }
0x54d: {  	v58 =	vmul.f32 v55, v48;
	v57 =	vld [tilespmem:$0x1A370]  }
0x54e: {  	s17 =	sor.u32 $0x10, s14;
	v56 =	vmul.f32 v49, v54;
	v59 =	vld [tilespmem:$0x19F80]  }
0x54f: {  	s13 =	spop (v2sf);
	[tilespmem:s17+$0x0] =	vst.add.f32.msk $0xffff, v58  }
0x550: {  	[tilespmem:s13+$0x0] =	vst.add.f32.msk $0xffff, v56  }
0x551: {  	v62 =	vbroadcast v6, $0x7;
	v61 =	vld [tilespmem:$0x1A180]  }
0x552: {  	(v2sf) =	vpush v5, $0x7;
	v10 =	vld [tilespmem:$0x1A570];
	v60 =	vmul.f32 v57, v51  }
0x553: {  	s18 =	sor.u32 $0x10, s31;
	v20 =	vmul.f32 v59, v62  }
0x554: {  	v21 =	vbroadcast v7, $0x7;
	[tilespmem:s18+$0x0] =	vst.add.f32.msk $0xffff, v60  }
0x555: {  	[tilespmem:s25+$0x0] =	vst.add.f32.msk $0xffff, v20  }
0x556: {  	v23 =	vmul.f32 v61, v21;
	v63 =	vld [tilespmem:$0x1A380]  }
0x557: {  	v10 =	vmul.f32 v10, v54;
	v25 =	vld [tilespmem:$0x19F90]  }
0x558: {  	s0 =	sor.u32 $0x10, s13;
	[tilespmem:s19+$0x0] =	vst.add.f32.msk $0xffff, v23  }
0x559: {  	v24 =	vbroadcast v8, $0x7;
	[tilespmem:s0+$0x0] =	vst.add.f32.msk $0xffff, v10  }
0x55a: {  	v28 =	vld [tilespmem:$0x1A190]  }
0x55b: {  	v22 =	vld [tilespmem:$0x1A580];
	v26 =	vmul.f32 v63, v24  }
0x55c: {  	v11 =	vmul.f32 v25, v62  }
0x55d: {  	s21 =	sor.u32 $0x10, s25;
	[tilespmem:s10+$0x0] =	vst.add.f32.msk $0xffff, v26  }
0x55e: {  	v27 =	vbroadcast v9, $0x7;
	[tilespmem:s21+$0x0] =	vst.add.f32.msk $0xffff, v11  }
0x55f: {  	v31 =	vmul.f32 v28, v21;
	v30 =	vld [tilespmem:$0x1A390]  }
0x560: {  	s22 =	sor.u32 $0x10, s19;
	v29 =	vmul.f32 v22, v27;
	v32 =	vld [tilespmem:$0x19FA0]  }
0x561: {  	s20 =	spop (v2sf);
	[tilespmem:s22+$0x0] =	vst.add.f32.msk $0xffff, v31  }
0x562: {  	[tilespmem:s20+$0x0] =	vst.add.f32.msk $0xffff, v29  }
0x563: {  	v35 =	vbroadcast v6, $0x8;
	v34 =	vld [tilespmem:$0x1A1A0]  }
0x564: {  	s26 =	sld [smem:$0x7E5];
	(v2sf) =	vpush v5, $0x8;
	v10 =	vld [tilespmem:$0x1A590];
	v33 =	vmul.f32 v30, v24  }
0x565: {  	s25 =	sor.u32 $0x10, s10;
	v37 =	vmul.f32 v32, v35  }
0x566: {  	v38 =	vbroadcast v7, $0x8;
	[tilespmem:s25+$0x0] =	vst.add.f32.msk $0xffff, v33  }
0x567: {  	[tilespmem:s26+$0x0] =	vst.add.f32.msk $0xffff, v37  }
0x568: {  	v40 =	vmul.f32 v34, v38;
	v36 =	vld [tilespmem:$0x1A3A0]  }
0x569: {  	v10 =	vmul.f32 v10, v27;
	v42 =	vld [tilespmem:$0x19FB0]  }
0x56a: {  	s0 =	sor.u32 $0x10, s20;
	[tilespmem:s23+$0x0] =	vst.add.f32.msk $0xffff, v40  }
0x56b: {  	v41 =	vbroadcast v8, $0x8;
	[tilespmem:s0+$0x0] =	vst.add.f32.msk $0xffff, v10  }
0x56c: {  	v45 =	vld [tilespmem:$0x1A1B0]  }
0x56d: {  	v39 =	vld [tilespmem:$0x1A5A0];
	v43 =	vmul.f32 v36, v41  }
0x56e: {  	v11 =	vmul.f32 v42, v35  }
0x56f: {  	s1 =	sor.u32 $0x10, s26;
	[tilespmem:s11+$0x0] =	vst.add.f32.msk $0xffff, v43  }
0x570: {  	v44 =	vbroadcast v9, $0x8;
	[tilespmem:s1+$0x0] =	vst.add.f32.msk $0xffff, v11  }
0x571: {  	v48 =	vmul.f32 v45, v38;
	v47 =	vld [tilespmem:$0x1A3B0]  }
0x572: {  	s31 =	sor.u32 $0x10, s23;
	v46 =	vmul.f32 v39, v44;
	v49 =	vld [tilespmem:$0x19FC0]  }
0x573: {  	s28 =	spop (v2sf);
	[tilespmem:s31+$0x0] =	vst.add.f32.msk $0xffff, v48  }
0x574: {  	[tilespmem:s28+$0x0] =	vst.add.f32.msk $0xffff, v46  }
0x575: {  	v52 =	vbroadcast v6, $0x9;
	v51 =	vld [tilespmem:$0x1A1C0]  }
0x576: {  	s7 =	sld [smem:$0x7E6];
	(v2sf) =	vpush v5, $0x9;
	v10 =	vld [tilespmem:$0x1A5B0];
	v50 =	vmul.f32 v47, v41  }
0x577: {  	s2 =	sor.u32 $0x10, s11;
	v14 =	vmul.f32 v49, v52  }
0x578: {  	v54 =	vbroadcast v7, $0x9;
	[tilespmem:s2+$0x0] =	vst.add.f32.msk $0xffff, v50  }
0x579: {  	s8 =	sld [smem:$0x7E7];
	[tilespmem:s7+$0x0] =	vst.add.f32.msk $0xffff, v14  }
0x57a: {  	v13 =	vmul.f32 v51, v54;
	v53 =	vld [tilespmem:$0x1A3C0]  }
0x57b: {  	v10 =	vmul.f32 v10, v44;
	v56 =	vld [tilespmem:$0x19FD0]  }
0x57c: {  	s0 =	sor.u32 $0x10, s28;
	[tilespmem:s8+$0x0] =	vst.add.f32.msk $0xffff, v13  }
0x57d: {  	v55 =	vbroadcast v8, $0x9;
	[tilespmem:s0+$0x0] =	vst.add.f32.msk $0xffff, v10  }
0x57e: {  	v58 =	vld [tilespmem:$0x1A1D0]  }
0x57f: {  	v10 =	vld [tilespmem:$0x1A5C0];
	v12 =	vmul.f32 v53, v55  }
0x580: {  	v11 =	vmul.f32 v56, v52  }
0x581: {  	s1 =	sor.u32 $0x10, s7;
	[tilespmem:s15+$0x0] =	vst.add.f32.msk $0xffff, v12  }
0x582: {  	v57 =	vbroadcast v9, $0x9;
	[tilespmem:s1+$0x0] =	vst.add.f32.msk $0xffff, v11  }
0x583: {  	v59 =	vmul.f32 v58, v54;
	v12 =	vld [tilespmem:$0x1A3D0]  }
0x584: {  	s10 =	sor.u32 $0x10, s8;
	v10 =	vmul.f32 v10, v57;
	v60 =	vld [tilespmem:$0x19FE0]  }
0x585: {  	s9 =	spop (v2sf);
	[tilespmem:s10+$0x0] =	vst.add.f32.msk $0xffff, v59  }
0x586: {  	[tilespmem:s9+$0x0] =	vst.add.f32.msk $0xffff, v10  }
0x587: {  	v63 =	vbroadcast v6, $0xA;
	v62 =	vld [tilespmem:$0x1A1E0]  }
0x588: {  	s12 =	sld [smem:$0x7E8];
	(v2sf) =	vpush v5, $0xA;
	v10 =	vld [tilespmem:$0x1A5D0];
	v61 =	vmul.f32 v12, v55  }
0x589: {  	s11 =	sor.u32 $0x10, s15;
	v21 =	vmul.f32 v60, v63  }
0x58a: {  	v22 =	vbroadcast v7, $0xA;
	[tilespmem:s11+$0x0] =	vst.add.f32.msk $0xffff, v61  }
0x58b: {  	s13 =	sld [smem:$0x7E9];
	[tilespmem:s12+$0x0] =	vst.add.f32.msk $0xffff, v21  }
0x58c: {  	v12 =	vmul.f32 v62, v22;
	v20 =	vld [tilespmem:$0x1A3E0]  }
0x58d: {  	v10 =	vmul.f32 v10, v57;
	v24 =	vld [tilespmem:$0x19FF0]  }
0x58e: {  	s0 =	sor.u32 $0x10, s9;
	[tilespmem:s13+$0x0] =	vst.add.f32.msk $0xffff, v12  }
0x58f: {  	v23 =	vbroadcast v8, $0xA;
	[tilespmem:s0+$0x0] =	vst.add.f32.msk $0xffff, v10  }
0x590: {  	v27 =	vld [tilespmem:$0x1A1F0]  }
0x591: {  	v10 =	vld [tilespmem:$0x1A5E0];
	v25 =	vmul.f32 v20, v23  }
0x592: {  	v11 =	vmul.f32 v24, v63  }
0x593: {  	s1 =	sor.u32 $0x10, s12;
	[tilespmem:s24+$0x0] =	vst.add.f32.msk $0xffff, v25  }
0x594: {  	v26 =	vbroadcast v9, $0xA;
	[tilespmem:s1+$0x0] =	vst.add.f32.msk $0xffff, v11  }
0x595: {  	v28 =	vmul.f32 v27, v22;
	v12 =	vld [tilespmem:$0x1A3F0]  }
0x596: {  	s15 =	sor.u32 $0x10, s13;
	v10 =	vmul.f32 v10, v26;
	v29 =	vld [tilespmem:$0x1A000]  }
0x597: {  	s14 =	spop (v2sf);
	[tilespmem:s15+$0x0] =	vst.add.f32.msk $0xffff, v28  }
0x598: {  	[tilespmem:s14+$0x0] =	vst.add.f32.msk $0xffff, v10  }
0x599: {  	v32 =	vbroadcast v6, $0xB;
	v31 =	vld [tilespmem:$0x1A200]  }
0x59a: {  	s17 =	sld [smem:$0x7EA];
	(v2sf) =	vpush v5, $0xB;
	v10 =	vld [tilespmem:$0x1A5F0];
	v30 =	vmul.f32 v12, v23  }
0x59b: {  	s16 =	sor.u32 $0x10, s24;
	v34 =	vmul.f32 v29, v32  }
0x59c: {  	v35 =	vbroadcast v7, $0xB;
	[tilespmem:s16+$0x0] =	vst.add.f32.msk $0xffff, v30  }
0x59d: {  	s18 =	sld [smem:$0x7EB];
	[tilespmem:s17+$0x0] =	vst.add.f32.msk $0xffff, v34  }
0x59e: {  	v12 =	vmul.f32 v31, v35;
	v33 =	vld [tilespmem:$0x1A400]  }
0x59f: {  	v10 =	vmul.f32 v10, v26;
	v37 =	vld [tilespmem:$0x1A010]  }
0x5a0: {  	s0 =	sor.u32 $0x10, s14;
	[tilespmem:s18+$0x0] =	vst.add.f32.msk $0xffff, v12  }
0x5a1: {  	v36 =	vbroadcast v8, $0xB;
	[tilespmem:s0+$0x0] =	vst.add.f32.msk $0xffff, v10  }
0x5a2: {  	v40 =	vld [tilespmem:$0x1A210]  }
0x5a3: {  	v10 =	vld [tilespmem:$0x1A600];
	v38 =	vmul.f32 v33, v36  }
0x5a4: {  	v24 =	vld [tilespmem:$0x19E60];
	v11 =	vmul.f32 v37, v32  }
0x5a5: {  	s1 =	sor.u32 $0x10, s17;
	[tilespmem:s29+$0x0] =	vst.add.f32.msk $0xffff, v38  }
0x5a6: {  	v39 =	vbroadcast v9, $0xB;
	[tilespmem:s1+$0x0] =	vst.add.f32.msk $0xffff, v11  }
0x5a7: {  	v41 =	vmul.f32 v40, v35;
	v12 =	vld [tilespmem:$0x1A410]  }
0x5a8: {  	s20 =	sor.u32 $0x10, s18;
	v10 =	vmul.f32 v10, v39;
	v42 =	vld [tilespmem:$0x1A020]  }
0x5a9: {  	v27 =	vbroadcast v4, $0xE;
	s19 =	spop (v2sf);
	[tilespmem:s20+$0x0] =	vst.add.f32.msk $0xffff, v41  }
0x5aa: {  	[tilespmem:s19+$0x0] =	vst.add.f32.msk $0xffff, v10  }
0x5ab: {  	s22 =	sld [smem:$0x7EC];
	v45 =	vbroadcast v6, $0xC;
	v29 =	vmul.f32 v24, v27;
	v44 =	vld [tilespmem:$0x1A220]  }
0x5ac: {  	s11 =	rddreg [dreg:$0x14];
	(v2sf) =	vpush v5, $0xC;
	v10 =	vld [tilespmem:$0x1A610];
	v43 =	vmul.f32 v12, v36  }
0x5ad: {  	s21 =	sor.u32 $0x10, s29;
	[tilespmem:s11+$0x0] =	vst.add.f32.msk $0xffff, v29;
	v47 =	vmul.f32 v42, v45  }
0x5ae: {  	v48 =	vbroadcast v7, $0xC;
	[tilespmem:s21+$0x0] =	vst.add.f32.msk $0xffff, v43  }
0x5af: {  	s23 =	sld [smem:$0x7ED];
	[tilespmem:s22+$0x0] =	vst.add.f32.msk $0xffff, v47  }
0x5b0: {  	v12 =	vmul.f32 v44, v48;
	v46 =	vld [tilespmem:$0x1A420]  }
0x5b1: {  	v10 =	vmul.f32 v10, v39;
	v50 =	vld [tilespmem:$0x1A030]  }
0x5b2: {  	s0 =	sor.u32 $0x10, s19;
	[tilespmem:s23+$0x0] =	vst.add.f32.msk $0xffff, v12  }
0x5b3: {  	v49 =	vbroadcast v8, $0xC;
	[tilespmem:s0+$0x0] =	vst.add.f32.msk $0xffff, v10  }
0x5b4: {  	s24 =	sld [smem:$0x7EE];
	v53 =	vld [tilespmem:$0x1A230]  }
0x5b5: {  	v10 =	vld [tilespmem:$0x1A620];
	v51 =	vmul.f32 v46, v49  }
0x5b6: {  	v34 =	vld [tilespmem:$0x19E70];
	v11 =	vmul.f32 v50, v45  }
0x5b7: {  	s1 =	sor.u32 $0x10, s22;
	[tilespmem:s24+$0x0] =	vst.add.f32.msk $0xffff, v51  }
0x5b8: {  	v52 =	vbroadcast v9, $0xC;
	[tilespmem:s1+$0x0] =	vst.add.f32.msk $0xffff, v11  }
0x5b9: {  	v54 =	vmul.f32 v53, v48;
	v12 =	vld [tilespmem:$0x1A430]  }
0x5ba: {  	s26 =	sor.u32 $0x10, s23;
	v10 =	vmul.f32 v10, v52;
	v55 =	vld [tilespmem:$0x1A040]  }
0x5bb: {  	s25 =	spop (v2sf);
	[tilespmem:s26+$0x0] =	vst.add.f32.msk $0xffff, v54  }
0x5bc: {  	[tilespmem:s25+$0x0] =	vst.add.f32.msk $0xffff, v10  }
0x5bd: {  	v58 =	vbroadcast v6, $0xD;
	v57 =	vld [tilespmem:$0x1A240]  }
0x5be: {  	(v2sf) =	vpush v5, $0xD;
	v10 =	vld [tilespmem:$0x1A630];
	v56 =	vmul.f32 v12, v49  }
0x5bf: {  	s28 =	sor.u32 $0x10, s24;
	v44 =	vld [tilespmem:$0x19C80];
	v60 =	vmul.f32 v55, v58  }
0x5c0: {  	v61 =	vbroadcast v7, $0xD;
	s29 =	rddreg [dreg:$0x1a];
	[tilespmem:s28+$0x0] =	vst.add.f32.msk $0xffff, v56  }
0x5c1: {  	s31 =	sld [smem:$0x7EF];
	[tilespmem:s29+$0x0] =	vst.add.f32.msk $0xffff, v60  }
0x5c2: {  	v12 =	vmul.f32 v57, v61;
	v59 =	vld [tilespmem:$0x1A440]  }
0x5c3: {  	v10 =	vmul.f32 v10, v52;
	v63 =	vld [tilespmem:$0x1A050]  }
0x5c4: {  	v3 =	vbroadcast v3, $0xF;
	s0 =	sor.u32 $0x10, s25;
	[tilespmem:s31+$0x0] =	vst.add.f32.msk $0xffff, v12  }
0x5c5: {  	v62 =	vbroadcast v8, $0xD;
	[tilespmem:s0+$0x0] =	vst.add.f32.msk $0xffff, v10  }
0x5c6: {  	v49 =	vmul.f32 v44, v3;
	v22 =	vld [tilespmem:$0x1A250];
	s0 =	sld [smem:$0x7F0]  }
0x5c7: {  	s19 =	rddreg [dreg:$0xe];
	v10 =	vld [tilespmem:$0x1A640];
	v20 =	vmul.f32 v59, v62  }
0x5c8: {  	[tilespmem:s19+$0x0] =	vst.add.f32.msk $0xffff, v49;
	v11 =	vmul.f32 v63, v58  }
0x5c9: {  	s1 =	sor.u32 $0x10, s29;
	[tilespmem:s0+$0x0] =	vst.add.f32.msk $0xffff, v20  }
0x5ca: {  	v21 =	vbroadcast v9, $0xD;
	[tilespmem:s1+$0x0] =	vst.add.f32.msk $0xffff, v11  }
0x5cb: {  	v23 =	vmul.f32 v22, v61;
	v12 =	vld [tilespmem:$0x1A450]  }
0x5cc: {  	s9 =	sor.u32 $0x10, s31;
	v10 =	vmul.f32 v10, v21;
	v26 =	vld [tilespmem:$0x1A060]  }
0x5cd: {  	s8 =	spop (v2sf);
	[tilespmem:s9+$0x0] =	vst.add.f32.msk $0xffff, v23  }
0x5ce: {  	[tilespmem:s8+$0x0] =	vst.add.f32.msk $0xffff, v10  }
0x5cf: {  	v30 =	vbroadcast v6, $0xE;
	(v2sf) =	vpush v5, $0xE;
	v28 =	vld [tilespmem:$0x1A260]  }
0x5d0: {  	v10 =	vld [tilespmem:$0x1A650];
	v25 =	vmul.f32 v12, v62  }
0x5d1: {  	v54 =	vld [tilespmem:$0x19C90];
	s10 =	sor.u32 $0x10, s0;
	v32 =	vmul.f32 v26, v30  }
0x5d2: {  	s12 =	rddreg [dreg:$0x18];
	v33 =	vbroadcast v7, $0xE;
	[tilespmem:s10+$0x0] =	vst.add.f32.msk $0xffff, v25  }
0x5d3: {  	[tilespmem:s12+$0x0] =	vst.add.f32.msk $0xffff, v32  }
0x5d4: {  	v35 =	vmul.f32 v28, v33;
	v31 =	vld [tilespmem:$0x1A460]  }
0x5d5: {  	s13 =	rddreg [dreg:$0x1b];
	v10 =	vmul.f32 v10, v21;
	v37 =	vld [tilespmem:$0x1A070]  }
0x5d6: {  	s0 =	sor.u32 $0x10, s8;
	[tilespmem:s13+$0x0] =	vst.add.f32.msk $0xffff, v35  }
0x5d7: {  	[tilespmem:s0+$0x0] =	vst.add.f32.msk $0xffff, v10  }
0x5d8: {  	v40 =	vmul.f32 v34, v27;
	v36 =	vbroadcast v8, $0xE;
	v42 =	vld [tilespmem:$0x1A660]  }
0x5d9: {  	s14 =	sld [smem:$0x7F1];
	v39 =	vld [tilespmem:$0x1A270];
	s0 =	sor.u32 $0x10, s11  }
0x5da: {  	[tilespmem:s0+$0x0] =	vst.add.f32.msk $0xffff, v40;
	v38 =	vmul.f32 v31, v36  }
0x5db: {  	v46 =	vbroadcast v9, $0xE;
	v47 =	vld [tilespmem:$0x19E80];
	v43 =	vmul.f32 v37, v30  }
0x5dc: {  	s15 =	sor.u32 $0x10, s12;
	[tilespmem:s14+$0x0] =	vst.add.f32.msk $0xffff, v38  }
0x5dd: {  	[tilespmem:s15+$0x0] =	vst.add.f32.msk $0xffff, v43;
	v48 =	vmul.f32 v42, v46  }
0x5de: {  	s18 =	spop (v2sf);
	v41 =	vld [tilespmem:$0x1A470]  }
0x5df: {  	(v2sf) =	vpush v5, $0xF;
	v45 =	vmul.f32 v39, v33;
	[tilespmem:s18+$0x0] =	vst.add.f32.msk $0xffff, v48  }
0x5e0: {  	v4 =	vbroadcast v4, $0xF;
	s16 =	sor.u32 $0x10, s13;
	v50 =	vld [tilespmem:$0x1A670]  }
0x5e1: {  	[tilespmem:s16+$0x0] =	vst.add.f32.msk $0xffff, v45  }
0x5e2: {  	v51 =	vmul.f32 v47, v4;
	v52 =	vld [tilespmem:$0x1A080]  }
0x5e3: {  	s20 =	rddreg [dreg:$0x10];
	v53 =	vld [tilespmem:$0x1A280];
	v11 =	vmul.f32 v41, v36  }
0x5e4: {  	s17 =	sor.u32 $0x10, s14;
	[tilespmem:s20+$0x0] =	vst.add.f32.msk $0xffff, v51  }
0x5e5: {  	[tilespmem:s17+$0x0] =	vst.add.f32.msk $0xffff, v11;
	v5 =	vmul.f32 v50, v46  }
0x5e6: {  	v7 =	vbroadcast v7, $0xF;
	s0 =	sor.u32 $0x10, s18;
	v55 =	vld [tilespmem:$0x1A480]  }
0x5e7: {  	v6 =	vbroadcast v6, $0xF;
	[tilespmem:s0+$0x0] =	vst.add.f32.msk $0xffff, v5  }
0x5e8: {  	v10 =	vmul.f32 v53, v7;
	v5 =	vld [tilespmem:$0x1A680]  }
0x5e9: {  	s22 =	rddreg [dreg:$0x15];
	v56 =	vld [tilespmem:$0x19E90];
	v11 =	vmul.f32 v52, v6  }
0x5ea: {  	v8 =	vbroadcast v8, $0xF;
	s21 =	rddreg [dreg:$0x12];
	[tilespmem:s22+$0x0] =	vst.add.f32.msk $0xffff, v10  }
0x5eb: {  	v9 =	vbroadcast v9, $0xF;
	[tilespmem:s21+$0x0] =	vst.add.f32.msk $0xffff, v11  }
0x5ec: {  	v59 =	vld [tilespmem:$0x1A290];
	v57 =	vmul.f32 v55, v8  }
0x5ed: {  	s23 =	rddreg [dreg:$0x1d];
	v58 =	vld [tilespmem:$0x1A090];
	v5 =	vmul.f32 v5, v9  }
0x5ee: {  	s24 =	spop (v2sf);
	[tilespmem:s23+$0x0] =	vst.add.f32.msk $0xffff, v57  }
0x5ef: {  	[tilespmem:s24+$0x0] =	vst.add.f32.msk $0xffff, v5  }
0x5f0: {  	v61 =	vld [tilespmem:$0x1A690]  }
0x5f1: {  	v3 =	vmul.f32 v54, v3;
	v60 =	vld [tilespmem:$0x1A490]  }
0x5f2: {  	s4 =	rddreg [dreg:$0xa];
	s1 =	sor.u32 $0x10, s19;
	v4 =	vmul.f32 v56, v4  }
0x5f3: {  	s5 =	rddreg [dreg:$0xb];
	s25 =	sor.u32 $0x10, s20;
	[tilespmem:s1+$0x0] =	vst.add.f32.msk $0xffff, v3;
	v62 =	vmul.f32 v59, v7  }
0x5f4: {  	s6 =	rddreg [dreg:$0xc];
	s28 =	sadd.s32 $0x2, s5;
	s29 =	sor.u32 $0x10, s22;
	[tilespmem:s25+$0x0] =	vst.add.f32.msk $0xffff, v4;
	v3 =	vmul.f32 v58, v6  }
.Ltmp7:
0x5f5: {  	s26 =	sor.u32 $0x10, s21;
	p0 =	sge.s32 s28, s4;
	[tilespmem:s29+$0x0] =	vst.add.f32.msk $0xffff, v62;
	v63 =	vmul.f32 v61, v9;
	(pc) =	sbr.rel .LBB2_7-.Ltmp7, $4  }
0x5f6: {  	s3 =	rddreg [dreg:$0x9];
	s2 =	sadd.s32 @!p0 $0x180, s6;
	s0 =	sor.u32 $0x10, s24;
	[tilespmem:s26+$0x0] =	vst.add.f32.msk $0xffff, v3;
	v3 =	vmul.f32 v60, v8  }
0x5f7: {  	s31 =	sor.u32 $0x10, s23;
	s1 =	sshrl.u32 @!p0 s2, $0x3;
	[tilespmem:s0+$0x0] =	vst.add.f32.msk $0xffff, v63;
	s0 =	rddreg [dreg:$0x3]  }
0x5f8: {  	s2 =	simm.s32 @!p0 $0x1A820;
	[tilespmem:s31+$0x0] =	vst.add.f32.msk $0xffff, v3;
	s0 =	sadd.s32 @!p0 s0, s1;
	s1 =	simm.s32 @!p0 $0x0  }
0x5f9: {  	[tilespmem:s2], [sflag:$0x4] =	stream.linear.gather @!p0 [hbm4b:s0+s1], $0x180, $0x38;
	[tilespmem:$0x1A9B0] =	vst v63  }
.LBB2_9:
0x5fa: {  	_ =	sfence.sel $0x180000  }
0x5fb: {  	[bflag:$0x0] =	sbarrier.arrive $0xFFFF  }
0x5fc: {  	_ =	strace $0x9000004D  }
0x5fd: {  	s0 =	stileid.u32;
	[bflag:$0x2] =	sbarrier.arrive $0xFFFF  }
0x5fe: {  	p0 =	sne.s32 s0, $0x0;
	s0 =	rddreg [dreg:$0x2]  }
0x5ff: {  	s0 =	sadd.s32 @!p0 $0x100000, s0  }
0x600: {  	[sflag:s0] =	ssyncadd.tile.s32 @!p0 $0x1;
	_ =	shalt  }
.Lfunc_end2:
_tile_overlayer_lowered:
.L_overlay_start_2:
0x601: {  	(tag) =	ssettag $0x2  }
0x602: {  	s0 =	rddreg [dreg:$0x0];
	s2 =	stileid.u32  }
0x603: {  	s1 =	rddreg [dreg:$0x1];
	p0 =	sne.s32 s2, $0x0  }
0x604: {  	s3 =	rddreg [dreg:$0x2];
	[bflag:$0x3] =	sbarrier.arrive $0xFFFF;
	s2 =	simm.s32 @!p0 $0x1C05  }
0x605: {  	[timem:s3], [sflag:s2] =	dma.local @!p0 [hbm:s0], s1  }
0x606: {  	s0 =	simm.s32 @!p0 $0x5  }
0x607: {  	_ =	swait.ge @!p0 [sflag:s0], s1  }
0x608: {  	s1 =	ssub.s32 @!p0 $0x0, s1;
	[sflag:s0] =	ssyncset.done @!p0 $0x0  }
0x609: {  	[sflag:s0] =	ssyncadd.s32 @!p0 s1  }
0x60a: {  	[bflag:$0x3] =	sbarrier.arrive $0xFFFF  }
0x60b: {  	_ =	shalt  }

</sc_bundles>
